<compile_context>
chip_gen: v7x
topology: tpu7x:2x2x1
jax: 0.10.2.dev20260603
libtpu: 0.0.44.dev20260713+nightly
codegen_flags: <defaults>
</compile_context>

<pallas_src>
import functools

import jax
import jax.numpy as jnp
from jax import lax
from jax.experimental import pallas as pl
from jax.experimental.pallas import tpu as pltpu
from jax.experimental.pallas import tpu_sc as plsc

NC = 2
NS = 16
NW = NC * NS
L = 16

C = 4000


def _worker_id():
    return lax.axis_index("s") * NC + lax.axis_index("c")


def _num_chunks(wid, total_chunks):
    return (total_chunks - wid + NW - 1) // NW


def _sweep_body(row_hbm, col_hbm, px_hbm, py_hbm, pz_hbm,
                maxes_hbm, dx_hbm, dy_hbm, dz_hbm,
                ridx, cidx, ob, pd, mbuf,
                sem_i0, sem_i1, sem_o0, sem_o1):
    total_chunks = row_hbm.shape[0] // C
    wid = _worker_id()
    nchunks = _num_chunks(wid, total_chunks)
    sem_i = (sem_i0, sem_i1)
    sem_o = (sem_o0, sem_o1)

    m = jnp.zeros((L,), jnp.float32)
    for p_hbm, d_hbm in ((px_hbm, dx_hbm), (py_hbm, dy_hbm),
                         (pz_hbm, dz_hbm)):
        pltpu.sync_copy(p_hbm, pd)

        def fire_idx(j, b):
            base = (wid + j * NW) * C
            pltpu.async_copy(row_hbm.at[pl.ds(base, C)], ridx.at[b],
                             sem_i[b])
            pltpu.async_copy(col_hbm.at[pl.ds(base, C)], cidx.at[b],
                             sem_i[b])

        def drain_idx(b):
            pltpu.make_async_copy(row_hbm.at[pl.ds(0, C)], ridx.at[b],
                                  sem_i[b]).wait()
            pltpu.make_async_copy(col_hbm.at[pl.ds(0, C)], cidx.at[b],
                                  sem_i[b]).wait()

        def drain_out(b, d_hbm=d_hbm):
            pltpu.make_async_copy(ob.at[b], d_hbm.at[pl.ds(0, C)],
                                  sem_o[b]).wait()

        fire_idx(0, 0)

        @pl.when(nchunks > 1)
        def _():
            fire_idx(1, 1)

        def body2(i, m):
            for b in (0, 1):
                j = 2 * i + b

                def step(m, j=j, b=b, d_hbm=d_hbm):
                    drain_idx(b)

                    @pl.when(j >= 2)
                    def _():
                        drain_out(b)

                    def vbody(k, m):
                        s16 = pl.ds(k * L, L)
                        rv = plsc.load_gather(pd, [ridx[b, s16]])
                        cv = plsc.load_gather(pd, [cidx[b, s16]])
                        d = cv - rv
                        ob[b, s16] = d
                        return jnp.maximum(m, jnp.abs(d))

                    m = lax.fori_loop(0, C // L, vbody, m)
                    base = (wid + j * NW) * C
                    pltpu.async_copy(ob.at[b], d_hbm.at[pl.ds(base, C)],
                                     sem_o[b])

                    @pl.when(j + 2 < nchunks)
                    def _():
                        fire_idx(j + 2, b)

                    return m

                m = lax.cond(j < nchunks, step, lambda m: m, m)
            return m

        m = lax.fori_loop(0, (nchunks + 1) // 2, body2, m)

        last_b = jnp.bitwise_and(nchunks - 1, 1)

        @pl.when(last_b == 0)
        def _():
            drain_out(0)

            @pl.when(nchunks >= 2)
            def _():
                drain_out(1)

        @pl.when(last_b == 1)
        def _():
            drain_out(1)
            drain_out(0)

    mbuf[...] = m
    pltpu.sync_copy(mbuf, maxes_hbm.at[wid])


def _interleave_body(dx_hbm, dy_hbm, dz_hbm, ew_hbm, maxes_hbm,
                     out_hbm,
                     dxb, dyb, dzb, ewb, ob, mvb,
                     sem_i0, sem_i1, sem_o0, sem_o1):
    total_chunks = ew_hbm.shape[0] // C
    wid = _worker_id()
    nchunks = _num_chunks(wid, total_chunks)
    sem_i = (sem_i0, sem_i1)
    sem_o = (sem_o0, sem_o1)

    pltpu.sync_copy(maxes_hbm, mvb)

    def mred(i, m):
        return jnp.maximum(m, mvb[i, :])

    m16 = lax.fori_loop(0, NW, mred, jnp.zeros((L,), jnp.float32))
    iota = lax.broadcasted_iota(jnp.int32, (L,), 0)
    for sh in (8, 4, 2, 1):
        perm = jnp.bitwise_and(iota + sh, L - 1)
        m16 = jnp.maximum(m16, m16.at[perm].get(mode="promise_in_bounds"))
    sv = 1.0 / (2.0 * m16)

    idx_x = iota * 4
    srcs = ((dx_hbm, dxb), (dy_hbm, dyb), (dz_hbm, dzb), (ew_hbm, ewb))

    def fire_in(j, b):
        base = (wid + j * NW) * C
        for h, v in srcs:
            pltpu.async_copy(h.at[pl.ds(base, C)], v.at[b], sem_i[b])

    def drain_in(b):
        for h, v in srcs:
            pltpu.make_async_copy(h.at[pl.ds(0, C)], v.at[b],
                                  sem_i[b]).wait()

    def drain_out(b):
        pltpu.make_async_copy(ob.at[b], out_hbm.at[pl.ds(0, 4 * C)],
                              sem_o[b]).wait()

    fire_in(0, 0)

    @pl.when(nchunks > 1)
    def _():
        fire_in(1, 1)

    def body2(i, carry):
        for b in (0, 1):
            j = 2 * i + b

            def step(carry, j=j, b=b):
                drain_in(b)

                @pl.when(j >= 2)
                def _():
                    drain_out(b)

                def vbody(k, _):
                    s16 = pl.ds(k * L, L)
                    b4 = idx_x + k * (4 * L)
                    plsc.store_scatter(ob.at[b], [b4],
                                       dxb[b, s16] * sv + 0.5)
                    plsc.store_scatter(ob.at[b], [b4 + 1],
                                       dyb[b, s16] * sv + 0.5)
                    plsc.store_scatter(ob.at[b], [b4 + 2],
                                       dzb[b, s16] * sv + 0.5)
                    plsc.store_scatter(ob.at[b], [b4 + 3], ewb[b, s16])
                    return 0

                lax.fori_loop(0, C // L, vbody, 0)
                base = (wid + j * NW) * C
                pltpu.async_copy(ob.at[b],
                                 out_hbm.at[pl.ds(4 * base, 4 * C)],
                                 sem_o[b])

                @pl.when(j + 2 < nchunks)
                def _():
                    fire_in(j + 2, b)

                return carry

            carry = lax.cond(j < nchunks, step, lambda c: c, carry)
        return carry

    lax.fori_loop(0, (nchunks + 1) // 2, body2, 0)

    last_b = jnp.bitwise_and(nchunks - 1, 1)

    @pl.when(last_b == 0)
    def _():
        drain_out(0)

        @pl.when(nchunks >= 2)
        def _():
            drain_out(1)

    @pl.when(last_b == 1)
    def _():
        drain_out(1)
        drain_out(0)


def kernel(pos, edge_index, edge_weight):
    n = pos.shape[0]
    e = edge_weight.shape[0]
    assert e % C == 0

    row = edge_index[0].astype(jnp.int32)
    col = edge_index[1].astype(jnp.int32)
    px = pos[:, 0]
    py = pos[:, 1]
    pz = pos[:, 2]

    mesh = plsc.VectorSubcoreMesh(core_axis_name="c", subcore_axis_name="s")
    cparams = pltpu.CompilerParams(needs_layout_passes=False,
                                   use_tc_tiling_on_sc=False)

    db_i32 = pltpu.VMEM((2, C), jnp.int32)
    db_f32 = pltpu.VMEM((2, C), jnp.float32)
    f32e = jax.ShapeDtypeStruct((e,), jnp.float32)

    sweep_k = pl.kernel(
        _sweep_body,
        out_type=(jax.ShapeDtypeStruct((NW, L), jnp.float32),
                  f32e, f32e, f32e),
        mesh=mesh,
        compiler_params=cparams,
        scratch_types=[
            db_i32, db_i32,
            db_f32,
            pltpu.VMEM((n,), jnp.float32),
            pltpu.VMEM((L,), jnp.float32),
            pltpu.SemaphoreType.DMA,
            pltpu.SemaphoreType.DMA,
            pltpu.SemaphoreType.DMA,
            pltpu.SemaphoreType.DMA,
        ],
    )
    maxes, dx, dy, dz = sweep_k(row, col, px, py, pz)

    out_k = pl.kernel(
        _interleave_body,
        out_type=jax.ShapeDtypeStruct((4 * e,), jnp.float32),
        mesh=mesh,
        compiler_params=cparams,
        scratch_types=[
            db_f32, db_f32, db_f32, db_f32,
            pltpu.VMEM((2, 4 * C), jnp.float32),
            pltpu.VMEM((NW, L), jnp.float32),
            pltpu.SemaphoreType.DMA,
            pltpu.SemaphoreType.DMA,
            pltpu.SemaphoreType.DMA,
            pltpu.SemaphoreType.DMA,
        ],
    )
    out = out_k(dx, dy, dz, edge_weight, maxes)
    return out[0] + jnp.zeros((e, 4), jnp.float32)

# --- scband reference (transcript-rebuilt; emitter-appended) ---
"""Pipeline reference for scband-cartesian-38465727103551 (READ-ONLY COPY).

The authoritative reference and input builder live on the scoring server;
editing this copy changes nothing except your own understanding.
"""

import jax, jax.numpy as jnp
import numpy as np

N = 100000
E = 6400000
D = 3

def setup_inputs(seed: int = 0) -> dict:
    key = jax.random.key(seed)
    k1, k2, k3 = jax.random.split(key, 3)
    pos = jax.random.normal(k1, (N, D), dtype=jnp.float32)
    edge_index = jax.random.randint(k2, (2, E), 0, N, dtype=jnp.int64)
    edge_weight = jax.random.uniform(k3, (E,), dtype=jnp.float32)
    return {"pos": pos, "edge_index": edge_index, "edge_weight": edge_weight}

def reference(pos, edge_index, edge_weight):
    # Cartesian with r=None, trainable=False
    row = edge_index[0]
    col = edge_index[1]
    weight = jnp.take(pos, col, axis=0) - jnp.take(pos, row, axis=0)
    mx = jnp.abs(weight).max()
    weight = weight * (1.0 / (2.0 * mx))
    weight = weight + 0.5
    # data.weight is not None -> concatenate along feature dim
    new_weight = jnp.concatenate([weight, edge_weight[:, None]], axis=1)
    return new_weight

if __name__ == "__main__":
    import jax
    _d = setup_inputs()
    print(jax.jit(kernel)(*tuple(_d.values())))

</pallas_src>

<mosaic_0001>
#map = affine_map<(d0, d1) -> (0)>
#map1 = affine_map<(d0, d1) -> (0, 0)>
module attributes {stable_mosaic.version = 14 : i64} {
  func.func @_sweep_body(%arg0: i32, %arg1: i32, %arg2: memref<6400000xi32, #tpu.memory_space<hbm>>, %arg3: memref<6400000xi32, #tpu.memory_space<hbm>>, %arg4: memref<100000xf32, #tpu.memory_space<hbm>>, %arg5: memref<100000xf32, #tpu.memory_space<hbm>>, %arg6: memref<100000xf32, #tpu.memory_space<hbm>>, %arg7: memref<32x16xf32, #tpu.memory_space<hbm>>, %arg8: memref<6400000xf32, #tpu.memory_space<hbm>>, %arg9: memref<6400000xf32, #tpu.memory_space<hbm>>, %arg10: memref<6400000xf32, #tpu.memory_space<hbm>>, %arg11: memref<2x4000xi32, #tpu.memory_space<vmem>>, %arg12: memref<2x4000xi32, #tpu.memory_space<vmem>>, %arg13: memref<2x4000xf32, #tpu.memory_space<vmem>>, %arg14: memref<100000xf32, #tpu.memory_space<vmem>>, %arg15: memref<16xf32, #tpu.memory_space<vmem>>, %arg16: memref<!tpu.dma_semaphore, #tpu.memory_space<semaphore_mem>>, %arg17: memref<!tpu.dma_semaphore, #tpu.memory_space<semaphore_mem>>, %arg18: memref<!tpu.dma_semaphore, #tpu.memory_space<semaphore_mem>>, %arg19: memref<!tpu.dma_semaphore, #tpu.memory_space<semaphore_mem>>) attributes {dimension_semantics = [#tpu.dimension_semantics<core_parallel>, #tpu.dimension_semantics<subcore_parallel>], iteration_bounds = array<i64: 2, 16>, scalar_prefetch = 0 : i64, scratch_operands = 9 : i64, tpu.core_type = #tpu.core_type<sc_vector_subcore>, window_params = [{transform_indices = #map}, {transform_indices = #map}, {transform_indices = #map}, {transform_indices = #map}, {transform_indices = #map}, {transform_indices = #map1}, {transform_indices = #map}, {transform_indices = #map}, {transform_indices = #map}]} {
    %mul3A = arith.constant 2 : i32
    %mul3A_0 = arith.muli %arg1, %mul3A : i32
    %add3A = arith.addi %mul3A_0, %arg0 : i32
    %sub3A = arith.constant 1600 : i32
    %sub3A_1 = arith.subi %sub3A, %add3A : i32
    %add3A_2 = arith.constant 32 : i32
    %add3A_3 = arith.addi %sub3A_1, %add3A_2 : i32
    %sub3A_4 = arith.constant 1 : i32
    %sub3A_5 = arith.subi %add3A_3, %sub3A_4 : i32
    %jit3A = arith.constant 32 : i32
    %div3A = arith.divsi %sub3A_5, %jit3A : i32
    %sign3A = arith.constant 0 : i32
    %sign3A_6 = arith.cmpi sgt, %sub3A_5, %sign3A : i32
    %sign3A_7 = arith.extui %sign3A_6 : i1 to i32
    %sign3A_8 = arith.constant 0 : i32
    %sign3A_9 = arith.cmpi slt, %sub3A_5, %sign3A_8 : i32
    %sign3A_10 = arith.extui %sign3A_9 : i1 to i32
    %sign3A_11 = arith.subi %sign3A_7, %sign3A_10 : i32
    %sign3A_12 = arith.constant 0 : i32
    %sign3A_13 = arith.cmpi sgt, %jit3A, %sign3A_12 : i32
    %sign3A_14 = arith.extui %sign3A_13 : i1 to i32
    %sign3A_15 = arith.constant 0 : i32
    %sign3A_16 = arith.cmpi slt, %jit3A, %sign3A_15 : i32
    %sign3A_17 = arith.extui %sign3A_16 : i1 to i32
    %sign3A_18 = arith.subi %sign3A_14, %sign3A_17 : i32
    %ne3A = arith.cmpi ne, %sign3A_11, %sign3A_18 : i32
    %rem3A = arith.remsi %sub3A_5, %jit3A : i32
    %ne3A_19 = arith.constant 0 : i32
    %ne3A_20 = arith.cmpi ne, %rem3A, %ne3A_19 : i32
    %and3A = arith.andi %ne3A, %ne3A_20 : i1
    %sub3A_21 = arith.constant 1 : i32
    %sub3A_22 = arith.subi %div3A, %sub3A_21 : i32
    %select_n3A = arith.select %and3A, %sub3A_22, %div3A : i32
    %broadcast_in_dim3A = arith.constant 0.000000e+00 : f32
    %broadcast_in_dim3A_23 = vector.broadcast %broadcast_in_dim3A : f32 to vector<16xf32>
    "tpu.region"() ({
      %run_scoped3A = tpu.sem_alloc : memref<!tpu.dma_semaphore, #tpu.memory_space<semaphore_mem>>
      tpu.enqueue_dma source(%arg4 : memref<100000xf32, #tpu.memory_space<hbm>>) target(%arg14 : memref<100000xf32, #tpu.memory_space<vmem>>) target_semaphore(%run_scoped3A : memref<!tpu.dma_semaphore, #tpu.memory_space<semaphore_mem>>)
      tpu.wait_dma2 semaphore(%run_scoped3A : memref<!tpu.dma_semaphore, #tpu.memory_space<semaphore_mem>>) src(%arg4 : memref<100000xf32, #tpu.memory_space<hbm>>) dst(%arg14 : memref<100000xf32, #tpu.memory_space<vmem>>)
      tpu.yield
    }) : () -> ()
    %add3A_24 = arith.constant 0 : i32
    %add3A_25 = arith.addi %add3A, %add3A_24 : i32
    %mul3A_26 = arith.constant 4000 : i32
    %mul3A_27 = arith.muli %add3A_25, %mul3A_26 : i32
    %dma_start3A = arith.constant 0 : i32
    %dma_start3A_28 = arith.constant 0 : i32
    %dma_start3A_29 = tpu.memref_slice %arg11[%dma_start3A, %dma_start3A_28] : memref<2x4000xi32, #tpu.memory_space<vmem>> -> memref<1x4000xi32, #tpu.memory_space<vmem>>
    %dma_start3A_30 = tpu.memref_squeeze %dma_start3A_29 : memref<1x4000xi32, #tpu.memory_space<vmem>> -> memref<4000xi32, #tpu.memory_space<vmem>>
    %dma_start3A_31 = tpu.memref_slice %arg2[%mul3A_27] : memref<6400000xi32, #tpu.memory_space<hbm>> -> memref<4000xi32, #tpu.memory_space<hbm>>
    %dma_start3A_32 = arith.constant 0 : i32
    %dma_start3A_33 = tpu.memref_slice %arg11[%dma_start3A, %dma_start3A_32] : memref<2x4000xi32, #tpu.memory_space<vmem>> -> memref<1x4000xi32, #tpu.memory_space<vmem>>
    %dma_start3A_34 = tpu.memref_squeeze %dma_start3A_33 : memref<1x4000xi32, #tpu.memory_space<vmem>> -> memref<4000xi32, #tpu.memory_space<vmem>>
    %dma_start3A_35 = tpu.memref_slice %arg2[%mul3A_27] : memref<6400000xi32, #tpu.memory_space<hbm>> -> memref<4000xi32, #tpu.memory_space<hbm>>
    tpu.enqueue_dma source(%dma_start3A_35 : memref<4000xi32, #tpu.memory_space<hbm>>) target(%dma_start3A_34 : memref<4000xi32, #tpu.memory_space<vmem>>) target_semaphore(%arg16 : memref<!tpu.dma_semaphore, #tpu.memory_space<semaphore_mem>>)
    %dma_start3A_36 = arith.constant 0 : i32
    %dma_start3A_37 = arith.constant 0 : i32
    %dma_start3A_38 = tpu.memref_slice %arg12[%dma_start3A_36, %dma_start3A_37] : memref<2x4000xi32, #tpu.memory_space<vmem>> -> memref<1x4000xi32, #tpu.memory_space<vmem>>
    %dma_start3A_39 = tpu.memref_squeeze %dma_start3A_38 : memref<1x4000xi32, #tpu.memory_space<vmem>> -> memref<4000xi32, #tpu.memory_space<vmem>>
    %dma_start3A_40 = tpu.memref_slice %arg3[%mul3A_27] : memref<6400000xi32, #tpu.memory_space<hbm>> -> memref<4000xi32, #tpu.memory_space<hbm>>
    %dma_start3A_41 = arith.constant 0 : i32
    %dma_start3A_42 = tpu.memref_slice %arg12[%dma_start3A_36, %dma_start3A_41] : memref<2x4000xi32, #tpu.memory_space<vmem>> -> memref<1x4000xi32, #tpu.memory_space<vmem>>
    %dma_start3A_43 = tpu.memref_squeeze %dma_start3A_42 : memref<1x4000xi32, #tpu.memory_space<vmem>> -> memref<4000xi32, #tpu.memory_space<vmem>>
    %dma_start3A_44 = tpu.memref_slice %arg3[%mul3A_27] : memref<6400000xi32, #tpu.memory_space<hbm>> -> memref<4000xi32, #tpu.memory_space<hbm>>
    tpu.enqueue_dma source(%dma_start3A_44 : memref<4000xi32, #tpu.memory_space<hbm>>) target(%dma_start3A_43 : memref<4000xi32, #tpu.memory_space<vmem>>) target_semaphore(%arg16 : memref<!tpu.dma_semaphore, #tpu.memory_space<semaphore_mem>>)
    %gt3A = arith.constant 1 : i32
    %gt3A_45 = arith.cmpi sgt, %select_n3A, %gt3A : i32
    %convert_element_type3A = arith.extui %gt3A_45 : i1 to i32
    %cond3A = arith.constant 0 : i32
    %cond3A_46 = arith.cmpi ne, %convert_element_type3A, %cond3A : i32
    scf.if %cond3A_46 {
      %add3A_253 = arith.constant 32 : i32
      %add3A_254 = arith.addi %add3A, %add3A_253 : i32
      %mul3A_255 = arith.constant 4000 : i32
      %mul3A_256 = arith.muli %add3A_254, %mul3A_255 : i32
      %dma_start3A_257 = arith.constant 1 : i32
      %dma_start3A_258 = arith.constant 0 : i32
      %dma_start3A_259 = tpu.memref_slice %arg11[%dma_start3A_257, %dma_start3A_258] : memref<2x4000xi32, #tpu.memory_space<vmem>> -> memref<1x4000xi32, #tpu.memory_space<vmem>>
      %dma_start3A_260 = tpu.memref_squeeze %dma_start3A_259 : memref<1x4000xi32, #tpu.memory_space<vmem>> -> memref<4000xi32, #tpu.memory_space<vmem>>
      %dma_start3A_261 = tpu.memref_slice %arg2[%mul3A_256] : memref<6400000xi32, #tpu.memory_space<hbm>> -> memref<4000xi32, #tpu.memory_space<hbm>>
      %dma_start3A_262 = arith.constant 0 : i32
      %dma_start3A_263 = tpu.memref_slice %arg11[%dma_start3A_257, %dma_start3A_262] : memref<2x4000xi32, #tpu.memory_space<vmem>> -> memref<1x4000xi32, #tpu.memory_space<vmem>>
      %dma_start3A_264 = tpu.memref_squeeze %dma_start3A_263 : memref<1x4000xi32, #tpu.memory_space<vmem>> -> memref<4000xi32, #tpu.memory_space<vmem>>
      %dma_start3A_265 = tpu.memref_slice %arg2[%mul3A_256] : memref<6400000xi32, #tpu.memory_space<hbm>> -> memref<4000xi32, #tpu.memory_space<hbm>>
      tpu.enqueue_dma source(%dma_start3A_265 : memref<4000xi32, #tpu.memory_space<hbm>>) target(%dma_start3A_264 : memref<4000xi32, #tpu.memory_space<vmem>>) target_semaphore(%arg17 : memref<!tpu.dma_semaphore, #tpu.memory_space<semaphore_mem>>)
      %dma_start3A_266 = arith.constant 1 : i32
      %dma_start3A_267 = arith.constant 0 : i32
      %dma_start3A_268 = tpu.memref_slice %arg12[%dma_start3A_266, %dma_start3A_267] : memref<2x4000xi32, #tpu.memory_space<vmem>> -> memref<1x4000xi32, #tpu.memory_space<vmem>>
      %dma_start3A_269 = tpu.memref_squeeze %dma_start3A_268 : memref<1x4000xi32, #tpu.memory_space<vmem>> -> memref<4000xi32, #tpu.memory_space<vmem>>
      %dma_start3A_270 = tpu.memref_slice %arg3[%mul3A_256] : memref<6400000xi32, #tpu.memory_space<hbm>> -> memref<4000xi32, #tpu.memory_space<hbm>>
      %dma_start3A_271 = arith.constant 0 : i32
      %dma_start3A_272 = tpu.memref_slice %arg12[%dma_start3A_266, %dma_start3A_271] : memref<2x4000xi32, #tpu.memory_space<vmem>> -> memref<1x4000xi32, #tpu.memory_space<vmem>>
      %dma_start3A_273 = tpu.memref_squeeze %dma_start3A_272 : memref<1x4000xi32, #tpu.memory_space<vmem>> -> memref<4000xi32, #tpu.memory_space<vmem>>
      %dma_start3A_274 = tpu.memref_slice %arg3[%mul3A_256] : memref<6400000xi32, #tpu.memory_space<hbm>> -> memref<4000xi32, #tpu.memory_space<hbm>>
      tpu.enqueue_dma source(%dma_start3A_274 : memref<4000xi32, #tpu.memory_space<hbm>>) target(%dma_start3A_273 : memref<4000xi32, #tpu.memory_space<vmem>>) target_semaphore(%arg17 : memref<!tpu.dma_semaphore, #tpu.memory_space<semaphore_mem>>)
    } else {
    }
    %add3A_47 = arith.constant 1 : i32
    %add3A_48 = arith.addi %select_n3A, %add3A_47 : i32
    %jit3A_49 = arith.constant 2 : i32
    %div3A_50 = arith.divsi %add3A_48, %jit3A_49 : i32
    %sign3A_51 = arith.constant 0 : i32
    %sign3A_52 = arith.cmpi sgt, %add3A_48, %sign3A_51 : i32
    %sign3A_53 = arith.extui %sign3A_52 : i1 to i32
    %sign3A_54 = arith.constant 0 : i32
    %sign3A_55 = arith.cmpi slt, %add3A_48, %sign3A_54 : i32
    %sign3A_56 = arith.extui %sign3A_55 : i1 to i32
    %sign3A_57 = arith.subi %sign3A_53, %sign3A_56 : i32
    %sign3A_58 = arith.constant 0 : i32
    %sign3A_59 = arith.cmpi sgt, %jit3A_49, %sign3A_58 : i32
    %sign3A_60 = arith.extui %sign3A_59 : i1 to i32
    %sign3A_61 = arith.constant 0 : i32
    %sign3A_62 = arith.cmpi slt, %jit3A_49, %sign3A_61 : i32
    %sign3A_63 = arith.extui %sign3A_62 : i1 to i32
    %sign3A_64 = arith.subi %sign3A_60, %sign3A_63 : i32
    %ne3A_65 = arith.cmpi ne, %sign3A_57, %sign3A_64 : i32
    %rem3A_66 = arith.remsi %add3A_48, %jit3A_49 : i32
    %ne3A_67 = arith.constant 0 : i32
    %ne3A_68 = arith.cmpi ne, %rem3A_66, %ne3A_67 : i32
    %and3A_69 = arith.andi %ne3A_65, %ne3A_68 : i1
    %sub3A_70 = arith.constant 1 : i32
    %sub3A_71 = arith.subi %div3A_50, %sub3A_70 : i32
    %select_n3A_72 = arith.select %and3A_69, %sub3A_71, %div3A_50 : i32
    %while3A = arith.constant 0 : i32
    %while3A_73 = arith.subi %select_n3A_72, %while3A : i32
    %while3A_74 = arith.addi %while3A, %while3A_73 : i32
    %while3A_75 = arith.constant 1 : i32
    %while3A_76 = arith.divsi %while3A_73, %while3A_75 : i32
    %while3A_77 = arith.muli %while3A_76, %while3A_75 : i32
    %while3A_78 = arith.addi %while3A, %while3A_77 : i32
    %while3A_79 = arith.constant 1 : i32
    %while3A_80 = scf.for %while3A_253 = %while3A to %while3A_78 step %while3A_79 iter_args(%while3A_254 = %broadcast_in_dim3A_23) -> (vector<16xf32>)  : i32 {
      %mul3A_255 = arith.constant 2 : i32
      %mul3A_256 = arith.muli %mul3A_255, %while3A_253 : i32
      %add3A_257 = arith.constant 0 : i32
      %add3A_258 = arith.addi %mul3A_256, %add3A_257 : i32
      %lt3A = arith.cmpi slt, %add3A_258, %select_n3A : i32
      %convert_element_type3A_259 = arith.extui %lt3A : i1 to i32
      %cond3A_260 = arith.constant 0 : i32
      %cond3A_261 = arith.cmpi ne, %convert_element_type3A_259, %cond3A_260 : i32
      %cond3A_262 = scf.if %cond3A_261 -> (vector<16xf32>) {
        %dma_wait3A = arith.constant 0 : i32
        %dma_wait3A_272 = arith.constant 0 : i32
        %dma_wait3A_273 = tpu.memref_slice %arg11[%dma_wait3A, %dma_wait3A_272] : memref<2x4000xi32, #tpu.memory_space<vmem>> -> memref<1x4000xi32, #tpu.memory_space<vmem>>
        %dma_wait3A_274 = tpu.memref_squeeze %dma_wait3A_273 : memref<1x4000xi32, #tpu.memory_space<vmem>> -> memref<4000xi32, #tpu.memory_space<vmem>>
        %dma_wait3A_275 = arith.constant 0 : i32
        %dma_wait3A_276 = tpu.memref_slice %arg2[%dma_wait3A_275] : memref<6400000xi32, #tpu.memory_space<hbm>> -> memref<4000xi32, #tpu.memory_space<hbm>>
        %dma_wait3A_277 = arith.constant 0 : i32
        %dma_wait3A_278 = tpu.memref_slice %arg11[%dma_wait3A, %dma_wait3A_277] : memref<2x4000xi32, #tpu.memory_space<vmem>> -> memref<1x4000xi32, #tpu.memory_space<vmem>>
        %dma_wait3A_279 = tpu.memref_squeeze %dma_wait3A_278 : memref<1x4000xi32, #tpu.memory_space<vmem>> -> memref<4000xi32, #tpu.memory_space<vmem>>
        %dma_wait3A_280 = arith.constant 0 : i32
        %dma_wait3A_281 = tpu.memref_slice %arg2[%dma_wait3A_280] : memref<6400000xi32, #tpu.memory_space<hbm>> -> memref<4000xi32, #tpu.memory_space<hbm>>
        tpu.wait_dma2 semaphore(%arg16 : memref<!tpu.dma_semaphore, #tpu.memory_space<semaphore_mem>>) src(%dma_wait3A_281 : memref<4000xi32, #tpu.memory_space<hbm>>) dst(%dma_wait3A_279 : memref<4000xi32, #tpu.memory_space<vmem>>)
        %dma_wait3A_282 = arith.constant 0 : i32
        %dma_wait3A_283 = arith.constant 0 : i32
        %dma_wait3A_284 = tpu.memref_slice %arg12[%dma_wait3A_282, %dma_wait3A_283] : memref<2x4000xi32, #tpu.memory_space<vmem>> -> memref<1x4000xi32, #tpu.memory_space<vmem>>
        %dma_wait3A_285 = tpu.memref_squeeze %dma_wait3A_284 : memref<1x4000xi32, #tpu.memory_space<vmem>> -> memref<4000xi32, #tpu.memory_space<vmem>>
        %dma_wait3A_286 = arith.constant 0 : i32
        %dma_wait3A_287 = tpu.memref_slice %arg3[%dma_wait3A_286] : memref<6400000xi32, #tpu.memory_space<hbm>> -> memref<4000xi32, #tpu.memory_space<hbm>>
        %dma_wait3A_288 = arith.constant 0 : i32
        %dma_wait3A_289 = tpu.memref_slice %arg12[%dma_wait3A_282, %dma_wait3A_288] : memref<2x4000xi32, #tpu.memory_space<vmem>> -> memref<1x4000xi32, #tpu.memory_space<vmem>>
        %dma_wait3A_290 = tpu.memref_squeeze %dma_wait3A_289 : memref<1x4000xi32, #tpu.memory_space<vmem>> -> memref<4000xi32, #tpu.memory_space<vmem>>
        %dma_wait3A_291 = arith.constant 0 : i32
        %dma_wait3A_292 = tpu.memref_slice %arg3[%dma_wait3A_291] : memref<6400000xi32, #tpu.memory_space<hbm>> -> memref<4000xi32, #tpu.memory_space<hbm>>
        tpu.wait_dma2 semaphore(%arg16 : memref<!tpu.dma_semaphore, #tpu.memory_space<semaphore_mem>>) src(%dma_wait3A_292 : memref<4000xi32, #tpu.memory_space<hbm>>) dst(%dma_wait3A_290 : memref<4000xi32, #tpu.memory_space<vmem>>)
        %ge3A = arith.constant 2 : i32
        %ge3A_293 = arith.cmpi sge, %add3A_258, %ge3A : i32
        %convert_element_type3A_294 = arith.extui %ge3A_293 : i1 to i32
        %cond3A_295 = arith.constant 0 : i32
        %cond3A_296 = arith.cmpi ne, %convert_element_type3A_294, %cond3A_295 : i32
        scf.if %cond3A_296 {
          %dma_wait3A_322 = arith.constant 0 : i32
          %dma_wait3A_323 = arith.constant 0 : i32
          %dma_wait3A_324 = tpu.memref_slice %arg13[%dma_wait3A_322, %dma_wait3A_323] : memref<2x4000xf32, #tpu.memory_space<vmem>> -> memref<1x4000xf32, #tpu.memory_space<vmem>>
          %dma_wait3A_325 = tpu.memref_squeeze %dma_wait3A_324 : memref<1x4000xf32, #tpu.memory_space<vmem>> -> memref<4000xf32, #tpu.memory_space<vmem>>
          %dma_wait3A_326 = arith.constant 0 : i32
          %dma_wait3A_327 = tpu.memref_slice %arg8[%dma_wait3A_326] : memref<6400000xf32, #tpu.memory_space<hbm>> -> memref<4000xf32, #tpu.memory_space<hbm>>
          %dma_wait3A_328 = arith.constant 0 : i32
          %dma_wait3A_329 = tpu.memref_slice %arg8[%dma_wait3A_328] : memref<6400000xf32, #tpu.memory_space<hbm>> -> memref<4000xf32, #tpu.memory_space<hbm>>
          %dma_wait3A_330 = arith.constant 0 : i32
          %dma_wait3A_331 = tpu.memref_slice %arg13[%dma_wait3A_322, %dma_wait3A_330] : memref<2x4000xf32, #tpu.memory_space<vmem>> -> memref<1x4000xf32, #tpu.memory_space<vmem>>
          %dma_wait3A_332 = tpu.memref_squeeze %dma_wait3A_331 : memref<1x4000xf32, #tpu.memory_space<vmem>> -> memref<4000xf32, #tpu.memory_space<vmem>>
          tpu.wait_dma2 semaphore(%arg18 : memref<!tpu.dma_semaphore, #tpu.memory_space<semaphore_mem>>) src(%dma_wait3A_332 : memref<4000xf32, #tpu.memory_space<vmem>>) dst(%dma_wait3A_329 : memref<4000xf32, #tpu.memory_space<hbm>>)
        } else {
        }
        %scan3A = arith.constant 0 : i32
        %scan3A_297 = arith.constant 250 : i32
        %scan3A_298 = arith.addi %scan3A, %scan3A_297 : i32
        %scan3A_299 = arith.constant 1 : i32
        %scan3A_300 = scf.for %scan3A_322 = %scan3A to %scan3A_298 step %scan3A_299 iter_args(%scan3A_323 = %while3A_254) -> (vector<16xf32>)  : i32 {
          %mul3A_324 = arith.constant 16 : i32
          %mul3A_325 = arith.muli %scan3A_322, %mul3A_324 : i32
          %get3A = arith.constant 0 : i32
          %get3A_326 = arith.index_cast %get3A : i32 to index
          %get3A_327 = arith.index_cast %mul3A_325 : i32 to index
          %get3A_328 = tpu.vector_load %arg11[%get3A_326, %get3A_327] {strides = array<i32>} : memref<2x4000xi32, #tpu.memory_space<vmem>>, vector<16xi32>,
          %gather3A = tpu.vector_load_idx %arg14[%get3A_328] : memref<100000xf32, #tpu.memory_space<vmem>>[vector<16xi32>], vector<16xf32>,
          %get3A_329 = arith.constant 0 : i32
          %get3A_330 = arith.index_cast %get3A_329 : i32 to index
          %get3A_331 = arith.index_cast %mul3A_325 : i32 to index
          %get3A_332 = tpu.vector_load %arg12[%get3A_330, %get3A_331] {strides = array<i32>} : memref<2x4000xi32, #tpu.memory_space<vmem>>, vector<16xi32>,
          %gather3A_333 = tpu.vector_load_idx %arg14[%get3A_332] : memref<100000xf32, #tpu.memory_space<vmem>>[vector<16xi32>], vector<16xf32>,
          %sub3A_334 = arith.subf %gather3A_333, %gather3A : vector<16xf32>
          %swap3A_335 = arith.constant 0 : i32
          %swap3A_336 = arith.index_cast %swap3A_335 : i32 to index
          %swap3A_337 = arith.index_cast %mul3A_325 : i32 to index
          %swap3A_338 = tpu.vector_load %arg13[%swap3A_336, %swap3A_337] {strides = array<i32>} : memref<2x4000xf32, #tpu.memory_space<vmem>>, vector<16xf32>,
          tpu.vector_store %arg13[%swap3A_336, %swap3A_337], %sub3A_334 {strides = array<i32>} : memref<2x4000xf32, #tpu.memory_space<vmem>>, vector<16xf32>,
          %abs3A = math.absf %sub3A_334 : vector<16xf32>
          %max3A = arith.maximumf %scan3A_323, %abs3A : vector<16xf32>
          scf.yield %max3A : vector<16xf32>
        }
        %scan3A_301 = arith.constant 250 : i32
        %mul3A_302 = arith.constant 32 : i32
        %mul3A_303 = arith.muli %add3A_258, %mul3A_302 : i32
        %add3A_304 = arith.addi %add3A, %mul3A_303 : i32
        %mul3A_305 = arith.constant 4000 : i32
        %mul3A_306 = arith.muli %add3A_304, %mul3A_305 : i32
        %dma_start3A_307 = arith.constant 0 : i32
        %dma_start3A_308 = arith.constant 0 : i32
        %dma_start3A_309 = tpu.memref_slice %arg13[%dma_start3A_307, %dma_start3A_308] : memref<2x4000xf32, #tpu.memory_space<vmem>> -> memref<1x4000xf32, #tpu.memory_space<vmem>>
        %dma_start3A_310 = tpu.memref_squeeze %dma_start3A_309 : memref<1x4000xf32, #tpu.memory_space<vmem>> -> memref<4000xf32, #tpu.memory_space<vmem>>
        %dma_start3A_311 = tpu.memref_slice %arg8[%mul3A_306] : memref<6400000xf32, #tpu.memory_space<hbm>> -> memref<4000xf32, #tpu.memory_space<hbm>>
        %dma_start3A_312 = tpu.memref_slice %arg8[%mul3A_306] : memref<6400000xf32, #tpu.memory_space<hbm>> -> memref<4000xf32, #tpu.memory_space<hbm>>
        %dma_start3A_313 = arith.constant 0 : i32
        %dma_start3A_314 = tpu.memref_slice %arg13[%dma_start3A_307, %dma_start3A_313] : memref<2x4000xf32, #tpu.memory_space<vmem>> -> memref<1x4000xf32, #tpu.memory_space<vmem>>
        %dma_start3A_315 = tpu.memref_squeeze %dma_start3A_314 : memref<1x4000xf32, #tpu.memory_space<vmem>> -> memref<4000xf32, #tpu.memory_space<vmem>>
        tpu.enqueue_dma source(%dma_start3A_315 : memref<4000xf32, #tpu.memory_space<vmem>>) target(%dma_start3A_312 : memref<4000xf32, #tpu.memory_space<hbm>>) target_semaphore(%arg18 : memref<!tpu.dma_semaphore, #tpu.memory_space<semaphore_mem>>)
        %add3A_316 = arith.constant 2 : i32
        %add3A_317 = arith.addi %add3A_258, %add3A_316 : i32
        %lt3A_318 = arith.cmpi slt, %add3A_317, %select_n3A : i32
        %convert_element_type3A_319 = arith.extui %lt3A_318 : i1 to i32
        %cond3A_320 = arith.constant 0 : i32
        %cond3A_321 = arith.cmpi ne, %convert_element_type3A_319, %cond3A_320 : i32
        scf.if %cond3A_321 {
          %add3A_322 = arith.constant 2 : i32
          %add3A_323 = arith.addi %add3A_258, %add3A_322 : i32
          %mul3A_324 = arith.constant 32 : i32
          %mul3A_325 = arith.muli %add3A_323, %mul3A_324 : i32
          %add3A_326 = arith.addi %add3A, %mul3A_325 : i32
          %mul3A_327 = arith.constant 4000 : i32
          %mul3A_328 = arith.muli %add3A_326, %mul3A_327 : i32
          %dma_start3A_329 = arith.constant 0 : i32
          %dma_start3A_330 = arith.constant 0 : i32
          %dma_start3A_331 = tpu.memref_slice %arg11[%dma_start3A_329, %dma_start3A_330] : memref<2x4000xi32, #tpu.memory_space<vmem>> -> memref<1x4000xi32, #tpu.memory_space<vmem>>
          %dma_start3A_332 = tpu.memref_squeeze %dma_start3A_331 : memref<1x4000xi32, #tpu.memory_space<vmem>> -> memref<4000xi32, #tpu.memory_space<vmem>>
          %dma_start3A_333 = tpu.memref_slice %arg2[%mul3A_328] : memref<6400000xi32, #tpu.memory_space<hbm>> -> memref<4000xi32, #tpu.memory_space<hbm>>
          %dma_start3A_334 = arith.constant 0 : i32
          %dma_start3A_335 = tpu.memref_slice %arg11[%dma_start3A_329, %dma_start3A_334] : memref<2x4000xi32, #tpu.memory_space<vmem>> -> memref<1x4000xi32, #tpu.memory_space<vmem>>
          %dma_start3A_336 = tpu.memref_squeeze %dma_start3A_335 : memref<1x4000xi32, #tpu.memory_space<vmem>> -> memref<4000xi32, #tpu.memory_space<vmem>>
          %dma_start3A_337 = tpu.memref_slice %arg2[%mul3A_328] : memref<6400000xi32, #tpu.memory_space<hbm>> -> memref<4000xi32, #tpu.memory_space<hbm>>
          tpu.enqueue_dma source(%dma_start3A_337 : memref<4000xi32, #tpu.memory_space<hbm>>) target(%dma_start3A_336 : memref<4000xi32, #tpu.memory_space<vmem>>) target_semaphore(%arg16 : memref<!tpu.dma_semaphore, #tpu.memory_space<semaphore_mem>>)
          %dma_start3A_338 = arith.constant 0 : i32
          %dma_start3A_339 = arith.constant 0 : i32
          %dma_start3A_340 = tpu.memref_slice %arg12[%dma_start3A_338, %dma_start3A_339] : memref<2x4000xi32, #tpu.memory_space<vmem>> -> memref<1x4000xi32, #tpu.memory_space<vmem>>
          %dma_start3A_341 = tpu.memref_squeeze %dma_start3A_340 : memref<1x4000xi32, #tpu.memory_space<vmem>> -> memref<4000xi32, #tpu.memory_space<vmem>>
          %dma_start3A_342 = tpu.memref_slice %arg3[%mul3A_328] : memref<6400000xi32, #tpu.memory_space<hbm>> -> memref<4000xi32, #tpu.memory_space<hbm>>
          %dma_start3A_343 = arith.constant 0 : i32
          %dma_start3A_344 = tpu.memref_slice %arg12[%dma_start3A_338, %dma_start3A_343] : memref<2x4000xi32, #tpu.memory_space<vmem>> -> memref<1x4000xi32, #tpu.memory_space<vmem>>
          %dma_start3A_345 = tpu.memref_squeeze %dma_start3A_344 : memref<1x4000xi32, #tpu.memory_space<vmem>> -> memref<4000xi32, #tpu.memory_space<vmem>>
          %dma_start3A_346 = tpu.memref_slice %arg3[%mul3A_328] : memref<6400000xi32, #tpu.memory_space<hbm>> -> memref<4000xi32, #tpu.memory_space<hbm>>
          tpu.enqueue_dma source(%dma_start3A_346 : memref<4000xi32, #tpu.memory_space<hbm>>) target(%dma_start3A_345 : memref<4000xi32, #tpu.memory_space<vmem>>) target_semaphore(%arg16 : memref<!tpu.dma_semaphore, #tpu.memory_space<semaphore_mem>>)
        } else {
        }
        scf.yield %scan3A_300 : vector<16xf32>
      } else {
        scf.yield %while3A_254 : vector<16xf32>
      }
      %mul3A_263 = arith.constant 2 : i32
      %mul3A_264 = arith.muli %mul3A_263, %while3A_253 : i32
      %add3A_265 = arith.constant 1 : i32
      %add3A_266 = arith.addi %mul3A_264, %add3A_265 : i32
      %lt3A_267 = arith.cmpi slt, %add3A_266, %select_n3A : i32
      %convert_element_type3A_268 = arith.extui %lt3A_267 : i1 to i32
      %cond3A_269 = arith.constant 0 : i32
      %cond3A_270 = arith.cmpi ne, %convert_element_type3A_268, %cond3A_269 : i32
      %cond3A_271 = scf.if %cond3A_270 -> (vector<16xf32>) {
        %dma_wait3A = arith.constant 1 : i32
        %dma_wait3A_272 = arith.constant 0 : i32
        %dma_wait3A_273 = tpu.memref_slice %arg11[%dma_wait3A, %dma_wait3A_272] : memref<2x4000xi32, #tpu.memory_space<vmem>> -> memref<1x4000xi32, #tpu.memory_space<vmem>>
        %dma_wait3A_274 = tpu.memref_squeeze %dma_wait3A_273 : memref<1x4000xi32, #tpu.memory_space<vmem>> -> memref<4000xi32, #tpu.memory_space<vmem>>
        %dma_wait3A_275 = arith.constant 0 : i32
        %dma_wait3A_276 = tpu.memref_slice %arg2[%dma_wait3A_275] : memref<6400000xi32, #tpu.memory_space<hbm>> -> memref<4000xi32, #tpu.memory_space<hbm>>
        %dma_wait3A_277 = arith.constant 0 : i32
        %dma_wait3A_278 = tpu.memref_slice %arg11[%dma_wait3A, %dma_wait3A_277] : memref<2x4000xi32, #tpu.memory_space<vmem>> -> memref<1x4000xi32, #tpu.memory_space<vmem>>
        %dma_wait3A_279 = tpu.memref_squeeze %dma_wait3A_278 : memref<1x4000xi32, #tpu.memory_space<vmem>> -> memref<4000xi32, #tpu.memory_space<vmem>>
        %dma_wait3A_280 = arith.constant 0 : i32
        %dma_wait3A_281 = tpu.memref_slice %arg2[%dma_wait3A_280] : memref<6400000xi32, #tpu.memory_space<hbm>> -> memref<4000xi32, #tpu.memory_space<hbm>>
        tpu.wait_dma2 semaphore(%arg17 : memref<!tpu.dma_semaphore, #tpu.memory_space<semaphore_mem>>) src(%dma_wait3A_281 : memref<4000xi32, #tpu.memory_space<hbm>>) dst(%dma_wait3A_279 : memref<4000xi32, #tpu.memory_space<vmem>>)
        %dma_wait3A_282 = arith.constant 1 : i32
        %dma_wait3A_283 = arith.constant 0 : i32
        %dma_wait3A_284 = tpu.memref_slice %arg12[%dma_wait3A_282, %dma_wait3A_283] : memref<2x4000xi32, #tpu.memory_space<vmem>> -> memref<1x4000xi32, #tpu.memory_space<vmem>>
        %dma_wait3A_285 = tpu.memref_squeeze %dma_wait3A_284 : memref<1x4000xi32, #tpu.memory_space<vmem>> -> memref<4000xi32, #tpu.memory_space<vmem>>
        %dma_wait3A_286 = arith.constant 0 : i32
        %dma_wait3A_287 = tpu.memref_slice %arg3[%dma_wait3A_286] : memref<6400000xi32, #tpu.memory_space<hbm>> -> memref<4000xi32, #tpu.memory_space<hbm>>
        %dma_wait3A_288 = arith.constant 0 : i32
        %dma_wait3A_289 = tpu.memref_slice %arg12[%dma_wait3A_282, %dma_wait3A_288] : memref<2x4000xi32, #tpu.memory_space<vmem>> -> memref<1x4000xi32, #tpu.memory_space<vmem>>
        %dma_wait3A_290 = tpu.memref_squeeze %dma_wait3A_289 : memref<1x4000xi32, #tpu.memory_space<vmem>> -> memref<4000xi32, #tpu.memory_space<vmem>>
        %dma_wait3A_291 = arith.constant 0 : i32
        %dma_wait3A_292 = tpu.memref_slice %arg3[%dma_wait3A_291] : memref<6400000xi32, #tpu.memory_space<hbm>> -> memref<4000xi32, #tpu.memory_space<hbm>>
        tpu.wait_dma2 semaphore(%arg17 : memref<!tpu.dma_semaphore, #tpu.memory_space<semaphore_mem>>) src(%dma_wait3A_292 : memref<4000xi32, #tpu.memory_space<hbm>>) dst(%dma_wait3A_290 : memref<4000xi32, #tpu.memory_space<vmem>>)
        %ge3A = arith.constant 2 : i32
        %ge3A_293 = arith.cmpi sge, %add3A_266, %ge3A : i32
        %convert_element_type3A_294 = arith.extui %ge3A_293 : i1 to i32
        %cond3A_295 = arith.constant 0 : i32
        %cond3A_296 = arith.cmpi ne, %convert_element_type3A_294, %cond3A_295 : i32
        scf.if %cond3A_296 {
          %dma_wait3A_322 = arith.constant 1 : i32
          %dma_wait3A_323 = arith.constant 0 : i32
          %dma_wait3A_324 = tpu.memref_slice %arg13[%dma_wait3A_322, %dma_wait3A_323] : memref<2x4000xf32, #tpu.memory_space<vmem>> -> memref<1x4000xf32, #tpu.memory_space<vmem>>
          %dma_wait3A_325 = tpu.memref_squeeze %dma_wait3A_324 : memref<1x4000xf32, #tpu.memory_space<vmem>> -> memref<4000xf32, #tpu.memory_space<vmem>>
          %dma_wait3A_326 = arith.constant 0 : i32
          %dma_wait3A_327 = tpu.memref_slice %arg8[%dma_wait3A_326] : memref<6400000xf32, #tpu.memory_space<hbm>> -> memref<4000xf32, #tpu.memory_space<hbm>>
          %dma_wait3A_328 = arith.constant 0 : i32
          %dma_wait3A_329 = tpu.memref_slice %arg8[%dma_wait3A_328] : memref<6400000xf32, #tpu.memory_space<hbm>> -> memref<4000xf32, #tpu.memory_space<hbm>>
          %dma_wait3A_330 = arith.constant 0 : i32
          %dma_wait3A_331 = tpu.memref_slice %arg13[%dma_wait3A_322, %dma_wait3A_330] : memref<2x4000xf32, #tpu.memory_space<vmem>> -> memref<1x4000xf32, #tpu.memory_space<vmem>>
          %dma_wait3A_332 = tpu.memref_squeeze %dma_wait3A_331 : memref<1x4000xf32, #tpu.memory_space<vmem>> -> memref<4000xf32, #tpu.memory_space<vmem>>
          tpu.wait_dma2 semaphore(%arg19 : memref<!tpu.dma_semaphore, #tpu.memory_space<semaphore_mem>>) src(%dma_wait3A_332 : memref<4000xf32, #tpu.memory_space<vmem>>) dst(%dma_wait3A_329 : memref<4000xf32, #tpu.memory_space<hbm>>)
        } else {
        }
        %scan3A = arith.constant 0 : i32
        %scan3A_297 = arith.constant 250 : i32
        %scan3A_298 = arith.addi %scan3A, %scan3A_297 : i32
        %scan3A_299 = arith.constant 1 : i32
        %scan3A_300 = scf.for %scan3A_322 = %scan3A to %scan3A_298 step %scan3A_299 iter_args(%scan3A_323 = %cond3A_262) -> (vector<16xf32>)  : i32 {
          %mul3A_324 = arith.constant 16 : i32
          %mul3A_325 = arith.muli %scan3A_322, %mul3A_324 : i32
          %get3A = arith.constant 1 : i32
          %get3A_326 = arith.index_cast %get3A : i32 to index
          %get3A_327 = arith.index_cast %mul3A_325 : i32 to index
          %get3A_328 = tpu.vector_load %arg11[%get3A_326, %get3A_327] {strides = array<i32>} : memref<2x4000xi32, #tpu.memory_space<vmem>>, vector<16xi32>,
          %gather3A = tpu.vector_load_idx %arg14[%get3A_328] : memref<100000xf32, #tpu.memory_space<vmem>>[vector<16xi32>], vector<16xf32>,
          %get3A_329 = arith.constant 1 : i32
          %get3A_330 = arith.index_cast %get3A_329 : i32 to index
          %get3A_331 = arith.index_cast %mul3A_325 : i32 to index
          %get3A_332 = tpu.vector_load %arg12[%get3A_330, %get3A_331] {strides = array<i32>} : memref<2x4000xi32, #tpu.memory_space<vmem>>, vector<16xi32>,
          %gather3A_333 = tpu.vector_load_idx %arg14[%get3A_332] : memref<100000xf32, #tpu.memory_space<vmem>>[vector<16xi32>], vector<16xf32>,
          %sub3A_334 = arith.subf %gather3A_333, %gather3A : vector<16xf32>
          %swap3A_335 = arith.constant 1 : i32
          %swap3A_336 = arith.index_cast %swap3A_335 : i32 to index
          %swap3A_337 = arith.index_cast %mul3A_325 : i32 to index
          %swap3A_338 = tpu.vector_load %arg13[%swap3A_336, %swap3A_337] {strides = array<i32>} : memref<2x4000xf32, #tpu.memory_space<vmem>>, vector<16xf32>,
          tpu.vector_store %arg13[%swap3A_336, %swap3A_337], %sub3A_334 {strides = array<i32>} : memref<2x4000xf32, #tpu.memory_space<vmem>>, vector<16xf32>,
          %abs3A = math.absf %sub3A_334 : vector<16xf32>
          %max3A = arith.maximumf %scan3A_323, %abs3A : vector<16xf32>
          scf.yield %max3A : vector<16xf32>
        }
        %scan3A_301 = arith.constant 250 : i32
        %mul3A_302 = arith.constant 32 : i32
        %mul3A_303 = arith.muli %add3A_266, %mul3A_302 : i32
        %add3A_304 = arith.addi %add3A, %mul3A_303 : i32
        %mul3A_305 = arith.constant 4000 : i32
        %mul3A_306 = arith.muli %add3A_304, %mul3A_305 : i32
        %dma_start3A_307 = arith.constant 1 : i32
        %dma_start3A_308 = arith.constant 0 : i32
        %dma_start3A_309 = tpu.memref_slice %arg13[%dma_start3A_307, %dma_start3A_308] : memref<2x4000xf32, #tpu.memory_space<vmem>> -> memref<1x4000xf32, #tpu.memory_space<vmem>>
        %dma_start3A_310 = tpu.memref_squeeze %dma_start3A_309 : memref<1x4000xf32, #tpu.memory_space<vmem>> -> memref<4000xf32, #tpu.memory_space<vmem>>
        %dma_start3A_311 = tpu.memref_slice %arg8[%mul3A_306] : memref<6400000xf32, #tpu.memory_space<hbm>> -> memref<4000xf32, #tpu.memory_space<hbm>>
        %dma_start3A_312 = tpu.memref_slice %arg8[%mul3A_306] : memref<6400000xf32, #tpu.memory_space<hbm>> -> memref<4000xf32, #tpu.memory_space<hbm>>
        %dma_start3A_313 = arith.constant 0 : i32
        %dma_start3A_314 = tpu.memref_slice %arg13[%dma_start3A_307, %dma_start3A_313] : memref<2x4000xf32, #tpu.memory_space<vmem>> -> memref<1x4000xf32, #tpu.memory_space<vmem>>
        %dma_start3A_315 = tpu.memref_squeeze %dma_start3A_314 : memref<1x4000xf32, #tpu.memory_space<vmem>> -> memref<4000xf32, #tpu.memory_space<vmem>>
        tpu.enqueue_dma source(%dma_start3A_315 : memref<4000xf32, #tpu.memory_space<vmem>>) target(%dma_start3A_312 : memref<4000xf32, #tpu.memory_space<hbm>>) target_semaphore(%arg19 : memref<!tpu.dma_semaphore, #tpu.memory_space<semaphore_mem>>)
        %add3A_316 = arith.constant 2 : i32
        %add3A_317 = arith.addi %add3A_266, %add3A_316 : i32
        %lt3A_318 = arith.cmpi slt, %add3A_317, %select_n3A : i32
        %convert_element_type3A_319 = arith.extui %lt3A_318 : i1 to i32
        %cond3A_320 = arith.constant 0 : i32
        %cond3A_321 = arith.cmpi ne, %convert_element_type3A_319, %cond3A_320 : i32
        scf.if %cond3A_321 {
          %add3A_322 = arith.constant 2 : i32
          %add3A_323 = arith.addi %add3A_266, %add3A_322 : i32
          %mul3A_324 = arith.constant 32 : i32
          %mul3A_325 = arith.muli %add3A_323, %mul3A_324 : i32
          %add3A_326 = arith.addi %add3A, %mul3A_325 : i32
          %mul3A_327 = arith.constant 4000 : i32
          %mul3A_328 = arith.muli %add3A_326, %mul3A_327 : i32
          %dma_start3A_329 = arith.constant 1 : i32
          %dma_start3A_330 = arith.constant 0 : i32
          %dma_start3A_331 = tpu.memref_slice %arg11[%dma_start3A_329, %dma_start3A_330] : memref<2x4000xi32, #tpu.memory_space<vmem>> -> memref<1x4000xi32, #tpu.memory_space<vmem>>
          %dma_start3A_332 = tpu.memref_squeeze %dma_start3A_331 : memref<1x4000xi32, #tpu.memory_space<vmem>> -> memref<4000xi32, #tpu.memory_space<vmem>>
          %dma_start3A_333 = tpu.memref_slice %arg2[%mul3A_328] : memref<6400000xi32, #tpu.memory_space<hbm>> -> memref<4000xi32, #tpu.memory_space<hbm>>
          %dma_start3A_334 = arith.constant 0 : i32
          %dma_start3A_335 = tpu.memref_slice %arg11[%dma_start3A_329, %dma_start3A_334] : memref<2x4000xi32, #tpu.memory_space<vmem>> -> memref<1x4000xi32, #tpu.memory_space<vmem>>
          %dma_start3A_336 = tpu.memref_squeeze %dma_start3A_335 : memref<1x4000xi32, #tpu.memory_space<vmem>> -> memref<4000xi32, #tpu.memory_space<vmem>>
          %dma_start3A_337 = tpu.memref_slice %arg2[%mul3A_328] : memref<6400000xi32, #tpu.memory_space<hbm>> -> memref<4000xi32, #tpu.memory_space<hbm>>
          tpu.enqueue_dma source(%dma_start3A_337 : memref<4000xi32, #tpu.memory_space<hbm>>) target(%dma_start3A_336 : memref<4000xi32, #tpu.memory_space<vmem>>) target_semaphore(%arg17 : memref<!tpu.dma_semaphore, #tpu.memory_space<semaphore_mem>>)
          %dma_start3A_338 = arith.constant 1 : i32
          %dma_start3A_339 = arith.constant 0 : i32
          %dma_start3A_340 = tpu.memref_slice %arg12[%dma_start3A_338, %dma_start3A_339] : memref<2x4000xi32, #tpu.memory_space<vmem>> -> memref<1x4000xi32, #tpu.memory_space<vmem>>
          %dma_start3A_341 = tpu.memref_squeeze %dma_start3A_340 : memref<1x4000xi32, #tpu.memory_space<vmem>> -> memref<4000xi32, #tpu.memory_space<vmem>>
          %dma_start3A_342 = tpu.memref_slice %arg3[%mul3A_328] : memref<6400000xi32, #tpu.memory_space<hbm>> -> memref<4000xi32, #tpu.memory_space<hbm>>
          %dma_start3A_343 = arith.constant 0 : i32
          %dma_start3A_344 = tpu.memref_slice %arg12[%dma_start3A_338, %dma_start3A_343] : memref<2x4000xi32, #tpu.memory_space<vmem>> -> memref<1x4000xi32, #tpu.memory_space<vmem>>
          %dma_start3A_345 = tpu.memref_squeeze %dma_start3A_344 : memref<1x4000xi32, #tpu.memory_space<vmem>> -> memref<4000xi32, #tpu.memory_space<vmem>>
          %dma_start3A_346 = tpu.memref_slice %arg3[%mul3A_328] : memref<6400000xi32, #tpu.memory_space<hbm>> -> memref<4000xi32, #tpu.memory_space<hbm>>
          tpu.enqueue_dma source(%dma_start3A_346 : memref<4000xi32, #tpu.memory_space<hbm>>) target(%dma_start3A_345 : memref<4000xi32, #tpu.memory_space<vmem>>) target_semaphore(%arg17 : memref<!tpu.dma_semaphore, #tpu.memory_space<semaphore_mem>>)
        } else {
        }
        scf.yield %scan3A_300 : vector<16xf32>
      } else {
        scf.yield %cond3A_262 : vector<16xf32>
      }
      scf.yield %cond3A_271 : vector<16xf32>
    }
    %while3A_81 = arith.constant 1 : i32
    %while3A_82 = scf.for %while3A_253 = %while3A_78 to %while3A_74 step %while3A_81 iter_args(%while3A_254 = %while3A_80) -> (vector<16xf32>)  : i32 {
      %mul3A_255 = arith.constant 2 : i32
      %mul3A_256 = arith.muli %mul3A_255, %while3A_253 : i32
      %add3A_257 = arith.constant 0 : i32
      %add3A_258 = arith.addi %mul3A_256, %add3A_257 : i32
      %lt3A = arith.cmpi slt, %add3A_258, %select_n3A : i32
      %convert_element_type3A_259 = arith.extui %lt3A : i1 to i32
      %cond3A_260 = arith.constant 0 : i32
      %cond3A_261 = arith.cmpi ne, %convert_element_type3A_259, %cond3A_260 : i32
      %cond3A_262 = scf.if %cond3A_261 -> (vector<16xf32>) {
        %dma_wait3A = arith.constant 0 : i32
        %dma_wait3A_272 = arith.constant 0 : i32
        %dma_wait3A_273 = tpu.memref_slice %arg11[%dma_wait3A, %dma_wait3A_272] : memref<2x4000xi32, #tpu.memory_space<vmem>> -> memref<1x4000xi32, #tpu.memory_space<vmem>>
        %dma_wait3A_274 = tpu.memref_squeeze %dma_wait3A_273 : memref<1x4000xi32, #tpu.memory_space<vmem>> -> memref<4000xi32, #tpu.memory_space<vmem>>
        %dma_wait3A_275 = arith.constant 0 : i32
        %dma_wait3A_276 = tpu.memref_slice %arg2[%dma_wait3A_275] : memref<6400000xi32, #tpu.memory_space<hbm>> -> memref<4000xi32, #tpu.memory_space<hbm>>
        %dma_wait3A_277 = arith.constant 0 : i32
        %dma_wait3A_278 = tpu.memref_slice %arg11[%dma_wait3A, %dma_wait3A_277] : memref<2x4000xi32, #tpu.memory_space<vmem>> -> memref<1x4000xi32, #tpu.memory_space<vmem>>
        %dma_wait3A_279 = tpu.memref_squeeze %dma_wait3A_278 : memref<1x4000xi32, #tpu.memory_space<vmem>> -> memref<4000xi32, #tpu.memory_space<vmem>>
        %dma_wait3A_280 = arith.constant 0 : i32
        %dma_wait3A_281 = tpu.memref_slice %arg2[%dma_wait3A_280] : memref<6400000xi32, #tpu.memory_space<hbm>> -> memref<4000xi32, #tpu.memory_space<hbm>>
        tpu.wait_dma2 semaphore(%arg16 : memref<!tpu.dma_semaphore, #tpu.memory_space<semaphore_mem>>) src(%dma_wait3A_281 : memref<4000xi32, #tpu.memory_space<hbm>>) dst(%dma_wait3A_279 : memref<4000xi32, #tpu.memory_space<vmem>>)
        %dma_wait3A_282 = arith.constant 0 : i32
        %dma_wait3A_283 = arith.constant 0 : i32
        %dma_wait3A_284 = tpu.memref_slice %arg12[%dma_wait3A_282, %dma_wait3A_283] : memref<2x4000xi32, #tpu.memory_space<vmem>> -> memref<1x4000xi32, #tpu.memory_space<vmem>>
        %dma_wait3A_285 = tpu.memref_squeeze %dma_wait3A_284 : memref<1x4000xi32, #tpu.memory_space<vmem>> -> memref<4000xi32, #tpu.memory_space<vmem>>
        %dma_wait3A_286 = arith.constant 0 : i32
        %dma_wait3A_287 = tpu.memref_slice %arg3[%dma_wait3A_286] : memref<6400000xi32, #tpu.memory_space<hbm>> -> memref<4000xi32, #tpu.memory_space<hbm>>
        %dma_wait3A_288 = arith.constant 0 : i32
        %dma_wait3A_289 = tpu.memref_slice %arg12[%dma_wait3A_282, %dma_wait3A_288] : memref<2x4000xi32, #tpu.memory_space<vmem>> -> memref<1x4000xi32, #tpu.memory_space<vmem>>
        %dma_wait3A_290 = tpu.memref_squeeze %dma_wait3A_289 : memref<1x4000xi32, #tpu.memory_space<vmem>> -> memref<4000xi32, #tpu.memory_space<vmem>>
        %dma_wait3A_291 = arith.constant 0 : i32
        %dma_wait3A_292 = tpu.memref_slice %arg3[%dma_wait3A_291] : memref<6400000xi32, #tpu.memory_space<hbm>> -> memref<4000xi32, #tpu.memory_space<hbm>>
        tpu.wait_dma2 semaphore(%arg16 : memref<!tpu.dma_semaphore, #tpu.memory_space<semaphore_mem>>) src(%dma_wait3A_292 : memref<4000xi32, #tpu.memory_space<hbm>>) dst(%dma_wait3A_290 : memref<4000xi32, #tpu.memory_space<vmem>>)
        %ge3A = arith.constant 2 : i32
        %ge3A_293 = arith.cmpi sge, %add3A_258, %ge3A : i32
        %convert_element_type3A_294 = arith.extui %ge3A_293 : i1 to i32
        %cond3A_295 = arith.constant 0 : i32
        %cond3A_296 = arith.cmpi ne, %convert_element_type3A_294, %cond3A_295 : i32
        scf.if %cond3A_296 {
          %dma_wait3A_322 = arith.constant 0 : i32
          %dma_wait3A_323 = arith.constant 0 : i32
          %dma_wait3A_324 = tpu.memref_slice %arg13[%dma_wait3A_322, %dma_wait3A_323] : memref<2x4000xf32, #tpu.memory_space<vmem>> -> memref<1x4000xf32, #tpu.memory_space<vmem>>
          %dma_wait3A_325 = tpu.memref_squeeze %dma_wait3A_324 : memref<1x4000xf32, #tpu.memory_space<vmem>> -> memref<4000xf32, #tpu.memory_space<vmem>>
          %dma_wait3A_326 = arith.constant 0 : i32
          %dma_wait3A_327 = tpu.memref_slice %arg8[%dma_wait3A_326] : memref<6400000xf32, #tpu.memory_space<hbm>> -> memref<4000xf32, #tpu.memory_space<hbm>>
          %dma_wait3A_328 = arith.constant 0 : i32
          %dma_wait3A_329 = tpu.memref_slice %arg8[%dma_wait3A_328] : memref<6400000xf32, #tpu.memory_space<hbm>> -> memref<4000xf32, #tpu.memory_space<hbm>>
          %dma_wait3A_330 = arith.constant 0 : i32
          %dma_wait3A_331 = tpu.memref_slice %arg13[%dma_wait3A_322, %dma_wait3A_330] : memref<2x4000xf32, #tpu.memory_space<vmem>> -> memref<1x4000xf32, #tpu.memory_space<vmem>>
          %dma_wait3A_332 = tpu.memref_squeeze %dma_wait3A_331 : memref<1x4000xf32, #tpu.memory_space<vmem>> -> memref<4000xf32, #tpu.memory_space<vmem>>
          tpu.wait_dma2 semaphore(%arg18 : memref<!tpu.dma_semaphore, #tpu.memory_space<semaphore_mem>>) src(%dma_wait3A_332 : memref<4000xf32, #tpu.memory_space<vmem>>) dst(%dma_wait3A_329 : memref<4000xf32, #tpu.memory_space<hbm>>)
        } else {
        }
        %scan3A = arith.constant 0 : i32
        %scan3A_297 = arith.constant 250 : i32
        %scan3A_298 = arith.addi %scan3A, %scan3A_297 : i32
        %scan3A_299 = arith.constant 1 : i32
        %scan3A_300 = scf.for %scan3A_322 = %scan3A to %scan3A_298 step %scan3A_299 iter_args(%scan3A_323 = %while3A_254) -> (vector<16xf32>)  : i32 {
          %mul3A_324 = arith.constant 16 : i32
          %mul3A_325 = arith.muli %scan3A_322, %mul3A_324 : i32
          %get3A = arith.constant 0 : i32
          %get3A_326 = arith.index_cast %get3A : i32 to index
          %get3A_327 = arith.index_cast %mul3A_325 : i32 to index
          %get3A_328 = tpu.vector_load %arg11[%get3A_326, %get3A_327] {strides = array<i32>} : memref<2x4000xi32, #tpu.memory_space<vmem>>, vector<16xi32>,
          %gather3A = tpu.vector_load_idx %arg14[%get3A_328] : memref<100000xf32, #tpu.memory_space<vmem>>[vector<16xi32>], vector<16xf32>,
          %get3A_329 = arith.constant 0 : i32
          %get3A_330 = arith.index_cast %get3A_329 : i32 to index
          %get3A_331 = arith.index_cast %mul3A_325 : i32 to index
          %get3A_332 = tpu.vector_load %arg12[%get3A_330, %get3A_331] {strides = array<i32>} : memref<2x4000xi32, #tpu.memory_space<vmem>>, vector<16xi32>,
          %gather3A_333 = tpu.vector_load_idx %arg14[%get3A_332] : memref<100000xf32, #tpu.memory_space<vmem>>[vector<16xi32>], vector<16xf32>,
          %sub3A_334 = arith.subf %gather3A_333, %gather3A : vector<16xf32>
          %swap3A_335 = arith.constant 0 : i32
          %swap3A_336 = arith.index_cast %swap3A_335 : i32 to index
          %swap3A_337 = arith.index_cast %mul3A_325 : i32 to index
          %swap3A_338 = tpu.vector_load %arg13[%swap3A_336, %swap3A_337] {strides = array<i32>} : memref<2x4000xf32, #tpu.memory_space<vmem>>, vector<16xf32>,
          tpu.vector_store %arg13[%swap3A_336, %swap3A_337], %sub3A_334 {strides = array<i32>} : memref<2x4000xf32, #tpu.memory_space<vmem>>, vector<16xf32>,
          %abs3A = math.absf %sub3A_334 : vector<16xf32>
          %max3A = arith.maximumf %scan3A_323, %abs3A : vector<16xf32>
          scf.yield %max3A : vector<16xf32>
        }
        %scan3A_301 = arith.constant 250 : i32
        %mul3A_302 = arith.constant 32 : i32
        %mul3A_303 = arith.muli %add3A_258, %mul3A_302 : i32
        %add3A_304 = arith.addi %add3A, %mul3A_303 : i32
        %mul3A_305 = arith.constant 4000 : i32
        %mul3A_306 = arith.muli %add3A_304, %mul3A_305 : i32
        %dma_start3A_307 = arith.constant 0 : i32
        %dma_start3A_308 = arith.constant 0 : i32
        %dma_start3A_309 = tpu.memref_slice %arg13[%dma_start3A_307, %dma_start3A_308] : memref<2x4000xf32, #tpu.memory_space<vmem>> -> memref<1x4000xf32, #tpu.memory_space<vmem>>
        %dma_start3A_310 = tpu.memref_squeeze %dma_start3A_309 : memref<1x4000xf32, #tpu.memory_space<vmem>> -> memref<4000xf32, #tpu.memory_space<vmem>>
        %dma_start3A_311 = tpu.memref_slice %arg8[%mul3A_306] : memref<6400000xf32, #tpu.memory_space<hbm>> -> memref<4000xf32, #tpu.memory_space<hbm>>
        %dma_start3A_312 = tpu.memref_slice %arg8[%mul3A_306] : memref<6400000xf32, #tpu.memory_space<hbm>> -> memref<4000xf32, #tpu.memory_space<hbm>>
        %dma_start3A_313 = arith.constant 0 : i32
        %dma_start3A_314 = tpu.memref_slice %arg13[%dma_start3A_307, %dma_start3A_313] : memref<2x4000xf32, #tpu.memory_space<vmem>> -> memref<1x4000xf32, #tpu.memory_space<vmem>>
        %dma_start3A_315 = tpu.memref_squeeze %dma_start3A_314 : memref<1x4000xf32, #tpu.memory_space<vmem>> -> memref<4000xf32, #tpu.memory_space<vmem>>
        tpu.enqueue_dma source(%dma_start3A_315 : memref<4000xf32, #tpu.memory_space<vmem>>) target(%dma_start3A_312 : memref<4000xf32, #tpu.memory_space<hbm>>) target_semaphore(%arg18 : memref<!tpu.dma_semaphore, #tpu.memory_space<semaphore_mem>>)
        %add3A_316 = arith.constant 2 : i32
        %add3A_317 = arith.addi %add3A_258, %add3A_316 : i32
        %lt3A_318 = arith.cmpi slt, %add3A_317, %select_n3A : i32
        %convert_element_type3A_319 = arith.extui %lt3A_318 : i1 to i32
        %cond3A_320 = arith.constant 0 : i32
        %cond3A_321 = arith.cmpi ne, %convert_element_type3A_319, %cond3A_320 : i32
        scf.if %cond3A_321 {
          %add3A_322 = arith.constant 2 : i32
          %add3A_323 = arith.addi %add3A_258, %add3A_322 : i32
          %mul3A_324 = arith.constant 32 : i32
          %mul3A_325 = arith.muli %add3A_323, %mul3A_324 : i32
          %add3A_326 = arith.addi %add3A, %mul3A_325 : i32
          %mul3A_327 = arith.constant 4000 : i32
          %mul3A_328 = arith.muli %add3A_326, %mul3A_327 : i32
          %dma_start3A_329 = arith.constant 0 : i32
          %dma_start3A_330 = arith.constant 0 : i32
          %dma_start3A_331 = tpu.memref_slice %arg11[%dma_start3A_329, %dma_start3A_330] : memref<2x4000xi32, #tpu.memory_space<vmem>> -> memref<1x4000xi32, #tpu.memory_space<vmem>>
          %dma_start3A_332 = tpu.memref_squeeze %dma_start3A_331 : memref<1x4000xi32, #tpu.memory_space<vmem>> -> memref<4000xi32, #tpu.memory_space<vmem>>
          %dma_start3A_333 = tpu.memref_slice %arg2[%mul3A_328] : memref<6400000xi32, #tpu.memory_space<hbm>> -> memref<4000xi32, #tpu.memory_space<hbm>>
          %dma_start3A_334 = arith.constant 0 : i32
          %dma_start3A_335 = tpu.memref_slice %arg11[%dma_start3A_329, %dma_start3A_334] : memref<2x4000xi32, #tpu.memory_space<vmem>> -> memref<1x4000xi32, #tpu.memory_space<vmem>>
          %dma_start3A_336 = tpu.memref_squeeze %dma_start3A_335 : memref<1x4000xi32, #tpu.memory_space<vmem>> -> memref<4000xi32, #tpu.memory_space<vmem>>
          %dma_start3A_337 = tpu.memref_slice %arg2[%mul3A_328] : memref<6400000xi32, #tpu.memory_space<hbm>> -> memref<4000xi32, #tpu.memory_space<hbm>>
          tpu.enqueue_dma source(%dma_start3A_337 : memref<4000xi32, #tpu.memory_space<hbm>>) target(%dma_start3A_336 : memref<4000xi32, #tpu.memory_space<vmem>>) target_semaphore(%arg16 : memref<!tpu.dma_semaphore, #tpu.memory_space<semaphore_mem>>)
          %dma_start3A_338 = arith.constant 0 : i32
          %dma_start3A_339 = arith.constant 0 : i32
          %dma_start3A_340 = tpu.memref_slice %arg12[%dma_start3A_338, %dma_start3A_339] : memref<2x4000xi32, #tpu.memory_space<vmem>> -> memref<1x4000xi32, #tpu.memory_space<vmem>>
          %dma_start3A_341 = tpu.memref_squeeze %dma_start3A_340 : memref<1x4000xi32, #tpu.memory_space<vmem>> -> memref<4000xi32, #tpu.memory_space<vmem>>
          %dma_start3A_342 = tpu.memref_slice %arg3[%mul3A_328] : memref<6400000xi32, #tpu.memory_space<hbm>> -> memref<4000xi32, #tpu.memory_space<hbm>>
          %dma_start3A_343 = arith.constant 0 : i32
          %dma_start3A_344 = tpu.memref_slice %arg12[%dma_start3A_338, %dma_start3A_343] : memref<2x4000xi32, #tpu.memory_space<vmem>> -> memref<1x4000xi32, #tpu.memory_space<vmem>>
          %dma_start3A_345 = tpu.memref_squeeze %dma_start3A_344 : memref<1x4000xi32, #tpu.memory_space<vmem>> -> memref<4000xi32, #tpu.memory_space<vmem>>
          %dma_start3A_346 = tpu.memref_slice %arg3[%mul3A_328] : memref<6400000xi32, #tpu.memory_space<hbm>> -> memref<4000xi32, #tpu.memory_space<hbm>>
          tpu.enqueue_dma source(%dma_start3A_346 : memref<4000xi32, #tpu.memory_space<hbm>>) target(%dma_start3A_345 : memref<4000xi32, #tpu.memory_space<vmem>>) target_semaphore(%arg16 : memref<!tpu.dma_semaphore, #tpu.memory_space<semaphore_mem>>)
        } else {
        }
        scf.yield %scan3A_300 : vector<16xf32>
      } else {
        scf.yield %while3A_254 : vector<16xf32>
      }
      %mul3A_263 = arith.constant 2 : i32
      %mul3A_264 = arith.muli %mul3A_263, %while3A_253 : i32
      %add3A_265 = arith.constant 1 : i32
      %add3A_266 = arith.addi %mul3A_264, %add3A_265 : i32
      %lt3A_267 = arith.cmpi slt, %add3A_266, %select_n3A : i32
      %convert_element_type3A_268 = arith.extui %lt3A_267 : i1 to i32
      %cond3A_269 = arith.constant 0 : i32
      %cond3A_270 = arith.cmpi ne, %convert_element_type3A_268, %cond3A_269 : i32
      %cond3A_271 = scf.if %cond3A_270 -> (vector<16xf32>) {
        %dma_wait3A = arith.constant 1 : i32
        %dma_wait3A_272 = arith.constant 0 : i32
        %dma_wait3A_273 = tpu.memref_slice %arg11[%dma_wait3A, %dma_wait3A_272] : memref<2x4000xi32, #tpu.memory_space<vmem>> -> memref<1x4000xi32, #tpu.memory_space<vmem>>
        %dma_wait3A_274 = tpu.memref_squeeze %dma_wait3A_273 : memref<1x4000xi32, #tpu.memory_space<vmem>> -> memref<4000xi32, #tpu.memory_space<vmem>>
        %dma_wait3A_275 = arith.constant 0 : i32
        %dma_wait3A_276 = tpu.memref_slice %arg2[%dma_wait3A_275] : memref<6400000xi32, #tpu.memory_space<hbm>> -> memref<4000xi32, #tpu.memory_space<hbm>>
        %dma_wait3A_277 = arith.constant 0 : i32
        %dma_wait3A_278 = tpu.memref_slice %arg11[%dma_wait3A, %dma_wait3A_277] : memref<2x4000xi32, #tpu.memory_space<vmem>> -> memref<1x4000xi32, #tpu.memory_space<vmem>>
        %dma_wait3A_279 = tpu.memref_squeeze %dma_wait3A_278 : memref<1x4000xi32, #tpu.memory_space<vmem>> -> memref<4000xi32, #tpu.memory_space<vmem>>
        %dma_wait3A_280 = arith.constant 0 : i32
        %dma_wait3A_281 = tpu.memref_slice %arg2[%dma_wait3A_280] : memref<6400000xi32, #tpu.memory_space<hbm>> -> memref<4000xi32, #tpu.memory_space<hbm>>
        tpu.wait_dma2 semaphore(%arg17 : memref<!tpu.dma_semaphore, #tpu.memory_space<semaphore_mem>>) src(%dma_wait3A_281 : memref<4000xi32, #tpu.memory_space<hbm>>) dst(%dma_wait3A_279 : memref<4000xi32, #tpu.memory_space<vmem>>)
        %dma_wait3A_282 = arith.constant 1 : i32
        %dma_wait3A_283 = arith.constant 0 : i32
        %dma_wait3A_284 = tpu.memref_slice %arg12[%dma_wait3A_282, %dma_wait3A_283] : memref<2x4000xi32, #tpu.memory_space<vmem>> -> memref<1x4000xi32, #tpu.memory_space<vmem>>
        %dma_wait3A_285 = tpu.memref_squeeze %dma_wait3A_284 : memref<1x4000xi32, #tpu.memory_space<vmem>> -> memref<4000xi32, #tpu.memory_space<vmem>>
        %dma_wait3A_286 = arith.constant 0 : i32
        %dma_wait3A_287 = tpu.memref_slice %arg3[%dma_wait3A_286] : memref<6400000xi32, #tpu.memory_space<hbm>> -> memref<4000xi32, #tpu.memory_space<hbm>>
        %dma_wait3A_288 = arith.constant 0 : i32
        %dma_wait3A_289 = tpu.memref_slice %arg12[%dma_wait3A_282, %dma_wait3A_288] : memref<2x4000xi32, #tpu.memory_space<vmem>> -> memref<1x4000xi32, #tpu.memory_space<vmem>>
        %dma_wait3A_290 = tpu.memref_squeeze %dma_wait3A_289 : memref<1x4000xi32, #tpu.memory_space<vmem>> -> memref<4000xi32, #tpu.memory_space<vmem>>
        %dma_wait3A_291 = arith.constant 0 : i32
        %dma_wait3A_292 = tpu.memref_slice %arg3[%dma_wait3A_291] : memref<6400000xi32, #tpu.memory_space<hbm>> -> memref<4000xi32, #tpu.memory_space<hbm>>
        tpu.wait_dma2 semaphore(%arg17 : memref<!tpu.dma_semaphore, #tpu.memory_space<semaphore_mem>>) src(%dma_wait3A_292 : memref<4000xi32, #tpu.memory_space<hbm>>) dst(%dma_wait3A_290 : memref<4000xi32, #tpu.memory_space<vmem>>)
        %ge3A = arith.constant 2 : i32
        %ge3A_293 = arith.cmpi sge, %add3A_266, %ge3A : i32
        %convert_element_type3A_294 = arith.extui %ge3A_293 : i1 to i32
        %cond3A_295 = arith.constant 0 : i32
        %cond3A_296 = arith.cmpi ne, %convert_element_type3A_294, %cond3A_295 : i32
        scf.if %cond3A_296 {
          %dma_wait3A_322 = arith.constant 1 : i32
          %dma_wait3A_323 = arith.constant 0 : i32
          %dma_wait3A_324 = tpu.memref_slice %arg13[%dma_wait3A_322, %dma_wait3A_323] : memref<2x4000xf32, #tpu.memory_space<vmem>> -> memref<1x4000xf32, #tpu.memory_space<vmem>>
          %dma_wait3A_325 = tpu.memref_squeeze %dma_wait3A_324 : memref<1x4000xf32, #tpu.memory_space<vmem>> -> memref<4000xf32, #tpu.memory_space<vmem>>
          %dma_wait3A_326 = arith.constant 0 : i32
          %dma_wait3A_327 = tpu.memref_slice %arg8[%dma_wait3A_326] : memref<6400000xf32, #tpu.memory_space<hbm>> -> memref<4000xf32, #tpu.memory_space<hbm>>
          %dma_wait3A_328 = arith.constant 0 : i32
          %dma_wait3A_329 = tpu.memref_slice %arg8[%dma_wait3A_328] : memref<6400000xf32, #tpu.memory_space<hbm>> -> memref<4000xf32, #tpu.memory_space<hbm>>
          %dma_wait3A_330 = arith.constant 0 : i32
          %dma_wait3A_331 = tpu.memref_slice %arg13[%dma_wait3A_322, %dma_wait3A_330] : memref<2x4000xf32, #tpu.memory_space<vmem>> -> memref<1x4000xf32, #tpu.memory_space<vmem>>
          %dma_wait3A_332 = tpu.memref_squeeze %dma_wait3A_331 : memref<1x4000xf32, #tpu.memory_space<vmem>> -> memref<4000xf32, #tpu.memory_space<vmem>>
          tpu.wait_dma2 semaphore(%arg19 : memref<!tpu.dma_semaphore, #tpu.memory_space<semaphore_mem>>) src(%dma_wait3A_332 : memref<4000xf32, #tpu.memory_space<vmem>>) dst(%dma_wait3A_329 : memref<4000xf32, #tpu.memory_space<hbm>>)
        } else {
        }
        %scan3A = arith.constant 0 : i32
        %scan3A_297 = arith.constant 250 : i32
        %scan3A_298 = arith.addi %scan3A, %scan3A_297 : i32
        %scan3A_299 = arith.constant 1 : i32
        %scan3A_300 = scf.for %scan3A_322 = %scan3A to %scan3A_298 step %scan3A_299 iter_args(%scan3A_323 = %cond3A_262) -> (vector<16xf32>)  : i32 {
          %mul3A_324 = arith.constant 16 : i32
          %mul3A_325 = arith.muli %scan3A_322, %mul3A_324 : i32
          %get3A = arith.constant 1 : i32
          %get3A_326 = arith.index_cast %get3A : i32 to index
          %get3A_327 = arith.index_cast %mul3A_325 : i32 to index
          %get3A_328 = tpu.vector_load %arg11[%get3A_326, %get3A_327] {strides = array<i32>} : memref<2x4000xi32, #tpu.memory_space<vmem>>, vector<16xi32>,
          %gather3A = tpu.vector_load_idx %arg14[%get3A_328] : memref<100000xf32, #tpu.memory_space<vmem>>[vector<16xi32>], vector<16xf32>,
          %get3A_329 = arith.constant 1 : i32
          %get3A_330 = arith.index_cast %get3A_329 : i32 to index
          %get3A_331 = arith.index_cast %mul3A_325 : i32 to index
          %get3A_332 = tpu.vector_load %arg12[%get3A_330, %get3A_331] {strides = array<i32>} : memref<2x4000xi32, #tpu.memory_space<vmem>>, vector<16xi32>,
          %gather3A_333 = tpu.vector_load_idx %arg14[%get3A_332] : memref<100000xf32, #tpu.memory_space<vmem>>[vector<16xi32>], vector<16xf32>,
          %sub3A_334 = arith.subf %gather3A_333, %gather3A : vector<16xf32>
          %swap3A_335 = arith.constant 1 : i32
          %swap3A_336 = arith.index_cast %swap3A_335 : i32 to index
          %swap3A_337 = arith.index_cast %mul3A_325 : i32 to index
          %swap3A_338 = tpu.vector_load %arg13[%swap3A_336, %swap3A_337] {strides = array<i32>} : memref<2x4000xf32, #tpu.memory_space<vmem>>, vector<16xf32>,
          tpu.vector_store %arg13[%swap3A_336, %swap3A_337], %sub3A_334 {strides = array<i32>} : memref<2x4000xf32, #tpu.memory_space<vmem>>, vector<16xf32>,
          %abs3A = math.absf %sub3A_334 : vector<16xf32>
          %max3A = arith.maximumf %scan3A_323, %abs3A : vector<16xf32>
          scf.yield %max3A : vector<16xf32>
        }
        %scan3A_301 = arith.constant 250 : i32
        %mul3A_302 = arith.constant 32 : i32
        %mul3A_303 = arith.muli %add3A_266, %mul3A_302 : i32
        %add3A_304 = arith.addi %add3A, %mul3A_303 : i32
        %mul3A_305 = arith.constant 4000 : i32
        %mul3A_306 = arith.muli %add3A_304, %mul3A_305 : i32
        %dma_start3A_307 = arith.constant 1 : i32
        %dma_start3A_308 = arith.constant 0 : i32
        %dma_start3A_309 = tpu.memref_slice %arg13[%dma_start3A_307, %dma_start3A_308] : memref<2x4000xf32, #tpu.memory_space<vmem>> -> memref<1x4000xf32, #tpu.memory_space<vmem>>
        %dma_start3A_310 = tpu.memref_squeeze %dma_start3A_309 : memref<1x4000xf32, #tpu.memory_space<vmem>> -> memref<4000xf32, #tpu.memory_space<vmem>>
        %dma_start3A_311 = tpu.memref_slice %arg8[%mul3A_306] : memref<6400000xf32, #tpu.memory_space<hbm>> -> memref<4000xf32, #tpu.memory_space<hbm>>
        %dma_start3A_312 = tpu.memref_slice %arg8[%mul3A_306] : memref<6400000xf32, #tpu.memory_space<hbm>> -> memref<4000xf32, #tpu.memory_space<hbm>>
        %dma_start3A_313 = arith.constant 0 : i32
        %dma_start3A_314 = tpu.memref_slice %arg13[%dma_start3A_307, %dma_start3A_313] : memref<2x4000xf32, #tpu.memory_space<vmem>> -> memref<1x4000xf32, #tpu.memory_space<vmem>>
        %dma_start3A_315 = tpu.memref_squeeze %dma_start3A_314 : memref<1x4000xf32, #tpu.memory_space<vmem>> -> memref<4000xf32, #tpu.memory_space<vmem>>
        tpu.enqueue_dma source(%dma_start3A_315 : memref<4000xf32, #tpu.memory_space<vmem>>) target(%dma_start3A_312 : memref<4000xf32, #tpu.memory_space<hbm>>) target_semaphore(%arg19 : memref<!tpu.dma_semaphore, #tpu.memory_space<semaphore_mem>>)
        %add3A_316 = arith.constant 2 : i32
        %add3A_317 = arith.addi %add3A_266, %add3A_316 : i32
        %lt3A_318 = arith.cmpi slt, %add3A_317, %select_n3A : i32
        %convert_element_type3A_319 = arith.extui %lt3A_318 : i1 to i32
        %cond3A_320 = arith.constant 0 : i32
        %cond3A_321 = arith.cmpi ne, %convert_element_type3A_319, %cond3A_320 : i32
        scf.if %cond3A_321 {
          %add3A_322 = arith.constant 2 : i32
          %add3A_323 = arith.addi %add3A_266, %add3A_322 : i32
          %mul3A_324 = arith.constant 32 : i32
          %mul3A_325 = arith.muli %add3A_323, %mul3A_324 : i32
          %add3A_326 = arith.addi %add3A, %mul3A_325 : i32
          %mul3A_327 = arith.constant 4000 : i32
          %mul3A_328 = arith.muli %add3A_326, %mul3A_327 : i32
          %dma_start3A_329 = arith.constant 1 : i32
          %dma_start3A_330 = arith.constant 0 : i32
          %dma_start3A_331 = tpu.memref_slice %arg11[%dma_start3A_329, %dma_start3A_330] : memref<2x4000xi32, #tpu.memory_space<vmem>> -> memref<1x4000xi32, #tpu.memory_space<vmem>>
          %dma_start3A_332 = tpu.memref_squeeze %dma_start3A_331 : memref<1x4000xi32, #tpu.memory_space<vmem>> -> memref<4000xi32, #tpu.memory_space<vmem>>
          %dma_start3A_333 = tpu.memref_slice %arg2[%mul3A_328] : memref<6400000xi32, #tpu.memory_space<hbm>> -> memref<4000xi32, #tpu.memory_space<hbm>>
          %dma_start3A_334 = arith.constant 0 : i32
          %dma_start3A_335 = tpu.memref_slice %arg11[%dma_start3A_329, %dma_start3A_334] : memref<2x4000xi32, #tpu.memory_space<vmem>> -> memref<1x4000xi32, #tpu.memory_space<vmem>>
          %dma_start3A_336 = tpu.memref_squeeze %dma_start3A_335 : memref<1x4000xi32, #tpu.memory_space<vmem>> -> memref<4000xi32, #tpu.memory_space<vmem>>
          %dma_start3A_337 = tpu.memref_slice %arg2[%mul3A_328] : memref<6400000xi32, #tpu.memory_space<hbm>> -> memref<4000xi32, #tpu.memory_space<hbm>>
          tpu.enqueue_dma source(%dma_start3A_337 : memref<4000xi32, #tpu.memory_space<hbm>>) target(%dma_start3A_336 : memref<4000xi32, #tpu.memory_space<vmem>>) target_semaphore(%arg17 : memref<!tpu.dma_semaphore, #tpu.memory_space<semaphore_mem>>)
          %dma_start3A_338 = arith.constant 1 : i32
          %dma_start3A_339 = arith.constant 0 : i32
          %dma_start3A_340 = tpu.memref_slice %arg12[%dma_start3A_338, %dma_start3A_339] : memref<2x4000xi32, #tpu.memory_space<vmem>> -> memref<1x4000xi32, #tpu.memory_space<vmem>>
          %dma_start3A_341 = tpu.memref_squeeze %dma_start3A_340 : memref<1x4000xi32, #tpu.memory_space<vmem>> -> memref<4000xi32, #tpu.memory_space<vmem>>
          %dma_start3A_342 = tpu.memref_slice %arg3[%mul3A_328] : memref<6400000xi32, #tpu.memory_space<hbm>> -> memref<4000xi32, #tpu.memory_space<hbm>>
          %dma_start3A_343 = arith.constant 0 : i32
          %dma_start3A_344 = tpu.memref_slice %arg12[%dma_start3A_338, %dma_start3A_343] : memref<2x4000xi32, #tpu.memory_space<vmem>> -> memref<1x4000xi32, #tpu.memory_space<vmem>>
          %dma_start3A_345 = tpu.memref_squeeze %dma_start3A_344 : memref<1x4000xi32, #tpu.memory_space<vmem>> -> memref<4000xi32, #tpu.memory_space<vmem>>
          %dma_start3A_346 = tpu.memref_slice %arg3[%mul3A_328] : memref<6400000xi32, #tpu.memory_space<hbm>> -> memref<4000xi32, #tpu.memory_space<hbm>>
          tpu.enqueue_dma source(%dma_start3A_346 : memref<4000xi32, #tpu.memory_space<hbm>>) target(%dma_start3A_345 : memref<4000xi32, #tpu.memory_space<vmem>>) target_semaphore(%arg17 : memref<!tpu.dma_semaphore, #tpu.memory_space<semaphore_mem>>)
        } else {
        }
        scf.yield %scan3A_300 : vector<16xf32>
      } else {
        scf.yield %cond3A_262 : vector<16xf32>
      }
      scf.yield %cond3A_271 : vector<16xf32>
    }
    %sub3A_83 = arith.constant 1 : i32
    %sub3A_84 = arith.subi %select_n3A, %sub3A_83 : i32
    %and3A_85 = arith.constant 1 : i32
    %and3A_86 = arith.andi %sub3A_84, %and3A_85 : i32
    %eq3A = arith.constant 0 : i32
    %eq3A_87 = arith.cmpi eq, %and3A_86, %eq3A : i32
    %convert_element_type3A_88 = arith.extui %eq3A_87 : i1 to i32
    %cond3A_89 = arith.constant 0 : i32
    %cond3A_90 = arith.cmpi ne, %convert_element_type3A_88, %cond3A_89 : i32
    scf.if %cond3A_90 {
      %dma_wait3A = arith.constant 0 : i32
      %dma_wait3A_253 = arith.constant 0 : i32
      %dma_wait3A_254 = tpu.memref_slice %arg13[%dma_wait3A, %dma_wait3A_253] : memref<2x4000xf32, #tpu.memory_space<vmem>> -> memref<1x4000xf32, #tpu.memory_space<vmem>>
      %dma_wait3A_255 = tpu.memref_squeeze %dma_wait3A_254 : memref<1x4000xf32, #tpu.memory_space<vmem>> -> memref<4000xf32, #tpu.memory_space<vmem>>
      %dma_wait3A_256 = arith.constant 0 : i32
      %dma_wait3A_257 = tpu.memref_slice %arg8[%dma_wait3A_256] : memref<6400000xf32, #tpu.memory_space<hbm>> -> memref<4000xf32, #tpu.memory_space<hbm>>
      %dma_wait3A_258 = arith.constant 0 : i32
      %dma_wait3A_259 = tpu.memref_slice %arg8[%dma_wait3A_258] : memref<6400000xf32, #tpu.memory_space<hbm>> -> memref<4000xf32, #tpu.memory_space<hbm>>
      %dma_wait3A_260 = arith.constant 0 : i32
      %dma_wait3A_261 = tpu.memref_slice %arg13[%dma_wait3A, %dma_wait3A_260] : memref<2x4000xf32, #tpu.memory_space<vmem>> -> memref<1x4000xf32, #tpu.memory_space<vmem>>
      %dma_wait3A_262 = tpu.memref_squeeze %dma_wait3A_261 : memref<1x4000xf32, #tpu.memory_space<vmem>> -> memref<4000xf32, #tpu.memory_space<vmem>>
      tpu.wait_dma2 semaphore(%arg18 : memref<!tpu.dma_semaphore, #tpu.memory_space<semaphore_mem>>) src(%dma_wait3A_262 : memref<4000xf32, #tpu.memory_space<vmem>>) dst(%dma_wait3A_259 : memref<4000xf32, #tpu.memory_space<hbm>>)
      %ge3A = arith.constant 2 : i32
      %ge3A_263 = arith.cmpi sge, %select_n3A, %ge3A : i32
      %convert_element_type3A_264 = arith.extui %ge3A_263 : i1 to i32
      %cond3A_265 = arith.constant 0 : i32
      %cond3A_266 = arith.cmpi ne, %convert_element_type3A_264, %cond3A_265 : i32
      scf.if %cond3A_266 {
        %dma_wait3A_267 = arith.constant 1 : i32
        %dma_wait3A_268 = arith.constant 0 : i32
        %dma_wait3A_269 = tpu.memref_slice %arg13[%dma_wait3A_267, %dma_wait3A_268] : memref<2x4000xf32, #tpu.memory_space<vmem>> -> memref<1x4000xf32, #tpu.memory_space<vmem>>
        %dma_wait3A_270 = tpu.memref_squeeze %dma_wait3A_269 : memref<1x4000xf32, #tpu.memory_space<vmem>> -> memref<4000xf32, #tpu.memory_space<vmem>>
        %dma_wait3A_271 = arith.constant 0 : i32
        %dma_wait3A_272 = tpu.memref_slice %arg8[%dma_wait3A_271] : memref<6400000xf32, #tpu.memory_space<hbm>> -> memref<4000xf32, #tpu.memory_space<hbm>>
        %dma_wait3A_273 = arith.constant 0 : i32
        %dma_wait3A_274 = tpu.memref_slice %arg8[%dma_wait3A_273] : memref<6400000xf32, #tpu.memory_space<hbm>> -> memref<4000xf32, #tpu.memory_space<hbm>>
        %dma_wait3A_275 = arith.constant 0 : i32
        %dma_wait3A_276 = tpu.memref_slice %arg13[%dma_wait3A_267, %dma_wait3A_275] : memref<2x4000xf32, #tpu.memory_space<vmem>> -> memref<1x4000xf32, #tpu.memory_space<vmem>>
        %dma_wait3A_277 = tpu.memref_squeeze %dma_wait3A_276 : memref<1x4000xf32, #tpu.memory_space<vmem>> -> memref<4000xf32, #tpu.memory_space<vmem>>
        tpu.wait_dma2 semaphore(%arg19 : memref<!tpu.dma_semaphore, #tpu.memory_space<semaphore_mem>>) src(%dma_wait3A_277 : memref<4000xf32, #tpu.memory_space<vmem>>) dst(%dma_wait3A_274 : memref<4000xf32, #tpu.memory_space<hbm>>)
      } else {
      }
    } else {
    }
    %eq3A_91 = arith.constant 1 : i32
    %eq3A_92 = arith.cmpi eq, %and3A_86, %eq3A_91 : i32
    %convert_element_type3A_93 = arith.extui %eq3A_92 : i1 to i32
    %cond3A_94 = arith.constant 0 : i32
    %cond3A_95 = arith.cmpi ne, %convert_element_type3A_93, %cond3A_94 : i32
    scf.if %cond3A_95 {
      %dma_wait3A = arith.constant 1 : i32
      %dma_wait3A_253 = arith.constant 0 : i32
      %dma_wait3A_254 = tpu.memref_slice %arg13[%dma_wait3A, %dma_wait3A_253] : memref<2x4000xf32, #tpu.memory_space<vmem>> -> memref<1x4000xf32, #tpu.memory_space<vmem>>
      %dma_wait3A_255 = tpu.memref_squeeze %dma_wait3A_254 : memref<1x4000xf32, #tpu.memory_space<vmem>> -> memref<4000xf32, #tpu.memory_space<vmem>>
      %dma_wait3A_256 = arith.constant 0 : i32
      %dma_wait3A_257 = tpu.memref_slice %arg8[%dma_wait3A_256] : memref<6400000xf32, #tpu.memory_space<hbm>> -> memref<4000xf32, #tpu.memory_space<hbm>>
      %dma_wait3A_258 = arith.constant 0 : i32
      %dma_wait3A_259 = tpu.memref_slice %arg8[%dma_wait3A_258] : memref<6400000xf32, #tpu.memory_space<hbm>> -> memref<4000xf32, #tpu.memory_space<hbm>>
      %dma_wait3A_260 = arith.constant 0 : i32
      %dma_wait3A_261 = tpu.memref_slice %arg13[%dma_wait3A, %dma_wait3A_260] : memref<2x4000xf32, #tpu.memory_space<vmem>> -> memref<1x4000xf32, #tpu.memory_space<vmem>>
      %dma_wait3A_262 = tpu.memref_squeeze %dma_wait3A_261 : memref<1x4000xf32, #tpu.memory_space<vmem>> -> memref<4000xf32, #tpu.memory_space<vmem>>
      tpu.wait_dma2 semaphore(%arg19 : memref<!tpu.dma_semaphore, #tpu.memory_space<semaphore_mem>>) src(%dma_wait3A_262 : memref<4000xf32, #tpu.memory_space<vmem>>) dst(%dma_wait3A_259 : memref<4000xf32, #tpu.memory_space<hbm>>)
      %dma_wait3A_263 = arith.constant 0 : i32
      %dma_wait3A_264 = arith.constant 0 : i32
      %dma_wait3A_265 = tpu.memref_slice %arg13[%dma_wait3A_263, %dma_wait3A_264] : memref<2x4000xf32, #tpu.memory_space<vmem>> -> memref<1x4000xf32, #tpu.memory_space<vmem>>
      %dma_wait3A_266 = tpu.memref_squeeze %dma_wait3A_265 : memref<1x4000xf32, #tpu.memory_space<vmem>> -> memref<4000xf32, #tpu.memory_space<vmem>>
      %dma_wait3A_267 = arith.constant 0 : i32
      %dma_wait3A_268 = tpu.memref_slice %arg8[%dma_wait3A_267] : memref<6400000xf32, #tpu.memory_space<hbm>> -> memref<4000xf32, #tpu.memory_space<hbm>>
      %dma_wait3A_269 = arith.constant 0 : i32
      %dma_wait3A_270 = tpu.memref_slice %arg8[%dma_wait3A_269] : memref<6400000xf32, #tpu.memory_space<hbm>> -> memref<4000xf32, #tpu.memory_space<hbm>>
      %dma_wait3A_271 = arith.constant 0 : i32
      %dma_wait3A_272 = tpu.memref_slice %arg13[%dma_wait3A_263, %dma_wait3A_271] : memref<2x4000xf32, #tpu.memory_space<vmem>> -> memref<1x4000xf32, #tpu.memory_space<vmem>>
      %dma_wait3A_273 = tpu.memref_squeeze %dma_wait3A_272 : memref<1x4000xf32, #tpu.memory_space<vmem>> -> memref<4000xf32, #tpu.memory_space<vmem>>
      tpu.wait_dma2 semaphore(%arg18 : memref<!tpu.dma_semaphore, #tpu.memory_space<semaphore_mem>>) src(%dma_wait3A_273 : memref<4000xf32, #tpu.memory_space<vmem>>) dst(%dma_wait3A_270 : memref<4000xf32, #tpu.memory_space<hbm>>)
    } else {
    }
    "tpu.region"() ({
      %run_scoped3A = tpu.sem_alloc : memref<!tpu.dma_semaphore, #tpu.memory_space<semaphore_mem>>
      tpu.enqueue_dma source(%arg5 : memref<100000xf32, #tpu.memory_space<hbm>>) target(%arg14 : memref<100000xf32, #tpu.memory_space<vmem>>) target_semaphore(%run_scoped3A : memref<!tpu.dma_semaphore, #tpu.memory_space<semaphore_mem>>)
      tpu.wait_dma2 semaphore(%run_scoped3A : memref<!tpu.dma_semaphore, #tpu.memory_space<semaphore_mem>>) src(%arg5 : memref<100000xf32, #tpu.memory_space<hbm>>) dst(%arg14 : memref<100000xf32, #tpu.memory_space<vmem>>)
      tpu.yield
    }) : () -> ()
    %add3A_96 = arith.constant 0 : i32
    %add3A_97 = arith.addi %add3A, %add3A_96 : i32
    %mul3A_98 = arith.constant 4000 : i32
    %mul3A_99 = arith.muli %add3A_97, %mul3A_98 : i32
    %dma_start3A_100 = arith.constant 0 : i32
    %dma_start3A_101 = arith.constant 0 : i32
    %dma_start3A_102 = tpu.memref_slice %arg11[%dma_start3A_100, %dma_start3A_101] : memref<2x4000xi32, #tpu.memory_space<vmem>> -> memref<1x4000xi32, #tpu.memory_space<vmem>>
    %dma_start3A_103 = tpu.memref_squeeze %dma_start3A_102 : memref<1x4000xi32, #tpu.memory_space<vmem>> -> memref<4000xi32, #tpu.memory_space<vmem>>
    %dma_start3A_104 = tpu.memref_slice %arg2[%mul3A_99] : memref<6400000xi32, #tpu.memory_space<hbm>> -> memref<4000xi32, #tpu.memory_space<hbm>>
    %dma_start3A_105 = arith.constant 0 : i32
    %dma_start3A_106 = tpu.memref_slice %arg11[%dma_start3A_100, %dma_start3A_105] : memref<2x4000xi32, #tpu.memory_space<vmem>> -> memref<1x4000xi32, #tpu.memory_space<vmem>>
    %dma_start3A_107 = tpu.memref_squeeze %dma_start3A_106 : memref<1x4000xi32, #tpu.memory_space<vmem>> -> memref<4000xi32, #tpu.memory_space<vmem>>
    %dma_start3A_108 = tpu.memref_slice %arg2[%mul3A_99] : memref<6400000xi32, #tpu.memory_space<hbm>> -> memref<4000xi32, #tpu.memory_space<hbm>>
    tpu.enqueue_dma source(%dma_start3A_108 : memref<4000xi32, #tpu.memory_space<hbm>>) target(%dma_start3A_107 : memref<4000xi32, #tpu.memory_space<vmem>>) target_semaphore(%arg16 : memref<!tpu.dma_semaphore, #tpu.memory_space<semaphore_mem>>)
    %dma_start3A_109 = arith.constant 0 : i32
    %dma_start3A_110 = arith.constant 0 : i32
    %dma_start3A_111 = tpu.memref_slice %arg12[%dma_start3A_109, %dma_start3A_110] : memref<2x4000xi32, #tpu.memory_space<vmem>> -> memref<1x4000xi32, #tpu.memory_space<vmem>>
    %dma_start3A_112 = tpu.memref_squeeze %dma_start3A_111 : memref<1x4000xi32, #tpu.memory_space<vmem>> -> memref<4000xi32, #tpu.memory_space<vmem>>
    %dma_start3A_113 = tpu.memref_slice %arg3[%mul3A_99] : memref<6400000xi32, #tpu.memory_space<hbm>> -> memref<4000xi32, #tpu.memory_space<hbm>>
    %dma_start3A_114 = arith.constant 0 : i32
    %dma_start3A_115 = tpu.memref_slice %arg12[%dma_start3A_109, %dma_start3A_114] : memref<2x4000xi32, #tpu.memory_space<vmem>> -> memref<1x4000xi32, #tpu.memory_space<vmem>>
    %dma_start3A_116 = tpu.memref_squeeze %dma_start3A_115 : memref<1x4000xi32, #tpu.memory_space<vmem>> -> memref<4000xi32, #tpu.memory_space<vmem>>
    %dma_start3A_117 = tpu.memref_slice %arg3[%mul3A_99] : memref<6400000xi32, #tpu.memory_space<hbm>> -> memref<4000xi32, #tpu.memory_space<hbm>>
    tpu.enqueue_dma source(%dma_start3A_117 : memref<4000xi32, #tpu.memory_space<hbm>>) target(%dma_start3A_116 : memref<4000xi32, #tpu.memory_space<vmem>>) target_semaphore(%arg16 : memref<!tpu.dma_semaphore, #tpu.memory_space<semaphore_mem>>)
    %gt3A_118 = arith.constant 1 : i32
    %gt3A_119 = arith.cmpi sgt, %select_n3A, %gt3A_118 : i32
    %convert_element_type3A_120 = arith.extui %gt3A_119 : i1 to i32
    %cond3A_121 = arith.constant 0 : i32
    %cond3A_122 = arith.cmpi ne, %convert_element_type3A_120, %cond3A_121 : i32
    scf.if %cond3A_122 {
      %add3A_253 = arith.constant 32 : i32
      %add3A_254 = arith.addi %add3A, %add3A_253 : i32
      %mul3A_255 = arith.constant 4000 : i32
      %mul3A_256 = arith.muli %add3A_254, %mul3A_255 : i32
      %dma_start3A_257 = arith.constant 1 : i32
      %dma_start3A_258 = arith.constant 0 : i32
      %dma_start3A_259 = tpu.memref_slice %arg11[%dma_start3A_257, %dma_start3A_258] : memref<2x4000xi32, #tpu.memory_space<vmem>> -> memref<1x4000xi32, #tpu.memory_space<vmem>>
      %dma_start3A_260 = tpu.memref_squeeze %dma_start3A_259 : memref<1x4000xi32, #tpu.memory_space<vmem>> -> memref<4000xi32, #tpu.memory_space<vmem>>
      %dma_start3A_261 = tpu.memref_slice %arg2[%mul3A_256] : memref<6400000xi32, #tpu.memory_space<hbm>> -> memref<4000xi32, #tpu.memory_space<hbm>>
      %dma_start3A_262 = arith.constant 0 : i32
      %dma_start3A_263 = tpu.memref_slice %arg11[%dma_start3A_257, %dma_start3A_262] : memref<2x4000xi32, #tpu.memory_space<vmem>> -> memref<1x4000xi32, #tpu.memory_space<vmem>>
      %dma_start3A_264 = tpu.memref_squeeze %dma_start3A_263 : memref<1x4000xi32, #tpu.memory_space<vmem>> -> memref<4000xi32, #tpu.memory_space<vmem>>
      %dma_start3A_265 = tpu.memref_slice %arg2[%mul3A_256] : memref<6400000xi32, #tpu.memory_space<hbm>> -> memref<4000xi32, #tpu.memory_space<hbm>>
      tpu.enqueue_dma source(%dma_start3A_265 : memref<4000xi32, #tpu.memory_space<hbm>>) target(%dma_start3A_264 : memref<4000xi32, #tpu.memory_space<vmem>>) target_semaphore(%arg17 : memref<!tpu.dma_semaphore, #tpu.memory_space<semaphore_mem>>)
      %dma_start3A_266 = arith.constant 1 : i32
      %dma_start3A_267 = arith.constant 0 : i32
      %dma_start3A_268 = tpu.memref_slice %arg12[%dma_start3A_266, %dma_start3A_267] : memref<2x4000xi32, #tpu.memory_space<vmem>> -> memref<1x4000xi32, #tpu.memory_space<vmem>>
      %dma_start3A_269 = tpu.memref_squeeze %dma_start3A_268 : memref<1x4000xi32, #tpu.memory_space<vmem>> -> memref<4000xi32, #tpu.memory_space<vmem>>
      %dma_start3A_270 = tpu.memref_slice %arg3[%mul3A_256] : memref<6400000xi32, #tpu.memory_space<hbm>> -> memref<4000xi32, #tpu.memory_space<hbm>>
      %dma_start3A_271 = arith.constant 0 : i32
      %dma_start3A_272 = tpu.memref_slice %arg12[%dma_start3A_266, %dma_start3A_271] : memref<2x4000xi32, #tpu.memory_space<vmem>> -> memref<1x4000xi32, #tpu.memory_space<vmem>>
      %dma_start3A_273 = tpu.memref_squeeze %dma_start3A_272 : memref<1x4000xi32, #tpu.memory_space<vmem>> -> memref<4000xi32, #tpu.memory_space<vmem>>
      %dma_start3A_274 = tpu.memref_slice %arg3[%mul3A_256] : memref<6400000xi32, #tpu.memory_space<hbm>> -> memref<4000xi32, #tpu.memory_space<hbm>>
      tpu.enqueue_dma source(%dma_start3A_274 : memref<4000xi32, #tpu.memory_space<hbm>>) target(%dma_start3A_273 : memref<4000xi32, #tpu.memory_space<vmem>>) target_semaphore(%arg17 : memref<!tpu.dma_semaphore, #tpu.memory_space<semaphore_mem>>)
    } else {
    }
    %add3A_123 = arith.constant 1 : i32
    %add3A_124 = arith.addi %select_n3A, %add3A_123 : i32
    %jit3A_125 = arith.constant 2 : i32
    %div3A_126 = arith.divsi %add3A_124, %jit3A_125 : i32
    %sign3A_127 = arith.constant 0 : i32
    %sign3A_128 = arith.cmpi sgt, %add3A_124, %sign3A_127 : i32
    %sign3A_129 = arith.extui %sign3A_128 : i1 to i32
    %sign3A_130 = arith.constant 0 : i32
    %sign3A_131 = arith.cmpi slt, %add3A_124, %sign3A_130 : i32
    %sign3A_132 = arith.extui %sign3A_131 : i1 to i32
    %sign3A_133 = arith.subi %sign3A_129, %sign3A_132 : i32
    %sign3A_134 = arith.constant 0 : i32
    %sign3A_135 = arith.cmpi sgt, %jit3A_125, %sign3A_134 : i32
    %sign3A_136 = arith.extui %sign3A_135 : i1 to i32
    %sign3A_137 = arith.constant 0 : i32
    %sign3A_138 = arith.cmpi slt, %jit3A_125, %sign3A_137 : i32
    %sign3A_139 = arith.extui %sign3A_138 : i1 to i32
    %sign3A_140 = arith.subi %sign3A_136, %sign3A_139 : i32
    %ne3A_141 = arith.cmpi ne, %sign3A_133, %sign3A_140 : i32
    %rem3A_142 = arith.remsi %add3A_124, %jit3A_125 : i32
    %ne3A_143 = arith.constant 0 : i32
    %ne3A_144 = arith.cmpi ne, %rem3A_142, %ne3A_143 : i32
    %and3A_145 = arith.andi %ne3A_141, %ne3A_144 : i1
    %sub3A_146 = arith.constant 1 : i32
    %sub3A_147 = arith.subi %div3A_126, %sub3A_146 : i32
    %select_n3A_148 = arith.select %and3A_145, %sub3A_147, %div3A_126 : i32
    %while3A_149 = arith.constant 0 : i32
    %while3A_150 = arith.subi %select_n3A_148, %while3A_149 : i32
    %while3A_151 = arith.addi %while3A_149, %while3A_150 : i32
    %while3A_152 = arith.constant 1 : i32
    %while3A_153 = arith.divsi %while3A_150, %while3A_152 : i32
    %while3A_154 = arith.muli %while3A_153, %while3A_152 : i32
    %while3A_155 = arith.addi %while3A_149, %while3A_154 : i32
    %while3A_156 = arith.constant 1 : i32
    %while3A_157 = scf.for %while3A_253 = %while3A_149 to %while3A_155 step %while3A_156 iter_args(%while3A_254 = %while3A_82) -> (vector<16xf32>)  : i32 {
      %mul3A_255 = arith.constant 2 : i32
      %mul3A_256 = arith.muli %mul3A_255, %while3A_253 : i32
      %add3A_257 = arith.constant 0 : i32
      %add3A_258 = arith.addi %mul3A_256, %add3A_257 : i32
      %lt3A = arith.cmpi slt, %add3A_258, %select_n3A : i32
      %convert_element_type3A_259 = arith.extui %lt3A : i1 to i32
      %cond3A_260 = arith.constant 0 : i32
      %cond3A_261 = arith.cmpi ne, %convert_element_type3A_259, %cond3A_260 : i32
      %cond3A_262 = scf.if %cond3A_261 -> (vector<16xf32>) {
        %dma_wait3A = arith.constant 0 : i32
        %dma_wait3A_272 = arith.constant 0 : i32
        %dma_wait3A_273 = tpu.memref_slice %arg11[%dma_wait3A, %dma_wait3A_272] : memref<2x4000xi32, #tpu.memory_space<vmem>> -> memref<1x4000xi32, #tpu.memory_space<vmem>>
        %dma_wait3A_274 = tpu.memref_squeeze %dma_wait3A_273 : memref<1x4000xi32, #tpu.memory_space<vmem>> -> memref<4000xi32, #tpu.memory_space<vmem>>
        %dma_wait3A_275 = arith.constant 0 : i32
        %dma_wait3A_276 = tpu.memref_slice %arg2[%dma_wait3A_275] : memref<6400000xi32, #tpu.memory_space<hbm>> -> memref<4000xi32, #tpu.memory_space<hbm>>
        %dma_wait3A_277 = arith.constant 0 : i32
        %dma_wait3A_278 = tpu.memref_slice %arg11[%dma_wait3A, %dma_wait3A_277] : memref<2x4000xi32, #tpu.memory_space<vmem>> -> memref<1x4000xi32, #tpu.memory_space<vmem>>
        %dma_wait3A_279 = tpu.memref_squeeze %dma_wait3A_278 : memref<1x4000xi32, #tpu.memory_space<vmem>> -> memref<4000xi32, #tpu.memory_space<vmem>>
        %dma_wait3A_280 = arith.constant 0 : i32
        %dma_wait3A_281 = tpu.memref_slice %arg2[%dma_wait3A_280] : memref<6400000xi32, #tpu.memory_space<hbm>> -> memref<4000xi32, #tpu.memory_space<hbm>>
        tpu.wait_dma2 semaphore(%arg16 : memref<!tpu.dma_semaphore, #tpu.memory_space<semaphore_mem>>) src(%dma_wait3A_281 : memref<4000xi32, #tpu.memory_space<hbm>>) dst(%dma_wait3A_279 : memref<4000xi32, #tpu.memory_space<vmem>>)
        %dma_wait3A_282 = arith.constant 0 : i32
        %dma_wait3A_283 = arith.constant 0 : i32
        %dma_wait3A_284 = tpu.memref_slice %arg12[%dma_wait3A_282, %dma_wait3A_283] : memref<2x4000xi32, #tpu.memory_space<vmem>> -> memref<1x4000xi32, #tpu.memory_space<vmem>>
        %dma_wait3A_285 = tpu.memref_squeeze %dma_wait3A_284 : memref<1x4000xi32, #tpu.memory_space<vmem>> -> memref<4000xi32, #tpu.memory_space<vmem>>
        %dma_wait3A_286 = arith.constant 0 : i32
        %dma_wait3A_287 = tpu.memref_slice %arg3[%dma_wait3A_286] : memref<6400000xi32, #tpu.memory_space<hbm>> -> memref<4000xi32, #tpu.memory_space<hbm>>
        %dma_wait3A_288 = arith.constant 0 : i32
        %dma_wait3A_289 = tpu.memref_slice %arg12[%dma_wait3A_282, %dma_wait3A_288] : memref<2x4000xi32, #tpu.memory_space<vmem>> -> memref<1x4000xi32, #tpu.memory_space<vmem>>
        %dma_wait3A_290 = tpu.memref_squeeze %dma_wait3A_289 : memref<1x4000xi32, #tpu.memory_space<vmem>> -> memref<4000xi32, #tpu.memory_space<vmem>>
        %dma_wait3A_291 = arith.constant 0 : i32
        %dma_wait3A_292 = tpu.memref_slice %arg3[%dma_wait3A_291] : memref<6400000xi32, #tpu.memory_space<hbm>> -> memref<4000xi32, #tpu.memory_space<hbm>>
        tpu.wait_dma2 semaphore(%arg16 : memref<!tpu.dma_semaphore, #tpu.memory_space<semaphore_mem>>) src(%dma_wait3A_292 : memref<4000xi32, #tpu.memory_space<hbm>>) dst(%dma_wait3A_290 : memref<4000xi32, #tpu.memory_space<vmem>>)
        %ge3A = arith.constant 2 : i32
        %ge3A_293 = arith.cmpi sge, %add3A_258, %ge3A : i32
        %convert_element_type3A_294 = arith.extui %ge3A_293 : i1 to i32
        %cond3A_295 = arith.constant 0 : i32
        %cond3A_296 = arith.cmpi ne, %convert_element_type3A_294, %cond3A_295 : i32
        scf.if %cond3A_296 {
          %dma_wait3A_322 = arith.constant 0 : i32
          %dma_wait3A_323 = arith.constant 0 : i32
          %dma_wait3A_324 = tpu.memref_slice %arg13[%dma_wait3A_322, %dma_wait3A_323] : memref<2x4000xf32, #tpu.memory_space<vmem>> -> memref<1x4000xf32, #tpu.memory_space<vmem>>
          %dma_wait3A_325 = tpu.memref_squeeze %dma_wait3A_324 : memref<1x4000xf32, #tpu.memory_space<vmem>> -> memref<4000xf32, #tpu.memory_space<vmem>>
          %dma_wait3A_326 = arith.constant 0 : i32
          %dma_wait3A_327 = tpu.memref_slice %arg9[%dma_wait3A_326] : memref<6400000xf32, #tpu.memory_space<hbm>> -> memref<4000xf32, #tpu.memory_space<hbm>>
          %dma_wait3A_328 = arith.constant 0 : i32
          %dma_wait3A_329 = tpu.memref_slice %arg9[%dma_wait3A_328] : memref<6400000xf32, #tpu.memory_space<hbm>> -> memref<4000xf32, #tpu.memory_space<hbm>>
          %dma_wait3A_330 = arith.constant 0 : i32
          %dma_wait3A_331 = tpu.memref_slice %arg13[%dma_wait3A_322, %dma_wait3A_330] : memref<2x4000xf32, #tpu.memory_space<vmem>> -> memref<1x4000xf32, #tpu.memory_space<vmem>>
          %dma_wait3A_332 = tpu.memref_squeeze %dma_wait3A_331 : memref<1x4000xf32, #tpu.memory_space<vmem>> -> memref<4000xf32, #tpu.memory_space<vmem>>
          tpu.wait_dma2 semaphore(%arg18 : memref<!tpu.dma_semaphore, #tpu.memory_space<semaphore_mem>>) src(%dma_wait3A_332 : memref<4000xf32, #tpu.memory_space<vmem>>) dst(%dma_wait3A_329 : memref<4000xf32, #tpu.memory_space<hbm>>)
        } else {
        }
        %scan3A = arith.constant 0 : i32
        %scan3A_297 = arith.constant 250 : i32
        %scan3A_298 = arith.addi %scan3A, %scan3A_297 : i32
        %scan3A_299 = arith.constant 1 : i32
        %scan3A_300 = scf.for %scan3A_322 = %scan3A to %scan3A_298 step %scan3A_299 iter_args(%scan3A_323 = %while3A_254) -> (vector<16xf32>)  : i32 {
          %mul3A_324 = arith.constant 16 : i32
          %mul3A_325 = arith.muli %scan3A_322, %mul3A_324 : i32
          %get3A = arith.constant 0 : i32
          %get3A_326 = arith.index_cast %get3A : i32 to index
          %get3A_327 = arith.index_cast %mul3A_325 : i32 to index
          %get3A_328 = tpu.vector_load %arg11[%get3A_326, %get3A_327] {strides = array<i32>} : memref<2x4000xi32, #tpu.memory_space<vmem>>, vector<16xi32>,
          %gather3A = tpu.vector_load_idx %arg14[%get3A_328] : memref<100000xf32, #tpu.memory_space<vmem>>[vector<16xi32>], vector<16xf32>,
          %get3A_329 = arith.constant 0 : i32
          %get3A_330 = arith.index_cast %get3A_329 : i32 to index
          %get3A_331 = arith.index_cast %mul3A_325 : i32 to index
          %get3A_332 = tpu.vector_load %arg12[%get3A_330, %get3A_331] {strides = array<i32>} : memref<2x4000xi32, #tpu.memory_space<vmem>>, vector<16xi32>,
          %gather3A_333 = tpu.vector_load_idx %arg14[%get3A_332] : memref<100000xf32, #tpu.memory_space<vmem>>[vector<16xi32>], vector<16xf32>,
          %sub3A_334 = arith.subf %gather3A_333, %gather3A : vector<16xf32>
          %swap3A_335 = arith.constant 0 : i32
          %swap3A_336 = arith.index_cast %swap3A_335 : i32 to index
          %swap3A_337 = arith.index_cast %mul3A_325 : i32 to index
          %swap3A_338 = tpu.vector_load %arg13[%swap3A_336, %swap3A_337] {strides = array<i32>} : memref<2x4000xf32, #tpu.memory_space<vmem>>, vector<16xf32>,
          tpu.vector_store %arg13[%swap3A_336, %swap3A_337], %sub3A_334 {strides = array<i32>} : memref<2x4000xf32, #tpu.memory_space<vmem>>, vector<16xf32>,
          %abs3A = math.absf %sub3A_334 : vector<16xf32>
          %max3A = arith.maximumf %scan3A_323, %abs3A : vector<16xf32>
          scf.yield %max3A : vector<16xf32>
        }
        %scan3A_301 = arith.constant 250 : i32
        %mul3A_302 = arith.constant 32 : i32
        %mul3A_303 = arith.muli %add3A_258, %mul3A_302 : i32
        %add3A_304 = arith.addi %add3A, %mul3A_303 : i32
        %mul3A_305 = arith.constant 4000 : i32
        %mul3A_306 = arith.muli %add3A_304, %mul3A_305 : i32
        %dma_start3A_307 = arith.constant 0 : i32
        %dma_start3A_308 = arith.constant 0 : i32
        %dma_start3A_309 = tpu.memref_slice %arg13[%dma_start3A_307, %dma_start3A_308] : memref<2x4000xf32, #tpu.memory_space<vmem>> -> memref<1x4000xf32, #tpu.memory_space<vmem>>
        %dma_start3A_310 = tpu.memref_squeeze %dma_start3A_309 : memref<1x4000xf32, #tpu.memory_space<vmem>> -> memref<4000xf32, #tpu.memory_space<vmem>>
        %dma_start3A_311 = tpu.memref_slice %arg9[%mul3A_306] : memref<6400000xf32, #tpu.memory_space<hbm>> -> memref<4000xf32, #tpu.memory_space<hbm>>
        %dma_start3A_312 = tpu.memref_slice %arg9[%mul3A_306] : memref<6400000xf32, #tpu.memory_space<hbm>> -> memref<4000xf32, #tpu.memory_space<hbm>>
        %dma_start3A_313 = arith.constant 0 : i32
        %dma_start3A_314 = tpu.memref_slice %arg13[%dma_start3A_307, %dma_start3A_313] : memref<2x4000xf32, #tpu.memory_space<vmem>> -> memref<1x4000xf32, #tpu.memory_space<vmem>>
        %dma_start3A_315 = tpu.memref_squeeze %dma_start3A_314 : memref<1x4000xf32, #tpu.memory_space<vmem>> -> memref<4000xf32, #tpu.memory_space<vmem>>
        tpu.enqueue_dma source(%dma_start3A_315 : memref<4000xf32, #tpu.memory_space<vmem>>) target(%dma_start3A_312 : memref<4000xf32, #tpu.memory_space<hbm>>) target_semaphore(%arg18 : memref<!tpu.dma_semaphore, #tpu.memory_space<semaphore_mem>>)
        %add3A_316 = arith.constant 2 : i32
        %add3A_317 = arith.addi %add3A_258, %add3A_316 : i32
        %lt3A_318 = arith.cmpi slt, %add3A_317, %select_n3A : i32
        %convert_element_type3A_319 = arith.extui %lt3A_318 : i1 to i32
        %cond3A_320 = arith.constant 0 : i32
        %cond3A_321 = arith.cmpi ne, %convert_element_type3A_319, %cond3A_320 : i32
        scf.if %cond3A_321 {
          %add3A_322 = arith.constant 2 : i32
          %add3A_323 = arith.addi %add3A_258, %add3A_322 : i32
          %mul3A_324 = arith.constant 32 : i32
          %mul3A_325 = arith.muli %add3A_323, %mul3A_324 : i32
          %add3A_326 = arith.addi %add3A, %mul3A_325 : i32
          %mul3A_327 = arith.constant 4000 : i32
          %mul3A_328 = arith.muli %add3A_326, %mul3A_327 : i32
          %dma_start3A_329 = arith.constant 0 : i32
          %dma_start3A_330 = arith.constant 0 : i32
          %dma_start3A_331 = tpu.memref_slice %arg11[%dma_start3A_329, %dma_start3A_330] : memref<2x4000xi32, #tpu.memory_space<vmem>> -> memref<1x4000xi32, #tpu.memory_space<vmem>>
          %dma_start3A_332 = tpu.memref_squeeze %dma_start3A_331 : memref<1x4000xi32, #tpu.memory_space<vmem>> -> memref<4000xi32, #tpu.memory_space<vmem>>
          %dma_start3A_333 = tpu.memref_slice %arg2[%mul3A_328] : memref<6400000xi32, #tpu.memory_space<hbm>> -> memref<4000xi32, #tpu.memory_space<hbm>>
          %dma_start3A_334 = arith.constant 0 : i32
          %dma_start3A_335 = tpu.memref_slice %arg11[%dma_start3A_329, %dma_start3A_334] : memref<2x4000xi32, #tpu.memory_space<vmem>> -> memref<1x4000xi32, #tpu.memory_space<vmem>>
          %dma_start3A_336 = tpu.memref_squeeze %dma_start3A_335 : memref<1x4000xi32, #tpu.memory_space<vmem>> -> memref<4000xi32, #tpu.memory_space<vmem>>
          %dma_start3A_337 = tpu.memref_slice %arg2[%mul3A_328] : memref<6400000xi32, #tpu.memory_space<hbm>> -> memref<4000xi32, #tpu.memory_space<hbm>>
          tpu.enqueue_dma source(%dma_start3A_337 : memref<4000xi32, #tpu.memory_space<hbm>>) target(%dma_start3A_336 : memref<4000xi32, #tpu.memory_space<vmem>>) target_semaphore(%arg16 : memref<!tpu.dma_semaphore, #tpu.memory_space<semaphore_mem>>)
          %dma_start3A_338 = arith.constant 0 : i32
          %dma_start3A_339 = arith.constant 0 : i32
          %dma_start3A_340 = tpu.memref_slice %arg12[%dma_start3A_338, %dma_start3A_339] : memref<2x4000xi32, #tpu.memory_space<vmem>> -> memref<1x4000xi32, #tpu.memory_space<vmem>>
          %dma_start3A_341 = tpu.memref_squeeze %dma_start3A_340 : memref<1x4000xi32, #tpu.memory_space<vmem>> -> memref<4000xi32, #tpu.memory_space<vmem>>
          %dma_start3A_342 = tpu.memref_slice %arg3[%mul3A_328] : memref<6400000xi32, #tpu.memory_space<hbm>> -> memref<4000xi32, #tpu.memory_space<hbm>>
          %dma_start3A_343 = arith.constant 0 : i32
          %dma_start3A_344 = tpu.memref_slice %arg12[%dma_start3A_338, %dma_start3A_343] : memref<2x4000xi32, #tpu.memory_space<vmem>> -> memref<1x4000xi32, #tpu.memory_space<vmem>>
          %dma_start3A_345 = tpu.memref_squeeze %dma_start3A_344 : memref<1x4000xi32, #tpu.memory_space<vmem>> -> memref<4000xi32, #tpu.memory_space<vmem>>
          %dma_start3A_346 = tpu.memref_slice %arg3[%mul3A_328] : memref<6400000xi32, #tpu.memory_space<hbm>> -> memref<4000xi32, #tpu.memory_space<hbm>>
          tpu.enqueue_dma source(%dma_start3A_346 : memref<4000xi32, #tpu.memory_space<hbm>>) target(%dma_start3A_345 : memref<4000xi32, #tpu.memory_space<vmem>>) target_semaphore(%arg16 : memref<!tpu.dma_semaphore, #tpu.memory_space<semaphore_mem>>)
        } else {
        }
        scf.yield %scan3A_300 : vector<16xf32>
      } else {
        scf.yield %while3A_254 : vector<16xf32>
      }
      %mul3A_263 = arith.constant 2 : i32
      %mul3A_264 = arith.muli %mul3A_263, %while3A_253 : i32
      %add3A_265 = arith.constant 1 : i32
      %add3A_266 = arith.addi %mul3A_264, %add3A_265 : i32
      %lt3A_267 = arith.cmpi slt, %add3A_266, %select_n3A : i32
      %convert_element_type3A_268 = arith.extui %lt3A_267 : i1 to i32
      %cond3A_269 = arith.constant 0 : i32
      %cond3A_270 = arith.cmpi ne, %convert_element_type3A_268, %cond3A_269 : i32
      %cond3A_271 = scf.if %cond3A_270 -> (vector<16xf32>) {
        %dma_wait3A = arith.constant 1 : i32
        %dma_wait3A_272 = arith.constant 0 : i32
        %dma_wait3A_273 = tpu.memref_slice %arg11[%dma_wait3A, %dma_wait3A_272] : memref<2x4000xi32, #tpu.memory_space<vmem>> -> memref<1x4000xi32, #tpu.memory_space<vmem>>
        %dma_wait3A_274 = tpu.memref_squeeze %dma_wait3A_273 : memref<1x4000xi32, #tpu.memory_space<vmem>> -> memref<4000xi32, #tpu.memory_space<vmem>>
        %dma_wait3A_275 = arith.constant 0 : i32
        %dma_wait3A_276 = tpu.memref_slice %arg2[%dma_wait3A_275] : memref<6400000xi32, #tpu.memory_space<hbm>> -> memref<4000xi32, #tpu.memory_space<hbm>>
        %dma_wait3A_277 = arith.constant 0 : i32
        %dma_wait3A_278 = tpu.memref_slice %arg11[%dma_wait3A, %dma_wait3A_277] : memref<2x4000xi32, #tpu.memory_space<vmem>> -> memref<1x4000xi32, #tpu.memory_space<vmem>>
        %dma_wait3A_279 = tpu.memref_squeeze %dma_wait3A_278 : memref<1x4000xi32, #tpu.memory_space<vmem>> -> memref<4000xi32, #tpu.memory_space<vmem>>
        %dma_wait3A_280 = arith.constant 0 : i32
        %dma_wait3A_281 = tpu.memref_slice %arg2[%dma_wait3A_280] : memref<6400000xi32, #tpu.memory_space<hbm>> -> memref<4000xi32, #tpu.memory_space<hbm>>
        tpu.wait_dma2 semaphore(%arg17 : memref<!tpu.dma_semaphore, #tpu.memory_space<semaphore_mem>>) src(%dma_wait3A_281 : memref<4000xi32, #tpu.memory_space<hbm>>) dst(%dma_wait3A_279 : memref<4000xi32, #tpu.memory_space<vmem>>)
        %dma_wait3A_282 = arith.constant 1 : i32
        %dma_wait3A_283 = arith.constant 0 : i32
        %dma_wait3A_284 = tpu.memref_slice %arg12[%dma_wait3A_282, %dma_wait3A_283] : memref<2x4000xi32, #tpu.memory_space<vmem>> -> memref<1x4000xi32, #tpu.memory_space<vmem>>
        %dma_wait3A_285 = tpu.memref_squeeze %dma_wait3A_284 : memref<1x4000xi32, #tpu.memory_space<vmem>> -> memref<4000xi32, #tpu.memory_space<vmem>>
        %dma_wait3A_286 = arith.constant 0 : i32
        %dma_wait3A_287 = tpu.memref_slice %arg3[%dma_wait3A_286] : memref<6400000xi32, #tpu.memory_space<hbm>> -> memref<4000xi32, #tpu.memory_space<hbm>>
        %dma_wait3A_288 = arith.constant 0 : i32
        %dma_wait3A_289 = tpu.memref_slice %arg12[%dma_wait3A_282, %dma_wait3A_288] : memref<2x4000xi32, #tpu.memory_space<vmem>> -> memref<1x4000xi32, #tpu.memory_space<vmem>>
        %dma_wait3A_290 = tpu.memref_squeeze %dma_wait3A_289 : memref<1x4000xi32, #tpu.memory_space<vmem>> -> memref<4000xi32, #tpu.memory_space<vmem>>
        %dma_wait3A_291 = arith.constant 0 : i32
        %dma_wait3A_292 = tpu.memref_slice %arg3[%dma_wait3A_291] : memref<6400000xi32, #tpu.memory_space<hbm>> -> memref<4000xi32, #tpu.memory_space<hbm>>
        tpu.wait_dma2 semaphore(%arg17 : memref<!tpu.dma_semaphore, #tpu.memory_space<semaphore_mem>>) src(%dma_wait3A_292 : memref<4000xi32, #tpu.memory_space<hbm>>) dst(%dma_wait3A_290 : memref<4000xi32, #tpu.memory_space<vmem>>)
        %ge3A = arith.constant 2 : i32
        %ge3A_293 = arith.cmpi sge, %add3A_266, %ge3A : i32
        %convert_element_type3A_294 = arith.extui %ge3A_293 : i1 to i32
        %cond3A_295 = arith.constant 0 : i32
        %cond3A_296 = arith.cmpi ne, %convert_element_type3A_294, %cond3A_295 : i32
        scf.if %cond3A_296 {
          %dma_wait3A_322 = arith.constant 1 : i32
          %dma_wait3A_323 = arith.constant 0 : i32
          %dma_wait3A_324 = tpu.memref_slice %arg13[%dma_wait3A_322, %dma_wait3A_323] : memref<2x4000xf32, #tpu.memory_space<vmem>> -> memref<1x4000xf32, #tpu.memory_space<vmem>>
          %dma_wait3A_325 = tpu.memref_squeeze %dma_wait3A_324 : memref<1x4000xf32, #tpu.memory_space<vmem>> -> memref<4000xf32, #tpu.memory_space<vmem>>
          %dma_wait3A_326 = arith.constant 0 : i32
          %dma_wait3A_327 = tpu.memref_slice %arg9[%dma_wait3A_326] : memref<6400000xf32, #tpu.memory_space<hbm>> -> memref<4000xf32, #tpu.memory_space<hbm>>
          %dma_wait3A_328 = arith.constant 0 : i32
          %dma_wait3A_329 = tpu.memref_slice %arg9[%dma_wait3A_328] : memref<6400000xf32, #tpu.memory_space<hbm>> -> memref<4000xf32, #tpu.memory_space<hbm>>
          %dma_wait3A_330 = arith.constant 0 : i32
          %dma_wait3A_331 = tpu.memref_slice %arg13[%dma_wait3A_322, %dma_wait3A_330] : memref<2x4000xf32, #tpu.memory_space<vmem>> -> memref<1x4000xf32, #tpu.memory_space<vmem>>
          %dma_wait3A_332 = tpu.memref_squeeze %dma_wait3A_331 : memref<1x4000xf32, #tpu.memory_space<vmem>> -> memref<4000xf32, #tpu.memory_space<vmem>>
          tpu.wait_dma2 semaphore(%arg19 : memref<!tpu.dma_semaphore, #tpu.memory_space<semaphore_mem>>) src(%dma_wait3A_332 : memref<4000xf32, #tpu.memory_space<vmem>>) dst(%dma_wait3A_329 : memref<4000xf32, #tpu.memory_space<hbm>>)
        } else {
        }
        %scan3A = arith.constant 0 : i32
        %scan3A_297 = arith.constant 250 : i32
        %scan3A_298 = arith.addi %scan3A, %scan3A_297 : i32
        %scan3A_299 = arith.constant 1 : i32
        %scan3A_300 = scf.for %scan3A_322 = %scan3A to %scan3A_298 step %scan3A_299 iter_args(%scan3A_323 = %cond3A_262) -> (vector<16xf32>)  : i32 {
          %mul3A_324 = arith.constant 16 : i32
          %mul3A_325 = arith.muli %scan3A_322, %mul3A_324 : i32
          %get3A = arith.constant 1 : i32
          %get3A_326 = arith.index_cast %get3A : i32 to index
          %get3A_327 = arith.index_cast %mul3A_325 : i32 to index
          %get3A_328 = tpu.vector_load %arg11[%get3A_326, %get3A_327] {strides = array<i32>} : memref<2x4000xi32, #tpu.memory_space<vmem>>, vector<16xi32>,
          %gather3A = tpu.vector_load_idx %arg14[%get3A_328] : memref<100000xf32, #tpu.memory_space<vmem>>[vector<16xi32>], vector<16xf32>,
          %get3A_329 = arith.constant 1 : i32
          %get3A_330 = arith.index_cast %get3A_329 : i32 to index
          %get3A_331 = arith.index_cast %mul3A_325 : i32 to index
          %get3A_332 = tpu.vector_load %arg12[%get3A_330, %get3A_331] {strides = array<i32>} : memref<2x4000xi32, #tpu.memory_space<vmem>>, vector<16xi32>,
          %gather3A_333 = tpu.vector_load_idx %arg14[%get3A_332] : memref<100000xf32, #tpu.memory_space<vmem>>[vector<16xi32>], vector<16xf32>,
          %sub3A_334 = arith.subf %gather3A_333, %gather3A : vector<16xf32>
          %swap3A_335 = arith.constant 1 : i32
          %swap3A_336 = arith.index_cast %swap3A_335 : i32 to index
          %swap3A_337 = arith.index_cast %mul3A_325 : i32 to index
          %swap3A_338 = tpu.vector_load %arg13[%swap3A_336, %swap3A_337] {strides = array<i32>} : memref<2x4000xf32, #tpu.memory_space<vmem>>, vector<16xf32>,
          tpu.vector_store %arg13[%swap3A_336, %swap3A_337], %sub3A_334 {strides = array<i32>} : memref<2x4000xf32, #tpu.memory_space<vmem>>, vector<16xf32>,
          %abs3A = math.absf %sub3A_334 : vector<16xf32>
          %max3A = arith.maximumf %scan3A_323, %abs3A : vector<16xf32>
          scf.yield %max3A : vector<16xf32>
        }
        %scan3A_301 = arith.constant 250 : i32
        %mul3A_302 = arith.constant 32 : i32
        %mul3A_303 = arith.muli %add3A_266, %mul3A_302 : i32
        %add3A_304 = arith.addi %add3A, %mul3A_303 : i32
        %mul3A_305 = arith.constant 4000 : i32
        %mul3A_306 = arith.muli %add3A_304, %mul3A_305 : i32
        %dma_start3A_307 = arith.constant 1 : i32
        %dma_start3A_308 = arith.constant 0 : i32
        %dma_start3A_309 = tpu.memref_slice %arg13[%dma_start3A_307, %dma_start3A_308] : memref<2x4000xf32, #tpu.memory_space<vmem>> -> memref<1x4000xf32, #tpu.memory_space<vmem>>
        %dma_start3A_310 = tpu.memref_squeeze %dma_start3A_309 : memref<1x4000xf32, #tpu.memory_space<vmem>> -> memref<4000xf32, #tpu.memory_space<vmem>>
        %dma_start3A_311 = tpu.memref_slice %arg9[%mul3A_306] : memref<6400000xf32, #tpu.memory_space<hbm>> -> memref<4000xf32, #tpu.memory_space<hbm>>
        %dma_start3A_312 = tpu.memref_slice %arg9[%mul3A_306] : memref<6400000xf32, #tpu.memory_space<hbm>> -> memref<4000xf32, #tpu.memory_space<hbm>>
        %dma_start3A_313 = arith.constant 0 : i32
        %dma_start3A_314 = tpu.memref_slice %arg13[%dma_start3A_307, %dma_start3A_313] : memref<2x4000xf32, #tpu.memory_space<vmem>> -> memref<1x4000xf32, #tpu.memory_space<vmem>>
        %dma_start3A_315 = tpu.memref_squeeze %dma_start3A_314 : memref<1x4000xf32, #tpu.memory_space<vmem>> -> memref<4000xf32, #tpu.memory_space<vmem>>
        tpu.enqueue_dma source(%dma_start3A_315 : memref<4000xf32, #tpu.memory_space<vmem>>) target(%dma_start3A_312 : memref<4000xf32, #tpu.memory_space<hbm>>) target_semaphore(%arg19 : memref<!tpu.dma_semaphore, #tpu.memory_space<semaphore_mem>>)
        %add3A_316 = arith.constant 2 : i32
        %add3A_317 = arith.addi %add3A_266, %add3A_316 : i32
        %lt3A_318 = arith.cmpi slt, %add3A_317, %select_n3A : i32
        %convert_element_type3A_319 = arith.extui %lt3A_318 : i1 to i32
        %cond3A_320 = arith.constant 0 : i32
        %cond3A_321 = arith.cmpi ne, %convert_element_type3A_319, %cond3A_320 : i32
        scf.if %cond3A_321 {
          %add3A_322 = arith.constant 2 : i32
          %add3A_323 = arith.addi %add3A_266, %add3A_322 : i32
          %mul3A_324 = arith.constant 32 : i32
          %mul3A_325 = arith.muli %add3A_323, %mul3A_324 : i32
          %add3A_326 = arith.addi %add3A, %mul3A_325 : i32
          %mul3A_327 = arith.constant 4000 : i32
          %mul3A_328 = arith.muli %add3A_326, %mul3A_327 : i32
          %dma_start3A_329 = arith.constant 1 : i32
          %dma_start3A_330 = arith.constant 0 : i32
          %dma_start3A_331 = tpu.memref_slice %arg11[%dma_start3A_329, %dma_start3A_330] : memref<2x4000xi32, #tpu.memory_space<vmem>> -> memref<1x4000xi32, #tpu.memory_space<vmem>>
          %dma_start3A_332 = tpu.memref_squeeze %dma_start3A_331 : memref<1x4000xi32, #tpu.memory_space<vmem>> -> memref<4000xi32, #tpu.memory_space<vmem>>
          %dma_start3A_333 = tpu.memref_slice %arg2[%mul3A_328] : memref<6400000xi32, #tpu.memory_space<hbm>> -> memref<4000xi32, #tpu.memory_space<hbm>>
          %dma_start3A_334 = arith.constant 0 : i32
          %dma_start3A_335 = tpu.memref_slice %arg11[%dma_start3A_329, %dma_start3A_334] : memref<2x4000xi32, #tpu.memory_space<vmem>> -> memref<1x4000xi32, #tpu.memory_space<vmem>>
          %dma_start3A_336 = tpu.memref_squeeze %dma_start3A_335 : memref<1x4000xi32, #tpu.memory_space<vmem>> -> memref<4000xi32, #tpu.memory_space<vmem>>
          %dma_start3A_337 = tpu.memref_slice %arg2[%mul3A_328] : memref<6400000xi32, #tpu.memory_space<hbm>> -> memref<4000xi32, #tpu.memory_space<hbm>>
          tpu.enqueue_dma source(%dma_start3A_337 : memref<4000xi32, #tpu.memory_space<hbm>>) target(%dma_start3A_336 : memref<4000xi32, #tpu.memory_space<vmem>>) target_semaphore(%arg17 : memref<!tpu.dma_semaphore, #tpu.memory_space<semaphore_mem>>)
          %dma_start3A_338 = arith.constant 1 : i32
          %dma_start3A_339 = arith.constant 0 : i32
          %dma_start3A_340 = tpu.memref_slice %arg12[%dma_start3A_338, %dma_start3A_339] : memref<2x4000xi32, #tpu.memory_space<vmem>> -> memref<1x4000xi32, #tpu.memory_space<vmem>>
          %dma_start3A_341 = tpu.memref_squeeze %dma_start3A_340 : memref<1x4000xi32, #tpu.memory_space<vmem>> -> memref<4000xi32, #tpu.memory_space<vmem>>
          %dma_start3A_342 = tpu.memref_slice %arg3[%mul3A_328] : memref<6400000xi32, #tpu.memory_space<hbm>> -> memref<4000xi32, #tpu.memory_space<hbm>>
          %dma_start3A_343 = arith.constant 0 : i32
          %dma_start3A_344 = tpu.memref_slice %arg12[%dma_start3A_338, %dma_start3A_343] : memref<2x4000xi32, #tpu.memory_space<vmem>> -> memref<1x4000xi32, #tpu.memory_space<vmem>>
          %dma_start3A_345 = tpu.memref_squeeze %dma_start3A_344 : memref<1x4000xi32, #tpu.memory_space<vmem>> -> memref<4000xi32, #tpu.memory_space<vmem>>
          %dma_start3A_346 = tpu.memref_slice %arg3[%mul3A_328] : memref<6400000xi32, #tpu.memory_space<hbm>> -> memref<4000xi32, #tpu.memory_space<hbm>>
          tpu.enqueue_dma source(%dma_start3A_346 : memref<4000xi32, #tpu.memory_space<hbm>>) target(%dma_start3A_345 : memref<4000xi32, #tpu.memory_space<vmem>>) target_semaphore(%arg17 : memref<!tpu.dma_semaphore, #tpu.memory_space<semaphore_mem>>)
        } else {
        }
        scf.yield %scan3A_300 : vector<16xf32>
      } else {
        scf.yield %cond3A_262 : vector<16xf32>
      }
      scf.yield %cond3A_271 : vector<16xf32>
    }
    %while3A_158 = arith.constant 1 : i32
    %while3A_159 = scf.for %while3A_253 = %while3A_155 to %while3A_151 step %while3A_158 iter_args(%while3A_254 = %while3A_157) -> (vector<16xf32>)  : i32 {
      %mul3A_255 = arith.constant 2 : i32
      %mul3A_256 = arith.muli %mul3A_255, %while3A_253 : i32
      %add3A_257 = arith.constant 0 : i32
      %add3A_258 = arith.addi %mul3A_256, %add3A_257 : i32
      %lt3A = arith.cmpi slt, %add3A_258, %select_n3A : i32
      %convert_element_type3A_259 = arith.extui %lt3A : i1 to i32
      %cond3A_260 = arith.constant 0 : i32
      %cond3A_261 = arith.cmpi ne, %convert_element_type3A_259, %cond3A_260 : i32
      %cond3A_262 = scf.if %cond3A_261 -> (vector<16xf32>) {
        %dma_wait3A = arith.constant 0 : i32
        %dma_wait3A_272 = arith.constant 0 : i32
        %dma_wait3A_273 = tpu.memref_slice %arg11[%dma_wait3A, %dma_wait3A_272] : memref<2x4000xi32, #tpu.memory_space<vmem>> -> memref<1x4000xi32, #tpu.memory_space<vmem>>
        %dma_wait3A_274 = tpu.memref_squeeze %dma_wait3A_273 : memref<1x4000xi32, #tpu.memory_space<vmem>> -> memref<4000xi32, #tpu.memory_space<vmem>>
        %dma_wait3A_275 = arith.constant 0 : i32
        %dma_wait3A_276 = tpu.memref_slice %arg2[%dma_wait3A_275] : memref<6400000xi32, #tpu.memory_space<hbm>> -> memref<4000xi32, #tpu.memory_space<hbm>>
        %dma_wait3A_277 = arith.constant 0 : i32
        %dma_wait3A_278 = tpu.memref_slice %arg11[%dma_wait3A, %dma_wait3A_277] : memref<2x4000xi32, #tpu.memory_space<vmem>> -> memref<1x4000xi32, #tpu.memory_space<vmem>>
        %dma_wait3A_279 = tpu.memref_squeeze %dma_wait3A_278 : memref<1x4000xi32, #tpu.memory_space<vmem>> -> memref<4000xi32, #tpu.memory_space<vmem>>
        %dma_wait3A_280 = arith.constant 0 : i32
        %dma_wait3A_281 = tpu.memref_slice %arg2[%dma_wait3A_280] : memref<6400000xi32, #tpu.memory_space<hbm>> -> memref<4000xi32, #tpu.memory_space<hbm>>
        tpu.wait_dma2 semaphore(%arg16 : memref<!tpu.dma_semaphore, #tpu.memory_space<semaphore_mem>>) src(%dma_wait3A_281 : memref<4000xi32, #tpu.memory_space<hbm>>) dst(%dma_wait3A_279 : memref<4000xi32, #tpu.memory_space<vmem>>)
        %dma_wait3A_282 = arith.constant 0 : i32
        %dma_wait3A_283 = arith.constant 0 : i32
        %dma_wait3A_284 = tpu.memref_slice %arg12[%dma_wait3A_282, %dma_wait3A_283] : memref<2x4000xi32, #tpu.memory_space<vmem>> -> memref<1x4000xi32, #tpu.memory_space<vmem>>
        %dma_wait3A_285 = tpu.memref_squeeze %dma_wait3A_284 : memref<1x4000xi32, #tpu.memory_space<vmem>> -> memref<4000xi32, #tpu.memory_space<vmem>>
        %dma_wait3A_286 = arith.constant 0 : i32
        %dma_wait3A_287 = tpu.memref_slice %arg3[%dma_wait3A_286] : memref<6400000xi32, #tpu.memory_space<hbm>> -> memref<4000xi32, #tpu.memory_space<hbm>>
        %dma_wait3A_288 = arith.constant 0 : i32
        %dma_wait3A_289 = tpu.memref_slice %arg12[%dma_wait3A_282, %dma_wait3A_288] : memref<2x4000xi32, #tpu.memory_space<vmem>> -> memref<1x4000xi32, #tpu.memory_space<vmem>>
        %dma_wait3A_290 = tpu.memref_squeeze %dma_wait3A_289 : memref<1x4000xi32, #tpu.memory_space<vmem>> -> memref<4000xi32, #tpu.memory_space<vmem>>
        %dma_wait3A_291 = arith.constant 0 : i32
        %dma_wait3A_292 = tpu.memref_slice %arg3[%dma_wait3A_291] : memref<6400000xi32, #tpu.memory_space<hbm>> -> memref<4000xi32, #tpu.memory_space<hbm>>
        tpu.wait_dma2 semaphore(%arg16 : memref<!tpu.dma_semaphore, #tpu.memory_space<semaphore_mem>>) src(%dma_wait3A_292 : memref<4000xi32, #tpu.memory_space<hbm>>) dst(%dma_wait3A_290 : memref<4000xi32, #tpu.memory_space<vmem>>)
        %ge3A = arith.constant 2 : i32
        %ge3A_293 = arith.cmpi sge, %add3A_258, %ge3A : i32
        %convert_element_type3A_294 = arith.extui %ge3A_293 : i1 to i32
        %cond3A_295 = arith.constant 0 : i32
        %cond3A_296 = arith.cmpi ne, %convert_element_type3A_294, %cond3A_295 : i32
        scf.if %cond3A_296 {
          %dma_wait3A_322 = arith.constant 0 : i32
          %dma_wait3A_323 = arith.constant 0 : i32
          %dma_wait3A_324 = tpu.memref_slice %arg13[%dma_wait3A_322, %dma_wait3A_323] : memref<2x4000xf32, #tpu.memory_space<vmem>> -> memref<1x4000xf32, #tpu.memory_space<vmem>>
          %dma_wait3A_325 = tpu.memref_squeeze %dma_wait3A_324 : memref<1x4000xf32, #tpu.memory_space<vmem>> -> memref<4000xf32, #tpu.memory_space<vmem>>
          %dma_wait3A_326 = arith.constant 0 : i32
          %dma_wait3A_327 = tpu.memref_slice %arg9[%dma_wait3A_326] : memref<6400000xf32, #tpu.memory_space<hbm>> -> memref<4000xf32, #tpu.memory_space<hbm>>
          %dma_wait3A_328 = arith.constant 0 : i32
          %dma_wait3A_329 = tpu.memref_slice %arg9[%dma_wait3A_328] : memref<6400000xf32, #tpu.memory_space<hbm>> -> memref<4000xf32, #tpu.memory_space<hbm>>
          %dma_wait3A_330 = arith.constant 0 : i32
          %dma_wait3A_331 = tpu.memref_slice %arg13[%dma_wait3A_322, %dma_wait3A_330] : memref<2x4000xf32, #tpu.memory_space<vmem>> -> memref<1x4000xf32, #tpu.memory_space<vmem>>
          %dma_wait3A_332 = tpu.memref_squeeze %dma_wait3A_331 : memref<1x4000xf32, #tpu.memory_space<vmem>> -> memref<4000xf32, #tpu.memory_space<vmem>>
          tpu.wait_dma2 semaphore(%arg18 : memref<!tpu.dma_semaphore, #tpu.memory_space<semaphore_mem>>) src(%dma_wait3A_332 : memref<4000xf32, #tpu.memory_space<vmem>>) dst(%dma_wait3A_329 : memref<4000xf32, #tpu.memory_space<hbm>>)
        } else {
        }
        %scan3A = arith.constant 0 : i32
        %scan3A_297 = arith.constant 250 : i32
        %scan3A_298 = arith.addi %scan3A, %scan3A_297 : i32
        %scan3A_299 = arith.constant 1 : i32
        %scan3A_300 = scf.for %scan3A_322 = %scan3A to %scan3A_298 step %scan3A_299 iter_args(%scan3A_323 = %while3A_254) -> (vector<16xf32>)  : i32 {
          %mul3A_324 = arith.constant 16 : i32
          %mul3A_325 = arith.muli %scan3A_322, %mul3A_324 : i32
          %get3A = arith.constant 0 : i32
          %get3A_326 = arith.index_cast %get3A : i32 to index
          %get3A_327 = arith.index_cast %mul3A_325 : i32 to index
          %get3A_328 = tpu.vector_load %arg11[%get3A_326, %get3A_327] {strides = array<i32>} : memref<2x4000xi32, #tpu.memory_space<vmem>>, vector<16xi32>,
          %gather3A = tpu.vector_load_idx %arg14[%get3A_328] : memref<100000xf32, #tpu.memory_space<vmem>>[vector<16xi32>], vector<16xf32>,
          %get3A_329 = arith.constant 0 : i32
          %get3A_330 = arith.index_cast %get3A_329 : i32 to index
          %get3A_331 = arith.index_cast %mul3A_325 : i32 to index
          %get3A_332 = tpu.vector_load %arg12[%get3A_330, %get3A_331] {strides = array<i32>} : memref<2x4000xi32, #tpu.memory_space<vmem>>, vector<16xi32>,
          %gather3A_333 = tpu.vector_load_idx %arg14[%get3A_332] : memref<100000xf32, #tpu.memory_space<vmem>>[vector<16xi32>], vector<16xf32>,
          %sub3A_334 = arith.subf %gather3A_333, %gather3A : vector<16xf32>
          %swap3A_335 = arith.constant 0 : i32
          %swap3A_336 = arith.index_cast %swap3A_335 : i32 to index
          %swap3A_337 = arith.index_cast %mul3A_325 : i32 to index
          %swap3A_338 = tpu.vector_load %arg13[%swap3A_336, %swap3A_337] {strides = array<i32>} : memref<2x4000xf32, #tpu.memory_space<vmem>>, vector<16xf32>,
          tpu.vector_store %arg13[%swap3A_336, %swap3A_337], %sub3A_334 {strides = array<i32>} : memref<2x4000xf32, #tpu.memory_space<vmem>>, vector<16xf32>,
          %abs3A = math.absf %sub3A_334 : vector<16xf32>
          %max3A = arith.maximumf %scan3A_323, %abs3A : vector<16xf32>
          scf.yield %max3A : vector<16xf32>
        }
        %scan3A_301 = arith.constant 250 : i32
        %mul3A_302 = arith.constant 32 : i32
        %mul3A_303 = arith.muli %add3A_258, %mul3A_302 : i32
        %add3A_304 = arith.addi %add3A, %mul3A_303 : i32
        %mul3A_305 = arith.constant 4000 : i32
        %mul3A_306 = arith.muli %add3A_304, %mul3A_305 : i32
        %dma_start3A_307 = arith.constant 0 : i32
        %dma_start3A_308 = arith.constant 0 : i32
        %dma_start3A_309 = tpu.memref_slice %arg13[%dma_start3A_307, %dma_start3A_308] : memref<2x4000xf32, #tpu.memory_space<vmem>> -> memref<1x4000xf32, #tpu.memory_space<vmem>>
        %dma_start3A_310 = tpu.memref_squeeze %dma_start3A_309 : memref<1x4000xf32, #tpu.memory_space<vmem>> -> memref<4000xf32, #tpu.memory_space<vmem>>
        %dma_start3A_311 = tpu.memref_slice %arg9[%mul3A_306] : memref<6400000xf32, #tpu.memory_space<hbm>> -> memref<4000xf32, #tpu.memory_space<hbm>>
        %dma_start3A_312 = tpu.memref_slice %arg9[%mul3A_306] : memref<6400000xf32, #tpu.memory_space<hbm>> -> memref<4000xf32, #tpu.memory_space<hbm>>
        %dma_start3A_313 = arith.constant 0 : i32
        %dma_start3A_314 = tpu.memref_slice %arg13[%dma_start3A_307, %dma_start3A_313] : memref<2x4000xf32, #tpu.memory_space<vmem>> -> memref<1x4000xf32, #tpu.memory_space<vmem>>
        %dma_start3A_315 = tpu.memref_squeeze %dma_start3A_314 : memref<1x4000xf32, #tpu.memory_space<vmem>> -> memref<4000xf32, #tpu.memory_space<vmem>>
        tpu.enqueue_dma source(%dma_start3A_315 : memref<4000xf32, #tpu.memory_space<vmem>>) target(%dma_start3A_312 : memref<4000xf32, #tpu.memory_space<hbm>>) target_semaphore(%arg18 : memref<!tpu.dma_semaphore, #tpu.memory_space<semaphore_mem>>)
        %add3A_316 = arith.constant 2 : i32
        %add3A_317 = arith.addi %add3A_258, %add3A_316 : i32
        %lt3A_318 = arith.cmpi slt, %add3A_317, %select_n3A : i32
        %convert_element_type3A_319 = arith.extui %lt3A_318 : i1 to i32
        %cond3A_320 = arith.constant 0 : i32
        %cond3A_321 = arith.cmpi ne, %convert_element_type3A_319, %cond3A_320 : i32
        scf.if %cond3A_321 {
          %add3A_322 = arith.constant 2 : i32
          %add3A_323 = arith.addi %add3A_258, %add3A_322 : i32
          %mul3A_324 = arith.constant 32 : i32
          %mul3A_325 = arith.muli %add3A_323, %mul3A_324 : i32
          %add3A_326 = arith.addi %add3A, %mul3A_325 : i32
          %mul3A_327 = arith.constant 4000 : i32
          %mul3A_328 = arith.muli %add3A_326, %mul3A_327 : i32
          %dma_start3A_329 = arith.constant 0 : i32
          %dma_start3A_330 = arith.constant 0 : i32
          %dma_start3A_331 = tpu.memref_slice %arg11[%dma_start3A_329, %dma_start3A_330] : memref<2x4000xi32, #tpu.memory_space<vmem>> -> memref<1x4000xi32, #tpu.memory_space<vmem>>
          %dma_start3A_332 = tpu.memref_squeeze %dma_start3A_331 : memref<1x4000xi32, #tpu.memory_space<vmem>> -> memref<4000xi32, #tpu.memory_space<vmem>>
          %dma_start3A_333 = tpu.memref_slice %arg2[%mul3A_328] : memref<6400000xi32, #tpu.memory_space<hbm>> -> memref<4000xi32, #tpu.memory_space<hbm>>
          %dma_start3A_334 = arith.constant 0 : i32
          %dma_start3A_335 = tpu.memref_slice %arg11[%dma_start3A_329, %dma_start3A_334] : memref<2x4000xi32, #tpu.memory_space<vmem>> -> memref<1x4000xi32, #tpu.memory_space<vmem>>
          %dma_start3A_336 = tpu.memref_squeeze %dma_start3A_335 : memref<1x4000xi32, #tpu.memory_space<vmem>> -> memref<4000xi32, #tpu.memory_space<vmem>>
          %dma_start3A_337 = tpu.memref_slice %arg2[%mul3A_328] : memref<6400000xi32, #tpu.memory_space<hbm>> -> memref<4000xi32, #tpu.memory_space<hbm>>
          tpu.enqueue_dma source(%dma_start3A_337 : memref<4000xi32, #tpu.memory_space<hbm>>) target(%dma_start3A_336 : memref<4000xi32, #tpu.memory_space<vmem>>) target_semaphore(%arg16 : memref<!tpu.dma_semaphore, #tpu.memory_space<semaphore_mem>>)
          %dma_start3A_338 = arith.constant 0 : i32
          %dma_start3A_339 = arith.constant 0 : i32
          %dma_start3A_340 = tpu.memref_slice %arg12[%dma_start3A_338, %dma_start3A_339] : memref<2x4000xi32, #tpu.memory_space<vmem>> -> memref<1x4000xi32, #tpu.memory_space<vmem>>
          %dma_start3A_341 = tpu.memref_squeeze %dma_start3A_340 : memref<1x4000xi32, #tpu.memory_space<vmem>> -> memref<4000xi32, #tpu.memory_space<vmem>>
          %dma_start3A_342 = tpu.memref_slice %arg3[%mul3A_328] : memref<6400000xi32, #tpu.memory_space<hbm>> -> memref<4000xi32, #tpu.memory_space<hbm>>
          %dma_start3A_343 = arith.constant 0 : i32
          %dma_start3A_344 = tpu.memref_slice %arg12[%dma_start3A_338, %dma_start3A_343] : memref<2x4000xi32, #tpu.memory_space<vmem>> -> memref<1x4000xi32, #tpu.memory_space<vmem>>
          %dma_start3A_345 = tpu.memref_squeeze %dma_start3A_344 : memref<1x4000xi32, #tpu.memory_space<vmem>> -> memref<4000xi32, #tpu.memory_space<vmem>>
          %dma_start3A_346 = tpu.memref_slice %arg3[%mul3A_328] : memref<6400000xi32, #tpu.memory_space<hbm>> -> memref<4000xi32, #tpu.memory_space<hbm>>
          tpu.enqueue_dma source(%dma_start3A_346 : memref<4000xi32, #tpu.memory_space<hbm>>) target(%dma_start3A_345 : memref<4000xi32, #tpu.memory_space<vmem>>) target_semaphore(%arg16 : memref<!tpu.dma_semaphore, #tpu.memory_space<semaphore_mem>>)
        } else {
        }
        scf.yield %scan3A_300 : vector<16xf32>
      } else {
        scf.yield %while3A_254 : vector<16xf32>
      }
      %mul3A_263 = arith.constant 2 : i32
      %mul3A_264 = arith.muli %mul3A_263, %while3A_253 : i32
      %add3A_265 = arith.constant 1 : i32
      %add3A_266 = arith.addi %mul3A_264, %add3A_265 : i32
      %lt3A_267 = arith.cmpi slt, %add3A_266, %select_n3A : i32
      %convert_element_type3A_268 = arith.extui %lt3A_267 : i1 to i32
      %cond3A_269 = arith.constant 0 : i32
      %cond3A_270 = arith.cmpi ne, %convert_element_type3A_268, %cond3A_269 : i32
      %cond3A_271 = scf.if %cond3A_270 -> (vector<16xf32>) {
        %dma_wait3A = arith.constant 1 : i32
        %dma_wait3A_272 = arith.constant 0 : i32
        %dma_wait3A_273 = tpu.memref_slice %arg11[%dma_wait3A, %dma_wait3A_272] : memref<2x4000xi32, #tpu.memory_space<vmem>> -> memref<1x4000xi32, #tpu.memory_space<vmem>>
        %dma_wait3A_274 = tpu.memref_squeeze %dma_wait3A_273 : memref<1x4000xi32, #tpu.memory_space<vmem>> -> memref<4000xi32, #tpu.memory_space<vmem>>
        %dma_wait3A_275 = arith.constant 0 : i32
        %dma_wait3A_276 = tpu.memref_slice %arg2[%dma_wait3A_275] : memref<6400000xi32, #tpu.memory_space<hbm>> -> memref<4000xi32, #tpu.memory_space<hbm>>
        %dma_wait3A_277 = arith.constant 0 : i32
        %dma_wait3A_278 = tpu.memref_slice %arg11[%dma_wait3A, %dma_wait3A_277] : memref<2x4000xi32, #tpu.memory_space<vmem>> -> memref<1x4000xi32, #tpu.memory_space<vmem>>
        %dma_wait3A_279 = tpu.memref_squeeze %dma_wait3A_278 : memref<1x4000xi32, #tpu.memory_space<vmem>> -> memref<4000xi32, #tpu.memory_space<vmem>>
        %dma_wait3A_280 = arith.constant 0 : i32
        %dma_wait3A_281 = tpu.memref_slice %arg2[%dma_wait3A_280] : memref<6400000xi32, #tpu.memory_space<hbm>> -> memref<4000xi32, #tpu.memory_space<hbm>>
        tpu.wait_dma2 semaphore(%arg17 : memref<!tpu.dma_semaphore, #tpu.memory_space<semaphore_mem>>) src(%dma_wait3A_281 : memref<4000xi32, #tpu.memory_space<hbm>>) dst(%dma_wait3A_279 : memref<4000xi32, #tpu.memory_space<vmem>>)
        %dma_wait3A_282 = arith.constant 1 : i32
        %dma_wait3A_283 = arith.constant 0 : i32
        %dma_wait3A_284 = tpu.memref_slice %arg12[%dma_wait3A_282, %dma_wait3A_283] : memref<2x4000xi32, #tpu.memory_space<vmem>> -> memref<1x4000xi32, #tpu.memory_space<vmem>>
        %dma_wait3A_285 = tpu.memref_squeeze %dma_wait3A_284 : memref<1x4000xi32, #tpu.memory_space<vmem>> -> memref<4000xi32, #tpu.memory_space<vmem>>
        %dma_wait3A_286 = arith.constant 0 : i32
        %dma_wait3A_287 = tpu.memref_slice %arg3[%dma_wait3A_286] : memref<6400000xi32, #tpu.memory_space<hbm>> -> memref<4000xi32, #tpu.memory_space<hbm>>
        %dma_wait3A_288 = arith.constant 0 : i32
        %dma_wait3A_289 = tpu.memref_slice %arg12[%dma_wait3A_282, %dma_wait3A_288] : memref<2x4000xi32, #tpu.memory_space<vmem>> -> memref<1x4000xi32, #tpu.memory_space<vmem>>
        %dma_wait3A_290 = tpu.memref_squeeze %dma_wait3A_289 : memref<1x4000xi32, #tpu.memory_space<vmem>> -> memref<4000xi32, #tpu.memory_space<vmem>>
        %dma_wait3A_291 = arith.constant 0 : i32
        %dma_wait3A_292 = tpu.memref_slice %arg3[%dma_wait3A_291] : memref<6400000xi32, #tpu.memory_space<hbm>> -> memref<4000xi32, #tpu.memory_space<hbm>>
        tpu.wait_dma2 semaphore(%arg17 : memref<!tpu.dma_semaphore, #tpu.memory_space<semaphore_mem>>) src(%dma_wait3A_292 : memref<4000xi32, #tpu.memory_space<hbm>>) dst(%dma_wait3A_290 : memref<4000xi32, #tpu.memory_space<vmem>>)
        %ge3A = arith.constant 2 : i32
        %ge3A_293 = arith.cmpi sge, %add3A_266, %ge3A : i32
        %convert_element_type3A_294 = arith.extui %ge3A_293 : i1 to i32
        %cond3A_295 = arith.constant 0 : i32
        %cond3A_296 = arith.cmpi ne, %convert_element_type3A_294, %cond3A_295 : i32
        scf.if %cond3A_296 {
          %dma_wait3A_322 = arith.constant 1 : i32
          %dma_wait3A_323 = arith.constant 0 : i32
          %dma_wait3A_324 = tpu.memref_slice %arg13[%dma_wait3A_322, %dma_wait3A_323] : memref<2x4000xf32, #tpu.memory_space<vmem>> -> memref<1x4000xf32, #tpu.memory_space<vmem>>
          %dma_wait3A_325 = tpu.memref_squeeze %dma_wait3A_324 : memref<1x4000xf32, #tpu.memory_space<vmem>> -> memref<4000xf32, #tpu.memory_space<vmem>>
          %dma_wait3A_326 = arith.constant 0 : i32
          %dma_wait3A_327 = tpu.memref_slice %arg9[%dma_wait3A_326] : memref<6400000xf32, #tpu.memory_space<hbm>> -> memref<4000xf32, #tpu.memory_space<hbm>>
          %dma_wait3A_328 = arith.constant 0 : i32
          %dma_wait3A_329 = tpu.memref_slice %arg9[%dma_wait3A_328] : memref<6400000xf32, #tpu.memory_space<hbm>> -> memref<4000xf32, #tpu.memory_space<hbm>>
          %dma_wait3A_330 = arith.constant 0 : i32
          %dma_wait3A_331 = tpu.memref_slice %arg13[%dma_wait3A_322, %dma_wait3A_330] : memref<2x4000xf32, #tpu.memory_space<vmem>> -> memref<1x4000xf32, #tpu.memory_space<vmem>>
          %dma_wait3A_332 = tpu.memref_squeeze %dma_wait3A_331 : memref<1x4000xf32, #tpu.memory_space<vmem>> -> memref<4000xf32, #tpu.memory_space<vmem>>
          tpu.wait_dma2 semaphore(%arg19 : memref<!tpu.dma_semaphore, #tpu.memory_space<semaphore_mem>>) src(%dma_wait3A_332 : memref<4000xf32, #tpu.memory_space<vmem>>) dst(%dma_wait3A_329 : memref<4000xf32, #tpu.memory_space<hbm>>)
        } else {
        }
        %scan3A = arith.constant 0 : i32
        %scan3A_297 = arith.constant 250 : i32
        %scan3A_298 = arith.addi %scan3A, %scan3A_297 : i32
        %scan3A_299 = arith.constant 1 : i32
        %scan3A_300 = scf.for %scan3A_322 = %scan3A to %scan3A_298 step %scan3A_299 iter_args(%scan3A_323 = %cond3A_262) -> (vector<16xf32>)  : i32 {
          %mul3A_324 = arith.constant 16 : i32
          %mul3A_325 = arith.muli %scan3A_322, %mul3A_324 : i32
          %get3A = arith.constant 1 : i32
          %get3A_326 = arith.index_cast %get3A : i32 to index
          %get3A_327 = arith.index_cast %mul3A_325 : i32 to index
          %get3A_328 = tpu.vector_load %arg11[%get3A_326, %get3A_327] {strides = array<i32>} : memref<2x4000xi32, #tpu.memory_space<vmem>>, vector<16xi32>,
          %gather3A = tpu.vector_load_idx %arg14[%get3A_328] : memref<100000xf32, #tpu.memory_space<vmem>>[vector<16xi32>], vector<16xf32>,
          %get3A_329 = arith.constant 1 : i32
          %get3A_330 = arith.index_cast %get3A_329 : i32 to index
          %get3A_331 = arith.index_cast %mul3A_325 : i32 to index
          %get3A_332 = tpu.vector_load %arg12[%get3A_330, %get3A_331] {strides = array<i32>} : memref<2x4000xi32, #tpu.memory_space<vmem>>, vector<16xi32>,
          %gather3A_333 = tpu.vector_load_idx %arg14[%get3A_332] : memref<100000xf32, #tpu.memory_space<vmem>>[vector<16xi32>], vector<16xf32>,
          %sub3A_334 = arith.subf %gather3A_333, %gather3A : vector<16xf32>
          %swap3A_335 = arith.constant 1 : i32
          %swap3A_336 = arith.index_cast %swap3A_335 : i32 to index
          %swap3A_337 = arith.index_cast %mul3A_325 : i32 to index
          %swap3A_338 = tpu.vector_load %arg13[%swap3A_336, %swap3A_337] {strides = array<i32>} : memref<2x4000xf32, #tpu.memory_space<vmem>>, vector<16xf32>,
          tpu.vector_store %arg13[%swap3A_336, %swap3A_337], %sub3A_334 {strides = array<i32>} : memref<2x4000xf32, #tpu.memory_space<vmem>>, vector<16xf32>,
          %abs3A = math.absf %sub3A_334 : vector<16xf32>
          %max3A = arith.maximumf %scan3A_323, %abs3A : vector<16xf32>
          scf.yield %max3A : vector<16xf32>
        }
        %scan3A_301 = arith.constant 250 : i32
        %mul3A_302 = arith.constant 32 : i32
        %mul3A_303 = arith.muli %add3A_266, %mul3A_302 : i32
        %add3A_304 = arith.addi %add3A, %mul3A_303 : i32
        %mul3A_305 = arith.constant 4000 : i32
        %mul3A_306 = arith.muli %add3A_304, %mul3A_305 : i32
        %dma_start3A_307 = arith.constant 1 : i32
        %dma_start3A_308 = arith.constant 0 : i32
        %dma_start3A_309 = tpu.memref_slice %arg13[%dma_start3A_307, %dma_start3A_308] : memref<2x4000xf32, #tpu.memory_space<vmem>> -> memref<1x4000xf32, #tpu.memory_space<vmem>>
        %dma_start3A_310 = tpu.memref_squeeze %dma_start3A_309 : memref<1x4000xf32, #tpu.memory_space<vmem>> -> memref<4000xf32, #tpu.memory_space<vmem>>
        %dma_start3A_311 = tpu.memref_slice %arg9[%mul3A_306] : memref<6400000xf32, #tpu.memory_space<hbm>> -> memref<4000xf32, #tpu.memory_space<hbm>>
        %dma_start3A_312 = tpu.memref_slice %arg9[%mul3A_306] : memref<6400000xf32, #tpu.memory_space<hbm>> -> memref<4000xf32, #tpu.memory_space<hbm>>
        %dma_start3A_313 = arith.constant 0 : i32
        %dma_start3A_314 = tpu.memref_slice %arg13[%dma_start3A_307, %dma_start3A_313] : memref<2x4000xf32, #tpu.memory_space<vmem>> -> memref<1x4000xf32, #tpu.memory_space<vmem>>
        %dma_start3A_315 = tpu.memref_squeeze %dma_start3A_314 : memref<1x4000xf32, #tpu.memory_space<vmem>> -> memref<4000xf32, #tpu.memory_space<vmem>>
        tpu.enqueue_dma source(%dma_start3A_315 : memref<4000xf32, #tpu.memory_space<vmem>>) target(%dma_start3A_312 : memref<4000xf32, #tpu.memory_space<hbm>>) target_semaphore(%arg19 : memref<!tpu.dma_semaphore, #tpu.memory_space<semaphore_mem>>)
        %add3A_316 = arith.constant 2 : i32
        %add3A_317 = arith.addi %add3A_266, %add3A_316 : i32
        %lt3A_318 = arith.cmpi slt, %add3A_317, %select_n3A : i32
        %convert_element_type3A_319 = arith.extui %lt3A_318 : i1 to i32
        %cond3A_320 = arith.constant 0 : i32
        %cond3A_321 = arith.cmpi ne, %convert_element_type3A_319, %cond3A_320 : i32
        scf.if %cond3A_321 {
          %add3A_322 = arith.constant 2 : i32
          %add3A_323 = arith.addi %add3A_266, %add3A_322 : i32
          %mul3A_324 = arith.constant 32 : i32
          %mul3A_325 = arith.muli %add3A_323, %mul3A_324 : i32
          %add3A_326 = arith.addi %add3A, %mul3A_325 : i32
          %mul3A_327 = arith.constant 4000 : i32
          %mul3A_328 = arith.muli %add3A_326, %mul3A_327 : i32
          %dma_start3A_329 = arith.constant 1 : i32
          %dma_start3A_330 = arith.constant 0 : i32
          %dma_start3A_331 = tpu.memref_slice %arg11[%dma_start3A_329, %dma_start3A_330] : memref<2x4000xi32, #tpu.memory_space<vmem>> -> memref<1x4000xi32, #tpu.memory_space<vmem>>
          %dma_start3A_332 = tpu.memref_squeeze %dma_start3A_331 : memref<1x4000xi32, #tpu.memory_space<vmem>> -> memref<4000xi32, #tpu.memory_space<vmem>>
          %dma_start3A_333 = tpu.memref_slice %arg2[%mul3A_328] : memref<6400000xi32, #tpu.memory_space<hbm>> -> memref<4000xi32, #tpu.memory_space<hbm>>
          %dma_start3A_334 = arith.constant 0 : i32
          %dma_start3A_335 = tpu.memref_slice %arg11[%dma_start3A_329, %dma_start3A_334] : memref<2x4000xi32, #tpu.memory_space<vmem>> -> memref<1x4000xi32, #tpu.memory_space<vmem>>
          %dma_start3A_336 = tpu.memref_squeeze %dma_start3A_335 : memref<1x4000xi32, #tpu.memory_space<vmem>> -> memref<4000xi32, #tpu.memory_space<vmem>>
          %dma_start3A_337 = tpu.memref_slice %arg2[%mul3A_328] : memref<6400000xi32, #tpu.memory_space<hbm>> -> memref<4000xi32, #tpu.memory_space<hbm>>
          tpu.enqueue_dma source(%dma_start3A_337 : memref<4000xi32, #tpu.memory_space<hbm>>) target(%dma_start3A_336 : memref<4000xi32, #tpu.memory_space<vmem>>) target_semaphore(%arg17 : memref<!tpu.dma_semaphore, #tpu.memory_space<semaphore_mem>>)
          %dma_start3A_338 = arith.constant 1 : i32
          %dma_start3A_339 = arith.constant 0 : i32
          %dma_start3A_340 = tpu.memref_slice %arg12[%dma_start3A_338, %dma_start3A_339] : memref<2x4000xi32, #tpu.memory_space<vmem>> -> memref<1x4000xi32, #tpu.memory_space<vmem>>
          %dma_start3A_341 = tpu.memref_squeeze %dma_start3A_340 : memref<1x4000xi32, #tpu.memory_space<vmem>> -> memref<4000xi32, #tpu.memory_space<vmem>>
          %dma_start3A_342 = tpu.memref_slice %arg3[%mul3A_328] : memref<6400000xi32, #tpu.memory_space<hbm>> -> memref<4000xi32, #tpu.memory_space<hbm>>
          %dma_start3A_343 = arith.constant 0 : i32
          %dma_start3A_344 = tpu.memref_slice %arg12[%dma_start3A_338, %dma_start3A_343] : memref<2x4000xi32, #tpu.memory_space<vmem>> -> memref<1x4000xi32, #tpu.memory_space<vmem>>
          %dma_start3A_345 = tpu.memref_squeeze %dma_start3A_344 : memref<1x4000xi32, #tpu.memory_space<vmem>> -> memref<4000xi32, #tpu.memory_space<vmem>>
          %dma_start3A_346 = tpu.memref_slice %arg3[%mul3A_328] : memref<6400000xi32, #tpu.memory_space<hbm>> -> memref<4000xi32, #tpu.memory_space<hbm>>
          tpu.enqueue_dma source(%dma_start3A_346 : memref<4000xi32, #tpu.memory_space<hbm>>) target(%dma_start3A_345 : memref<4000xi32, #tpu.memory_space<vmem>>) target_semaphore(%arg17 : memref<!tpu.dma_semaphore, #tpu.memory_space<semaphore_mem>>)
        } else {
        }
        scf.yield %scan3A_300 : vector<16xf32>
      } else {
        scf.yield %cond3A_262 : vector<16xf32>
      }
      scf.yield %cond3A_271 : vector<16xf32>
    }
    %sub3A_160 = arith.constant 1 : i32
    %sub3A_161 = arith.subi %select_n3A, %sub3A_160 : i32
    %and3A_162 = arith.constant 1 : i32
    %and3A_163 = arith.andi %sub3A_161, %and3A_162 : i32
    %eq3A_164 = arith.constant 0 : i32
    %eq3A_165 = arith.cmpi eq, %and3A_163, %eq3A_164 : i32
    %convert_element_type3A_166 = arith.extui %eq3A_165 : i1 to i32
    %cond3A_167 = arith.constant 0 : i32
    %cond3A_168 = arith.cmpi ne, %convert_element_type3A_166, %cond3A_167 : i32
    scf.if %cond3A_168 {
      %dma_wait3A = arith.constant 0 : i32
      %dma_wait3A_253 = arith.constant 0 : i32
      %dma_wait3A_254 = tpu.memref_slice %arg13[%dma_wait3A, %dma_wait3A_253] : memref<2x4000xf32, #tpu.memory_space<vmem>> -> memref<1x4000xf32, #tpu.memory_space<vmem>>
      %dma_wait3A_255 = tpu.memref_squeeze %dma_wait3A_254 : memref<1x4000xf32, #tpu.memory_space<vmem>> -> memref<4000xf32, #tpu.memory_space<vmem>>
      %dma_wait3A_256 = arith.constant 0 : i32
      %dma_wait3A_257 = tpu.memref_slice %arg9[%dma_wait3A_256] : memref<6400000xf32, #tpu.memory_space<hbm>> -> memref<4000xf32, #tpu.memory_space<hbm>>
      %dma_wait3A_258 = arith.constant 0 : i32
      %dma_wait3A_259 = tpu.memref_slice %arg9[%dma_wait3A_258] : memref<6400000xf32, #tpu.memory_space<hbm>> -> memref<4000xf32, #tpu.memory_space<hbm>>
      %dma_wait3A_260 = arith.constant 0 : i32
      %dma_wait3A_261 = tpu.memref_slice %arg13[%dma_wait3A, %dma_wait3A_260] : memref<2x4000xf32, #tpu.memory_space<vmem>> -> memref<1x4000xf32, #tpu.memory_space<vmem>>
      %dma_wait3A_262 = tpu.memref_squeeze %dma_wait3A_261 : memref<1x4000xf32, #tpu.memory_space<vmem>> -> memref<4000xf32, #tpu.memory_space<vmem>>
      tpu.wait_dma2 semaphore(%arg18 : memref<!tpu.dma_semaphore, #tpu.memory_space<semaphore_mem>>) src(%dma_wait3A_262 : memref<4000xf32, #tpu.memory_space<vmem>>) dst(%dma_wait3A_259 : memref<4000xf32, #tpu.memory_space<hbm>>)
      %ge3A = arith.constant 2 : i32
      %ge3A_263 = arith.cmpi sge, %select_n3A, %ge3A : i32
      %convert_element_type3A_264 = arith.extui %ge3A_263 : i1 to i32
      %cond3A_265 = arith.constant 0 : i32
      %cond3A_266 = arith.cmpi ne, %convert_element_type3A_264, %cond3A_265 : i32
      scf.if %cond3A_266 {
        %dma_wait3A_267 = arith.constant 1 : i32
        %dma_wait3A_268 = arith.constant 0 : i32
        %dma_wait3A_269 = tpu.memref_slice %arg13[%dma_wait3A_267, %dma_wait3A_268] : memref<2x4000xf32, #tpu.memory_space<vmem>> -> memref<1x4000xf32, #tpu.memory_space<vmem>>
        %dma_wait3A_270 = tpu.memref_squeeze %dma_wait3A_269 : memref<1x4000xf32, #tpu.memory_space<vmem>> -> memref<4000xf32, #tpu.memory_space<vmem>>
        %dma_wait3A_271 = arith.constant 0 : i32
        %dma_wait3A_272 = tpu.memref_slice %arg9[%dma_wait3A_271] : memref<6400000xf32, #tpu.memory_space<hbm>> -> memref<4000xf32, #tpu.memory_space<hbm>>
        %dma_wait3A_273 = arith.constant 0 : i32
        %dma_wait3A_274 = tpu.memref_slice %arg9[%dma_wait3A_273] : memref<6400000xf32, #tpu.memory_space<hbm>> -> memref<4000xf32, #tpu.memory_space<hbm>>
        %dma_wait3A_275 = arith.constant 0 : i32
        %dma_wait3A_276 = tpu.memref_slice %arg13[%dma_wait3A_267, %dma_wait3A_275] : memref<2x4000xf32, #tpu.memory_space<vmem>> -> memref<1x4000xf32, #tpu.memory_space<vmem>>
        %dma_wait3A_277 = tpu.memref_squeeze %dma_wait3A_276 : memref<1x4000xf32, #tpu.memory_space<vmem>> -> memref<4000xf32, #tpu.memory_space<vmem>>
        tpu.wait_dma2 semaphore(%arg19 : memref<!tpu.dma_semaphore, #tpu.memory_space<semaphore_mem>>) src(%dma_wait3A_277 : memref<4000xf32, #tpu.memory_space<vmem>>) dst(%dma_wait3A_274 : memref<4000xf32, #tpu.memory_space<hbm>>)
      } else {
      }
    } else {
    }
    %eq3A_169 = arith.constant 1 : i32
    %eq3A_170 = arith.cmpi eq, %and3A_163, %eq3A_169 : i32
    %convert_element_type3A_171 = arith.extui %eq3A_170 : i1 to i32
    %cond3A_172 = arith.constant 0 : i32
    %cond3A_173 = arith.cmpi ne, %convert_element_type3A_171, %cond3A_172 : i32
    scf.if %cond3A_173 {
      %dma_wait3A = arith.constant 1 : i32
      %dma_wait3A_253 = arith.constant 0 : i32
      %dma_wait3A_254 = tpu.memref_slice %arg13[%dma_wait3A, %dma_wait3A_253] : memref<2x4000xf32, #tpu.memory_space<vmem>> -> memref<1x4000xf32, #tpu.memory_space<vmem>>
      %dma_wait3A_255 = tpu.memref_squeeze %dma_wait3A_254 : memref<1x4000xf32, #tpu.memory_space<vmem>> -> memref<4000xf32, #tpu.memory_space<vmem>>
      %dma_wait3A_256 = arith.constant 0 : i32
      %dma_wait3A_257 = tpu.memref_slice %arg9[%dma_wait3A_256] : memref<6400000xf32, #tpu.memory_space<hbm>> -> memref<4000xf32, #tpu.memory_space<hbm>>
      %dma_wait3A_258 = arith.constant 0 : i32
      %dma_wait3A_259 = tpu.memref_slice %arg9[%dma_wait3A_258] : memref<6400000xf32, #tpu.memory_space<hbm>> -> memref<4000xf32, #tpu.memory_space<hbm>>
      %dma_wait3A_260 = arith.constant 0 : i32
      %dma_wait3A_261 = tpu.memref_slice %arg13[%dma_wait3A, %dma_wait3A_260] : memref<2x4000xf32, #tpu.memory_space<vmem>> -> memref<1x4000xf32, #tpu.memory_space<vmem>>
      %dma_wait3A_262 = tpu.memref_squeeze %dma_wait3A_261 : memref<1x4000xf32, #tpu.memory_space<vmem>> -> memref<4000xf32, #tpu.memory_space<vmem>>
      tpu.wait_dma2 semaphore(%arg19 : memref<!tpu.dma_semaphore, #tpu.memory_space<semaphore_mem>>) src(%dma_wait3A_262 : memref<4000xf32, #tpu.memory_space<vmem>>) dst(%dma_wait3A_259 : memref<4000xf32, #tpu.memory_space<hbm>>)
      %dma_wait3A_263 = arith.constant 0 : i32
      %dma_wait3A_264 = arith.constant 0 : i32
      %dma_wait3A_265 = tpu.memref_slice %arg13[%dma_wait3A_263, %dma_wait3A_264] : memref<2x4000xf32, #tpu.memory_space<vmem>> -> memref<1x4000xf32, #tpu.memory_space<vmem>>
      %dma_wait3A_266 = tpu.memref_squeeze %dma_wait3A_265 : memref<1x4000xf32, #tpu.memory_space<vmem>> -> memref<4000xf32, #tpu.memory_space<vmem>>
      %dma_wait3A_267 = arith.constant 0 : i32
      %dma_wait3A_268 = tpu.memref_slice %arg9[%dma_wait3A_267] : memref<6400000xf32, #tpu.memory_space<hbm>> -> memref<4000xf32, #tpu.memory_space<hbm>>
      %dma_wait3A_269 = arith.constant 0 : i32
      %dma_wait3A_270 = tpu.memref_slice %arg9[%dma_wait3A_269] : memref<6400000xf32, #tpu.memory_space<hbm>> -> memref<4000xf32, #tpu.memory_space<hbm>>
      %dma_wait3A_271 = arith.constant 0 : i32
      %dma_wait3A_272 = tpu.memref_slice %arg13[%dma_wait3A_263, %dma_wait3A_271] : memref<2x4000xf32, #tpu.memory_space<vmem>> -> memref<1x4000xf32, #tpu.memory_space<vmem>>
      %dma_wait3A_273 = tpu.memref_squeeze %dma_wait3A_272 : memref<1x4000xf32, #tpu.memory_space<vmem>> -> memref<4000xf32, #tpu.memory_space<vmem>>
      tpu.wait_dma2 semaphore(%arg18 : memref<!tpu.dma_semaphore, #tpu.memory_space<semaphore_mem>>) src(%dma_wait3A_273 : memref<4000xf32, #tpu.memory_space<vmem>>) dst(%dma_wait3A_270 : memref<4000xf32, #tpu.memory_space<hbm>>)
    } else {
    }
    "tpu.region"() ({
      %run_scoped3A = tpu.sem_alloc : memref<!tpu.dma_semaphore, #tpu.memory_space<semaphore_mem>>
      tpu.enqueue_dma source(%arg6 : memref<100000xf32, #tpu.memory_space<hbm>>) target(%arg14 : memref<100000xf32, #tpu.memory_space<vmem>>) target_semaphore(%run_scoped3A : memref<!tpu.dma_semaphore, #tpu.memory_space<semaphore_mem>>)
      tpu.wait_dma2 semaphore(%run_scoped3A : memref<!tpu.dma_semaphore, #tpu.memory_space<semaphore_mem>>) src(%arg6 : memref<100000xf32, #tpu.memory_space<hbm>>) dst(%arg14 : memref<100000xf32, #tpu.memory_space<vmem>>)
      tpu.yield
    }) : () -> ()
    %add3A_174 = arith.constant 0 : i32
    %add3A_175 = arith.addi %add3A, %add3A_174 : i32
    %mul3A_176 = arith.constant 4000 : i32
    %mul3A_177 = arith.muli %add3A_175, %mul3A_176 : i32
    %dma_start3A_178 = arith.constant 0 : i32
    %dma_start3A_179 = arith.constant 0 : i32
    %dma_start3A_180 = tpu.memref_slice %arg11[%dma_start3A_178, %dma_start3A_179] : memref<2x4000xi32, #tpu.memory_space<vmem>> -> memref<1x4000xi32, #tpu.memory_space<vmem>>
    %dma_start3A_181 = tpu.memref_squeeze %dma_start3A_180 : memref<1x4000xi32, #tpu.memory_space<vmem>> -> memref<4000xi32, #tpu.memory_space<vmem>>
    %dma_start3A_182 = tpu.memref_slice %arg2[%mul3A_177] : memref<6400000xi32, #tpu.memory_space<hbm>> -> memref<4000xi32, #tpu.memory_space<hbm>>
    %dma_start3A_183 = arith.constant 0 : i32
    %dma_start3A_184 = tpu.memref_slice %arg11[%dma_start3A_178, %dma_start3A_183] : memref<2x4000xi32, #tpu.memory_space<vmem>> -> memref<1x4000xi32, #tpu.memory_space<vmem>>
    %dma_start3A_185 = tpu.memref_squeeze %dma_start3A_184 : memref<1x4000xi32, #tpu.memory_space<vmem>> -> memref<4000xi32, #tpu.memory_space<vmem>>
    %dma_start3A_186 = tpu.memref_slice %arg2[%mul3A_177] : memref<6400000xi32, #tpu.memory_space<hbm>> -> memref<4000xi32, #tpu.memory_space<hbm>>
    tpu.enqueue_dma source(%dma_start3A_186 : memref<4000xi32, #tpu.memory_space<hbm>>) target(%dma_start3A_185 : memref<4000xi32, #tpu.memory_space<vmem>>) target_semaphore(%arg16 : memref<!tpu.dma_semaphore, #tpu.memory_space<semaphore_mem>>)
    %dma_start3A_187 = arith.constant 0 : i32
    %dma_start3A_188 = arith.constant 0 : i32
    %dma_start3A_189 = tpu.memref_slice %arg12[%dma_start3A_187, %dma_start3A_188] : memref<2x4000xi32, #tpu.memory_space<vmem>> -> memref<1x4000xi32, #tpu.memory_space<vmem>>
    %dma_start3A_190 = tpu.memref_squeeze %dma_start3A_189 : memref<1x4000xi32, #tpu.memory_space<vmem>> -> memref<4000xi32, #tpu.memory_space<vmem>>
    %dma_start3A_191 = tpu.memref_slice %arg3[%mul3A_177] : memref<6400000xi32, #tpu.memory_space<hbm>> -> memref<4000xi32, #tpu.memory_space<hbm>>
    %dma_start3A_192 = arith.constant 0 : i32
    %dma_start3A_193 = tpu.memref_slice %arg12[%dma_start3A_187, %dma_start3A_192] : memref<2x4000xi32, #tpu.memory_space<vmem>> -> memref<1x4000xi32, #tpu.memory_space<vmem>>
    %dma_start3A_194 = tpu.memref_squeeze %dma_start3A_193 : memref<1x4000xi32, #tpu.memory_space<vmem>> -> memref<4000xi32, #tpu.memory_space<vmem>>
    %dma_start3A_195 = tpu.memref_slice %arg3[%mul3A_177] : memref<6400000xi32, #tpu.memory_space<hbm>> -> memref<4000xi32, #tpu.memory_space<hbm>>
    tpu.enqueue_dma source(%dma_start3A_195 : memref<4000xi32, #tpu.memory_space<hbm>>) target(%dma_start3A_194 : memref<4000xi32, #tpu.memory_space<vmem>>) target_semaphore(%arg16 : memref<!tpu.dma_semaphore, #tpu.memory_space<semaphore_mem>>)
    %gt3A_196 = arith.constant 1 : i32
    %gt3A_197 = arith.cmpi sgt, %select_n3A, %gt3A_196 : i32
    %convert_element_type3A_198 = arith.extui %gt3A_197 : i1 to i32
    %cond3A_199 = arith.constant 0 : i32
    %cond3A_200 = arith.cmpi ne, %convert_element_type3A_198, %cond3A_199 : i32
    scf.if %cond3A_200 {
      %add3A_253 = arith.constant 32 : i32
      %add3A_254 = arith.addi %add3A, %add3A_253 : i32
      %mul3A_255 = arith.constant 4000 : i32
      %mul3A_256 = arith.muli %add3A_254, %mul3A_255 : i32
      %dma_start3A_257 = arith.constant 1 : i32
      %dma_start3A_258 = arith.constant 0 : i32
      %dma_start3A_259 = tpu.memref_slice %arg11[%dma_start3A_257, %dma_start3A_258] : memref<2x4000xi32, #tpu.memory_space<vmem>> -> memref<1x4000xi32, #tpu.memory_space<vmem>>
      %dma_start3A_260 = tpu.memref_squeeze %dma_start3A_259 : memref<1x4000xi32, #tpu.memory_space<vmem>> -> memref<4000xi32, #tpu.memory_space<vmem>>
      %dma_start3A_261 = tpu.memref_slice %arg2[%mul3A_256] : memref<6400000xi32, #tpu.memory_space<hbm>> -> memref<4000xi32, #tpu.memory_space<hbm>>
      %dma_start3A_262 = arith.constant 0 : i32
      %dma_start3A_263 = tpu.memref_slice %arg11[%dma_start3A_257, %dma_start3A_262] : memref<2x4000xi32, #tpu.memory_space<vmem>> -> memref<1x4000xi32, #tpu.memory_space<vmem>>
      %dma_start3A_264 = tpu.memref_squeeze %dma_start3A_263 : memref<1x4000xi32, #tpu.memory_space<vmem>> -> memref<4000xi32, #tpu.memory_space<vmem>>
      %dma_start3A_265 = tpu.memref_slice %arg2[%mul3A_256] : memref<6400000xi32, #tpu.memory_space<hbm>> -> memref<4000xi32, #tpu.memory_space<hbm>>
      tpu.enqueue_dma source(%dma_start3A_265 : memref<4000xi32, #tpu.memory_space<hbm>>) target(%dma_start3A_264 : memref<4000xi32, #tpu.memory_space<vmem>>) target_semaphore(%arg17 : memref<!tpu.dma_semaphore, #tpu.memory_space<semaphore_mem>>)
      %dma_start3A_266 = arith.constant 1 : i32
      %dma_start3A_267 = arith.constant 0 : i32
      %dma_start3A_268 = tpu.memref_slice %arg12[%dma_start3A_266, %dma_start3A_267] : memref<2x4000xi32, #tpu.memory_space<vmem>> -> memref<1x4000xi32, #tpu.memory_space<vmem>>
      %dma_start3A_269 = tpu.memref_squeeze %dma_start3A_268 : memref<1x4000xi32, #tpu.memory_space<vmem>> -> memref<4000xi32, #tpu.memory_space<vmem>>
      %dma_start3A_270 = tpu.memref_slice %arg3[%mul3A_256] : memref<6400000xi32, #tpu.memory_space<hbm>> -> memref<4000xi32, #tpu.memory_space<hbm>>
      %dma_start3A_271 = arith.constant 0 : i32
      %dma_start3A_272 = tpu.memref_slice %arg12[%dma_start3A_266, %dma_start3A_271] : memref<2x4000xi32, #tpu.memory_space<vmem>> -> memref<1x4000xi32, #tpu.memory_space<vmem>>
      %dma_start3A_273 = tpu.memref_squeeze %dma_start3A_272 : memref<1x4000xi32, #tpu.memory_space<vmem>> -> memref<4000xi32, #tpu.memory_space<vmem>>
      %dma_start3A_274 = tpu.memref_slice %arg3[%mul3A_256] : memref<6400000xi32, #tpu.memory_space<hbm>> -> memref<4000xi32, #tpu.memory_space<hbm>>
      tpu.enqueue_dma source(%dma_start3A_274 : memref<4000xi32, #tpu.memory_space<hbm>>) target(%dma_start3A_273 : memref<4000xi32, #tpu.memory_space<vmem>>) target_semaphore(%arg17 : memref<!tpu.dma_semaphore, #tpu.memory_space<semaphore_mem>>)
    } else {
    }
    %add3A_201 = arith.constant 1 : i32
    %add3A_202 = arith.addi %select_n3A, %add3A_201 : i32
    %jit3A_203 = arith.constant 2 : i32
    %div3A_204 = arith.divsi %add3A_202, %jit3A_203 : i32
    %sign3A_205 = arith.constant 0 : i32
    %sign3A_206 = arith.cmpi sgt, %add3A_202, %sign3A_205 : i32
    %sign3A_207 = arith.extui %sign3A_206 : i1 to i32
    %sign3A_208 = arith.constant 0 : i32
    %sign3A_209 = arith.cmpi slt, %add3A_202, %sign3A_208 : i32
    %sign3A_210 = arith.extui %sign3A_209 : i1 to i32
    %sign3A_211 = arith.subi %sign3A_207, %sign3A_210 : i32
    %sign3A_212 = arith.constant 0 : i32
    %sign3A_213 = arith.cmpi sgt, %jit3A_203, %sign3A_212 : i32
    %sign3A_214 = arith.extui %sign3A_213 : i1 to i32
    %sign3A_215 = arith.constant 0 : i32
    %sign3A_216 = arith.cmpi slt, %jit3A_203, %sign3A_215 : i32
    %sign3A_217 = arith.extui %sign3A_216 : i1 to i32
    %sign3A_218 = arith.subi %sign3A_214, %sign3A_217 : i32
    %ne3A_219 = arith.cmpi ne, %sign3A_211, %sign3A_218 : i32
    %rem3A_220 = arith.remsi %add3A_202, %jit3A_203 : i32
    %ne3A_221 = arith.constant 0 : i32
    %ne3A_222 = arith.cmpi ne, %rem3A_220, %ne3A_221 : i32
    %and3A_223 = arith.andi %ne3A_219, %ne3A_222 : i1
    %sub3A_224 = arith.constant 1 : i32
    %sub3A_225 = arith.subi %div3A_204, %sub3A_224 : i32
    %select_n3A_226 = arith.select %and3A_223, %sub3A_225, %div3A_204 : i32
    %while3A_227 = arith.constant 0 : i32
    %while3A_228 = arith.subi %select_n3A_226, %while3A_227 : i32
    %while3A_229 = arith.addi %while3A_227, %while3A_228 : i32
    %while3A_230 = arith.constant 1 : i32
    %while3A_231 = arith.divsi %while3A_228, %while3A_230 : i32
    %while3A_232 = arith.muli %while3A_231, %while3A_230 : i32
    %while3A_233 = arith.addi %while3A_227, %while3A_232 : i32
    %while3A_234 = arith.constant 1 : i32
    %while3A_235 = scf.for %while3A_253 = %while3A_227 to %while3A_233 step %while3A_234 iter_args(%while3A_254 = %while3A_159) -> (vector<16xf32>)  : i32 {
      %mul3A_255 = arith.constant 2 : i32
      %mul3A_256 = arith.muli %mul3A_255, %while3A_253 : i32
      %add3A_257 = arith.constant 0 : i32
      %add3A_258 = arith.addi %mul3A_256, %add3A_257 : i32
      %lt3A = arith.cmpi slt, %add3A_258, %select_n3A : i32
      %convert_element_type3A_259 = arith.extui %lt3A : i1 to i32
      %cond3A_260 = arith.constant 0 : i32
      %cond3A_261 = arith.cmpi ne, %convert_element_type3A_259, %cond3A_260 : i32
      %cond3A_262 = scf.if %cond3A_261 -> (vector<16xf32>) {
        %dma_wait3A = arith.constant 0 : i32
        %dma_wait3A_272 = arith.constant 0 : i32
        %dma_wait3A_273 = tpu.memref_slice %arg11[%dma_wait3A, %dma_wait3A_272] : memref<2x4000xi32, #tpu.memory_space<vmem>> -> memref<1x4000xi32, #tpu.memory_space<vmem>>
        %dma_wait3A_274 = tpu.memref_squeeze %dma_wait3A_273 : memref<1x4000xi32, #tpu.memory_space<vmem>> -> memref<4000xi32, #tpu.memory_space<vmem>>
        %dma_wait3A_275 = arith.constant 0 : i32
        %dma_wait3A_276 = tpu.memref_slice %arg2[%dma_wait3A_275] : memref<6400000xi32, #tpu.memory_space<hbm>> -> memref<4000xi32, #tpu.memory_space<hbm>>
        %dma_wait3A_277 = arith.constant 0 : i32
        %dma_wait3A_278 = tpu.memref_slice %arg11[%dma_wait3A, %dma_wait3A_277] : memref<2x4000xi32, #tpu.memory_space<vmem>> -> memref<1x4000xi32, #tpu.memory_space<vmem>>
        %dma_wait3A_279 = tpu.memref_squeeze %dma_wait3A_278 : memref<1x4000xi32, #tpu.memory_space<vmem>> -> memref<4000xi32, #tpu.memory_space<vmem>>
        %dma_wait3A_280 = arith.constant 0 : i32
        %dma_wait3A_281 = tpu.memref_slice %arg2[%dma_wait3A_280] : memref<6400000xi32, #tpu.memory_space<hbm>> -> memref<4000xi32, #tpu.memory_space<hbm>>
        tpu.wait_dma2 semaphore(%arg16 : memref<!tpu.dma_semaphore, #tpu.memory_space<semaphore_mem>>) src(%dma_wait3A_281 : memref<4000xi32, #tpu.memory_space<hbm>>) dst(%dma_wait3A_279 : memref<4000xi32, #tpu.memory_space<vmem>>)
        %dma_wait3A_282 = arith.constant 0 : i32
        %dma_wait3A_283 = arith.constant 0 : i32
        %dma_wait3A_284 = tpu.memref_slice %arg12[%dma_wait3A_282, %dma_wait3A_283] : memref<2x4000xi32, #tpu.memory_space<vmem>> -> memref<1x4000xi32, #tpu.memory_space<vmem>>
        %dma_wait3A_285 = tpu.memref_squeeze %dma_wait3A_284 : memref<1x4000xi32, #tpu.memory_space<vmem>> -> memref<4000xi32, #tpu.memory_space<vmem>>
        %dma_wait3A_286 = arith.constant 0 : i32
        %dma_wait3A_287 = tpu.memref_slice %arg3[%dma_wait3A_286] : memref<6400000xi32, #tpu.memory_space<hbm>> -> memref<4000xi32, #tpu.memory_space<hbm>>
        %dma_wait3A_288 = arith.constant 0 : i32
        %dma_wait3A_289 = tpu.memref_slice %arg12[%dma_wait3A_282, %dma_wait3A_288] : memref<2x4000xi32, #tpu.memory_space<vmem>> -> memref<1x4000xi32, #tpu.memory_space<vmem>>
        %dma_wait3A_290 = tpu.memref_squeeze %dma_wait3A_289 : memref<1x4000xi32, #tpu.memory_space<vmem>> -> memref<4000xi32, #tpu.memory_space<vmem>>
        %dma_wait3A_291 = arith.constant 0 : i32
        %dma_wait3A_292 = tpu.memref_slice %arg3[%dma_wait3A_291] : memref<6400000xi32, #tpu.memory_space<hbm>> -> memref<4000xi32, #tpu.memory_space<hbm>>
        tpu.wait_dma2 semaphore(%arg16 : memref<!tpu.dma_semaphore, #tpu.memory_space<semaphore_mem>>) src(%dma_wait3A_292 : memref<4000xi32, #tpu.memory_space<hbm>>) dst(%dma_wait3A_290 : memref<4000xi32, #tpu.memory_space<vmem>>)
        %ge3A = arith.constant 2 : i32
        %ge3A_293 = arith.cmpi sge, %add3A_258, %ge3A : i32
        %convert_element_type3A_294 = arith.extui %ge3A_293 : i1 to i32
        %cond3A_295 = arith.constant 0 : i32
        %cond3A_296 = arith.cmpi ne, %convert_element_type3A_294, %cond3A_295 : i32
        scf.if %cond3A_296 {
          %dma_wait3A_322 = arith.constant 0 : i32
          %dma_wait3A_323 = arith.constant 0 : i32
          %dma_wait3A_324 = tpu.memref_slice %arg13[%dma_wait3A_322, %dma_wait3A_323] : memref<2x4000xf32, #tpu.memory_space<vmem>> -> memref<1x4000xf32, #tpu.memory_space<vmem>>
          %dma_wait3A_325 = tpu.memref_squeeze %dma_wait3A_324 : memref<1x4000xf32, #tpu.memory_space<vmem>> -> memref<4000xf32, #tpu.memory_space<vmem>>
          %dma_wait3A_326 = arith.constant 0 : i32
          %dma_wait3A_327 = tpu.memref_slice %arg10[%dma_wait3A_326] : memref<6400000xf32, #tpu.memory_space<hbm>> -> memref<4000xf32, #tpu.memory_space<hbm>>
          %dma_wait3A_328 = arith.constant 0 : i32
          %dma_wait3A_329 = tpu.memref_slice %arg10[%dma_wait3A_328] : memref<6400000xf32, #tpu.memory_space<hbm>> -> memref<4000xf32, #tpu.memory_space<hbm>>
          %dma_wait3A_330 = arith.constant 0 : i32
          %dma_wait3A_331 = tpu.memref_slice %arg13[%dma_wait3A_322, %dma_wait3A_330] : memref<2x4000xf32, #tpu.memory_space<vmem>> -> memref<1x4000xf32, #tpu.memory_space<vmem>>
          %dma_wait3A_332 = tpu.memref_squeeze %dma_wait3A_331 : memref<1x4000xf32, #tpu.memory_space<vmem>> -> memref<4000xf32, #tpu.memory_space<vmem>>
          tpu.wait_dma2 semaphore(%arg18 : memref<!tpu.dma_semaphore, #tpu.memory_space<semaphore_mem>>) src(%dma_wait3A_332 : memref<4000xf32, #tpu.memory_space<vmem>>) dst(%dma_wait3A_329 : memref<4000xf32, #tpu.memory_space<hbm>>)
        } else {
        }
        %scan3A = arith.constant 0 : i32
        %scan3A_297 = arith.constant 250 : i32
        %scan3A_298 = arith.addi %scan3A, %scan3A_297 : i32
        %scan3A_299 = arith.constant 1 : i32
        %scan3A_300 = scf.for %scan3A_322 = %scan3A to %scan3A_298 step %scan3A_299 iter_args(%scan3A_323 = %while3A_254) -> (vector<16xf32>)  : i32 {
          %mul3A_324 = arith.constant 16 : i32
          %mul3A_325 = arith.muli %scan3A_322, %mul3A_324 : i32
          %get3A = arith.constant 0 : i32
          %get3A_326 = arith.index_cast %get3A : i32 to index
          %get3A_327 = arith.index_cast %mul3A_325 : i32 to index
          %get3A_328 = tpu.vector_load %arg11[%get3A_326, %get3A_327] {strides = array<i32>} : memref<2x4000xi32, #tpu.memory_space<vmem>>, vector<16xi32>,
          %gather3A = tpu.vector_load_idx %arg14[%get3A_328] : memref<100000xf32, #tpu.memory_space<vmem>>[vector<16xi32>], vector<16xf32>,
          %get3A_329 = arith.constant 0 : i32
          %get3A_330 = arith.index_cast %get3A_329 : i32 to index
          %get3A_331 = arith.index_cast %mul3A_325 : i32 to index
          %get3A_332 = tpu.vector_load %arg12[%get3A_330, %get3A_331] {strides = array<i32>} : memref<2x4000xi32, #tpu.memory_space<vmem>>, vector<16xi32>,
          %gather3A_333 = tpu.vector_load_idx %arg14[%get3A_332] : memref<100000xf32, #tpu.memory_space<vmem>>[vector<16xi32>], vector<16xf32>,
          %sub3A_334 = arith.subf %gather3A_333, %gather3A : vector<16xf32>
          %swap3A_335 = arith.constant 0 : i32
          %swap3A_336 = arith.index_cast %swap3A_335 : i32 to index
          %swap3A_337 = arith.index_cast %mul3A_325 : i32 to index
          %swap3A_338 = tpu.vector_load %arg13[%swap3A_336, %swap3A_337] {strides = array<i32>} : memref<2x4000xf32, #tpu.memory_space<vmem>>, vector<16xf32>,
          tpu.vector_store %arg13[%swap3A_336, %swap3A_337], %sub3A_334 {strides = array<i32>} : memref<2x4000xf32, #tpu.memory_space<vmem>>, vector<16xf32>,
          %abs3A = math.absf %sub3A_334 : vector<16xf32>
          %max3A = arith.maximumf %scan3A_323, %abs3A : vector<16xf32>
          scf.yield %max3A : vector<16xf32>
        }
        %scan3A_301 = arith.constant 250 : i32
        %mul3A_302 = arith.constant 32 : i32
        %mul3A_303 = arith.muli %add3A_258, %mul3A_302 : i32
        %add3A_304 = arith.addi %add3A, %mul3A_303 : i32
        %mul3A_305 = arith.constant 4000 : i32
        %mul3A_306 = arith.muli %add3A_304, %mul3A_305 : i32
        %dma_start3A_307 = arith.constant 0 : i32
        %dma_start3A_308 = arith.constant 0 : i32
        %dma_start3A_309 = tpu.memref_slice %arg13[%dma_start3A_307, %dma_start3A_308] : memref<2x4000xf32, #tpu.memory_space<vmem>> -> memref<1x4000xf32, #tpu.memory_space<vmem>>
        %dma_start3A_310 = tpu.memref_squeeze %dma_start3A_309 : memref<1x4000xf32, #tpu.memory_space<vmem>> -> memref<4000xf32, #tpu.memory_space<vmem>>
        %dma_start3A_311 = tpu.memref_slice %arg10[%mul3A_306] : memref<6400000xf32, #tpu.memory_space<hbm>> -> memref<4000xf32, #tpu.memory_space<hbm>>
        %dma_start3A_312 = tpu.memref_slice %arg10[%mul3A_306] : memref<6400000xf32, #tpu.memory_space<hbm>> -> memref<4000xf32, #tpu.memory_space<hbm>>
        %dma_start3A_313 = arith.constant 0 : i32
        %dma_start3A_314 = tpu.memref_slice %arg13[%dma_start3A_307, %dma_start3A_313] : memref<2x4000xf32, #tpu.memory_space<vmem>> -> memref<1x4000xf32, #tpu.memory_space<vmem>>
        %dma_start3A_315 = tpu.memref_squeeze %dma_start3A_314 : memref<1x4000xf32, #tpu.memory_space<vmem>> -> memref<4000xf32, #tpu.memory_space<vmem>>
        tpu.enqueue_dma source(%dma_start3A_315 : memref<4000xf32, #tpu.memory_space<vmem>>) target(%dma_start3A_312 : memref<4000xf32, #tpu.memory_space<hbm>>) target_semaphore(%arg18 : memref<!tpu.dma_semaphore, #tpu.memory_space<semaphore_mem>>)
        %add3A_316 = arith.constant 2 : i32
        %add3A_317 = arith.addi %add3A_258, %add3A_316 : i32
        %lt3A_318 = arith.cmpi slt, %add3A_317, %select_n3A : i32
        %convert_element_type3A_319 = arith.extui %lt3A_318 : i1 to i32
        %cond3A_320 = arith.constant 0 : i32
        %cond3A_321 = arith.cmpi ne, %convert_element_type3A_319, %cond3A_320 : i32
        scf.if %cond3A_321 {
          %add3A_322 = arith.constant 2 : i32
          %add3A_323 = arith.addi %add3A_258, %add3A_322 : i32
          %mul3A_324 = arith.constant 32 : i32
          %mul3A_325 = arith.muli %add3A_323, %mul3A_324 : i32
          %add3A_326 = arith.addi %add3A, %mul3A_325 : i32
          %mul3A_327 = arith.constant 4000 : i32
          %mul3A_328 = arith.muli %add3A_326, %mul3A_327 : i32
          %dma_start3A_329 = arith.constant 0 : i32
          %dma_start3A_330 = arith.constant 0 : i32
          %dma_start3A_331 = tpu.memref_slice %arg11[%dma_start3A_329, %dma_start3A_330] : memref<2x4000xi32, #tpu.memory_space<vmem>> -> memref<1x4000xi32, #tpu.memory_space<vmem>>
          %dma_start3A_332 = tpu.memref_squeeze %dma_start3A_331 : memref<1x4000xi32, #tpu.memory_space<vmem>> -> memref<4000xi32, #tpu.memory_space<vmem>>
          %dma_start3A_333 = tpu.memref_slice %arg2[%mul3A_328] : memref<6400000xi32, #tpu.memory_space<hbm>> -> memref<4000xi32, #tpu.memory_space<hbm>>
          %dma_start3A_334 = arith.constant 0 : i32
          %dma_start3A_335 = tpu.memref_slice %arg11[%dma_start3A_329, %dma_start3A_334] : memref<2x4000xi32, #tpu.memory_space<vmem>> -> memref<1x4000xi32, #tpu.memory_space<vmem>>
          %dma_start3A_336 = tpu.memref_squeeze %dma_start3A_335 : memref<1x4000xi32, #tpu.memory_space<vmem>> -> memref<4000xi32, #tpu.memory_space<vmem>>
          %dma_start3A_337 = tpu.memref_slice %arg2[%mul3A_328] : memref<6400000xi32, #tpu.memory_space<hbm>> -> memref<4000xi32, #tpu.memory_space<hbm>>
          tpu.enqueue_dma source(%dma_start3A_337 : memref<4000xi32, #tpu.memory_space<hbm>>) target(%dma_start3A_336 : memref<4000xi32, #tpu.memory_space<vmem>>) target_semaphore(%arg16 : memref<!tpu.dma_semaphore, #tpu.memory_space<semaphore_mem>>)
          %dma_start3A_338 = arith.constant 0 : i32
          %dma_start3A_339 = arith.constant 0 : i32
          %dma_start3A_340 = tpu.memref_slice %arg12[%dma_start3A_338, %dma_start3A_339] : memref<2x4000xi32, #tpu.memory_space<vmem>> -> memref<1x4000xi32, #tpu.memory_space<vmem>>
          %dma_start3A_341 = tpu.memref_squeeze %dma_start3A_340 : memref<1x4000xi32, #tpu.memory_space<vmem>> -> memref<4000xi32, #tpu.memory_space<vmem>>
          %dma_start3A_342 = tpu.memref_slice %arg3[%mul3A_328] : memref<6400000xi32, #tpu.memory_space<hbm>> -> memref<4000xi32, #tpu.memory_space<hbm>>
          %dma_start3A_343 = arith.constant 0 : i32
          %dma_start3A_344 = tpu.memref_slice %arg12[%dma_start3A_338, %dma_start3A_343] : memref<2x4000xi32, #tpu.memory_space<vmem>> -> memref<1x4000xi32, #tpu.memory_space<vmem>>
          %dma_start3A_345 = tpu.memref_squeeze %dma_start3A_344 : memref<1x4000xi32, #tpu.memory_space<vmem>> -> memref<4000xi32, #tpu.memory_space<vmem>>
          %dma_start3A_346 = tpu.memref_slice %arg3[%mul3A_328] : memref<6400000xi32, #tpu.memory_space<hbm>> -> memref<4000xi32, #tpu.memory_space<hbm>>
          tpu.enqueue_dma source(%dma_start3A_346 : memref<4000xi32, #tpu.memory_space<hbm>>) target(%dma_start3A_345 : memref<4000xi32, #tpu.memory_space<vmem>>) target_semaphore(%arg16 : memref<!tpu.dma_semaphore, #tpu.memory_space<semaphore_mem>>)
        } else {
        }
        scf.yield %scan3A_300 : vector<16xf32>
      } else {
        scf.yield %while3A_254 : vector<16xf32>
      }
      %mul3A_263 = arith.constant 2 : i32
      %mul3A_264 = arith.muli %mul3A_263, %while3A_253 : i32
      %add3A_265 = arith.constant 1 : i32
      %add3A_266 = arith.addi %mul3A_264, %add3A_265 : i32
      %lt3A_267 = arith.cmpi slt, %add3A_266, %select_n3A : i32
      %convert_element_type3A_268 = arith.extui %lt3A_267 : i1 to i32
      %cond3A_269 = arith.constant 0 : i32
      %cond3A_270 = arith.cmpi ne, %convert_element_type3A_268, %cond3A_269 : i32
      %cond3A_271 = scf.if %cond3A_270 -> (vector<16xf32>) {
        %dma_wait3A = arith.constant 1 : i32
        %dma_wait3A_272 = arith.constant 0 : i32
        %dma_wait3A_273 = tpu.memref_slice %arg11[%dma_wait3A, %dma_wait3A_272] : memref<2x4000xi32, #tpu.memory_space<vmem>> -> memref<1x4000xi32, #tpu.memory_space<vmem>>
        %dma_wait3A_274 = tpu.memref_squeeze %dma_wait3A_273 : memref<1x4000xi32, #tpu.memory_space<vmem>> -> memref<4000xi32, #tpu.memory_space<vmem>>
        %dma_wait3A_275 = arith.constant 0 : i32
        %dma_wait3A_276 = tpu.memref_slice %arg2[%dma_wait3A_275] : memref<6400000xi32, #tpu.memory_space<hbm>> -> memref<4000xi32, #tpu.memory_space<hbm>>
        %dma_wait3A_277 = arith.constant 0 : i32
        %dma_wait3A_278 = tpu.memref_slice %arg11[%dma_wait3A, %dma_wait3A_277] : memref<2x4000xi32, #tpu.memory_space<vmem>> -> memref<1x4000xi32, #tpu.memory_space<vmem>>
        %dma_wait3A_279 = tpu.memref_squeeze %dma_wait3A_278 : memref<1x4000xi32, #tpu.memory_space<vmem>> -> memref<4000xi32, #tpu.memory_space<vmem>>
        %dma_wait3A_280 = arith.constant 0 : i32
        %dma_wait3A_281 = tpu.memref_slice %arg2[%dma_wait3A_280] : memref<6400000xi32, #tpu.memory_space<hbm>> -> memref<4000xi32, #tpu.memory_space<hbm>>
        tpu.wait_dma2 semaphore(%arg17 : memref<!tpu.dma_semaphore, #tpu.memory_space<semaphore_mem>>) src(%dma_wait3A_281 : memref<4000xi32, #tpu.memory_space<hbm>>) dst(%dma_wait3A_279 : memref<4000xi32, #tpu.memory_space<vmem>>)
        %dma_wait3A_282 = arith.constant 1 : i32
        %dma_wait3A_283 = arith.constant 0 : i32
        %dma_wait3A_284 = tpu.memref_slice %arg12[%dma_wait3A_282, %dma_wait3A_283] : memref<2x4000xi32, #tpu.memory_space<vmem>> -> memref<1x4000xi32, #tpu.memory_space<vmem>>
        %dma_wait3A_285 = tpu.memref_squeeze %dma_wait3A_284 : memref<1x4000xi32, #tpu.memory_space<vmem>> -> memref<4000xi32, #tpu.memory_space<vmem>>
        %dma_wait3A_286 = arith.constant 0 : i32
        %dma_wait3A_287 = tpu.memref_slice %arg3[%dma_wait3A_286] : memref<6400000xi32, #tpu.memory_space<hbm>> -> memref<4000xi32, #tpu.memory_space<hbm>>
        %dma_wait3A_288 = arith.constant 0 : i32
        %dma_wait3A_289 = tpu.memref_slice %arg12[%dma_wait3A_282, %dma_wait3A_288] : memref<2x4000xi32, #tpu.memory_space<vmem>> -> memref<1x4000xi32, #tpu.memory_space<vmem>>
        %dma_wait3A_290 = tpu.memref_squeeze %dma_wait3A_289 : memref<1x4000xi32, #tpu.memory_space<vmem>> -> memref<4000xi32, #tpu.memory_space<vmem>>
        %dma_wait3A_291 = arith.constant 0 : i32
        %dma_wait3A_292 = tpu.memref_slice %arg3[%dma_wait3A_291] : memref<6400000xi32, #tpu.memory_space<hbm>> -> memref<4000xi32, #tpu.memory_space<hbm>>
        tpu.wait_dma2 semaphore(%arg17 : memref<!tpu.dma_semaphore, #tpu.memory_space<semaphore_mem>>) src(%dma_wait3A_292 : memref<4000xi32, #tpu.memory_space<hbm>>) dst(%dma_wait3A_290 : memref<4000xi32, #tpu.memory_space<vmem>>)
        %ge3A = arith.constant 2 : i32
        %ge3A_293 = arith.cmpi sge, %add3A_266, %ge3A : i32
        %convert_element_type3A_294 = arith.extui %ge3A_293 : i1 to i32
        %cond3A_295 = arith.constant 0 : i32
        %cond3A_296 = arith.cmpi ne, %convert_element_type3A_294, %cond3A_295 : i32
        scf.if %cond3A_296 {
          %dma_wait3A_322 = arith.constant 1 : i32
          %dma_wait3A_323 = arith.constant 0 : i32
          %dma_wait3A_324 = tpu.memref_slice %arg13[%dma_wait3A_322, %dma_wait3A_323] : memref<2x4000xf32, #tpu.memory_space<vmem>> -> memref<1x4000xf32, #tpu.memory_space<vmem>>
          %dma_wait3A_325 = tpu.memref_squeeze %dma_wait3A_324 : memref<1x4000xf32, #tpu.memory_space<vmem>> -> memref<4000xf32, #tpu.memory_space<vmem>>
          %dma_wait3A_326 = arith.constant 0 : i32
          %dma_wait3A_327 = tpu.memref_slice %arg10[%dma_wait3A_326] : memref<6400000xf32, #tpu.memory_space<hbm>> -> memref<4000xf32, #tpu.memory_space<hbm>>
          %dma_wait3A_328 = arith.constant 0 : i32
          %dma_wait3A_329 = tpu.memref_slice %arg10[%dma_wait3A_328] : memref<6400000xf32, #tpu.memory_space<hbm>> -> memref<4000xf32, #tpu.memory_space<hbm>>
          %dma_wait3A_330 = arith.constant 0 : i32
          %dma_wait3A_331 = tpu.memref_slice %arg13[%dma_wait3A_322, %dma_wait3A_330] : memref<2x4000xf32, #tpu.memory_space<vmem>> -> memref<1x4000xf32, #tpu.memory_space<vmem>>
          %dma_wait3A_332 = tpu.memref_squeeze %dma_wait3A_331 : memref<1x4000xf32, #tpu.memory_space<vmem>> -> memref<4000xf32, #tpu.memory_space<vmem>>
          tpu.wait_dma2 semaphore(%arg19 : memref<!tpu.dma_semaphore, #tpu.memory_space<semaphore_mem>>) src(%dma_wait3A_332 : memref<4000xf32, #tpu.memory_space<vmem>>) dst(%dma_wait3A_329 : memref<4000xf32, #tpu.memory_space<hbm>>)
        } else {
        }
        %scan3A = arith.constant 0 : i32
        %scan3A_297 = arith.constant 250 : i32
        %scan3A_298 = arith.addi %scan3A, %scan3A_297 : i32
        %scan3A_299 = arith.constant 1 : i32
        %scan3A_300 = scf.for %scan3A_322 = %scan3A to %scan3A_298 step %scan3A_299 iter_args(%scan3A_323 = %cond3A_262) -> (vector<16xf32>)  : i32 {
          %mul3A_324 = arith.constant 16 : i32
          %mul3A_325 = arith.muli %scan3A_322, %mul3A_324 : i32
          %get3A = arith.constant 1 : i32
          %get3A_326 = arith.index_cast %get3A : i32 to index
          %get3A_327 = arith.index_cast %mul3A_325 : i32 to index
          %get3A_328 = tpu.vector_load %arg11[%get3A_326, %get3A_327] {strides = array<i32>} : memref<2x4000xi32, #tpu.memory_space<vmem>>, vector<16xi32>,
          %gather3A = tpu.vector_load_idx %arg14[%get3A_328] : memref<100000xf32, #tpu.memory_space<vmem>>[vector<16xi32>], vector<16xf32>,
          %get3A_329 = arith.constant 1 : i32
          %get3A_330 = arith.index_cast %get3A_329 : i32 to index
          %get3A_331 = arith.index_cast %mul3A_325 : i32 to index
          %get3A_332 = tpu.vector_load %arg12[%get3A_330, %get3A_331] {strides = array<i32>} : memref<2x4000xi32, #tpu.memory_space<vmem>>, vector<16xi32>,
          %gather3A_333 = tpu.vector_load_idx %arg14[%get3A_332] : memref<100000xf32, #tpu.memory_space<vmem>>[vector<16xi32>], vector<16xf32>,
          %sub3A_334 = arith.subf %gather3A_333, %gather3A : vector<16xf32>
          %swap3A_335 = arith.constant 1 : i32
          %swap3A_336 = arith.index_cast %swap3A_335 : i32 to index
          %swap3A_337 = arith.index_cast %mul3A_325 : i32 to index
          %swap3A_338 = tpu.vector_load %arg13[%swap3A_336, %swap3A_337] {strides = array<i32>} : memref<2x4000xf32, #tpu.memory_space<vmem>>, vector<16xf32>,
          tpu.vector_store %arg13[%swap3A_336, %swap3A_337], %sub3A_334 {strides = array<i32>} : memref<2x4000xf32, #tpu.memory_space<vmem>>, vector<16xf32>,
          %abs3A = math.absf %sub3A_334 : vector<16xf32>
          %max3A = arith.maximumf %scan3A_323, %abs3A : vector<16xf32>
          scf.yield %max3A : vector<16xf32>
        }
        %scan3A_301 = arith.constant 250 : i32
        %mul3A_302 = arith.constant 32 : i32
        %mul3A_303 = arith.muli %add3A_266, %mul3A_302 : i32
        %add3A_304 = arith.addi %add3A, %mul3A_303 : i32
        %mul3A_305 = arith.constant 4000 : i32
        %mul3A_306 = arith.muli %add3A_304, %mul3A_305 : i32
        %dma_start3A_307 = arith.constant 1 : i32
        %dma_start3A_308 = arith.constant 0 : i32
        %dma_start3A_309 = tpu.memref_slice %arg13[%dma_start3A_307, %dma_start3A_308] : memref<2x4000xf32, #tpu.memory_space<vmem>> -> memref<1x4000xf32, #tpu.memory_space<vmem>>
        %dma_start3A_310 = tpu.memref_squeeze %dma_start3A_309 : memref<1x4000xf32, #tpu.memory_space<vmem>> -> memref<4000xf32, #tpu.memory_space<vmem>>
        %dma_start3A_311 = tpu.memref_slice %arg10[%mul3A_306] : memref<6400000xf32, #tpu.memory_space<hbm>> -> memref<4000xf32, #tpu.memory_space<hbm>>
        %dma_start3A_312 = tpu.memref_slice %arg10[%mul3A_306] : memref<6400000xf32, #tpu.memory_space<hbm>> -> memref<4000xf32, #tpu.memory_space<hbm>>
        %dma_start3A_313 = arith.constant 0 : i32
        %dma_start3A_314 = tpu.memref_slice %arg13[%dma_start3A_307, %dma_start3A_313] : memref<2x4000xf32, #tpu.memory_space<vmem>> -> memref<1x4000xf32, #tpu.memory_space<vmem>>
        %dma_start3A_315 = tpu.memref_squeeze %dma_start3A_314 : memref<1x4000xf32, #tpu.memory_space<vmem>> -> memref<4000xf32, #tpu.memory_space<vmem>>
        tpu.enqueue_dma source(%dma_start3A_315 : memref<4000xf32, #tpu.memory_space<vmem>>) target(%dma_start3A_312 : memref<4000xf32, #tpu.memory_space<hbm>>) target_semaphore(%arg19 : memref<!tpu.dma_semaphore, #tpu.memory_space<semaphore_mem>>)
        %add3A_316 = arith.constant 2 : i32
        %add3A_317 = arith.addi %add3A_266, %add3A_316 : i32
        %lt3A_318 = arith.cmpi slt, %add3A_317, %select_n3A : i32
        %convert_element_type3A_319 = arith.extui %lt3A_318 : i1 to i32
        %cond3A_320 = arith.constant 0 : i32
        %cond3A_321 = arith.cmpi ne, %convert_element_type3A_319, %cond3A_320 : i32
        scf.if %cond3A_321 {
          %add3A_322 = arith.constant 2 : i32
          %add3A_323 = arith.addi %add3A_266, %add3A_322 : i32
          %mul3A_324 = arith.constant 32 : i32
          %mul3A_325 = arith.muli %add3A_323, %mul3A_324 : i32
          %add3A_326 = arith.addi %add3A, %mul3A_325 : i32
          %mul3A_327 = arith.constant 4000 : i32
          %mul3A_328 = arith.muli %add3A_326, %mul3A_327 : i32
          %dma_start3A_329 = arith.constant 1 : i32
          %dma_start3A_330 = arith.constant 0 : i32
          %dma_start3A_331 = tpu.memref_slice %arg11[%dma_start3A_329, %dma_start3A_330] : memref<2x4000xi32, #tpu.memory_space<vmem>> -> memref<1x4000xi32, #tpu.memory_space<vmem>>
          %dma_start3A_332 = tpu.memref_squeeze %dma_start3A_331 : memref<1x4000xi32, #tpu.memory_space<vmem>> -> memref<4000xi32, #tpu.memory_space<vmem>>
          %dma_start3A_333 = tpu.memref_slice %arg2[%mul3A_328] : memref<6400000xi32, #tpu.memory_space<hbm>> -> memref<4000xi32, #tpu.memory_space<hbm>>
          %dma_start3A_334 = arith.constant 0 : i32
          %dma_start3A_335 = tpu.memref_slice %arg11[%dma_start3A_329, %dma_start3A_334] : memref<2x4000xi32, #tpu.memory_space<vmem>> -> memref<1x4000xi32, #tpu.memory_space<vmem>>
          %dma_start3A_336 = tpu.memref_squeeze %dma_start3A_335 : memref<1x4000xi32, #tpu.memory_space<vmem>> -> memref<4000xi32, #tpu.memory_space<vmem>>
          %dma_start3A_337 = tpu.memref_slice %arg2[%mul3A_328] : memref<6400000xi32, #tpu.memory_space<hbm>> -> memref<4000xi32, #tpu.memory_space<hbm>>
          tpu.enqueue_dma source(%dma_start3A_337 : memref<4000xi32, #tpu.memory_space<hbm>>) target(%dma_start3A_336 : memref<4000xi32, #tpu.memory_space<vmem>>) target_semaphore(%arg17 : memref<!tpu.dma_semaphore, #tpu.memory_space<semaphore_mem>>)
          %dma_start3A_338 = arith.constant 1 : i32
          %dma_start3A_339 = arith.constant 0 : i32
          %dma_start3A_340 = tpu.memref_slice %arg12[%dma_start3A_338, %dma_start3A_339] : memref<2x4000xi32, #tpu.memory_space<vmem>> -> memref<1x4000xi32, #tpu.memory_space<vmem>>
          %dma_start3A_341 = tpu.memref_squeeze %dma_start3A_340 : memref<1x4000xi32, #tpu.memory_space<vmem>> -> memref<4000xi32, #tpu.memory_space<vmem>>
          %dma_start3A_342 = tpu.memref_slice %arg3[%mul3A_328] : memref<6400000xi32, #tpu.memory_space<hbm>> -> memref<4000xi32, #tpu.memory_space<hbm>>
          %dma_start3A_343 = arith.constant 0 : i32
          %dma_start3A_344 = tpu.memref_slice %arg12[%dma_start3A_338, %dma_start3A_343] : memref<2x4000xi32, #tpu.memory_space<vmem>> -> memref<1x4000xi32, #tpu.memory_space<vmem>>
          %dma_start3A_345 = tpu.memref_squeeze %dma_start3A_344 : memref<1x4000xi32, #tpu.memory_space<vmem>> -> memref<4000xi32, #tpu.memory_space<vmem>>
          %dma_start3A_346 = tpu.memref_slice %arg3[%mul3A_328] : memref<6400000xi32, #tpu.memory_space<hbm>> -> memref<4000xi32, #tpu.memory_space<hbm>>
          tpu.enqueue_dma source(%dma_start3A_346 : memref<4000xi32, #tpu.memory_space<hbm>>) target(%dma_start3A_345 : memref<4000xi32, #tpu.memory_space<vmem>>) target_semaphore(%arg17 : memref<!tpu.dma_semaphore, #tpu.memory_space<semaphore_mem>>)
        } else {
        }
        scf.yield %scan3A_300 : vector<16xf32>
      } else {
        scf.yield %cond3A_262 : vector<16xf32>
      }
      scf.yield %cond3A_271 : vector<16xf32>
    }
    %while3A_236 = arith.constant 1 : i32
    %while3A_237 = scf.for %while3A_253 = %while3A_233 to %while3A_229 step %while3A_236 iter_args(%while3A_254 = %while3A_235) -> (vector<16xf32>)  : i32 {
      %mul3A_255 = arith.constant 2 : i32
      %mul3A_256 = arith.muli %mul3A_255, %while3A_253 : i32
      %add3A_257 = arith.constant 0 : i32
      %add3A_258 = arith.addi %mul3A_256, %add3A_257 : i32
      %lt3A = arith.cmpi slt, %add3A_258, %select_n3A : i32
      %convert_element_type3A_259 = arith.extui %lt3A : i1 to i32
      %cond3A_260 = arith.constant 0 : i32
      %cond3A_261 = arith.cmpi ne, %convert_element_type3A_259, %cond3A_260 : i32
      %cond3A_262 = scf.if %cond3A_261 -> (vector<16xf32>) {
        %dma_wait3A = arith.constant 0 : i32
        %dma_wait3A_272 = arith.constant 0 : i32
        %dma_wait3A_273 = tpu.memref_slice %arg11[%dma_wait3A, %dma_wait3A_272] : memref<2x4000xi32, #tpu.memory_space<vmem>> -> memref<1x4000xi32, #tpu.memory_space<vmem>>
        %dma_wait3A_274 = tpu.memref_squeeze %dma_wait3A_273 : memref<1x4000xi32, #tpu.memory_space<vmem>> -> memref<4000xi32, #tpu.memory_space<vmem>>
        %dma_wait3A_275 = arith.constant 0 : i32
        %dma_wait3A_276 = tpu.memref_slice %arg2[%dma_wait3A_275] : memref<6400000xi32, #tpu.memory_space<hbm>> -> memref<4000xi32, #tpu.memory_space<hbm>>
        %dma_wait3A_277 = arith.constant 0 : i32
        %dma_wait3A_278 = tpu.memref_slice %arg11[%dma_wait3A, %dma_wait3A_277] : memref<2x4000xi32, #tpu.memory_space<vmem>> -> memref<1x4000xi32, #tpu.memory_space<vmem>>
        %dma_wait3A_279 = tpu.memref_squeeze %dma_wait3A_278 : memref<1x4000xi32, #tpu.memory_space<vmem>> -> memref<4000xi32, #tpu.memory_space<vmem>>
        %dma_wait3A_280 = arith.constant 0 : i32
        %dma_wait3A_281 = tpu.memref_slice %arg2[%dma_wait3A_280] : memref<6400000xi32, #tpu.memory_space<hbm>> -> memref<4000xi32, #tpu.memory_space<hbm>>
        tpu.wait_dma2 semaphore(%arg16 : memref<!tpu.dma_semaphore, #tpu.memory_space<semaphore_mem>>) src(%dma_wait3A_281 : memref<4000xi32, #tpu.memory_space<hbm>>) dst(%dma_wait3A_279 : memref<4000xi32, #tpu.memory_space<vmem>>)
        %dma_wait3A_282 = arith.constant 0 : i32
        %dma_wait3A_283 = arith.constant 0 : i32
        %dma_wait3A_284 = tpu.memref_slice %arg12[%dma_wait3A_282, %dma_wait3A_283] : memref<2x4000xi32, #tpu.memory_space<vmem>> -> memref<1x4000xi32, #tpu.memory_space<vmem>>
        %dma_wait3A_285 = tpu.memref_squeeze %dma_wait3A_284 : memref<1x4000xi32, #tpu.memory_space<vmem>> -> memref<4000xi32, #tpu.memory_space<vmem>>
        %dma_wait3A_286 = arith.constant 0 : i32
        %dma_wait3A_287 = tpu.memref_slice %arg3[%dma_wait3A_286] : memref<6400000xi32, #tpu.memory_space<hbm>> -> memref<4000xi32, #tpu.memory_space<hbm>>
        %dma_wait3A_288 = arith.constant 0 : i32
        %dma_wait3A_289 = tpu.memref_slice %arg12[%dma_wait3A_282, %dma_wait3A_288] : memref<2x4000xi32, #tpu.memory_space<vmem>> -> memref<1x4000xi32, #tpu.memory_space<vmem>>
        %dma_wait3A_290 = tpu.memref_squeeze %dma_wait3A_289 : memref<1x4000xi32, #tpu.memory_space<vmem>> -> memref<4000xi32, #tpu.memory_space<vmem>>
        %dma_wait3A_291 = arith.constant 0 : i32
        %dma_wait3A_292 = tpu.memref_slice %arg3[%dma_wait3A_291] : memref<6400000xi32, #tpu.memory_space<hbm>> -> memref<4000xi32, #tpu.memory_space<hbm>>
        tpu.wait_dma2 semaphore(%arg16 : memref<!tpu.dma_semaphore, #tpu.memory_space<semaphore_mem>>) src(%dma_wait3A_292 : memref<4000xi32, #tpu.memory_space<hbm>>) dst(%dma_wait3A_290 : memref<4000xi32, #tpu.memory_space<vmem>>)
        %ge3A = arith.constant 2 : i32
        %ge3A_293 = arith.cmpi sge, %add3A_258, %ge3A : i32
        %convert_element_type3A_294 = arith.extui %ge3A_293 : i1 to i32
        %cond3A_295 = arith.constant 0 : i32
        %cond3A_296 = arith.cmpi ne, %convert_element_type3A_294, %cond3A_295 : i32
        scf.if %cond3A_296 {
          %dma_wait3A_322 = arith.constant 0 : i32
          %dma_wait3A_323 = arith.constant 0 : i32
          %dma_wait3A_324 = tpu.memref_slice %arg13[%dma_wait3A_322, %dma_wait3A_323] : memref<2x4000xf32, #tpu.memory_space<vmem>> -> memref<1x4000xf32, #tpu.memory_space<vmem>>
          %dma_wait3A_325 = tpu.memref_squeeze %dma_wait3A_324 : memref<1x4000xf32, #tpu.memory_space<vmem>> -> memref<4000xf32, #tpu.memory_space<vmem>>
          %dma_wait3A_326 = arith.constant 0 : i32
          %dma_wait3A_327 = tpu.memref_slice %arg10[%dma_wait3A_326] : memref<6400000xf32, #tpu.memory_space<hbm>> -> memref<4000xf32, #tpu.memory_space<hbm>>
          %dma_wait3A_328 = arith.constant 0 : i32
          %dma_wait3A_329 = tpu.memref_slice %arg10[%dma_wait3A_328] : memref<6400000xf32, #tpu.memory_space<hbm>> -> memref<4000xf32, #tpu.memory_space<hbm>>
          %dma_wait3A_330 = arith.constant 0 : i32
          %dma_wait3A_331 = tpu.memref_slice %arg13[%dma_wait3A_322, %dma_wait3A_330] : memref<2x4000xf32, #tpu.memory_space<vmem>> -> memref<1x4000xf32, #tpu.memory_space<vmem>>
          %dma_wait3A_332 = tpu.memref_squeeze %dma_wait3A_331 : memref<1x4000xf32, #tpu.memory_space<vmem>> -> memref<4000xf32, #tpu.memory_space<vmem>>
          tpu.wait_dma2 semaphore(%arg18 : memref<!tpu.dma_semaphore, #tpu.memory_space<semaphore_mem>>) src(%dma_wait3A_332 : memref<4000xf32, #tpu.memory_space<vmem>>) dst(%dma_wait3A_329 : memref<4000xf32, #tpu.memory_space<hbm>>)
        } else {
        }
        %scan3A = arith.constant 0 : i32
        %scan3A_297 = arith.constant 250 : i32
        %scan3A_298 = arith.addi %scan3A, %scan3A_297 : i32
        %scan3A_299 = arith.constant 1 : i32
        %scan3A_300 = scf.for %scan3A_322 = %scan3A to %scan3A_298 step %scan3A_299 iter_args(%scan3A_323 = %while3A_254) -> (vector<16xf32>)  : i32 {
          %mul3A_324 = arith.constant 16 : i32
          %mul3A_325 = arith.muli %scan3A_322, %mul3A_324 : i32
          %get3A = arith.constant 0 : i32
          %get3A_326 = arith.index_cast %get3A : i32 to index
          %get3A_327 = arith.index_cast %mul3A_325 : i32 to index
          %get3A_328 = tpu.vector_load %arg11[%get3A_326, %get3A_327] {strides = array<i32>} : memref<2x4000xi32, #tpu.memory_space<vmem>>, vector<16xi32>,
          %gather3A = tpu.vector_load_idx %arg14[%get3A_328] : memref<100000xf32, #tpu.memory_space<vmem>>[vector<16xi32>], vector<16xf32>,
          %get3A_329 = arith.constant 0 : i32
          %get3A_330 = arith.index_cast %get3A_329 : i32 to index
          %get3A_331 = arith.index_cast %mul3A_325 : i32 to index
          %get3A_332 = tpu.vector_load %arg12[%get3A_330, %get3A_331] {strides = array<i32>} : memref<2x4000xi32, #tpu.memory_space<vmem>>, vector<16xi32>,
          %gather3A_333 = tpu.vector_load_idx %arg14[%get3A_332] : memref<100000xf32, #tpu.memory_space<vmem>>[vector<16xi32>], vector<16xf32>,
          %sub3A_334 = arith.subf %gather3A_333, %gather3A : vector<16xf32>
          %swap3A_335 = arith.constant 0 : i32
          %swap3A_336 = arith.index_cast %swap3A_335 : i32 to index
          %swap3A_337 = arith.index_cast %mul3A_325 : i32 to index
          %swap3A_338 = tpu.vector_load %arg13[%swap3A_336, %swap3A_337] {strides = array<i32>} : memref<2x4000xf32, #tpu.memory_space<vmem>>, vector<16xf32>,
          tpu.vector_store %arg13[%swap3A_336, %swap3A_337], %sub3A_334 {strides = array<i32>} : memref<2x4000xf32, #tpu.memory_space<vmem>>, vector<16xf32>,
          %abs3A = math.absf %sub3A_334 : vector<16xf32>
          %max3A = arith.maximumf %scan3A_323, %abs3A : vector<16xf32>
          scf.yield %max3A : vector<16xf32>
        }
        %scan3A_301 = arith.constant 250 : i32
        %mul3A_302 = arith.constant 32 : i32
        %mul3A_303 = arith.muli %add3A_258, %mul3A_302 : i32
        %add3A_304 = arith.addi %add3A, %mul3A_303 : i32
        %mul3A_305 = arith.constant 4000 : i32
        %mul3A_306 = arith.muli %add3A_304, %mul3A_305 : i32
        %dma_start3A_307 = arith.constant 0 : i32
        %dma_start3A_308 = arith.constant 0 : i32
        %dma_start3A_309 = tpu.memref_slice %arg13[%dma_start3A_307, %dma_start3A_308] : memref<2x4000xf32, #tpu.memory_space<vmem>> -> memref<1x4000xf32, #tpu.memory_space<vmem>>
        %dma_start3A_310 = tpu.memref_squeeze %dma_start3A_309 : memref<1x4000xf32, #tpu.memory_space<vmem>> -> memref<4000xf32, #tpu.memory_space<vmem>>
        %dma_start3A_311 = tpu.memref_slice %arg10[%mul3A_306] : memref<6400000xf32, #tpu.memory_space<hbm>> -> memref<4000xf32, #tpu.memory_space<hbm>>
        %dma_start3A_312 = tpu.memref_slice %arg10[%mul3A_306] : memref<6400000xf32, #tpu.memory_space<hbm>> -> memref<4000xf32, #tpu.memory_space<hbm>>
        %dma_start3A_313 = arith.constant 0 : i32
        %dma_start3A_314 = tpu.memref_slice %arg13[%dma_start3A_307, %dma_start3A_313] : memref<2x4000xf32, #tpu.memory_space<vmem>> -> memref<1x4000xf32, #tpu.memory_space<vmem>>
        %dma_start3A_315 = tpu.memref_squeeze %dma_start3A_314 : memref<1x4000xf32, #tpu.memory_space<vmem>> -> memref<4000xf32, #tpu.memory_space<vmem>>
        tpu.enqueue_dma source(%dma_start3A_315 : memref<4000xf32, #tpu.memory_space<vmem>>) target(%dma_start3A_312 : memref<4000xf32, #tpu.memory_space<hbm>>) target_semaphore(%arg18 : memref<!tpu.dma_semaphore, #tpu.memory_space<semaphore_mem>>)
        %add3A_316 = arith.constant 2 : i32
        %add3A_317 = arith.addi %add3A_258, %add3A_316 : i32
        %lt3A_318 = arith.cmpi slt, %add3A_317, %select_n3A : i32
        %convert_element_type3A_319 = arith.extui %lt3A_318 : i1 to i32
        %cond3A_320 = arith.constant 0 : i32
        %cond3A_321 = arith.cmpi ne, %convert_element_type3A_319, %cond3A_320 : i32
        scf.if %cond3A_321 {
          %add3A_322 = arith.constant 2 : i32
          %add3A_323 = arith.addi %add3A_258, %add3A_322 : i32
          %mul3A_324 = arith.constant 32 : i32
          %mul3A_325 = arith.muli %add3A_323, %mul3A_324 : i32
          %add3A_326 = arith.addi %add3A, %mul3A_325 : i32
          %mul3A_327 = arith.constant 4000 : i32
          %mul3A_328 = arith.muli %add3A_326, %mul3A_327 : i32
          %dma_start3A_329 = arith.constant 0 : i32
          %dma_start3A_330 = arith.constant 0 : i32
          %dma_start3A_331 = tpu.memref_slice %arg11[%dma_start3A_329, %dma_start3A_330] : memref<2x4000xi32, #tpu.memory_space<vmem>> -> memref<1x4000xi32, #tpu.memory_space<vmem>>
          %dma_start3A_332 = tpu.memref_squeeze %dma_start3A_331 : memref<1x4000xi32, #tpu.memory_space<vmem>> -> memref<4000xi32, #tpu.memory_space<vmem>>
          %dma_start3A_333 = tpu.memref_slice %arg2[%mul3A_328] : memref<6400000xi32, #tpu.memory_space<hbm>> -> memref<4000xi32, #tpu.memory_space<hbm>>
          %dma_start3A_334 = arith.constant 0 : i32
          %dma_start3A_335 = tpu.memref_slice %arg11[%dma_start3A_329, %dma_start3A_334] : memref<2x4000xi32, #tpu.memory_space<vmem>> -> memref<1x4000xi32, #tpu.memory_space<vmem>>
          %dma_start3A_336 = tpu.memref_squeeze %dma_start3A_335 : memref<1x4000xi32, #tpu.memory_space<vmem>> -> memref<4000xi32, #tpu.memory_space<vmem>>
          %dma_start3A_337 = tpu.memref_slice %arg2[%mul3A_328] : memref<6400000xi32, #tpu.memory_space<hbm>> -> memref<4000xi32, #tpu.memory_space<hbm>>
          tpu.enqueue_dma source(%dma_start3A_337 : memref<4000xi32, #tpu.memory_space<hbm>>) target(%dma_start3A_336 : memref<4000xi32, #tpu.memory_space<vmem>>) target_semaphore(%arg16 : memref<!tpu.dma_semaphore, #tpu.memory_space<semaphore_mem>>)
          %dma_start3A_338 = arith.constant 0 : i32
          %dma_start3A_339 = arith.constant 0 : i32
          %dma_start3A_340 = tpu.memref_slice %arg12[%dma_start3A_338, %dma_start3A_339] : memref<2x4000xi32, #tpu.memory_space<vmem>> -> memref<1x4000xi32, #tpu.memory_space<vmem>>
          %dma_start3A_341 = tpu.memref_squeeze %dma_start3A_340 : memref<1x4000xi32, #tpu.memory_space<vmem>> -> memref<4000xi32, #tpu.memory_space<vmem>>
          %dma_start3A_342 = tpu.memref_slice %arg3[%mul3A_328] : memref<6400000xi32, #tpu.memory_space<hbm>> -> memref<4000xi32, #tpu.memory_space<hbm>>
          %dma_start3A_343 = arith.constant 0 : i32
          %dma_start3A_344 = tpu.memref_slice %arg12[%dma_start3A_338, %dma_start3A_343] : memref<2x4000xi32, #tpu.memory_space<vmem>> -> memref<1x4000xi32, #tpu.memory_space<vmem>>
          %dma_start3A_345 = tpu.memref_squeeze %dma_start3A_344 : memref<1x4000xi32, #tpu.memory_space<vmem>> -> memref<4000xi32, #tpu.memory_space<vmem>>
          %dma_start3A_346 = tpu.memref_slice %arg3[%mul3A_328] : memref<6400000xi32, #tpu.memory_space<hbm>> -> memref<4000xi32, #tpu.memory_space<hbm>>
          tpu.enqueue_dma source(%dma_start3A_346 : memref<4000xi32, #tpu.memory_space<hbm>>) target(%dma_start3A_345 : memref<4000xi32, #tpu.memory_space<vmem>>) target_semaphore(%arg16 : memref<!tpu.dma_semaphore, #tpu.memory_space<semaphore_mem>>)
        } else {
        }
        scf.yield %scan3A_300 : vector<16xf32>
      } else {
        scf.yield %while3A_254 : vector<16xf32>
      }
      %mul3A_263 = arith.constant 2 : i32
      %mul3A_264 = arith.muli %mul3A_263, %while3A_253 : i32
      %add3A_265 = arith.constant 1 : i32
      %add3A_266 = arith.addi %mul3A_264, %add3A_265 : i32
      %lt3A_267 = arith.cmpi slt, %add3A_266, %select_n3A : i32
      %convert_element_type3A_268 = arith.extui %lt3A_267 : i1 to i32
      %cond3A_269 = arith.constant 0 : i32
      %cond3A_270 = arith.cmpi ne, %convert_element_type3A_268, %cond3A_269 : i32
      %cond3A_271 = scf.if %cond3A_270 -> (vector<16xf32>) {
        %dma_wait3A = arith.constant 1 : i32
        %dma_wait3A_272 = arith.constant 0 : i32
        %dma_wait3A_273 = tpu.memref_slice %arg11[%dma_wait3A, %dma_wait3A_272] : memref<2x4000xi32, #tpu.memory_space<vmem>> -> memref<1x4000xi32, #tpu.memory_space<vmem>>
        %dma_wait3A_274 = tpu.memref_squeeze %dma_wait3A_273 : memref<1x4000xi32, #tpu.memory_space<vmem>> -> memref<4000xi32, #tpu.memory_space<vmem>>
        %dma_wait3A_275 = arith.constant 0 : i32
        %dma_wait3A_276 = tpu.memref_slice %arg2[%dma_wait3A_275] : memref<6400000xi32, #tpu.memory_space<hbm>> -> memref<4000xi32, #tpu.memory_space<hbm>>
        %dma_wait3A_277 = arith.constant 0 : i32
        %dma_wait3A_278 = tpu.memref_slice %arg11[%dma_wait3A, %dma_wait3A_277] : memref<2x4000xi32, #tpu.memory_space<vmem>> -> memref<1x4000xi32, #tpu.memory_space<vmem>>
        %dma_wait3A_279 = tpu.memref_squeeze %dma_wait3A_278 : memref<1x4000xi32, #tpu.memory_space<vmem>> -> memref<4000xi32, #tpu.memory_space<vmem>>
        %dma_wait3A_280 = arith.constant 0 : i32
        %dma_wait3A_281 = tpu.memref_slice %arg2[%dma_wait3A_280] : memref<6400000xi32, #tpu.memory_space<hbm>> -> memref<4000xi32, #tpu.memory_space<hbm>>
        tpu.wait_dma2 semaphore(%arg17 : memref<!tpu.dma_semaphore, #tpu.memory_space<semaphore_mem>>) src(%dma_wait3A_281 : memref<4000xi32, #tpu.memory_space<hbm>>) dst(%dma_wait3A_279 : memref<4000xi32, #tpu.memory_space<vmem>>)
        %dma_wait3A_282 = arith.constant 1 : i32
        %dma_wait3A_283 = arith.constant 0 : i32
        %dma_wait3A_284 = tpu.memref_slice %arg12[%dma_wait3A_282, %dma_wait3A_283] : memref<2x4000xi32, #tpu.memory_space<vmem>> -> memref<1x4000xi32, #tpu.memory_space<vmem>>
        %dma_wait3A_285 = tpu.memref_squeeze %dma_wait3A_284 : memref<1x4000xi32, #tpu.memory_space<vmem>> -> memref<4000xi32, #tpu.memory_space<vmem>>
        %dma_wait3A_286 = arith.constant 0 : i32
        %dma_wait3A_287 = tpu.memref_slice %arg3[%dma_wait3A_286] : memref<6400000xi32, #tpu.memory_space<hbm>> -> memref<4000xi32, #tpu.memory_space<hbm>>
        %dma_wait3A_288 = arith.constant 0 : i32
        %dma_wait3A_289 = tpu.memref_slice %arg12[%dma_wait3A_282, %dma_wait3A_288] : memref<2x4000xi32, #tpu.memory_space<vmem>> -> memref<1x4000xi32, #tpu.memory_space<vmem>>
        %dma_wait3A_290 = tpu.memref_squeeze %dma_wait3A_289 : memref<1x4000xi32, #tpu.memory_space<vmem>> -> memref<4000xi32, #tpu.memory_space<vmem>>
        %dma_wait3A_291 = arith.constant 0 : i32
        %dma_wait3A_292 = tpu.memref_slice %arg3[%dma_wait3A_291] : memref<6400000xi32, #tpu.memory_space<hbm>> -> memref<4000xi32, #tpu.memory_space<hbm>>
        tpu.wait_dma2 semaphore(%arg17 : memref<!tpu.dma_semaphore, #tpu.memory_space<semaphore_mem>>) src(%dma_wait3A_292 : memref<4000xi32, #tpu.memory_space<hbm>>) dst(%dma_wait3A_290 : memref<4000xi32, #tpu.memory_space<vmem>>)
        %ge3A = arith.constant 2 : i32
        %ge3A_293 = arith.cmpi sge, %add3A_266, %ge3A : i32
        %convert_element_type3A_294 = arith.extui %ge3A_293 : i1 to i32
        %cond3A_295 = arith.constant 0 : i32
        %cond3A_296 = arith.cmpi ne, %convert_element_type3A_294, %cond3A_295 : i32
        scf.if %cond3A_296 {
          %dma_wait3A_322 = arith.constant 1 : i32
          %dma_wait3A_323 = arith.constant 0 : i32
          %dma_wait3A_324 = tpu.memref_slice %arg13[%dma_wait3A_322, %dma_wait3A_323] : memref<2x4000xf32, #tpu.memory_space<vmem>> -> memref<1x4000xf32, #tpu.memory_space<vmem>>
          %dma_wait3A_325 = tpu.memref_squeeze %dma_wait3A_324 : memref<1x4000xf32, #tpu.memory_space<vmem>> -> memref<4000xf32, #tpu.memory_space<vmem>>
          %dma_wait3A_326 = arith.constant 0 : i32
          %dma_wait3A_327 = tpu.memref_slice %arg10[%dma_wait3A_326] : memref<6400000xf32, #tpu.memory_space<hbm>> -> memref<4000xf32, #tpu.memory_space<hbm>>
          %dma_wait3A_328 = arith.constant 0 : i32
          %dma_wait3A_329 = tpu.memref_slice %arg10[%dma_wait3A_328] : memref<6400000xf32, #tpu.memory_space<hbm>> -> memref<4000xf32, #tpu.memory_space<hbm>>
          %dma_wait3A_330 = arith.constant 0 : i32
          %dma_wait3A_331 = tpu.memref_slice %arg13[%dma_wait3A_322, %dma_wait3A_330] : memref<2x4000xf32, #tpu.memory_space<vmem>> -> memref<1x4000xf32, #tpu.memory_space<vmem>>
          %dma_wait3A_332 = tpu.memref_squeeze %dma_wait3A_331 : memref<1x4000xf32, #tpu.memory_space<vmem>> -> memref<4000xf32, #tpu.memory_space<vmem>>
          tpu.wait_dma2 semaphore(%arg19 : memref<!tpu.dma_semaphore, #tpu.memory_space<semaphore_mem>>) src(%dma_wait3A_332 : memref<4000xf32, #tpu.memory_space<vmem>>) dst(%dma_wait3A_329 : memref<4000xf32, #tpu.memory_space<hbm>>)
        } else {
        }
        %scan3A = arith.constant 0 : i32
        %scan3A_297 = arith.constant 250 : i32
        %scan3A_298 = arith.addi %scan3A, %scan3A_297 : i32
        %scan3A_299 = arith.constant 1 : i32
        %scan3A_300 = scf.for %scan3A_322 = %scan3A to %scan3A_298 step %scan3A_299 iter_args(%scan3A_323 = %cond3A_262) -> (vector<16xf32>)  : i32 {
          %mul3A_324 = arith.constant 16 : i32
          %mul3A_325 = arith.muli %scan3A_322, %mul3A_324 : i32
          %get3A = arith.constant 1 : i32
          %get3A_326 = arith.index_cast %get3A : i32 to index
          %get3A_327 = arith.index_cast %mul3A_325 : i32 to index
          %get3A_328 = tpu.vector_load %arg11[%get3A_326, %get3A_327] {strides = array<i32>} : memref<2x4000xi32, #tpu.memory_space<vmem>>, vector<16xi32>,
          %gather3A = tpu.vector_load_idx %arg14[%get3A_328] : memref<100000xf32, #tpu.memory_space<vmem>>[vector<16xi32>], vector<16xf32>,
          %get3A_329 = arith.constant 1 : i32
          %get3A_330 = arith.index_cast %get3A_329 : i32 to index
          %get3A_331 = arith.index_cast %mul3A_325 : i32 to index
          %get3A_332 = tpu.vector_load %arg12[%get3A_330, %get3A_331] {strides = array<i32>} : memref<2x4000xi32, #tpu.memory_space<vmem>>, vector<16xi32>,
          %gather3A_333 = tpu.vector_load_idx %arg14[%get3A_332] : memref<100000xf32, #tpu.memory_space<vmem>>[vector<16xi32>], vector<16xf32>,
          %sub3A_334 = arith.subf %gather3A_333, %gather3A : vector<16xf32>
          %swap3A_335 = arith.constant 1 : i32
          %swap3A_336 = arith.index_cast %swap3A_335 : i32 to index
          %swap3A_337 = arith.index_cast %mul3A_325 : i32 to index
          %swap3A_338 = tpu.vector_load %arg13[%swap3A_336, %swap3A_337] {strides = array<i32>} : memref<2x4000xf32, #tpu.memory_space<vmem>>, vector<16xf32>,
          tpu.vector_store %arg13[%swap3A_336, %swap3A_337], %sub3A_334 {strides = array<i32>} : memref<2x4000xf32, #tpu.memory_space<vmem>>, vector<16xf32>,
          %abs3A = math.absf %sub3A_334 : vector<16xf32>
          %max3A = arith.maximumf %scan3A_323, %abs3A : vector<16xf32>
          scf.yield %max3A : vector<16xf32>
        }
        %scan3A_301 = arith.constant 250 : i32
        %mul3A_302 = arith.constant 32 : i32
        %mul3A_303 = arith.muli %add3A_266, %mul3A_302 : i32
        %add3A_304 = arith.addi %add3A, %mul3A_303 : i32
        %mul3A_305 = arith.constant 4000 : i32
        %mul3A_306 = arith.muli %add3A_304, %mul3A_305 : i32
        %dma_start3A_307 = arith.constant 1 : i32
        %dma_start3A_308 = arith.constant 0 : i32
        %dma_start3A_309 = tpu.memref_slice %arg13[%dma_start3A_307, %dma_start3A_308] : memref<2x4000xf32, #tpu.memory_space<vmem>> -> memref<1x4000xf32, #tpu.memory_space<vmem>>
        %dma_start3A_310 = tpu.memref_squeeze %dma_start3A_309 : memref<1x4000xf32, #tpu.memory_space<vmem>> -> memref<4000xf32, #tpu.memory_space<vmem>>
        %dma_start3A_311 = tpu.memref_slice %arg10[%mul3A_306] : memref<6400000xf32, #tpu.memory_space<hbm>> -> memref<4000xf32, #tpu.memory_space<hbm>>
        %dma_start3A_312 = tpu.memref_slice %arg10[%mul3A_306] : memref<6400000xf32, #tpu.memory_space<hbm>> -> memref<4000xf32, #tpu.memory_space<hbm>>
        %dma_start3A_313 = arith.constant 0 : i32
        %dma_start3A_314 = tpu.memref_slice %arg13[%dma_start3A_307, %dma_start3A_313] : memref<2x4000xf32, #tpu.memory_space<vmem>> -> memref<1x4000xf32, #tpu.memory_space<vmem>>
        %dma_start3A_315 = tpu.memref_squeeze %dma_start3A_314 : memref<1x4000xf32, #tpu.memory_space<vmem>> -> memref<4000xf32, #tpu.memory_space<vmem>>
        tpu.enqueue_dma source(%dma_start3A_315 : memref<4000xf32, #tpu.memory_space<vmem>>) target(%dma_start3A_312 : memref<4000xf32, #tpu.memory_space<hbm>>) target_semaphore(%arg19 : memref<!tpu.dma_semaphore, #tpu.memory_space<semaphore_mem>>)
        %add3A_316 = arith.constant 2 : i32
        %add3A_317 = arith.addi %add3A_266, %add3A_316 : i32
        %lt3A_318 = arith.cmpi slt, %add3A_317, %select_n3A : i32
        %convert_element_type3A_319 = arith.extui %lt3A_318 : i1 to i32
        %cond3A_320 = arith.constant 0 : i32
        %cond3A_321 = arith.cmpi ne, %convert_element_type3A_319, %cond3A_320 : i32
        scf.if %cond3A_321 {
          %add3A_322 = arith.constant 2 : i32
          %add3A_323 = arith.addi %add3A_266, %add3A_322 : i32
          %mul3A_324 = arith.constant 32 : i32
          %mul3A_325 = arith.muli %add3A_323, %mul3A_324 : i32
          %add3A_326 = arith.addi %add3A, %mul3A_325 : i32
          %mul3A_327 = arith.constant 4000 : i32
          %mul3A_328 = arith.muli %add3A_326, %mul3A_327 : i32
          %dma_start3A_329 = arith.constant 1 : i32
          %dma_start3A_330 = arith.constant 0 : i32
          %dma_start3A_331 = tpu.memref_slice %arg11[%dma_start3A_329, %dma_start3A_330] : memref<2x4000xi32, #tpu.memory_space<vmem>> -> memref<1x4000xi32, #tpu.memory_space<vmem>>
          %dma_start3A_332 = tpu.memref_squeeze %dma_start3A_331 : memref<1x4000xi32, #tpu.memory_space<vmem>> -> memref<4000xi32, #tpu.memory_space<vmem>>
          %dma_start3A_333 = tpu.memref_slice %arg2[%mul3A_328] : memref<6400000xi32, #tpu.memory_space<hbm>> -> memref<4000xi32, #tpu.memory_space<hbm>>
          %dma_start3A_334 = arith.constant 0 : i32
          %dma_start3A_335 = tpu.memref_slice %arg11[%dma_start3A_329, %dma_start3A_334] : memref<2x4000xi32, #tpu.memory_space<vmem>> -> memref<1x4000xi32, #tpu.memory_space<vmem>>
          %dma_start3A_336 = tpu.memref_squeeze %dma_start3A_335 : memref<1x4000xi32, #tpu.memory_space<vmem>> -> memref<4000xi32, #tpu.memory_space<vmem>>
          %dma_start3A_337 = tpu.memref_slice %arg2[%mul3A_328] : memref<6400000xi32, #tpu.memory_space<hbm>> -> memref<4000xi32, #tpu.memory_space<hbm>>
          tpu.enqueue_dma source(%dma_start3A_337 : memref<4000xi32, #tpu.memory_space<hbm>>) target(%dma_start3A_336 : memref<4000xi32, #tpu.memory_space<vmem>>) target_semaphore(%arg17 : memref<!tpu.dma_semaphore, #tpu.memory_space<semaphore_mem>>)
          %dma_start3A_338 = arith.constant 1 : i32
          %dma_start3A_339 = arith.constant 0 : i32
          %dma_start3A_340 = tpu.memref_slice %arg12[%dma_start3A_338, %dma_start3A_339] : memref<2x4000xi32, #tpu.memory_space<vmem>> -> memref<1x4000xi32, #tpu.memory_space<vmem>>
          %dma_start3A_341 = tpu.memref_squeeze %dma_start3A_340 : memref<1x4000xi32, #tpu.memory_space<vmem>> -> memref<4000xi32, #tpu.memory_space<vmem>>
          %dma_start3A_342 = tpu.memref_slice %arg3[%mul3A_328] : memref<6400000xi32, #tpu.memory_space<hbm>> -> memref<4000xi32, #tpu.memory_space<hbm>>
          %dma_start3A_343 = arith.constant 0 : i32
          %dma_start3A_344 = tpu.memref_slice %arg12[%dma_start3A_338, %dma_start3A_343] : memref<2x4000xi32, #tpu.memory_space<vmem>> -> memref<1x4000xi32, #tpu.memory_space<vmem>>
          %dma_start3A_345 = tpu.memref_squeeze %dma_start3A_344 : memref<1x4000xi32, #tpu.memory_space<vmem>> -> memref<4000xi32, #tpu.memory_space<vmem>>
          %dma_start3A_346 = tpu.memref_slice %arg3[%mul3A_328] : memref<6400000xi32, #tpu.memory_space<hbm>> -> memref<4000xi32, #tpu.memory_space<hbm>>
          tpu.enqueue_dma source(%dma_start3A_346 : memref<4000xi32, #tpu.memory_space<hbm>>) target(%dma_start3A_345 : memref<4000xi32, #tpu.memory_space<vmem>>) target_semaphore(%arg17 : memref<!tpu.dma_semaphore, #tpu.memory_space<semaphore_mem>>)
        } else {
        }
        scf.yield %scan3A_300 : vector<16xf32>
      } else {
        scf.yield %cond3A_262 : vector<16xf32>
      }
      scf.yield %cond3A_271 : vector<16xf32>
    }
    %sub3A_238 = arith.constant 1 : i32
    %sub3A_239 = arith.subi %select_n3A, %sub3A_238 : i32
    %and3A_240 = arith.constant 1 : i32
    %and3A_241 = arith.andi %sub3A_239, %and3A_240 : i32
    %eq3A_242 = arith.constant 0 : i32
    %eq3A_243 = arith.cmpi eq, %and3A_241, %eq3A_242 : i32
    %convert_element_type3A_244 = arith.extui %eq3A_243 : i1 to i32
    %cond3A_245 = arith.constant 0 : i32
    %cond3A_246 = arith.cmpi ne, %convert_element_type3A_244, %cond3A_245 : i32
    scf.if %cond3A_246 {
      %dma_wait3A = arith.constant 0 : i32
      %dma_wait3A_253 = arith.constant 0 : i32
      %dma_wait3A_254 = tpu.memref_slice %arg13[%dma_wait3A, %dma_wait3A_253] : memref<2x4000xf32, #tpu.memory_space<vmem>> -> memref<1x4000xf32, #tpu.memory_space<vmem>>
      %dma_wait3A_255 = tpu.memref_squeeze %dma_wait3A_254 : memref<1x4000xf32, #tpu.memory_space<vmem>> -> memref<4000xf32, #tpu.memory_space<vmem>>
      %dma_wait3A_256 = arith.constant 0 : i32
      %dma_wait3A_257 = tpu.memref_slice %arg10[%dma_wait3A_256] : memref<6400000xf32, #tpu.memory_space<hbm>> -> memref<4000xf32, #tpu.memory_space<hbm>>
      %dma_wait3A_258 = arith.constant 0 : i32
      %dma_wait3A_259 = tpu.memref_slice %arg10[%dma_wait3A_258] : memref<6400000xf32, #tpu.memory_space<hbm>> -> memref<4000xf32, #tpu.memory_space<hbm>>
      %dma_wait3A_260 = arith.constant 0 : i32
      %dma_wait3A_261 = tpu.memref_slice %arg13[%dma_wait3A, %dma_wait3A_260] : memref<2x4000xf32, #tpu.memory_space<vmem>> -> memref<1x4000xf32, #tpu.memory_space<vmem>>
      %dma_wait3A_262 = tpu.memref_squeeze %dma_wait3A_261 : memref<1x4000xf32, #tpu.memory_space<vmem>> -> memref<4000xf32, #tpu.memory_space<vmem>>
      tpu.wait_dma2 semaphore(%arg18 : memref<!tpu.dma_semaphore, #tpu.memory_space<semaphore_mem>>) src(%dma_wait3A_262 : memref<4000xf32, #tpu.memory_space<vmem>>) dst(%dma_wait3A_259 : memref<4000xf32, #tpu.memory_space<hbm>>)
      %ge3A = arith.constant 2 : i32
      %ge3A_263 = arith.cmpi sge, %select_n3A, %ge3A : i32
      %convert_element_type3A_264 = arith.extui %ge3A_263 : i1 to i32
      %cond3A_265 = arith.constant 0 : i32
      %cond3A_266 = arith.cmpi ne, %convert_element_type3A_264, %cond3A_265 : i32
      scf.if %cond3A_266 {
        %dma_wait3A_267 = arith.constant 1 : i32
        %dma_wait3A_268 = arith.constant 0 : i32
        %dma_wait3A_269 = tpu.memref_slice %arg13[%dma_wait3A_267, %dma_wait3A_268] : memref<2x4000xf32, #tpu.memory_space<vmem>> -> memref<1x4000xf32, #tpu.memory_space<vmem>>
        %dma_wait3A_270 = tpu.memref_squeeze %dma_wait3A_269 : memref<1x4000xf32, #tpu.memory_space<vmem>> -> memref<4000xf32, #tpu.memory_space<vmem>>
        %dma_wait3A_271 = arith.constant 0 : i32
        %dma_wait3A_272 = tpu.memref_slice %arg10[%dma_wait3A_271] : memref<6400000xf32, #tpu.memory_space<hbm>> -> memref<4000xf32, #tpu.memory_space<hbm>>
        %dma_wait3A_273 = arith.constant 0 : i32
        %dma_wait3A_274 = tpu.memref_slice %arg10[%dma_wait3A_273] : memref<6400000xf32, #tpu.memory_space<hbm>> -> memref<4000xf32, #tpu.memory_space<hbm>>
        %dma_wait3A_275 = arith.constant 0 : i32
        %dma_wait3A_276 = tpu.memref_slice %arg13[%dma_wait3A_267, %dma_wait3A_275] : memref<2x4000xf32, #tpu.memory_space<vmem>> -> memref<1x4000xf32, #tpu.memory_space<vmem>>
        %dma_wait3A_277 = tpu.memref_squeeze %dma_wait3A_276 : memref<1x4000xf32, #tpu.memory_space<vmem>> -> memref<4000xf32, #tpu.memory_space<vmem>>
        tpu.wait_dma2 semaphore(%arg19 : memref<!tpu.dma_semaphore, #tpu.memory_space<semaphore_mem>>) src(%dma_wait3A_277 : memref<4000xf32, #tpu.memory_space<vmem>>) dst(%dma_wait3A_274 : memref<4000xf32, #tpu.memory_space<hbm>>)
      } else {
      }
    } else {
    }
    %eq3A_247 = arith.constant 1 : i32
    %eq3A_248 = arith.cmpi eq, %and3A_241, %eq3A_247 : i32
    %convert_element_type3A_249 = arith.extui %eq3A_248 : i1 to i32
    %cond3A_250 = arith.constant 0 : i32
    %cond3A_251 = arith.cmpi ne, %convert_element_type3A_249, %cond3A_250 : i32
    scf.if %cond3A_251 {
      %dma_wait3A = arith.constant 1 : i32
      %dma_wait3A_253 = arith.constant 0 : i32
      %dma_wait3A_254 = tpu.memref_slice %arg13[%dma_wait3A, %dma_wait3A_253] : memref<2x4000xf32, #tpu.memory_space<vmem>> -> memref<1x4000xf32, #tpu.memory_space<vmem>>
      %dma_wait3A_255 = tpu.memref_squeeze %dma_wait3A_254 : memref<1x4000xf32, #tpu.memory_space<vmem>> -> memref<4000xf32, #tpu.memory_space<vmem>>
      %dma_wait3A_256 = arith.constant 0 : i32
      %dma_wait3A_257 = tpu.memref_slice %arg10[%dma_wait3A_256] : memref<6400000xf32, #tpu.memory_space<hbm>> -> memref<4000xf32, #tpu.memory_space<hbm>>
      %dma_wait3A_258 = arith.constant 0 : i32
      %dma_wait3A_259 = tpu.memref_slice %arg10[%dma_wait3A_258] : memref<6400000xf32, #tpu.memory_space<hbm>> -> memref<4000xf32, #tpu.memory_space<hbm>>
      %dma_wait3A_260 = arith.constant 0 : i32
      %dma_wait3A_261 = tpu.memref_slice %arg13[%dma_wait3A, %dma_wait3A_260] : memref<2x4000xf32, #tpu.memory_space<vmem>> -> memref<1x4000xf32, #tpu.memory_space<vmem>>
      %dma_wait3A_262 = tpu.memref_squeeze %dma_wait3A_261 : memref<1x4000xf32, #tpu.memory_space<vmem>> -> memref<4000xf32, #tpu.memory_space<vmem>>
      tpu.wait_dma2 semaphore(%arg19 : memref<!tpu.dma_semaphore, #tpu.memory_space<semaphore_mem>>) src(%dma_wait3A_262 : memref<4000xf32, #tpu.memory_space<vmem>>) dst(%dma_wait3A_259 : memref<4000xf32, #tpu.memory_space<hbm>>)
      %dma_wait3A_263 = arith.constant 0 : i32
      %dma_wait3A_264 = arith.constant 0 : i32
      %dma_wait3A_265 = tpu.memref_slice %arg13[%dma_wait3A_263, %dma_wait3A_264] : memref<2x4000xf32, #tpu.memory_space<vmem>> -> memref<1x4000xf32, #tpu.memory_space<vmem>>
      %dma_wait3A_266 = tpu.memref_squeeze %dma_wait3A_265 : memref<1x4000xf32, #tpu.memory_space<vmem>> -> memref<4000xf32, #tpu.memory_space<vmem>>
      %dma_wait3A_267 = arith.constant 0 : i32
      %dma_wait3A_268 = tpu.memref_slice %arg10[%dma_wait3A_267] : memref<6400000xf32, #tpu.memory_space<hbm>> -> memref<4000xf32, #tpu.memory_space<hbm>>
      %dma_wait3A_269 = arith.constant 0 : i32
      %dma_wait3A_270 = tpu.memref_slice %arg10[%dma_wait3A_269] : memref<6400000xf32, #tpu.memory_space<hbm>> -> memref<4000xf32, #tpu.memory_space<hbm>>
      %dma_wait3A_271 = arith.constant 0 : i32
      %dma_wait3A_272 = tpu.memref_slice %arg13[%dma_wait3A_263, %dma_wait3A_271] : memref<2x4000xf32, #tpu.memory_space<vmem>> -> memref<1x4000xf32, #tpu.memory_space<vmem>>
      %dma_wait3A_273 = tpu.memref_squeeze %dma_wait3A_272 : memref<1x4000xf32, #tpu.memory_space<vmem>> -> memref<4000xf32, #tpu.memory_space<vmem>>
      tpu.wait_dma2 semaphore(%arg18 : memref<!tpu.dma_semaphore, #tpu.memory_space<semaphore_mem>>) src(%dma_wait3A_273 : memref<4000xf32, #tpu.memory_space<vmem>>) dst(%dma_wait3A_270 : memref<4000xf32, #tpu.memory_space<hbm>>)
    } else {
    }
    %swap3A = arith.constant 0 : index
    %swap3A_252 = tpu.vector_load %arg15[%swap3A] {strides = array<i32>} : memref<16xf32, #tpu.memory_space<vmem>>, vector<16xf32>,
    tpu.vector_store %arg15[%swap3A], %while3A_237 {strides = array<i32>} : memref<16xf32, #tpu.memory_space<vmem>>, vector<16xf32>,
    "tpu.region"() ({
      %run_scoped3A = tpu.sem_alloc : memref<!tpu.dma_semaphore, #tpu.memory_space<semaphore_mem>>
      %dma_start3A_253 = arith.constant 0 : i32
      %dma_start3A_254 = tpu.memref_slice %arg7[%add3A, %dma_start3A_253] : memref<32x16xf32, #tpu.memory_space<hbm>> -> memref<1x16xf32, #tpu.memory_space<hbm>>
      %dma_start3A_255 = tpu.memref_squeeze %dma_start3A_254 : memref<1x16xf32, #tpu.memory_space<hbm>> -> memref<16xf32, #tpu.memory_space<hbm>>
      %dma_start3A_256 = arith.constant 0 : i32
      %dma_start3A_257 = tpu.memref_slice %arg7[%add3A, %dma_start3A_256] : memref<32x16xf32, #tpu.memory_space<hbm>> -> memref<1x16xf32, #tpu.memory_space<hbm>>
      %dma_start3A_258 = tpu.memref_squeeze %dma_start3A_257 : memref<1x16xf32, #tpu.memory_space<hbm>> -> memref<16xf32, #tpu.memory_space<hbm>>
      tpu.enqueue_dma source(%arg15 : memref<16xf32, #tpu.memory_space<vmem>>) target(%dma_start3A_258 : memref<16xf32, #tpu.memory_space<hbm>>) target_semaphore(%run_scoped3A : memref<!tpu.dma_semaphore, #tpu.memory_space<semaphore_mem>>)
      %dma_wait3A = arith.constant 0 : i32
      %dma_wait3A_259 = tpu.memref_slice %arg7[%add3A, %dma_wait3A] : memref<32x16xf32, #tpu.memory_space<hbm>> -> memref<1x16xf32, #tpu.memory_space<hbm>>
      %dma_wait3A_260 = tpu.memref_squeeze %dma_wait3A_259 : memref<1x16xf32, #tpu.memory_space<hbm>> -> memref<16xf32, #tpu.memory_space<hbm>>
      %dma_wait3A_261 = arith.constant 0 : i32
      %dma_wait3A_262 = tpu.memref_slice %arg7[%add3A, %dma_wait3A_261] : memref<32x16xf32, #tpu.memory_space<hbm>> -> memref<1x16xf32, #tpu.memory_space<hbm>>
      %dma_wait3A_263 = tpu.memref_squeeze %dma_wait3A_262 : memref<1x16xf32, #tpu.memory_space<hbm>> -> memref<16xf32, #tpu.memory_space<hbm>>
      tpu.wait_dma2 semaphore(%run_scoped3A : memref<!tpu.dma_semaphore, #tpu.memory_space<semaphore_mem>>) src(%arg15 : memref<16xf32, #tpu.memory_space<vmem>>) dst(%dma_wait3A_263 : memref<16xf32, #tpu.memory_space<hbm>>)
      tpu.yield
    }) : () -> ()
    return
  }
}

#map = affine_map<(d0, d1) -> (0)>
#map1 = affine_map<(d0, d1) -> (0, 0)>
module attributes {stable_mosaic.version = 14 : i64} {
  func.func @_interleave_body(%arg0: i32, %arg1: i32, %arg2: memref<6400000xf32, #tpu.memory_space<hbm>>, %arg3: memref<6400000xf32, #tpu.memory_space<hbm>>, %arg4: memref<6400000xf32, #tpu.memory_space<hbm>>, %arg5: memref<6400000xf32, #tpu.memory_space<hbm>>, %arg6: memref<32x16xf32, #tpu.memory_space<hbm>>, %arg7: memref<25600000xf32, #tpu.memory_space<hbm>>, %arg8: memref<2x4000xf32, #tpu.memory_space<vmem>>, %arg9: memref<2x4000xf32, #tpu.memory_space<vmem>>, %arg10: memref<2x4000xf32, #tpu.memory_space<vmem>>, %arg11: memref<2x4000xf32, #tpu.memory_space<vmem>>, %arg12: memref<2x16000xf32, #tpu.memory_space<vmem>>, %arg13: memref<32x16xf32, #tpu.memory_space<vmem>>, %arg14: memref<!tpu.dma_semaphore, #tpu.memory_space<semaphore_mem>>, %arg15: memref<!tpu.dma_semaphore, #tpu.memory_space<semaphore_mem>>, %arg16: memref<!tpu.dma_semaphore, #tpu.memory_space<semaphore_mem>>, %arg17: memref<!tpu.dma_semaphore, #tpu.memory_space<semaphore_mem>>) attributes {dimension_semantics = [#tpu.dimension_semantics<core_parallel>, #tpu.dimension_semantics<subcore_parallel>], iteration_bounds = array<i64: 2, 16>, scalar_prefetch = 0 : i64, scratch_operands = 10 : i64, tpu.core_type = #tpu.core_type<sc_vector_subcore>, window_params = [{transform_indices = #map}, {transform_indices = #map}, {transform_indices = #map}, {transform_indices = #map}, {transform_indices = #map1}, {transform_indices = #map}]} {
    %mul3A = arith.constant 2 : i32
    %mul3A_0 = arith.muli %arg1, %mul3A : i32
    %add3A = arith.addi %mul3A_0, %arg0 : i32
    %sub3A = arith.constant 1600 : i32
    %sub3A_1 = arith.subi %sub3A, %add3A : i32
    %add3A_2 = arith.constant 32 : i32
    %add3A_3 = arith.addi %sub3A_1, %add3A_2 : i32
    %sub3A_4 = arith.constant 1 : i32
    %sub3A_5 = arith.subi %add3A_3, %sub3A_4 : i32
    %jit3A = arith.constant 32 : i32
    %div3A = arith.divsi %sub3A_5, %jit3A : i32
    %sign3A = arith.constant 0 : i32
    %sign3A_6 = arith.cmpi sgt, %sub3A_5, %sign3A : i32
    %sign3A_7 = arith.extui %sign3A_6 : i1 to i32
    %sign3A_8 = arith.constant 0 : i32
    %sign3A_9 = arith.cmpi slt, %sub3A_5, %sign3A_8 : i32
    %sign3A_10 = arith.extui %sign3A_9 : i1 to i32
    %sign3A_11 = arith.subi %sign3A_7, %sign3A_10 : i32
    %sign3A_12 = arith.constant 0 : i32
    %sign3A_13 = arith.cmpi sgt, %jit3A, %sign3A_12 : i32
    %sign3A_14 = arith.extui %sign3A_13 : i1 to i32
    %sign3A_15 = arith.constant 0 : i32
    %sign3A_16 = arith.cmpi slt, %jit3A, %sign3A_15 : i32
    %sign3A_17 = arith.extui %sign3A_16 : i1 to i32
    %sign3A_18 = arith.subi %sign3A_14, %sign3A_17 : i32
    %ne3A = arith.cmpi ne, %sign3A_11, %sign3A_18 : i32
    %rem3A = arith.remsi %sub3A_5, %jit3A : i32
    %ne3A_19 = arith.constant 0 : i32
    %ne3A_20 = arith.cmpi ne, %rem3A, %ne3A_19 : i32
    %and3A = arith.andi %ne3A, %ne3A_20 : i1
    %sub3A_21 = arith.constant 1 : i32
    %sub3A_22 = arith.subi %div3A, %sub3A_21 : i32
    %select_n3A = arith.select %and3A, %sub3A_22, %div3A : i32
    "tpu.region"() ({
      %run_scoped3A = tpu.sem_alloc : memref<!tpu.dma_semaphore, #tpu.memory_space<semaphore_mem>>
      tpu.enqueue_dma source(%arg6 : memref<32x16xf32, #tpu.memory_space<hbm>>) target(%arg13 : memref<32x16xf32, #tpu.memory_space<vmem>>) target_semaphore(%run_scoped3A : memref<!tpu.dma_semaphore, #tpu.memory_space<semaphore_mem>>)
      tpu.wait_dma2 semaphore(%run_scoped3A : memref<!tpu.dma_semaphore, #tpu.memory_space<semaphore_mem>>) src(%arg6 : memref<32x16xf32, #tpu.memory_space<hbm>>) dst(%arg13 : memref<32x16xf32, #tpu.memory_space<vmem>>)
      tpu.yield
    }) : () -> ()
    %broadcast_in_dim3A = arith.constant 0.000000e+00 : f32
    %broadcast_in_dim3A_23 = vector.broadcast %broadcast_in_dim3A : f32 to vector<16xf32>
    %scan3A = arith.constant 0 : i32
    %scan3A_24 = arith.constant 32 : i32
    %scan3A_25 = arith.addi %scan3A, %scan3A_24 : i32
    %scan3A_26 = arith.constant 1 : i32
    %scan3A_27 = scf.for %scan3A_192 = %scan3A to %scan3A_25 step %scan3A_26 iter_args(%scan3A_193 = %broadcast_in_dim3A_23) -> (vector<16xf32>)  : i32 {
      %get3A = arith.index_cast %scan3A_192 : i32 to index
      %get3A_194 = arith.constant 0 : index
      %get3A_195 = tpu.vector_load %arg13[%get3A, %get3A_194] {strides = array<i32>} : memref<32x16xf32, #tpu.memory_space<vmem>>, vector<16xf32>,
      %max3A_196 = arith.maximumf %scan3A_193, %get3A_195 : vector<16xf32>
      scf.yield %max3A_196 : vector<16xf32>
    }
    %scan3A_28 = arith.constant 32 : i32
    %iota3A = tpu.iota {dimensions = array<i32: 0>} : vector<16xi32>
    %add3A_29 = arith.constant 8 : i32
    %add3A_30 = vector.broadcast %add3A_29 : i32 to vector<16xi32>
    %add3A_31 = arith.addi %iota3A, %add3A_30 : vector<16xi32>
    %and3A_32 = arith.constant 15 : i32
    %and3A_33 = vector.broadcast %and3A_32 : i32 to vector<16xi32>
    %and3A_34 = arith.andi %add3A_31, %and3A_33 : vector<16xi32>
    %lt3A = arith.constant 0 : i32
    %lt3A_35 = vector.broadcast %lt3A : i32 to vector<16xi32>
    %lt3A_36 = arith.cmpi slt, %and3A_34, %lt3A_35 : vector<16xi32>
    %add3A_37 = arith.constant 16 : i32
    %add3A_38 = vector.broadcast %add3A_37 : i32 to vector<16xi32>
    %add3A_39 = arith.addi %and3A_34, %add3A_38 : vector<16xi32>
    %select_n3A_40 = arith.select %lt3A_36, %add3A_39, %and3A_34 : vector<16xi1>, vector<16xi32>
    %broadcast_in_dim3A_41 = vector.shape_cast %select_n3A_40 : vector<16xi32> to vector<16x1xi32>
    %gather3A = vector.shape_cast %broadcast_in_dim3A_41 : vector<16x1xi32> to vector<16xi32>
    %gather3A_42 = tpu.dynamic_gather %scan3A_27[%gather3A] in [0] : vector<16xf32>, vector<16xi32> -> vector<16xf32>
    %max3A = arith.maximumf %scan3A_27, %gather3A_42 : vector<16xf32>
    %add3A_43 = arith.constant 4 : i32
    %add3A_44 = vector.broadcast %add3A_43 : i32 to vector<16xi32>
    %add3A_45 = arith.addi %iota3A, %add3A_44 : vector<16xi32>
    %and3A_46 = arith.constant 15 : i32
    %and3A_47 = vector.broadcast %and3A_46 : i32 to vector<16xi32>
    %and3A_48 = arith.andi %add3A_45, %and3A_47 : vector<16xi32>
    %lt3A_49 = arith.constant 0 : i32
    %lt3A_50 = vector.broadcast %lt3A_49 : i32 to vector<16xi32>
    %lt3A_51 = arith.cmpi slt, %and3A_48, %lt3A_50 : vector<16xi32>
    %add3A_52 = arith.constant 16 : i32
    %add3A_53 = vector.broadcast %add3A_52 : i32 to vector<16xi32>
    %add3A_54 = arith.addi %and3A_48, %add3A_53 : vector<16xi32>
    %select_n3A_55 = arith.select %lt3A_51, %add3A_54, %and3A_48 : vector<16xi1>, vector<16xi32>
    %broadcast_in_dim3A_56 = vector.shape_cast %select_n3A_55 : vector<16xi32> to vector<16x1xi32>
    %gather3A_57 = vector.shape_cast %broadcast_in_dim3A_56 : vector<16x1xi32> to vector<16xi32>
    %gather3A_58 = tpu.dynamic_gather %max3A[%gather3A_57] in [0] : vector<16xf32>, vector<16xi32> -> vector<16xf32>
    %max3A_59 = arith.maximumf %max3A, %gather3A_58 : vector<16xf32>
    %add3A_60 = arith.constant 2 : i32
    %add3A_61 = vector.broadcast %add3A_60 : i32 to vector<16xi32>
    %add3A_62 = arith.addi %iota3A, %add3A_61 : vector<16xi32>
    %and3A_63 = arith.constant 15 : i32
    %and3A_64 = vector.broadcast %and3A_63 : i32 to vector<16xi32>
    %and3A_65 = arith.andi %add3A_62, %and3A_64 : vector<16xi32>
    %lt3A_66 = arith.constant 0 : i32
    %lt3A_67 = vector.broadcast %lt3A_66 : i32 to vector<16xi32>
    %lt3A_68 = arith.cmpi slt, %and3A_65, %lt3A_67 : vector<16xi32>
    %add3A_69 = arith.constant 16 : i32
    %add3A_70 = vector.broadcast %add3A_69 : i32 to vector<16xi32>
    %add3A_71 = arith.addi %and3A_65, %add3A_70 : vector<16xi32>
    %select_n3A_72 = arith.select %lt3A_68, %add3A_71, %and3A_65 : vector<16xi1>, vector<16xi32>
    %broadcast_in_dim3A_73 = vector.shape_cast %select_n3A_72 : vector<16xi32> to vector<16x1xi32>
    %gather3A_74 = vector.shape_cast %broadcast_in_dim3A_73 : vector<16x1xi32> to vector<16xi32>
    %gather3A_75 = tpu.dynamic_gather %max3A_59[%gather3A_74] in [0] : vector<16xf32>, vector<16xi32> -> vector<16xf32>
    %max3A_76 = arith.maximumf %max3A_59, %gather3A_75 : vector<16xf32>
    %add3A_77 = arith.constant 1 : i32
    %add3A_78 = vector.broadcast %add3A_77 : i32 to vector<16xi32>
    %add3A_79 = arith.addi %iota3A, %add3A_78 : vector<16xi32>
    %and3A_80 = arith.constant 15 : i32
    %and3A_81 = vector.broadcast %and3A_80 : i32 to vector<16xi32>
    %and3A_82 = arith.andi %add3A_79, %and3A_81 : vector<16xi32>
    %lt3A_83 = arith.constant 0 : i32
    %lt3A_84 = vector.broadcast %lt3A_83 : i32 to vector<16xi32>
    %lt3A_85 = arith.cmpi slt, %and3A_82, %lt3A_84 : vector<16xi32>
    %add3A_86 = arith.constant 16 : i32
    %add3A_87 = vector.broadcast %add3A_86 : i32 to vector<16xi32>
    %add3A_88 = arith.addi %and3A_82, %add3A_87 : vector<16xi32>
    %select_n3A_89 = arith.select %lt3A_85, %add3A_88, %and3A_82 : vector<16xi1>, vector<16xi32>
    %broadcast_in_dim3A_90 = vector.shape_cast %select_n3A_89 : vector<16xi32> to vector<16x1xi32>
    %gather3A_91 = vector.shape_cast %broadcast_in_dim3A_90 : vector<16x1xi32> to vector<16xi32>
    %gather3A_92 = tpu.dynamic_gather %max3A_76[%gather3A_91] in [0] : vector<16xf32>, vector<16xi32> -> vector<16xf32>
    %max3A_93 = arith.maximumf %max3A_76, %gather3A_92 : vector<16xf32>
    %mul3A_94 = arith.constant 2.000000e+00 : f32
    %mul3A_95 = vector.broadcast %mul3A_94 : f32 to vector<16xf32>
    %mul3A_96 = arith.mulf %mul3A_95, %max3A_93 : vector<16xf32>
    %div3A_97 = arith.constant 1.000000e+00 : f32
    %div3A_98 = vector.broadcast %div3A_97 : f32 to vector<16xf32>
    %div3A_99 = arith.divf %div3A_98, %mul3A_96 : vector<16xf32>
    %mul3A_100 = arith.constant 4 : i32
    %mul3A_101 = vector.broadcast %mul3A_100 : i32 to vector<16xi32>
    %mul3A_102 = arith.muli %iota3A, %mul3A_101 : vector<16xi32>
    %add3A_103 = arith.constant 0 : i32
    %add3A_104 = arith.addi %add3A, %add3A_103 : i32
    %mul3A_105 = arith.constant 4000 : i32
    %mul3A_106 = arith.muli %add3A_104, %mul3A_105 : i32
    %dma_start3A = arith.constant 0 : i32
    %dma_start3A_107 = arith.constant 0 : i32
    %dma_start3A_108 = tpu.memref_slice %arg8[%dma_start3A, %dma_start3A_107] : memref<2x4000xf32, #tpu.memory_space<vmem>> -> memref<1x4000xf32, #tpu.memory_space<vmem>>
    %dma_start3A_109 = tpu.memref_squeeze %dma_start3A_108 : memref<1x4000xf32, #tpu.memory_space<vmem>> -> memref<4000xf32, #tpu.memory_space<vmem>>
    %dma_start3A_110 = tpu.memref_slice %arg2[%mul3A_106] : memref<6400000xf32, #tpu.memory_space<hbm>> -> memref<4000xf32, #tpu.memory_space<hbm>>
    %dma_start3A_111 = arith.constant 0 : i32
    %dma_start3A_112 = tpu.memref_slice %arg8[%dma_start3A, %dma_start3A_111] : memref<2x4000xf32, #tpu.memory_space<vmem>> -> memref<1x4000xf32, #tpu.memory_space<vmem>>
    %dma_start3A_113 = tpu.memref_squeeze %dma_start3A_112 : memref<1x4000xf32, #tpu.memory_space<vmem>> -> memref<4000xf32, #tpu.memory_space<vmem>>
    %dma_start3A_114 = tpu.memref_slice %arg2[%mul3A_106] : memref<6400000xf32, #tpu.memory_space<hbm>> -> memref<4000xf32, #tpu.memory_space<hbm>>
    tpu.enqueue_dma source(%dma_start3A_114 : memref<4000xf32, #tpu.memory_space<hbm>>) target(%dma_start3A_113 : memref<4000xf32, #tpu.memory_space<vmem>>) target_semaphore(%arg14 : memref<!tpu.dma_semaphore, #tpu.memory_space<semaphore_mem>>)
    %dma_start3A_115 = arith.constant 0 : i32
    %dma_start3A_116 = arith.constant 0 : i32
    %dma_start3A_117 = tpu.memref_slice %arg9[%dma_start3A_115, %dma_start3A_116] : memref<2x4000xf32, #tpu.memory_space<vmem>> -> memref<1x4000xf32, #tpu.memory_space<vmem>>
    %dma_start3A_118 = tpu.memref_squeeze %dma_start3A_117 : memref<1x4000xf32, #tpu.memory_space<vmem>> -> memref<4000xf32, #tpu.memory_space<vmem>>
    %dma_start3A_119 = tpu.memref_slice %arg3[%mul3A_106] : memref<6400000xf32, #tpu.memory_space<hbm>> -> memref<4000xf32, #tpu.memory_space<hbm>>
    %dma_start3A_120 = arith.constant 0 : i32
    %dma_start3A_121 = tpu.memref_slice %arg9[%dma_start3A_115, %dma_start3A_120] : memref<2x4000xf32, #tpu.memory_space<vmem>> -> memref<1x4000xf32, #tpu.memory_space<vmem>>
    %dma_start3A_122 = tpu.memref_squeeze %dma_start3A_121 : memref<1x4000xf32, #tpu.memory_space<vmem>> -> memref<4000xf32, #tpu.memory_space<vmem>>
    %dma_start3A_123 = tpu.memref_slice %arg3[%mul3A_106] : memref<6400000xf32, #tpu.memory_space<hbm>> -> memref<4000xf32, #tpu.memory_space<hbm>>
    tpu.enqueue_dma source(%dma_start3A_123 : memref<4000xf32, #tpu.memory_space<hbm>>) target(%dma_start3A_122 : memref<4000xf32, #tpu.memory_space<vmem>>) target_semaphore(%arg14 : memref<!tpu.dma_semaphore, #tpu.memory_space<semaphore_mem>>)
    %dma_start3A_124 = arith.constant 0 : i32
    %dma_start3A_125 = arith.constant 0 : i32
    %dma_start3A_126 = tpu.memref_slice %arg10[%dma_start3A_124, %dma_start3A_125] : memref<2x4000xf32, #tpu.memory_space<vmem>> -> memref<1x4000xf32, #tpu.memory_space<vmem>>
    %dma_start3A_127 = tpu.memref_squeeze %dma_start3A_126 : memref<1x4000xf32, #tpu.memory_space<vmem>> -> memref<4000xf32, #tpu.memory_space<vmem>>
    %dma_start3A_128 = tpu.memref_slice %arg4[%mul3A_106] : memref<6400000xf32, #tpu.memory_space<hbm>> -> memref<4000xf32, #tpu.memory_space<hbm>>
    %dma_start3A_129 = arith.constant 0 : i32
    %dma_start3A_130 = tpu.memref_slice %arg10[%dma_start3A_124, %dma_start3A_129] : memref<2x4000xf32, #tpu.memory_space<vmem>> -> memref<1x4000xf32, #tpu.memory_space<vmem>>
    %dma_start3A_131 = tpu.memref_squeeze %dma_start3A_130 : memref<1x4000xf32, #tpu.memory_space<vmem>> -> memref<4000xf32, #tpu.memory_space<vmem>>
    %dma_start3A_132 = tpu.memref_slice %arg4[%mul3A_106] : memref<6400000xf32, #tpu.memory_space<hbm>> -> memref<4000xf32, #tpu.memory_space<hbm>>
    tpu.enqueue_dma source(%dma_start3A_132 : memref<4000xf32, #tpu.memory_space<hbm>>) target(%dma_start3A_131 : memref<4000xf32, #tpu.memory_space<vmem>>) target_semaphore(%arg14 : memref<!tpu.dma_semaphore, #tpu.memory_space<semaphore_mem>>)
    %dma_start3A_133 = arith.constant 0 : i32
    %dma_start3A_134 = arith.constant 0 : i32
    %dma_start3A_135 = tpu.memref_slice %arg11[%dma_start3A_133, %dma_start3A_134] : memref<2x4000xf32, #tpu.memory_space<vmem>> -> memref<1x4000xf32, #tpu.memory_space<vmem>>
    %dma_start3A_136 = tpu.memref_squeeze %dma_start3A_135 : memref<1x4000xf32, #tpu.memory_space<vmem>> -> memref<4000xf32, #tpu.memory_space<vmem>>
    %dma_start3A_137 = tpu.memref_slice %arg5[%mul3A_106] : memref<6400000xf32, #tpu.memory_space<hbm>> -> memref<4000xf32, #tpu.memory_space<hbm>>
    %dma_start3A_138 = arith.constant 0 : i32
    %dma_start3A_139 = tpu.memref_slice %arg11[%dma_start3A_133, %dma_start3A_138] : memref<2x4000xf32, #tpu.memory_space<vmem>> -> memref<1x4000xf32, #tpu.memory_space<vmem>>
    %dma_start3A_140 = tpu.memref_squeeze %dma_start3A_139 : memref<1x4000xf32, #tpu.memory_space<vmem>> -> memref<4000xf32, #tpu.memory_space<vmem>>
    %dma_start3A_141 = tpu.memref_slice %arg5[%mul3A_106] : memref<6400000xf32, #tpu.memory_space<hbm>> -> memref<4000xf32, #tpu.memory_space<hbm>>
    tpu.enqueue_dma source(%dma_start3A_141 : memref<4000xf32, #tpu.memory_space<hbm>>) target(%dma_start3A_140 : memref<4000xf32, #tpu.memory_space<vmem>>) target_semaphore(%arg14 : memref<!tpu.dma_semaphore, #tpu.memory_space<semaphore_mem>>)
    %gt3A = arith.constant 1 : i32
    %gt3A_142 = arith.cmpi sgt, %select_n3A, %gt3A : i32
    %convert_element_type3A = arith.extui %gt3A_142 : i1 to i32
    %cond3A = arith.constant 0 : i32
    %cond3A_143 = arith.cmpi ne, %convert_element_type3A, %cond3A : i32
    scf.if %cond3A_143 {
      %add3A_192 = arith.constant 32 : i32
      %add3A_193 = arith.addi %add3A, %add3A_192 : i32
      %mul3A_194 = arith.constant 4000 : i32
      %mul3A_195 = arith.muli %add3A_193, %mul3A_194 : i32
      %dma_start3A_196 = arith.constant 1 : i32
      %dma_start3A_197 = arith.constant 0 : i32
      %dma_start3A_198 = tpu.memref_slice %arg8[%dma_start3A_196, %dma_start3A_197] : memref<2x4000xf32, #tpu.memory_space<vmem>> -> memref<1x4000xf32, #tpu.memory_space<vmem>>
      %dma_start3A_199 = tpu.memref_squeeze %dma_start3A_198 : memref<1x4000xf32, #tpu.memory_space<vmem>> -> memref<4000xf32, #tpu.memory_space<vmem>>
      %dma_start3A_200 = tpu.memref_slice %arg2[%mul3A_195] : memref<6400000xf32, #tpu.memory_space<hbm>> -> memref<4000xf32, #tpu.memory_space<hbm>>
      %dma_start3A_201 = arith.constant 0 : i32
      %dma_start3A_202 = tpu.memref_slice %arg8[%dma_start3A_196, %dma_start3A_201] : memref<2x4000xf32, #tpu.memory_space<vmem>> -> memref<1x4000xf32, #tpu.memory_space<vmem>>
      %dma_start3A_203 = tpu.memref_squeeze %dma_start3A_202 : memref<1x4000xf32, #tpu.memory_space<vmem>> -> memref<4000xf32, #tpu.memory_space<vmem>>
      %dma_start3A_204 = tpu.memref_slice %arg2[%mul3A_195] : memref<6400000xf32, #tpu.memory_space<hbm>> -> memref<4000xf32, #tpu.memory_space<hbm>>
      tpu.enqueue_dma source(%dma_start3A_204 : memref<4000xf32, #tpu.memory_space<hbm>>) target(%dma_start3A_203 : memref<4000xf32, #tpu.memory_space<vmem>>) target_semaphore(%arg15 : memref<!tpu.dma_semaphore, #tpu.memory_space<semaphore_mem>>)
      %dma_start3A_205 = arith.constant 1 : i32
      %dma_start3A_206 = arith.constant 0 : i32
      %dma_start3A_207 = tpu.memref_slice %arg9[%dma_start3A_205, %dma_start3A_206] : memref<2x4000xf32, #tpu.memory_space<vmem>> -> memref<1x4000xf32, #tpu.memory_space<vmem>>
      %dma_start3A_208 = tpu.memref_squeeze %dma_start3A_207 : memref<1x4000xf32, #tpu.memory_space<vmem>> -> memref<4000xf32, #tpu.memory_space<vmem>>
      %dma_start3A_209 = tpu.memref_slice %arg3[%mul3A_195] : memref<6400000xf32, #tpu.memory_space<hbm>> -> memref<4000xf32, #tpu.memory_space<hbm>>
      %dma_start3A_210 = arith.constant 0 : i32
      %dma_start3A_211 = tpu.memref_slice %arg9[%dma_start3A_205, %dma_start3A_210] : memref<2x4000xf32, #tpu.memory_space<vmem>> -> memref<1x4000xf32, #tpu.memory_space<vmem>>
      %dma_start3A_212 = tpu.memref_squeeze %dma_start3A_211 : memref<1x4000xf32, #tpu.memory_space<vmem>> -> memref<4000xf32, #tpu.memory_space<vmem>>
      %dma_start3A_213 = tpu.memref_slice %arg3[%mul3A_195] : memref<6400000xf32, #tpu.memory_space<hbm>> -> memref<4000xf32, #tpu.memory_space<hbm>>
      tpu.enqueue_dma source(%dma_start3A_213 : memref<4000xf32, #tpu.memory_space<hbm>>) target(%dma_start3A_212 : memref<4000xf32, #tpu.memory_space<vmem>>) target_semaphore(%arg15 : memref<!tpu.dma_semaphore, #tpu.memory_space<semaphore_mem>>)
      %dma_start3A_214 = arith.constant 1 : i32
      %dma_start3A_215 = arith.constant 0 : i32
      %dma_start3A_216 = tpu.memref_slice %arg10[%dma_start3A_214, %dma_start3A_215] : memref<2x4000xf32, #tpu.memory_space<vmem>> -> memref<1x4000xf32, #tpu.memory_space<vmem>>
      %dma_start3A_217 = tpu.memref_squeeze %dma_start3A_216 : memref<1x4000xf32, #tpu.memory_space<vmem>> -> memref<4000xf32, #tpu.memory_space<vmem>>
      %dma_start3A_218 = tpu.memref_slice %arg4[%mul3A_195] : memref<6400000xf32, #tpu.memory_space<hbm>> -> memref<4000xf32, #tpu.memory_space<hbm>>
      %dma_start3A_219 = arith.constant 0 : i32
      %dma_start3A_220 = tpu.memref_slice %arg10[%dma_start3A_214, %dma_start3A_219] : memref<2x4000xf32, #tpu.memory_space<vmem>> -> memref<1x4000xf32, #tpu.memory_space<vmem>>
      %dma_start3A_221 = tpu.memref_squeeze %dma_start3A_220 : memref<1x4000xf32, #tpu.memory_space<vmem>> -> memref<4000xf32, #tpu.memory_space<vmem>>
      %dma_start3A_222 = tpu.memref_slice %arg4[%mul3A_195] : memref<6400000xf32, #tpu.memory_space<hbm>> -> memref<4000xf32, #tpu.memory_space<hbm>>
      tpu.enqueue_dma source(%dma_start3A_222 : memref<4000xf32, #tpu.memory_space<hbm>>) target(%dma_start3A_221 : memref<4000xf32, #tpu.memory_space<vmem>>) target_semaphore(%arg15 : memref<!tpu.dma_semaphore, #tpu.memory_space<semaphore_mem>>)
      %dma_start3A_223 = arith.constant 1 : i32
      %dma_start3A_224 = arith.constant 0 : i32
      %dma_start3A_225 = tpu.memref_slice %arg11[%dma_start3A_223, %dma_start3A_224] : memref<2x4000xf32, #tpu.memory_space<vmem>> -> memref<1x4000xf32, #tpu.memory_space<vmem>>
      %dma_start3A_226 = tpu.memref_squeeze %dma_start3A_225 : memref<1x4000xf32, #tpu.memory_space<vmem>> -> memref<4000xf32, #tpu.memory_space<vmem>>
      %dma_start3A_227 = tpu.memref_slice %arg5[%mul3A_195] : memref<6400000xf32, #tpu.memory_space<hbm>> -> memref<4000xf32, #tpu.memory_space<hbm>>
      %dma_start3A_228 = arith.constant 0 : i32
      %dma_start3A_229 = tpu.memref_slice %arg11[%dma_start3A_223, %dma_start3A_228] : memref<2x4000xf32, #tpu.memory_space<vmem>> -> memref<1x4000xf32, #tpu.memory_space<vmem>>
      %dma_start3A_230 = tpu.memref_squeeze %dma_start3A_229 : memref<1x4000xf32, #tpu.memory_space<vmem>> -> memref<4000xf32, #tpu.memory_space<vmem>>
      %dma_start3A_231 = tpu.memref_slice %arg5[%mul3A_195] : memref<6400000xf32, #tpu.memory_space<hbm>> -> memref<4000xf32, #tpu.memory_space<hbm>>
      tpu.enqueue_dma source(%dma_start3A_231 : memref<4000xf32, #tpu.memory_space<hbm>>) target(%dma_start3A_230 : memref<4000xf32, #tpu.memory_space<vmem>>) target_semaphore(%arg15 : memref<!tpu.dma_semaphore, #tpu.memory_space<semaphore_mem>>)
    } else {
    }
    %add3A_144 = arith.constant 1 : i32
    %add3A_145 = arith.addi %select_n3A, %add3A_144 : i32
    %jit3A_146 = arith.constant 2 : i32
    %div3A_147 = arith.divsi %add3A_145, %jit3A_146 : i32
    %sign3A_148 = arith.constant 0 : i32
    %sign3A_149 = arith.cmpi sgt, %add3A_145, %sign3A_148 : i32
    %sign3A_150 = arith.extui %sign3A_149 : i1 to i32
    %sign3A_151 = arith.constant 0 : i32
    %sign3A_152 = arith.cmpi slt, %add3A_145, %sign3A_151 : i32
    %sign3A_153 = arith.extui %sign3A_152 : i1 to i32
    %sign3A_154 = arith.subi %sign3A_150, %sign3A_153 : i32
    %sign3A_155 = arith.constant 0 : i32
    %sign3A_156 = arith.cmpi sgt, %jit3A_146, %sign3A_155 : i32
    %sign3A_157 = arith.extui %sign3A_156 : i1 to i32
    %sign3A_158 = arith.constant 0 : i32
    %sign3A_159 = arith.cmpi slt, %jit3A_146, %sign3A_158 : i32
    %sign3A_160 = arith.extui %sign3A_159 : i1 to i32
    %sign3A_161 = arith.subi %sign3A_157, %sign3A_160 : i32
    %ne3A_162 = arith.cmpi ne, %sign3A_154, %sign3A_161 : i32
    %rem3A_163 = arith.remsi %add3A_145, %jit3A_146 : i32
    %ne3A_164 = arith.constant 0 : i32
    %ne3A_165 = arith.cmpi ne, %rem3A_163, %ne3A_164 : i32
    %and3A_166 = arith.andi %ne3A_162, %ne3A_165 : i1
    %sub3A_167 = arith.constant 1 : i32
    %sub3A_168 = arith.subi %div3A_147, %sub3A_167 : i32
    %select_n3A_169 = arith.select %and3A_166, %sub3A_168, %div3A_147 : i32
    %while3A = arith.constant 0 : i32
    %while3A_170 = arith.constant 0 : i32
    %while3A_171 = arith.subi %select_n3A_169, %while3A_170 : i32
    %while3A_172 = arith.addi %while3A_170, %while3A_171 : i32
    %while3A_173 = arith.constant 1 : i32
    %while3A_174 = arith.divsi %while3A_171, %while3A_173 : i32
    %while3A_175 = arith.muli %while3A_174, %while3A_173 : i32
    %while3A_176 = arith.addi %while3A_170, %while3A_175 : i32
    %while3A_177 = arith.constant 1 : i32
    scf.for %while3A_192 = %while3A_170 to %while3A_176 step %while3A_177  : i32 {
      %mul3A_193 = arith.constant 2 : i32
      %mul3A_194 = arith.muli %mul3A_193, %while3A_192 : i32
      %add3A_195 = arith.constant 0 : i32
      %add3A_196 = arith.addi %mul3A_194, %add3A_195 : i32
      %lt3A_197 = arith.cmpi slt, %add3A_196, %select_n3A : i32
      %convert_element_type3A_198 = arith.extui %lt3A_197 : i1 to i32
      %cond3A_199 = arith.constant 0 : i32
      %cond3A_200 = arith.cmpi ne, %convert_element_type3A_198, %cond3A_199 : i32
      scf.if %cond3A_200 {
        %dma_wait3A = arith.constant 0 : i32
        %dma_wait3A_209 = arith.constant 0 : i32
        %dma_wait3A_210 = tpu.memref_slice %arg8[%dma_wait3A, %dma_wait3A_209] : memref<2x4000xf32, #tpu.memory_space<vmem>> -> memref<1x4000xf32, #tpu.memory_space<vmem>>
        %dma_wait3A_211 = tpu.memref_squeeze %dma_wait3A_210 : memref<1x4000xf32, #tpu.memory_space<vmem>> -> memref<4000xf32, #tpu.memory_space<vmem>>
        %dma_wait3A_212 = arith.constant 0 : i32
        %dma_wait3A_213 = tpu.memref_slice %arg2[%dma_wait3A_212] : memref<6400000xf32, #tpu.memory_space<hbm>> -> memref<4000xf32, #tpu.memory_space<hbm>>
        %dma_wait3A_214 = arith.constant 0 : i32
        %dma_wait3A_215 = tpu.memref_slice %arg8[%dma_wait3A, %dma_wait3A_214] : memref<2x4000xf32, #tpu.memory_space<vmem>> -> memref<1x4000xf32, #tpu.memory_space<vmem>>
        %dma_wait3A_216 = tpu.memref_squeeze %dma_wait3A_215 : memref<1x4000xf32, #tpu.memory_space<vmem>> -> memref<4000xf32, #tpu.memory_space<vmem>>
        %dma_wait3A_217 = arith.constant 0 : i32
        %dma_wait3A_218 = tpu.memref_slice %arg2[%dma_wait3A_217] : memref<6400000xf32, #tpu.memory_space<hbm>> -> memref<4000xf32, #tpu.memory_space<hbm>>
        tpu.wait_dma2 semaphore(%arg14 : memref<!tpu.dma_semaphore, #tpu.memory_space<semaphore_mem>>) src(%dma_wait3A_218 : memref<4000xf32, #tpu.memory_space<hbm>>) dst(%dma_wait3A_216 : memref<4000xf32, #tpu.memory_space<vmem>>)
        %dma_wait3A_219 = arith.constant 0 : i32
        %dma_wait3A_220 = arith.constant 0 : i32
        %dma_wait3A_221 = tpu.memref_slice %arg9[%dma_wait3A_219, %dma_wait3A_220] : memref<2x4000xf32, #tpu.memory_space<vmem>> -> memref<1x4000xf32, #tpu.memory_space<vmem>>
        %dma_wait3A_222 = tpu.memref_squeeze %dma_wait3A_221 : memref<1x4000xf32, #tpu.memory_space<vmem>> -> memref<4000xf32, #tpu.memory_space<vmem>>
        %dma_wait3A_223 = arith.constant 0 : i32
        %dma_wait3A_224 = tpu.memref_slice %arg3[%dma_wait3A_223] : memref<6400000xf32, #tpu.memory_space<hbm>> -> memref<4000xf32, #tpu.memory_space<hbm>>
        %dma_wait3A_225 = arith.constant 0 : i32
        %dma_wait3A_226 = tpu.memref_slice %arg9[%dma_wait3A_219, %dma_wait3A_225] : memref<2x4000xf32, #tpu.memory_space<vmem>> -> memref<1x4000xf32, #tpu.memory_space<vmem>>
        %dma_wait3A_227 = tpu.memref_squeeze %dma_wait3A_226 : memref<1x4000xf32, #tpu.memory_space<vmem>> -> memref<4000xf32, #tpu.memory_space<vmem>>
        %dma_wait3A_228 = arith.constant 0 : i32
        %dma_wait3A_229 = tpu.memref_slice %arg3[%dma_wait3A_228] : memref<6400000xf32, #tpu.memory_space<hbm>> -> memref<4000xf32, #tpu.memory_space<hbm>>
        tpu.wait_dma2 semaphore(%arg14 : memref<!tpu.dma_semaphore, #tpu.memory_space<semaphore_mem>>) src(%dma_wait3A_229 : memref<4000xf32, #tpu.memory_space<hbm>>) dst(%dma_wait3A_227 : memref<4000xf32, #tpu.memory_space<vmem>>)
        %dma_wait3A_230 = arith.constant 0 : i32
        %dma_wait3A_231 = arith.constant 0 : i32
        %dma_wait3A_232 = tpu.memref_slice %arg10[%dma_wait3A_230, %dma_wait3A_231] : memref<2x4000xf32, #tpu.memory_space<vmem>> -> memref<1x4000xf32, #tpu.memory_space<vmem>>
        %dma_wait3A_233 = tpu.memref_squeeze %dma_wait3A_232 : memref<1x4000xf32, #tpu.memory_space<vmem>> -> memref<4000xf32, #tpu.memory_space<vmem>>
        %dma_wait3A_234 = arith.constant 0 : i32
        %dma_wait3A_235 = tpu.memref_slice %arg4[%dma_wait3A_234] : memref<6400000xf32, #tpu.memory_space<hbm>> -> memref<4000xf32, #tpu.memory_space<hbm>>
        %dma_wait3A_236 = arith.constant 0 : i32
        %dma_wait3A_237 = tpu.memref_slice %arg10[%dma_wait3A_230, %dma_wait3A_236] : memref<2x4000xf32, #tpu.memory_space<vmem>> -> memref<1x4000xf32, #tpu.memory_space<vmem>>
        %dma_wait3A_238 = tpu.memref_squeeze %dma_wait3A_237 : memref<1x4000xf32, #tpu.memory_space<vmem>> -> memref<4000xf32, #tpu.memory_space<vmem>>
        %dma_wait3A_239 = arith.constant 0 : i32
        %dma_wait3A_240 = tpu.memref_slice %arg4[%dma_wait3A_239] : memref<6400000xf32, #tpu.memory_space<hbm>> -> memref<4000xf32, #tpu.memory_space<hbm>>
        tpu.wait_dma2 semaphore(%arg14 : memref<!tpu.dma_semaphore, #tpu.memory_space<semaphore_mem>>) src(%dma_wait3A_240 : memref<4000xf32, #tpu.memory_space<hbm>>) dst(%dma_wait3A_238 : memref<4000xf32, #tpu.memory_space<vmem>>)
        %dma_wait3A_241 = arith.constant 0 : i32
        %dma_wait3A_242 = arith.constant 0 : i32
        %dma_wait3A_243 = tpu.memref_slice %arg11[%dma_wait3A_241, %dma_wait3A_242] : memref<2x4000xf32, #tpu.memory_space<vmem>> -> memref<1x4000xf32, #tpu.memory_space<vmem>>
        %dma_wait3A_244 = tpu.memref_squeeze %dma_wait3A_243 : memref<1x4000xf32, #tpu.memory_space<vmem>> -> memref<4000xf32, #tpu.memory_space<vmem>>
        %dma_wait3A_245 = arith.constant 0 : i32
        %dma_wait3A_246 = tpu.memref_slice %arg5[%dma_wait3A_245] : memref<6400000xf32, #tpu.memory_space<hbm>> -> memref<4000xf32, #tpu.memory_space<hbm>>
        %dma_wait3A_247 = arith.constant 0 : i32
        %dma_wait3A_248 = tpu.memref_slice %arg11[%dma_wait3A_241, %dma_wait3A_247] : memref<2x4000xf32, #tpu.memory_space<vmem>> -> memref<1x4000xf32, #tpu.memory_space<vmem>>
        %dma_wait3A_249 = tpu.memref_squeeze %dma_wait3A_248 : memref<1x4000xf32, #tpu.memory_space<vmem>> -> memref<4000xf32, #tpu.memory_space<vmem>>
        %dma_wait3A_250 = arith.constant 0 : i32
        %dma_wait3A_251 = tpu.memref_slice %arg5[%dma_wait3A_250] : memref<6400000xf32, #tpu.memory_space<hbm>> -> memref<4000xf32, #tpu.memory_space<hbm>>
        tpu.wait_dma2 semaphore(%arg14 : memref<!tpu.dma_semaphore, #tpu.memory_space<semaphore_mem>>) src(%dma_wait3A_251 : memref<4000xf32, #tpu.memory_space<hbm>>) dst(%dma_wait3A_249 : memref<4000xf32, #tpu.memory_space<vmem>>)
        %ge3A = arith.constant 2 : i32
        %ge3A_252 = arith.cmpi sge, %add3A_196, %ge3A : i32
        %convert_element_type3A_253 = arith.extui %ge3A_252 : i1 to i32
        %cond3A_254 = arith.constant 0 : i32
        %cond3A_255 = arith.cmpi ne, %convert_element_type3A_253, %cond3A_254 : i32
        scf.if %cond3A_255 {
          %dma_wait3A_285 = arith.constant 0 : i32
          %dma_wait3A_286 = arith.constant 0 : i32
          %dma_wait3A_287 = tpu.memref_slice %arg12[%dma_wait3A_285, %dma_wait3A_286] : memref<2x16000xf32, #tpu.memory_space<vmem>> -> memref<1x16000xf32, #tpu.memory_space<vmem>>
          %dma_wait3A_288 = tpu.memref_squeeze %dma_wait3A_287 : memref<1x16000xf32, #tpu.memory_space<vmem>> -> memref<16000xf32, #tpu.memory_space<vmem>>
          %dma_wait3A_289 = arith.constant 0 : i32
          %dma_wait3A_290 = tpu.memref_slice %arg7[%dma_wait3A_289] : memref<25600000xf32, #tpu.memory_space<hbm>> -> memref<16000xf32, #tpu.memory_space<hbm>>
          %dma_wait3A_291 = arith.constant 0 : i32
          %dma_wait3A_292 = tpu.memref_slice %arg7[%dma_wait3A_291] : memref<25600000xf32, #tpu.memory_space<hbm>> -> memref<16000xf32, #tpu.memory_space<hbm>>
          %dma_wait3A_293 = arith.constant 0 : i32
          %dma_wait3A_294 = tpu.memref_slice %arg12[%dma_wait3A_285, %dma_wait3A_293] : memref<2x16000xf32, #tpu.memory_space<vmem>> -> memref<1x16000xf32, #tpu.memory_space<vmem>>
          %dma_wait3A_295 = tpu.memref_squeeze %dma_wait3A_294 : memref<1x16000xf32, #tpu.memory_space<vmem>> -> memref<16000xf32, #tpu.memory_space<vmem>>
          tpu.wait_dma2 semaphore(%arg16 : memref<!tpu.dma_semaphore, #tpu.memory_space<semaphore_mem>>) src(%dma_wait3A_295 : memref<16000xf32, #tpu.memory_space<vmem>>) dst(%dma_wait3A_292 : memref<16000xf32, #tpu.memory_space<hbm>>)
        } else {
        }
        %scan3A_256 = arith.constant 0 : i32
        %scan3A_257 = arith.constant 0 : i32
        %scan3A_258 = arith.constant 250 : i32
        %scan3A_259 = arith.addi %scan3A_257, %scan3A_258 : i32
        %scan3A_260 = arith.constant 1 : i32
        %scan3A_261 = scf.for %scan3A_285 = %scan3A_257 to %scan3A_259 step %scan3A_260 iter_args(%scan3A_286 = %scan3A_256) -> (i32)  : i32 {
          %mul3A_287 = arith.constant 16 : i32
          %mul3A_288 = arith.muli %scan3A_285, %mul3A_287 : i32
          %mul3A_289 = arith.constant 64 : i32
          %mul3A_290 = arith.muli %scan3A_285, %mul3A_289 : i32
          %add3A_291 = vector.broadcast %mul3A_290 : i32 to vector<16xi32>
          %add3A_292 = arith.addi %mul3A_102, %add3A_291 : vector<16xi32>
          %get3A = arith.constant 0 : i32
          %get3A_293 = arith.index_cast %get3A : i32 to index
          %get3A_294 = arith.index_cast %mul3A_288 : i32 to index
          %get3A_295 = tpu.vector_load %arg8[%get3A_293, %get3A_294] {strides = array<i32>} : memref<2x4000xf32, #tpu.memory_space<vmem>>, vector<16xf32>,
          %mul3A_296 = arith.mulf %get3A_295, %div3A_99 : vector<16xf32>
          %add3A_297 = arith.constant 5.000000e-01 : f32
          %add3A_298 = vector.broadcast %add3A_297 : f32 to vector<16xf32>
          %add3A_299 = arith.addf %mul3A_296, %add3A_298 : vector<16xf32>
          %scatter3A = arith.constant 0 : i32
          %scatter3A_300 = arith.constant 0 : i32
          %scatter3A_301 = tpu.memref_slice %arg12[%scatter3A, %scatter3A_300] : memref<2x16000xf32, #tpu.memory_space<vmem>> -> memref<1x16000xf32, #tpu.memory_space<vmem>>
          %scatter3A_302 = tpu.memref_squeeze %scatter3A_301 : memref<1x16000xf32, #tpu.memory_space<vmem>> -> memref<16000xf32, #tpu.memory_space<vmem>>
          tpu.vector_store_idx %scatter3A_302[%add3A_292], %add3A_299 : memref<16000xf32, #tpu.memory_space<vmem>>[vector<16xi32>], vector<16xf32>,
          %add3A_303 = arith.constant 1 : i32
          %add3A_304 = vector.broadcast %add3A_303 : i32 to vector<16xi32>
          %add3A_305 = arith.addi %add3A_292, %add3A_304 : vector<16xi32>
          %get3A_306 = arith.constant 0 : i32
          %get3A_307 = arith.index_cast %get3A_306 : i32 to index
          %get3A_308 = arith.index_cast %mul3A_288 : i32 to index
          %get3A_309 = tpu.vector_load %arg9[%get3A_307, %get3A_308] {strides = array<i32>} : memref<2x4000xf32, #tpu.memory_space<vmem>>, vector<16xf32>,
          %mul3A_310 = arith.mulf %get3A_309, %div3A_99 : vector<16xf32>
          %add3A_311 = arith.constant 5.000000e-01 : f32
          %add3A_312 = vector.broadcast %add3A_311 : f32 to vector<16xf32>
          %add3A_313 = arith.addf %mul3A_310, %add3A_312 : vector<16xf32>
          %scatter3A_314 = arith.constant 0 : i32
          %scatter3A_315 = arith.constant 0 : i32
          %scatter3A_316 = tpu.memref_slice %arg12[%scatter3A_314, %scatter3A_315] : memref<2x16000xf32, #tpu.memory_space<vmem>> -> memref<1x16000xf32, #tpu.memory_space<vmem>>
          %scatter3A_317 = tpu.memref_squeeze %scatter3A_316 : memref<1x16000xf32, #tpu.memory_space<vmem>> -> memref<16000xf32, #tpu.memory_space<vmem>>
          tpu.vector_store_idx %scatter3A_317[%add3A_305], %add3A_313 : memref<16000xf32, #tpu.memory_space<vmem>>[vector<16xi32>], vector<16xf32>,
          %add3A_318 = arith.constant 2 : i32
          %add3A_319 = vector.broadcast %add3A_318 : i32 to vector<16xi32>
          %add3A_320 = arith.addi %add3A_292, %add3A_319 : vector<16xi32>
          %get3A_321 = arith.constant 0 : i32
          %get3A_322 = arith.index_cast %get3A_321 : i32 to index
          %get3A_323 = arith.index_cast %mul3A_288 : i32 to index
          %get3A_324 = tpu.vector_load %arg10[%get3A_322, %get3A_323] {strides = array<i32>} : memref<2x4000xf32, #tpu.memory_space<vmem>>, vector<16xf32>,
          %mul3A_325 = arith.mulf %get3A_324, %div3A_99 : vector<16xf32>
          %add3A_326 = arith.constant 5.000000e-01 : f32
          %add3A_327 = vector.broadcast %add3A_326 : f32 to vector<16xf32>
          %add3A_328 = arith.addf %mul3A_325, %add3A_327 : vector<16xf32>
          %scatter3A_329 = arith.constant 0 : i32
          %scatter3A_330 = arith.constant 0 : i32
          %scatter3A_331 = tpu.memref_slice %arg12[%scatter3A_329, %scatter3A_330] : memref<2x16000xf32, #tpu.memory_space<vmem>> -> memref<1x16000xf32, #tpu.memory_space<vmem>>
          %scatter3A_332 = tpu.memref_squeeze %scatter3A_331 : memref<1x16000xf32, #tpu.memory_space<vmem>> -> memref<16000xf32, #tpu.memory_space<vmem>>
          tpu.vector_store_idx %scatter3A_332[%add3A_320], %add3A_328 : memref<16000xf32, #tpu.memory_space<vmem>>[vector<16xi32>], vector<16xf32>,
          %add3A_333 = arith.constant 3 : i32
          %add3A_334 = vector.broadcast %add3A_333 : i32 to vector<16xi32>
          %add3A_335 = arith.addi %add3A_292, %add3A_334 : vector<16xi32>
          %get3A_336 = arith.constant 0 : i32
          %get3A_337 = arith.index_cast %get3A_336 : i32 to index
          %get3A_338 = arith.index_cast %mul3A_288 : i32 to index
          %get3A_339 = tpu.vector_load %arg11[%get3A_337, %get3A_338] {strides = array<i32>} : memref<2x4000xf32, #tpu.memory_space<vmem>>, vector<16xf32>,
          %scatter3A_340 = arith.constant 0 : i32
          %scatter3A_341 = arith.constant 0 : i32
          %scatter3A_342 = tpu.memref_slice %arg12[%scatter3A_340, %scatter3A_341] : memref<2x16000xf32, #tpu.memory_space<vmem>> -> memref<1x16000xf32, #tpu.memory_space<vmem>>
          %scatter3A_343 = tpu.memref_squeeze %scatter3A_342 : memref<1x16000xf32, #tpu.memory_space<vmem>> -> memref<16000xf32, #tpu.memory_space<vmem>>
          tpu.vector_store_idx %scatter3A_343[%add3A_335], %get3A_339 : memref<16000xf32, #tpu.memory_space<vmem>>[vector<16xi32>], vector<16xf32>,
          %scan3A_344 = arith.constant 0 : i32
          scf.yield %scan3A_344 : i32
        }
        %scan3A_262 = arith.constant 250 : i32
        %mul3A_263 = arith.constant 32 : i32
        %mul3A_264 = arith.muli %add3A_196, %mul3A_263 : i32
        %add3A_265 = arith.addi %add3A, %mul3A_264 : i32
        %mul3A_266 = arith.constant 4000 : i32
        %mul3A_267 = arith.muli %add3A_265, %mul3A_266 : i32
        %mul3A_268 = arith.constant 4 : i32
        %mul3A_269 = arith.muli %mul3A_268, %mul3A_267 : i32
        %dma_start3A_270 = arith.constant 0 : i32
        %dma_start3A_271 = arith.constant 0 : i32
        %dma_start3A_272 = tpu.memref_slice %arg12[%dma_start3A_270, %dma_start3A_271] : memref<2x16000xf32, #tpu.memory_space<vmem>> -> memref<1x16000xf32, #tpu.memory_space<vmem>>
        %dma_start3A_273 = tpu.memref_squeeze %dma_start3A_272 : memref<1x16000xf32, #tpu.memory_space<vmem>> -> memref<16000xf32, #tpu.memory_space<vmem>>
        %dma_start3A_274 = tpu.memref_slice %arg7[%mul3A_269] : memref<25600000xf32, #tpu.memory_space<hbm>> -> memref<16000xf32, #tpu.memory_space<hbm>>
        %dma_start3A_275 = tpu.memref_slice %arg7[%mul3A_269] : memref<25600000xf32, #tpu.memory_space<hbm>> -> memref<16000xf32, #tpu.memory_space<hbm>>
        %dma_start3A_276 = arith.constant 0 : i32
        %dma_start3A_277 = tpu.memref_slice %arg12[%dma_start3A_270, %dma_start3A_276] : memref<2x16000xf32, #tpu.memory_space<vmem>> -> memref<1x16000xf32, #tpu.memory_space<vmem>>
        %dma_start3A_278 = tpu.memref_squeeze %dma_start3A_277 : memref<1x16000xf32, #tpu.memory_space<vmem>> -> memref<16000xf32, #tpu.memory_space<vmem>>
        tpu.enqueue_dma source(%dma_start3A_278 : memref<16000xf32, #tpu.memory_space<vmem>>) target(%dma_start3A_275 : memref<16000xf32, #tpu.memory_space<hbm>>) target_semaphore(%arg16 : memref<!tpu.dma_semaphore, #tpu.memory_space<semaphore_mem>>)
        %add3A_279 = arith.constant 2 : i32
        %add3A_280 = arith.addi %add3A_196, %add3A_279 : i32
        %lt3A_281 = arith.cmpi slt, %add3A_280, %select_n3A : i32
        %convert_element_type3A_282 = arith.extui %lt3A_281 : i1 to i32
        %cond3A_283 = arith.constant 0 : i32
        %cond3A_284 = arith.cmpi ne, %convert_element_type3A_282, %cond3A_283 : i32
        scf.if %cond3A_284 {
          %add3A_285 = arith.constant 2 : i32
          %add3A_286 = arith.addi %add3A_196, %add3A_285 : i32
          %mul3A_287 = arith.constant 32 : i32
          %mul3A_288 = arith.muli %add3A_286, %mul3A_287 : i32
          %add3A_289 = arith.addi %add3A, %mul3A_288 : i32
          %mul3A_290 = arith.constant 4000 : i32
          %mul3A_291 = arith.muli %add3A_289, %mul3A_290 : i32
          %dma_start3A_292 = arith.constant 0 : i32
          %dma_start3A_293 = arith.constant 0 : i32
          %dma_start3A_294 = tpu.memref_slice %arg8[%dma_start3A_292, %dma_start3A_293] : memref<2x4000xf32, #tpu.memory_space<vmem>> -> memref<1x4000xf32, #tpu.memory_space<vmem>>
          %dma_start3A_295 = tpu.memref_squeeze %dma_start3A_294 : memref<1x4000xf32, #tpu.memory_space<vmem>> -> memref<4000xf32, #tpu.memory_space<vmem>>
          %dma_start3A_296 = tpu.memref_slice %arg2[%mul3A_291] : memref<6400000xf32, #tpu.memory_space<hbm>> -> memref<4000xf32, #tpu.memory_space<hbm>>
          %dma_start3A_297 = arith.constant 0 : i32
          %dma_start3A_298 = tpu.memref_slice %arg8[%dma_start3A_292, %dma_start3A_297] : memref<2x4000xf32, #tpu.memory_space<vmem>> -> memref<1x4000xf32, #tpu.memory_space<vmem>>
          %dma_start3A_299 = tpu.memref_squeeze %dma_start3A_298 : memref<1x4000xf32, #tpu.memory_space<vmem>> -> memref<4000xf32, #tpu.memory_space<vmem>>
          %dma_start3A_300 = tpu.memref_slice %arg2[%mul3A_291] : memref<6400000xf32, #tpu.memory_space<hbm>> -> memref<4000xf32, #tpu.memory_space<hbm>>
          tpu.enqueue_dma source(%dma_start3A_300 : memref<4000xf32, #tpu.memory_space<hbm>>) target(%dma_start3A_299 : memref<4000xf32, #tpu.memory_space<vmem>>) target_semaphore(%arg14 : memref<!tpu.dma_semaphore, #tpu.memory_space<semaphore_mem>>)
          %dma_start3A_301 = arith.constant 0 : i32
          %dma_start3A_302 = arith.constant 0 : i32
          %dma_start3A_303 = tpu.memref_slice %arg9[%dma_start3A_301, %dma_start3A_302] : memref<2x4000xf32, #tpu.memory_space<vmem>> -> memref<1x4000xf32, #tpu.memory_space<vmem>>
          %dma_start3A_304 = tpu.memref_squeeze %dma_start3A_303 : memref<1x4000xf32, #tpu.memory_space<vmem>> -> memref<4000xf32, #tpu.memory_space<vmem>>
          %dma_start3A_305 = tpu.memref_slice %arg3[%mul3A_291] : memref<6400000xf32, #tpu.memory_space<hbm>> -> memref<4000xf32, #tpu.memory_space<hbm>>
          %dma_start3A_306 = arith.constant 0 : i32
          %dma_start3A_307 = tpu.memref_slice %arg9[%dma_start3A_301, %dma_start3A_306] : memref<2x4000xf32, #tpu.memory_space<vmem>> -> memref<1x4000xf32, #tpu.memory_space<vmem>>
          %dma_start3A_308 = tpu.memref_squeeze %dma_start3A_307 : memref<1x4000xf32, #tpu.memory_space<vmem>> -> memref<4000xf32, #tpu.memory_space<vmem>>
          %dma_start3A_309 = tpu.memref_slice %arg3[%mul3A_291] : memref<6400000xf32, #tpu.memory_space<hbm>> -> memref<4000xf32, #tpu.memory_space<hbm>>
          tpu.enqueue_dma source(%dma_start3A_309 : memref<4000xf32, #tpu.memory_space<hbm>>) target(%dma_start3A_308 : memref<4000xf32, #tpu.memory_space<vmem>>) target_semaphore(%arg14 : memref<!tpu.dma_semaphore, #tpu.memory_space<semaphore_mem>>)
          %dma_start3A_310 = arith.constant 0 : i32
          %dma_start3A_311 = arith.constant 0 : i32
          %dma_start3A_312 = tpu.memref_slice %arg10[%dma_start3A_310, %dma_start3A_311] : memref<2x4000xf32, #tpu.memory_space<vmem>> -> memref<1x4000xf32, #tpu.memory_space<vmem>>
          %dma_start3A_313 = tpu.memref_squeeze %dma_start3A_312 : memref<1x4000xf32, #tpu.memory_space<vmem>> -> memref<4000xf32, #tpu.memory_space<vmem>>
          %dma_start3A_314 = tpu.memref_slice %arg4[%mul3A_291] : memref<6400000xf32, #tpu.memory_space<hbm>> -> memref<4000xf32, #tpu.memory_space<hbm>>
          %dma_start3A_315 = arith.constant 0 : i32
          %dma_start3A_316 = tpu.memref_slice %arg10[%dma_start3A_310, %dma_start3A_315] : memref<2x4000xf32, #tpu.memory_space<vmem>> -> memref<1x4000xf32, #tpu.memory_space<vmem>>
          %dma_start3A_317 = tpu.memref_squeeze %dma_start3A_316 : memref<1x4000xf32, #tpu.memory_space<vmem>> -> memref<4000xf32, #tpu.memory_space<vmem>>
          %dma_start3A_318 = tpu.memref_slice %arg4[%mul3A_291] : memref<6400000xf32, #tpu.memory_space<hbm>> -> memref<4000xf32, #tpu.memory_space<hbm>>
          tpu.enqueue_dma source(%dma_start3A_318 : memref<4000xf32, #tpu.memory_space<hbm>>) target(%dma_start3A_317 : memref<4000xf32, #tpu.memory_space<vmem>>) target_semaphore(%arg14 : memref<!tpu.dma_semaphore, #tpu.memory_space<semaphore_mem>>)
          %dma_start3A_319 = arith.constant 0 : i32
          %dma_start3A_320 = arith.constant 0 : i32
          %dma_start3A_321 = tpu.memref_slice %arg11[%dma_start3A_319, %dma_start3A_320] : memref<2x4000xf32, #tpu.memory_space<vmem>> -> memref<1x4000xf32, #tpu.memory_space<vmem>>
          %dma_start3A_322 = tpu.memref_squeeze %dma_start3A_321 : memref<1x4000xf32, #tpu.memory_space<vmem>> -> memref<4000xf32, #tpu.memory_space<vmem>>
          %dma_start3A_323 = tpu.memref_slice %arg5[%mul3A_291] : memref<6400000xf32, #tpu.memory_space<hbm>> -> memref<4000xf32, #tpu.memory_space<hbm>>
          %dma_start3A_324 = arith.constant 0 : i32
          %dma_start3A_325 = tpu.memref_slice %arg11[%dma_start3A_319, %dma_start3A_324] : memref<2x4000xf32, #tpu.memory_space<vmem>> -> memref<1x4000xf32, #tpu.memory_space<vmem>>
          %dma_start3A_326 = tpu.memref_squeeze %dma_start3A_325 : memref<1x4000xf32, #tpu.memory_space<vmem>> -> memref<4000xf32, #tpu.memory_space<vmem>>
          %dma_start3A_327 = tpu.memref_slice %arg5[%mul3A_291] : memref<6400000xf32, #tpu.memory_space<hbm>> -> memref<4000xf32, #tpu.memory_space<hbm>>
          tpu.enqueue_dma source(%dma_start3A_327 : memref<4000xf32, #tpu.memory_space<hbm>>) target(%dma_start3A_326 : memref<4000xf32, #tpu.memory_space<vmem>>) target_semaphore(%arg14 : memref<!tpu.dma_semaphore, #tpu.memory_space<semaphore_mem>>)
        } else {
        }
      } else {
      }
      %mul3A_201 = arith.constant 2 : i32
      %mul3A_202 = arith.muli %mul3A_201, %while3A_192 : i32
      %add3A_203 = arith.constant 1 : i32
      %add3A_204 = arith.addi %mul3A_202, %add3A_203 : i32
      %lt3A_205 = arith.cmpi slt, %add3A_204, %select_n3A : i32
      %convert_element_type3A_206 = arith.extui %lt3A_205 : i1 to i32
      %cond3A_207 = arith.constant 0 : i32
      %cond3A_208 = arith.cmpi ne, %convert_element_type3A_206, %cond3A_207 : i32
      scf.if %cond3A_208 {
        %dma_wait3A = arith.constant 1 : i32
        %dma_wait3A_209 = arith.constant 0 : i32
        %dma_wait3A_210 = tpu.memref_slice %arg8[%dma_wait3A, %dma_wait3A_209] : memref<2x4000xf32, #tpu.memory_space<vmem>> -> memref<1x4000xf32, #tpu.memory_space<vmem>>
        %dma_wait3A_211 = tpu.memref_squeeze %dma_wait3A_210 : memref<1x4000xf32, #tpu.memory_space<vmem>> -> memref<4000xf32, #tpu.memory_space<vmem>>
        %dma_wait3A_212 = arith.constant 0 : i32
        %dma_wait3A_213 = tpu.memref_slice %arg2[%dma_wait3A_212] : memref<6400000xf32, #tpu.memory_space<hbm>> -> memref<4000xf32, #tpu.memory_space<hbm>>
        %dma_wait3A_214 = arith.constant 0 : i32
        %dma_wait3A_215 = tpu.memref_slice %arg8[%dma_wait3A, %dma_wait3A_214] : memref<2x4000xf32, #tpu.memory_space<vmem>> -> memref<1x4000xf32, #tpu.memory_space<vmem>>
        %dma_wait3A_216 = tpu.memref_squeeze %dma_wait3A_215 : memref<1x4000xf32, #tpu.memory_space<vmem>> -> memref<4000xf32, #tpu.memory_space<vmem>>
        %dma_wait3A_217 = arith.constant 0 : i32
        %dma_wait3A_218 = tpu.memref_slice %arg2[%dma_wait3A_217] : memref<6400000xf32, #tpu.memory_space<hbm>> -> memref<4000xf32, #tpu.memory_space<hbm>>
        tpu.wait_dma2 semaphore(%arg15 : memref<!tpu.dma_semaphore, #tpu.memory_space<semaphore_mem>>) src(%dma_wait3A_218 : memref<4000xf32, #tpu.memory_space<hbm>>) dst(%dma_wait3A_216 : memref<4000xf32, #tpu.memory_space<vmem>>)
        %dma_wait3A_219 = arith.constant 1 : i32
        %dma_wait3A_220 = arith.constant 0 : i32
        %dma_wait3A_221 = tpu.memref_slice %arg9[%dma_wait3A_219, %dma_wait3A_220] : memref<2x4000xf32, #tpu.memory_space<vmem>> -> memref<1x4000xf32, #tpu.memory_space<vmem>>
        %dma_wait3A_222 = tpu.memref_squeeze %dma_wait3A_221 : memref<1x4000xf32, #tpu.memory_space<vmem>> -> memref<4000xf32, #tpu.memory_space<vmem>>
        %dma_wait3A_223 = arith.constant 0 : i32
        %dma_wait3A_224 = tpu.memref_slice %arg3[%dma_wait3A_223] : memref<6400000xf32, #tpu.memory_space<hbm>> -> memref<4000xf32, #tpu.memory_space<hbm>>
        %dma_wait3A_225 = arith.constant 0 : i32
        %dma_wait3A_226 = tpu.memref_slice %arg9[%dma_wait3A_219, %dma_wait3A_225] : memref<2x4000xf32, #tpu.memory_space<vmem>> -> memref<1x4000xf32, #tpu.memory_space<vmem>>
        %dma_wait3A_227 = tpu.memref_squeeze %dma_wait3A_226 : memref<1x4000xf32, #tpu.memory_space<vmem>> -> memref<4000xf32, #tpu.memory_space<vmem>>
        %dma_wait3A_228 = arith.constant 0 : i32
        %dma_wait3A_229 = tpu.memref_slice %arg3[%dma_wait3A_228] : memref<6400000xf32, #tpu.memory_space<hbm>> -> memref<4000xf32, #tpu.memory_space<hbm>>
        tpu.wait_dma2 semaphore(%arg15 : memref<!tpu.dma_semaphore, #tpu.memory_space<semaphore_mem>>) src(%dma_wait3A_229 : memref<4000xf32, #tpu.memory_space<hbm>>) dst(%dma_wait3A_227 : memref<4000xf32, #tpu.memory_space<vmem>>)
        %dma_wait3A_230 = arith.constant 1 : i32
        %dma_wait3A_231 = arith.constant 0 : i32
        %dma_wait3A_232 = tpu.memref_slice %arg10[%dma_wait3A_230, %dma_wait3A_231] : memref<2x4000xf32, #tpu.memory_space<vmem>> -> memref<1x4000xf32, #tpu.memory_space<vmem>>
        %dma_wait3A_233 = tpu.memref_squeeze %dma_wait3A_232 : memref<1x4000xf32, #tpu.memory_space<vmem>> -> memref<4000xf32, #tpu.memory_space<vmem>>
        %dma_wait3A_234 = arith.constant 0 : i32
        %dma_wait3A_235 = tpu.memref_slice %arg4[%dma_wait3A_234] : memref<6400000xf32, #tpu.memory_space<hbm>> -> memref<4000xf32, #tpu.memory_space<hbm>>
        %dma_wait3A_236 = arith.constant 0 : i32
        %dma_wait3A_237 = tpu.memref_slice %arg10[%dma_wait3A_230, %dma_wait3A_236] : memref<2x4000xf32, #tpu.memory_space<vmem>> -> memref<1x4000xf32, #tpu.memory_space<vmem>>
        %dma_wait3A_238 = tpu.memref_squeeze %dma_wait3A_237 : memref<1x4000xf32, #tpu.memory_space<vmem>> -> memref<4000xf32, #tpu.memory_space<vmem>>
        %dma_wait3A_239 = arith.constant 0 : i32
        %dma_wait3A_240 = tpu.memref_slice %arg4[%dma_wait3A_239] : memref<6400000xf32, #tpu.memory_space<hbm>> -> memref<4000xf32, #tpu.memory_space<hbm>>
        tpu.wait_dma2 semaphore(%arg15 : memref<!tpu.dma_semaphore, #tpu.memory_space<semaphore_mem>>) src(%dma_wait3A_240 : memref<4000xf32, #tpu.memory_space<hbm>>) dst(%dma_wait3A_238 : memref<4000xf32, #tpu.memory_space<vmem>>)
        %dma_wait3A_241 = arith.constant 1 : i32
        %dma_wait3A_242 = arith.constant 0 : i32
        %dma_wait3A_243 = tpu.memref_slice %arg11[%dma_wait3A_241, %dma_wait3A_242] : memref<2x4000xf32, #tpu.memory_space<vmem>> -> memref<1x4000xf32, #tpu.memory_space<vmem>>
        %dma_wait3A_244 = tpu.memref_squeeze %dma_wait3A_243 : memref<1x4000xf32, #tpu.memory_space<vmem>> -> memref<4000xf32, #tpu.memory_space<vmem>>
        %dma_wait3A_245 = arith.constant 0 : i32
        %dma_wait3A_246 = tpu.memref_slice %arg5[%dma_wait3A_245] : memref<6400000xf32, #tpu.memory_space<hbm>> -> memref<4000xf32, #tpu.memory_space<hbm>>
        %dma_wait3A_247 = arith.constant 0 : i32
        %dma_wait3A_248 = tpu.memref_slice %arg11[%dma_wait3A_241, %dma_wait3A_247] : memref<2x4000xf32, #tpu.memory_space<vmem>> -> memref<1x4000xf32, #tpu.memory_space<vmem>>
        %dma_wait3A_249 = tpu.memref_squeeze %dma_wait3A_248 : memref<1x4000xf32, #tpu.memory_space<vmem>> -> memref<4000xf32, #tpu.memory_space<vmem>>
        %dma_wait3A_250 = arith.constant 0 : i32
        %dma_wait3A_251 = tpu.memref_slice %arg5[%dma_wait3A_250] : memref<6400000xf32, #tpu.memory_space<hbm>> -> memref<4000xf32, #tpu.memory_space<hbm>>
        tpu.wait_dma2 semaphore(%arg15 : memref<!tpu.dma_semaphore, #tpu.memory_space<semaphore_mem>>) src(%dma_wait3A_251 : memref<4000xf32, #tpu.memory_space<hbm>>) dst(%dma_wait3A_249 : memref<4000xf32, #tpu.memory_space<vmem>>)
        %ge3A = arith.constant 2 : i32
        %ge3A_252 = arith.cmpi sge, %add3A_204, %ge3A : i32
        %convert_element_type3A_253 = arith.extui %ge3A_252 : i1 to i32
        %cond3A_254 = arith.constant 0 : i32
        %cond3A_255 = arith.cmpi ne, %convert_element_type3A_253, %cond3A_254 : i32
        scf.if %cond3A_255 {
          %dma_wait3A_285 = arith.constant 1 : i32
          %dma_wait3A_286 = arith.constant 0 : i32
          %dma_wait3A_287 = tpu.memref_slice %arg12[%dma_wait3A_285, %dma_wait3A_286] : memref<2x16000xf32, #tpu.memory_space<vmem>> -> memref<1x16000xf32, #tpu.memory_space<vmem>>
          %dma_wait3A_288 = tpu.memref_squeeze %dma_wait3A_287 : memref<1x16000xf32, #tpu.memory_space<vmem>> -> memref<16000xf32, #tpu.memory_space<vmem>>
          %dma_wait3A_289 = arith.constant 0 : i32
          %dma_wait3A_290 = tpu.memref_slice %arg7[%dma_wait3A_289] : memref<25600000xf32, #tpu.memory_space<hbm>> -> memref<16000xf32, #tpu.memory_space<hbm>>
          %dma_wait3A_291 = arith.constant 0 : i32
          %dma_wait3A_292 = tpu.memref_slice %arg7[%dma_wait3A_291] : memref<25600000xf32, #tpu.memory_space<hbm>> -> memref<16000xf32, #tpu.memory_space<hbm>>
          %dma_wait3A_293 = arith.constant 0 : i32
          %dma_wait3A_294 = tpu.memref_slice %arg12[%dma_wait3A_285, %dma_wait3A_293] : memref<2x16000xf32, #tpu.memory_space<vmem>> -> memref<1x16000xf32, #tpu.memory_space<vmem>>
          %dma_wait3A_295 = tpu.memref_squeeze %dma_wait3A_294 : memref<1x16000xf32, #tpu.memory_space<vmem>> -> memref<16000xf32, #tpu.memory_space<vmem>>
          tpu.wait_dma2 semaphore(%arg17 : memref<!tpu.dma_semaphore, #tpu.memory_space<semaphore_mem>>) src(%dma_wait3A_295 : memref<16000xf32, #tpu.memory_space<vmem>>) dst(%dma_wait3A_292 : memref<16000xf32, #tpu.memory_space<hbm>>)
        } else {
        }
        %scan3A_256 = arith.constant 0 : i32
        %scan3A_257 = arith.constant 0 : i32
        %scan3A_258 = arith.constant 250 : i32
        %scan3A_259 = arith.addi %scan3A_257, %scan3A_258 : i32
        %scan3A_260 = arith.constant 1 : i32
        %scan3A_261 = scf.for %scan3A_285 = %scan3A_257 to %scan3A_259 step %scan3A_260 iter_args(%scan3A_286 = %scan3A_256) -> (i32)  : i32 {
          %mul3A_287 = arith.constant 16 : i32
          %mul3A_288 = arith.muli %scan3A_285, %mul3A_287 : i32
          %mul3A_289 = arith.constant 64 : i32
          %mul3A_290 = arith.muli %scan3A_285, %mul3A_289 : i32
          %add3A_291 = vector.broadcast %mul3A_290 : i32 to vector<16xi32>
          %add3A_292 = arith.addi %mul3A_102, %add3A_291 : vector<16xi32>
          %get3A = arith.constant 1 : i32
          %get3A_293 = arith.index_cast %get3A : i32 to index
          %get3A_294 = arith.index_cast %mul3A_288 : i32 to index
          %get3A_295 = tpu.vector_load %arg8[%get3A_293, %get3A_294] {strides = array<i32>} : memref<2x4000xf32, #tpu.memory_space<vmem>>, vector<16xf32>,
          %mul3A_296 = arith.mulf %get3A_295, %div3A_99 : vector<16xf32>
          %add3A_297 = arith.constant 5.000000e-01 : f32
          %add3A_298 = vector.broadcast %add3A_297 : f32 to vector<16xf32>
          %add3A_299 = arith.addf %mul3A_296, %add3A_298 : vector<16xf32>
          %scatter3A = arith.constant 1 : i32
          %scatter3A_300 = arith.constant 0 : i32
          %scatter3A_301 = tpu.memref_slice %arg12[%scatter3A, %scatter3A_300] : memref<2x16000xf32, #tpu.memory_space<vmem>> -> memref<1x16000xf32, #tpu.memory_space<vmem>>
          %scatter3A_302 = tpu.memref_squeeze %scatter3A_301 : memref<1x16000xf32, #tpu.memory_space<vmem>> -> memref<16000xf32, #tpu.memory_space<vmem>>
          tpu.vector_store_idx %scatter3A_302[%add3A_292], %add3A_299 : memref<16000xf32, #tpu.memory_space<vmem>>[vector<16xi32>], vector<16xf32>,
          %add3A_303 = arith.constant 1 : i32
          %add3A_304 = vector.broadcast %add3A_303 : i32 to vector<16xi32>
          %add3A_305 = arith.addi %add3A_292, %add3A_304 : vector<16xi32>
          %get3A_306 = arith.constant 1 : i32
          %get3A_307 = arith.index_cast %get3A_306 : i32 to index
          %get3A_308 = arith.index_cast %mul3A_288 : i32 to index
          %get3A_309 = tpu.vector_load %arg9[%get3A_307, %get3A_308] {strides = array<i32>} : memref<2x4000xf32, #tpu.memory_space<vmem>>, vector<16xf32>,
          %mul3A_310 = arith.mulf %get3A_309, %div3A_99 : vector<16xf32>
          %add3A_311 = arith.constant 5.000000e-01 : f32
          %add3A_312 = vector.broadcast %add3A_311 : f32 to vector<16xf32>
          %add3A_313 = arith.addf %mul3A_310, %add3A_312 : vector<16xf32>
          %scatter3A_314 = arith.constant 1 : i32
          %scatter3A_315 = arith.constant 0 : i32
          %scatter3A_316 = tpu.memref_slice %arg12[%scatter3A_314, %scatter3A_315] : memref<2x16000xf32, #tpu.memory_space<vmem>> -> memref<1x16000xf32, #tpu.memory_space<vmem>>
          %scatter3A_317 = tpu.memref_squeeze %scatter3A_316 : memref<1x16000xf32, #tpu.memory_space<vmem>> -> memref<16000xf32, #tpu.memory_space<vmem>>
          tpu.vector_store_idx %scatter3A_317[%add3A_305], %add3A_313 : memref<16000xf32, #tpu.memory_space<vmem>>[vector<16xi32>], vector<16xf32>,
          %add3A_318 = arith.constant 2 : i32
          %add3A_319 = vector.broadcast %add3A_318 : i32 to vector<16xi32>
          %add3A_320 = arith.addi %add3A_292, %add3A_319 : vector<16xi32>
          %get3A_321 = arith.constant 1 : i32
          %get3A_322 = arith.index_cast %get3A_321 : i32 to index
          %get3A_323 = arith.index_cast %mul3A_288 : i32 to index
          %get3A_324 = tpu.vector_load %arg10[%get3A_322, %get3A_323] {strides = array<i32>} : memref<2x4000xf32, #tpu.memory_space<vmem>>, vector<16xf32>,
          %mul3A_325 = arith.mulf %get3A_324, %div3A_99 : vector<16xf32>
          %add3A_326 = arith.constant 5.000000e-01 : f32
          %add3A_327 = vector.broadcast %add3A_326 : f32 to vector<16xf32>
          %add3A_328 = arith.addf %mul3A_325, %add3A_327 : vector<16xf32>
          %scatter3A_329 = arith.constant 1 : i32
          %scatter3A_330 = arith.constant 0 : i32
          %scatter3A_331 = tpu.memref_slice %arg12[%scatter3A_329, %scatter3A_330] : memref<2x16000xf32, #tpu.memory_space<vmem>> -> memref<1x16000xf32, #tpu.memory_space<vmem>>
          %scatter3A_332 = tpu.memref_squeeze %scatter3A_331 : memref<1x16000xf32, #tpu.memory_space<vmem>> -> memref<16000xf32, #tpu.memory_space<vmem>>
          tpu.vector_store_idx %scatter3A_332[%add3A_320], %add3A_328 : memref<16000xf32, #tpu.memory_space<vmem>>[vector<16xi32>], vector<16xf32>,
          %add3A_333 = arith.constant 3 : i32
          %add3A_334 = vector.broadcast %add3A_333 : i32 to vector<16xi32>
          %add3A_335 = arith.addi %add3A_292, %add3A_334 : vector<16xi32>
          %get3A_336 = arith.constant 1 : i32
          %get3A_337 = arith.index_cast %get3A_336 : i32 to index
          %get3A_338 = arith.index_cast %mul3A_288 : i32 to index
          %get3A_339 = tpu.vector_load %arg11[%get3A_337, %get3A_338] {strides = array<i32>} : memref<2x4000xf32, #tpu.memory_space<vmem>>, vector<16xf32>,
          %scatter3A_340 = arith.constant 1 : i32
          %scatter3A_341 = arith.constant 0 : i32
          %scatter3A_342 = tpu.memref_slice %arg12[%scatter3A_340, %scatter3A_341] : memref<2x16000xf32, #tpu.memory_space<vmem>> -> memref<1x16000xf32, #tpu.memory_space<vmem>>
          %scatter3A_343 = tpu.memref_squeeze %scatter3A_342 : memref<1x16000xf32, #tpu.memory_space<vmem>> -> memref<16000xf32, #tpu.memory_space<vmem>>
          tpu.vector_store_idx %scatter3A_343[%add3A_335], %get3A_339 : memref<16000xf32, #tpu.memory_space<vmem>>[vector<16xi32>], vector<16xf32>,
          %scan3A_344 = arith.constant 0 : i32
          scf.yield %scan3A_344 : i32
        }
        %scan3A_262 = arith.constant 250 : i32
        %mul3A_263 = arith.constant 32 : i32
        %mul3A_264 = arith.muli %add3A_204, %mul3A_263 : i32
        %add3A_265 = arith.addi %add3A, %mul3A_264 : i32
        %mul3A_266 = arith.constant 4000 : i32
        %mul3A_267 = arith.muli %add3A_265, %mul3A_266 : i32
        %mul3A_268 = arith.constant 4 : i32
        %mul3A_269 = arith.muli %mul3A_268, %mul3A_267 : i32
        %dma_start3A_270 = arith.constant 1 : i32
        %dma_start3A_271 = arith.constant 0 : i32
        %dma_start3A_272 = tpu.memref_slice %arg12[%dma_start3A_270, %dma_start3A_271] : memref<2x16000xf32, #tpu.memory_space<vmem>> -> memref<1x16000xf32, #tpu.memory_space<vmem>>
        %dma_start3A_273 = tpu.memref_squeeze %dma_start3A_272 : memref<1x16000xf32, #tpu.memory_space<vmem>> -> memref<16000xf32, #tpu.memory_space<vmem>>
        %dma_start3A_274 = tpu.memref_slice %arg7[%mul3A_269] : memref<25600000xf32, #tpu.memory_space<hbm>> -> memref<16000xf32, #tpu.memory_space<hbm>>
        %dma_start3A_275 = tpu.memref_slice %arg7[%mul3A_269] : memref<25600000xf32, #tpu.memory_space<hbm>> -> memref<16000xf32, #tpu.memory_space<hbm>>
        %dma_start3A_276 = arith.constant 0 : i32
        %dma_start3A_277 = tpu.memref_slice %arg12[%dma_start3A_270, %dma_start3A_276] : memref<2x16000xf32, #tpu.memory_space<vmem>> -> memref<1x16000xf32, #tpu.memory_space<vmem>>
        %dma_start3A_278 = tpu.memref_squeeze %dma_start3A_277 : memref<1x16000xf32, #tpu.memory_space<vmem>> -> memref<16000xf32, #tpu.memory_space<vmem>>
        tpu.enqueue_dma source(%dma_start3A_278 : memref<16000xf32, #tpu.memory_space<vmem>>) target(%dma_start3A_275 : memref<16000xf32, #tpu.memory_space<hbm>>) target_semaphore(%arg17 : memref<!tpu.dma_semaphore, #tpu.memory_space<semaphore_mem>>)
        %add3A_279 = arith.constant 2 : i32
        %add3A_280 = arith.addi %add3A_204, %add3A_279 : i32
        %lt3A_281 = arith.cmpi slt, %add3A_280, %select_n3A : i32
        %convert_element_type3A_282 = arith.extui %lt3A_281 : i1 to i32
        %cond3A_283 = arith.constant 0 : i32
        %cond3A_284 = arith.cmpi ne, %convert_element_type3A_282, %cond3A_283 : i32
        scf.if %cond3A_284 {
          %add3A_285 = arith.constant 2 : i32
          %add3A_286 = arith.addi %add3A_204, %add3A_285 : i32
          %mul3A_287 = arith.constant 32 : i32
          %mul3A_288 = arith.muli %add3A_286, %mul3A_287 : i32
          %add3A_289 = arith.addi %add3A, %mul3A_288 : i32
          %mul3A_290 = arith.constant 4000 : i32
          %mul3A_291 = arith.muli %add3A_289, %mul3A_290 : i32
          %dma_start3A_292 = arith.constant 1 : i32
          %dma_start3A_293 = arith.constant 0 : i32
          %dma_start3A_294 = tpu.memref_slice %arg8[%dma_start3A_292, %dma_start3A_293] : memref<2x4000xf32, #tpu.memory_space<vmem>> -> memref<1x4000xf32, #tpu.memory_space<vmem>>
          %dma_start3A_295 = tpu.memref_squeeze %dma_start3A_294 : memref<1x4000xf32, #tpu.memory_space<vmem>> -> memref<4000xf32, #tpu.memory_space<vmem>>
          %dma_start3A_296 = tpu.memref_slice %arg2[%mul3A_291] : memref<6400000xf32, #tpu.memory_space<hbm>> -> memref<4000xf32, #tpu.memory_space<hbm>>
          %dma_start3A_297 = arith.constant 0 : i32
          %dma_start3A_298 = tpu.memref_slice %arg8[%dma_start3A_292, %dma_start3A_297] : memref<2x4000xf32, #tpu.memory_space<vmem>> -> memref<1x4000xf32, #tpu.memory_space<vmem>>
          %dma_start3A_299 = tpu.memref_squeeze %dma_start3A_298 : memref<1x4000xf32, #tpu.memory_space<vmem>> -> memref<4000xf32, #tpu.memory_space<vmem>>
          %dma_start3A_300 = tpu.memref_slice %arg2[%mul3A_291] : memref<6400000xf32, #tpu.memory_space<hbm>> -> memref<4000xf32, #tpu.memory_space<hbm>>
          tpu.enqueue_dma source(%dma_start3A_300 : memref<4000xf32, #tpu.memory_space<hbm>>) target(%dma_start3A_299 : memref<4000xf32, #tpu.memory_space<vmem>>) target_semaphore(%arg15 : memref<!tpu.dma_semaphore, #tpu.memory_space<semaphore_mem>>)
          %dma_start3A_301 = arith.constant 1 : i32
          %dma_start3A_302 = arith.constant 0 : i32
          %dma_start3A_303 = tpu.memref_slice %arg9[%dma_start3A_301, %dma_start3A_302] : memref<2x4000xf32, #tpu.memory_space<vmem>> -> memref<1x4000xf32, #tpu.memory_space<vmem>>
          %dma_start3A_304 = tpu.memref_squeeze %dma_start3A_303 : memref<1x4000xf32, #tpu.memory_space<vmem>> -> memref<4000xf32, #tpu.memory_space<vmem>>
          %dma_start3A_305 = tpu.memref_slice %arg3[%mul3A_291] : memref<6400000xf32, #tpu.memory_space<hbm>> -> memref<4000xf32, #tpu.memory_space<hbm>>
          %dma_start3A_306 = arith.constant 0 : i32
          %dma_start3A_307 = tpu.memref_slice %arg9[%dma_start3A_301, %dma_start3A_306] : memref<2x4000xf32, #tpu.memory_space<vmem>> -> memref<1x4000xf32, #tpu.memory_space<vmem>>
          %dma_start3A_308 = tpu.memref_squeeze %dma_start3A_307 : memref<1x4000xf32, #tpu.memory_space<vmem>> -> memref<4000xf32, #tpu.memory_space<vmem>>
          %dma_start3A_309 = tpu.memref_slice %arg3[%mul3A_291] : memref<6400000xf32, #tpu.memory_space<hbm>> -> memref<4000xf32, #tpu.memory_space<hbm>>
          tpu.enqueue_dma source(%dma_start3A_309 : memref<4000xf32, #tpu.memory_space<hbm>>) target(%dma_start3A_308 : memref<4000xf32, #tpu.memory_space<vmem>>) target_semaphore(%arg15 : memref<!tpu.dma_semaphore, #tpu.memory_space<semaphore_mem>>)
          %dma_start3A_310 = arith.constant 1 : i32
          %dma_start3A_311 = arith.constant 0 : i32
          %dma_start3A_312 = tpu.memref_slice %arg10[%dma_start3A_310, %dma_start3A_311] : memref<2x4000xf32, #tpu.memory_space<vmem>> -> memref<1x4000xf32, #tpu.memory_space<vmem>>
          %dma_start3A_313 = tpu.memref_squeeze %dma_start3A_312 : memref<1x4000xf32, #tpu.memory_space<vmem>> -> memref<4000xf32, #tpu.memory_space<vmem>>
          %dma_start3A_314 = tpu.memref_slice %arg4[%mul3A_291] : memref<6400000xf32, #tpu.memory_space<hbm>> -> memref<4000xf32, #tpu.memory_space<hbm>>
          %dma_start3A_315 = arith.constant 0 : i32
          %dma_start3A_316 = tpu.memref_slice %arg10[%dma_start3A_310, %dma_start3A_315] : memref<2x4000xf32, #tpu.memory_space<vmem>> -> memref<1x4000xf32, #tpu.memory_space<vmem>>
          %dma_start3A_317 = tpu.memref_squeeze %dma_start3A_316 : memref<1x4000xf32, #tpu.memory_space<vmem>> -> memref<4000xf32, #tpu.memory_space<vmem>>
          %dma_start3A_318 = tpu.memref_slice %arg4[%mul3A_291] : memref<6400000xf32, #tpu.memory_space<hbm>> -> memref<4000xf32, #tpu.memory_space<hbm>>
          tpu.enqueue_dma source(%dma_start3A_318 : memref<4000xf32, #tpu.memory_space<hbm>>) target(%dma_start3A_317 : memref<4000xf32, #tpu.memory_space<vmem>>) target_semaphore(%arg15 : memref<!tpu.dma_semaphore, #tpu.memory_space<semaphore_mem>>)
          %dma_start3A_319 = arith.constant 1 : i32
          %dma_start3A_320 = arith.constant 0 : i32
          %dma_start3A_321 = tpu.memref_slice %arg11[%dma_start3A_319, %dma_start3A_320] : memref<2x4000xf32, #tpu.memory_space<vmem>> -> memref<1x4000xf32, #tpu.memory_space<vmem>>
          %dma_start3A_322 = tpu.memref_squeeze %dma_start3A_321 : memref<1x4000xf32, #tpu.memory_space<vmem>> -> memref<4000xf32, #tpu.memory_space<vmem>>
          %dma_start3A_323 = tpu.memref_slice %arg5[%mul3A_291] : memref<6400000xf32, #tpu.memory_space<hbm>> -> memref<4000xf32, #tpu.memory_space<hbm>>
          %dma_start3A_324 = arith.constant 0 : i32
          %dma_start3A_325 = tpu.memref_slice %arg11[%dma_start3A_319, %dma_start3A_324] : memref<2x4000xf32, #tpu.memory_space<vmem>> -> memref<1x4000xf32, #tpu.memory_space<vmem>>
          %dma_start3A_326 = tpu.memref_squeeze %dma_start3A_325 : memref<1x4000xf32, #tpu.memory_space<vmem>> -> memref<4000xf32, #tpu.memory_space<vmem>>
          %dma_start3A_327 = tpu.memref_slice %arg5[%mul3A_291] : memref<6400000xf32, #tpu.memory_space<hbm>> -> memref<4000xf32, #tpu.memory_space<hbm>>
          tpu.enqueue_dma source(%dma_start3A_327 : memref<4000xf32, #tpu.memory_space<hbm>>) target(%dma_start3A_326 : memref<4000xf32, #tpu.memory_space<vmem>>) target_semaphore(%arg15 : memref<!tpu.dma_semaphore, #tpu.memory_space<semaphore_mem>>)
        } else {
        }
      } else {
      }
    }
    %while3A_178 = arith.constant 1 : i32
    scf.for %while3A_192 = %while3A_176 to %while3A_172 step %while3A_178  : i32 {
      %mul3A_193 = arith.constant 2 : i32
      %mul3A_194 = arith.muli %mul3A_193, %while3A_192 : i32
      %add3A_195 = arith.constant 0 : i32
      %add3A_196 = arith.addi %mul3A_194, %add3A_195 : i32
      %lt3A_197 = arith.cmpi slt, %add3A_196, %select_n3A : i32
      %convert_element_type3A_198 = arith.extui %lt3A_197 : i1 to i32
      %cond3A_199 = arith.constant 0 : i32
      %cond3A_200 = arith.cmpi ne, %convert_element_type3A_198, %cond3A_199 : i32
      scf.if %cond3A_200 {
        %dma_wait3A = arith.constant 0 : i32
        %dma_wait3A_209 = arith.constant 0 : i32
        %dma_wait3A_210 = tpu.memref_slice %arg8[%dma_wait3A, %dma_wait3A_209] : memref<2x4000xf32, #tpu.memory_space<vmem>> -> memref<1x4000xf32, #tpu.memory_space<vmem>>
        %dma_wait3A_211 = tpu.memref_squeeze %dma_wait3A_210 : memref<1x4000xf32, #tpu.memory_space<vmem>> -> memref<4000xf32, #tpu.memory_space<vmem>>
        %dma_wait3A_212 = arith.constant 0 : i32
        %dma_wait3A_213 = tpu.memref_slice %arg2[%dma_wait3A_212] : memref<6400000xf32, #tpu.memory_space<hbm>> -> memref<4000xf32, #tpu.memory_space<hbm>>
        %dma_wait3A_214 = arith.constant 0 : i32
        %dma_wait3A_215 = tpu.memref_slice %arg8[%dma_wait3A, %dma_wait3A_214] : memref<2x4000xf32, #tpu.memory_space<vmem>> -> memref<1x4000xf32, #tpu.memory_space<vmem>>
        %dma_wait3A_216 = tpu.memref_squeeze %dma_wait3A_215 : memref<1x4000xf32, #tpu.memory_space<vmem>> -> memref<4000xf32, #tpu.memory_space<vmem>>
        %dma_wait3A_217 = arith.constant 0 : i32
        %dma_wait3A_218 = tpu.memref_slice %arg2[%dma_wait3A_217] : memref<6400000xf32, #tpu.memory_space<hbm>> -> memref<4000xf32, #tpu.memory_space<hbm>>
        tpu.wait_dma2 semaphore(%arg14 : memref<!tpu.dma_semaphore, #tpu.memory_space<semaphore_mem>>) src(%dma_wait3A_218 : memref<4000xf32, #tpu.memory_space<hbm>>) dst(%dma_wait3A_216 : memref<4000xf32, #tpu.memory_space<vmem>>)
        %dma_wait3A_219 = arith.constant 0 : i32
        %dma_wait3A_220 = arith.constant 0 : i32
        %dma_wait3A_221 = tpu.memref_slice %arg9[%dma_wait3A_219, %dma_wait3A_220] : memref<2x4000xf32, #tpu.memory_space<vmem>> -> memref<1x4000xf32, #tpu.memory_space<vmem>>
        %dma_wait3A_222 = tpu.memref_squeeze %dma_wait3A_221 : memref<1x4000xf32, #tpu.memory_space<vmem>> -> memref<4000xf32, #tpu.memory_space<vmem>>
        %dma_wait3A_223 = arith.constant 0 : i32
        %dma_wait3A_224 = tpu.memref_slice %arg3[%dma_wait3A_223] : memref<6400000xf32, #tpu.memory_space<hbm>> -> memref<4000xf32, #tpu.memory_space<hbm>>
        %dma_wait3A_225 = arith.constant 0 : i32
        %dma_wait3A_226 = tpu.memref_slice %arg9[%dma_wait3A_219, %dma_wait3A_225] : memref<2x4000xf32, #tpu.memory_space<vmem>> -> memref<1x4000xf32, #tpu.memory_space<vmem>>
        %dma_wait3A_227 = tpu.memref_squeeze %dma_wait3A_226 : memref<1x4000xf32, #tpu.memory_space<vmem>> -> memref<4000xf32, #tpu.memory_space<vmem>>
        %dma_wait3A_228 = arith.constant 0 : i32
        %dma_wait3A_229 = tpu.memref_slice %arg3[%dma_wait3A_228] : memref<6400000xf32, #tpu.memory_space<hbm>> -> memref<4000xf32, #tpu.memory_space<hbm>>
        tpu.wait_dma2 semaphore(%arg14 : memref<!tpu.dma_semaphore, #tpu.memory_space<semaphore_mem>>) src(%dma_wait3A_229 : memref<4000xf32, #tpu.memory_space<hbm>>) dst(%dma_wait3A_227 : memref<4000xf32, #tpu.memory_space<vmem>>)
        %dma_wait3A_230 = arith.constant 0 : i32
        %dma_wait3A_231 = arith.constant 0 : i32
        %dma_wait3A_232 = tpu.memref_slice %arg10[%dma_wait3A_230, %dma_wait3A_231] : memref<2x4000xf32, #tpu.memory_space<vmem>> -> memref<1x4000xf32, #tpu.memory_space<vmem>>
        %dma_wait3A_233 = tpu.memref_squeeze %dma_wait3A_232 : memref<1x4000xf32, #tpu.memory_space<vmem>> -> memref<4000xf32, #tpu.memory_space<vmem>>
        %dma_wait3A_234 = arith.constant 0 : i32
        %dma_wait3A_235 = tpu.memref_slice %arg4[%dma_wait3A_234] : memref<6400000xf32, #tpu.memory_space<hbm>> -> memref<4000xf32, #tpu.memory_space<hbm>>
        %dma_wait3A_236 = arith.constant 0 : i32
        %dma_wait3A_237 = tpu.memref_slice %arg10[%dma_wait3A_230, %dma_wait3A_236] : memref<2x4000xf32, #tpu.memory_space<vmem>> -> memref<1x4000xf32, #tpu.memory_space<vmem>>
        %dma_wait3A_238 = tpu.memref_squeeze %dma_wait3A_237 : memref<1x4000xf32, #tpu.memory_space<vmem>> -> memref<4000xf32, #tpu.memory_space<vmem>>
        %dma_wait3A_239 = arith.constant 0 : i32
        %dma_wait3A_240 = tpu.memref_slice %arg4[%dma_wait3A_239] : memref<6400000xf32, #tpu.memory_space<hbm>> -> memref<4000xf32, #tpu.memory_space<hbm>>
        tpu.wait_dma2 semaphore(%arg14 : memref<!tpu.dma_semaphore, #tpu.memory_space<semaphore_mem>>) src(%dma_wait3A_240 : memref<4000xf32, #tpu.memory_space<hbm>>) dst(%dma_wait3A_238 : memref<4000xf32, #tpu.memory_space<vmem>>)
        %dma_wait3A_241 = arith.constant 0 : i32
        %dma_wait3A_242 = arith.constant 0 : i32
        %dma_wait3A_243 = tpu.memref_slice %arg11[%dma_wait3A_241, %dma_wait3A_242] : memref<2x4000xf32, #tpu.memory_space<vmem>> -> memref<1x4000xf32, #tpu.memory_space<vmem>>
        %dma_wait3A_244 = tpu.memref_squeeze %dma_wait3A_243 : memref<1x4000xf32, #tpu.memory_space<vmem>> -> memref<4000xf32, #tpu.memory_space<vmem>>
        %dma_wait3A_245 = arith.constant 0 : i32
        %dma_wait3A_246 = tpu.memref_slice %arg5[%dma_wait3A_245] : memref<6400000xf32, #tpu.memory_space<hbm>> -> memref<4000xf32, #tpu.memory_space<hbm>>
        %dma_wait3A_247 = arith.constant 0 : i32
        %dma_wait3A_248 = tpu.memref_slice %arg11[%dma_wait3A_241, %dma_wait3A_247] : memref<2x4000xf32, #tpu.memory_space<vmem>> -> memref<1x4000xf32, #tpu.memory_space<vmem>>
        %dma_wait3A_249 = tpu.memref_squeeze %dma_wait3A_248 : memref<1x4000xf32, #tpu.memory_space<vmem>> -> memref<4000xf32, #tpu.memory_space<vmem>>
        %dma_wait3A_250 = arith.constant 0 : i32
        %dma_wait3A_251 = tpu.memref_slice %arg5[%dma_wait3A_250] : memref<6400000xf32, #tpu.memory_space<hbm>> -> memref<4000xf32, #tpu.memory_space<hbm>>
        tpu.wait_dma2 semaphore(%arg14 : memref<!tpu.dma_semaphore, #tpu.memory_space<semaphore_mem>>) src(%dma_wait3A_251 : memref<4000xf32, #tpu.memory_space<hbm>>) dst(%dma_wait3A_249 : memref<4000xf32, #tpu.memory_space<vmem>>)
        %ge3A = arith.constant 2 : i32
        %ge3A_252 = arith.cmpi sge, %add3A_196, %ge3A : i32
        %convert_element_type3A_253 = arith.extui %ge3A_252 : i1 to i32
        %cond3A_254 = arith.constant 0 : i32
        %cond3A_255 = arith.cmpi ne, %convert_element_type3A_253, %cond3A_254 : i32
        scf.if %cond3A_255 {
          %dma_wait3A_285 = arith.constant 0 : i32
          %dma_wait3A_286 = arith.constant 0 : i32
          %dma_wait3A_287 = tpu.memref_slice %arg12[%dma_wait3A_285, %dma_wait3A_286] : memref<2x16000xf32, #tpu.memory_space<vmem>> -> memref<1x16000xf32, #tpu.memory_space<vmem>>
          %dma_wait3A_288 = tpu.memref_squeeze %dma_wait3A_287 : memref<1x16000xf32, #tpu.memory_space<vmem>> -> memref<16000xf32, #tpu.memory_space<vmem>>
          %dma_wait3A_289 = arith.constant 0 : i32
          %dma_wait3A_290 = tpu.memref_slice %arg7[%dma_wait3A_289] : memref<25600000xf32, #tpu.memory_space<hbm>> -> memref<16000xf32, #tpu.memory_space<hbm>>
          %dma_wait3A_291 = arith.constant 0 : i32
          %dma_wait3A_292 = tpu.memref_slice %arg7[%dma_wait3A_291] : memref<25600000xf32, #tpu.memory_space<hbm>> -> memref<16000xf32, #tpu.memory_space<hbm>>
          %dma_wait3A_293 = arith.constant 0 : i32
          %dma_wait3A_294 = tpu.memref_slice %arg12[%dma_wait3A_285, %dma_wait3A_293] : memref<2x16000xf32, #tpu.memory_space<vmem>> -> memref<1x16000xf32, #tpu.memory_space<vmem>>
          %dma_wait3A_295 = tpu.memref_squeeze %dma_wait3A_294 : memref<1x16000xf32, #tpu.memory_space<vmem>> -> memref<16000xf32, #tpu.memory_space<vmem>>
          tpu.wait_dma2 semaphore(%arg16 : memref<!tpu.dma_semaphore, #tpu.memory_space<semaphore_mem>>) src(%dma_wait3A_295 : memref<16000xf32, #tpu.memory_space<vmem>>) dst(%dma_wait3A_292 : memref<16000xf32, #tpu.memory_space<hbm>>)
        } else {
        }
        %scan3A_256 = arith.constant 0 : i32
        %scan3A_257 = arith.constant 0 : i32
        %scan3A_258 = arith.constant 250 : i32
        %scan3A_259 = arith.addi %scan3A_257, %scan3A_258 : i32
        %scan3A_260 = arith.constant 1 : i32
        %scan3A_261 = scf.for %scan3A_285 = %scan3A_257 to %scan3A_259 step %scan3A_260 iter_args(%scan3A_286 = %scan3A_256) -> (i32)  : i32 {
          %mul3A_287 = arith.constant 16 : i32
          %mul3A_288 = arith.muli %scan3A_285, %mul3A_287 : i32
          %mul3A_289 = arith.constant 64 : i32
          %mul3A_290 = arith.muli %scan3A_285, %mul3A_289 : i32
          %add3A_291 = vector.broadcast %mul3A_290 : i32 to vector<16xi32>
          %add3A_292 = arith.addi %mul3A_102, %add3A_291 : vector<16xi32>
          %get3A = arith.constant 0 : i32
          %get3A_293 = arith.index_cast %get3A : i32 to index
          %get3A_294 = arith.index_cast %mul3A_288 : i32 to index
          %get3A_295 = tpu.vector_load %arg8[%get3A_293, %get3A_294] {strides = array<i32>} : memref<2x4000xf32, #tpu.memory_space<vmem>>, vector<16xf32>,
          %mul3A_296 = arith.mulf %get3A_295, %div3A_99 : vector<16xf32>
          %add3A_297 = arith.constant 5.000000e-01 : f32
          %add3A_298 = vector.broadcast %add3A_297 : f32 to vector<16xf32>
          %add3A_299 = arith.addf %mul3A_296, %add3A_298 : vector<16xf32>
          %scatter3A = arith.constant 0 : i32
          %scatter3A_300 = arith.constant 0 : i32
          %scatter3A_301 = tpu.memref_slice %arg12[%scatter3A, %scatter3A_300] : memref<2x16000xf32, #tpu.memory_space<vmem>> -> memref<1x16000xf32, #tpu.memory_space<vmem>>
          %scatter3A_302 = tpu.memref_squeeze %scatter3A_301 : memref<1x16000xf32, #tpu.memory_space<vmem>> -> memref<16000xf32, #tpu.memory_space<vmem>>
          tpu.vector_store_idx %scatter3A_302[%add3A_292], %add3A_299 : memref<16000xf32, #tpu.memory_space<vmem>>[vector<16xi32>], vector<16xf32>,
          %add3A_303 = arith.constant 1 : i32
          %add3A_304 = vector.broadcast %add3A_303 : i32 to vector<16xi32>
          %add3A_305 = arith.addi %add3A_292, %add3A_304 : vector<16xi32>
          %get3A_306 = arith.constant 0 : i32
          %get3A_307 = arith.index_cast %get3A_306 : i32 to index
          %get3A_308 = arith.index_cast %mul3A_288 : i32 to index
          %get3A_309 = tpu.vector_load %arg9[%get3A_307, %get3A_308] {strides = array<i32>} : memref<2x4000xf32, #tpu.memory_space<vmem>>, vector<16xf32>,
          %mul3A_310 = arith.mulf %get3A_309, %div3A_99 : vector<16xf32>
          %add3A_311 = arith.constant 5.000000e-01 : f32
          %add3A_312 = vector.broadcast %add3A_311 : f32 to vector<16xf32>
          %add3A_313 = arith.addf %mul3A_310, %add3A_312 : vector<16xf32>
          %scatter3A_314 = arith.constant 0 : i32
          %scatter3A_315 = arith.constant 0 : i32
          %scatter3A_316 = tpu.memref_slice %arg12[%scatter3A_314, %scatter3A_315] : memref<2x16000xf32, #tpu.memory_space<vmem>> -> memref<1x16000xf32, #tpu.memory_space<vmem>>
          %scatter3A_317 = tpu.memref_squeeze %scatter3A_316 : memref<1x16000xf32, #tpu.memory_space<vmem>> -> memref<16000xf32, #tpu.memory_space<vmem>>
          tpu.vector_store_idx %scatter3A_317[%add3A_305], %add3A_313 : memref<16000xf32, #tpu.memory_space<vmem>>[vector<16xi32>], vector<16xf32>,
          %add3A_318 = arith.constant 2 : i32
          %add3A_319 = vector.broadcast %add3A_318 : i32 to vector<16xi32>
          %add3A_320 = arith.addi %add3A_292, %add3A_319 : vector<16xi32>
          %get3A_321 = arith.constant 0 : i32
          %get3A_322 = arith.index_cast %get3A_321 : i32 to index
          %get3A_323 = arith.index_cast %mul3A_288 : i32 to index
          %get3A_324 = tpu.vector_load %arg10[%get3A_322, %get3A_323] {strides = array<i32>} : memref<2x4000xf32, #tpu.memory_space<vmem>>, vector<16xf32>,
          %mul3A_325 = arith.mulf %get3A_324, %div3A_99 : vector<16xf32>
          %add3A_326 = arith.constant 5.000000e-01 : f32
          %add3A_327 = vector.broadcast %add3A_326 : f32 to vector<16xf32>
          %add3A_328 = arith.addf %mul3A_325, %add3A_327 : vector<16xf32>
          %scatter3A_329 = arith.constant 0 : i32
          %scatter3A_330 = arith.constant 0 : i32
          %scatter3A_331 = tpu.memref_slice %arg12[%scatter3A_329, %scatter3A_330] : memref<2x16000xf32, #tpu.memory_space<vmem>> -> memref<1x16000xf32, #tpu.memory_space<vmem>>
          %scatter3A_332 = tpu.memref_squeeze %scatter3A_331 : memref<1x16000xf32, #tpu.memory_space<vmem>> -> memref<16000xf32, #tpu.memory_space<vmem>>
          tpu.vector_store_idx %scatter3A_332[%add3A_320], %add3A_328 : memref<16000xf32, #tpu.memory_space<vmem>>[vector<16xi32>], vector<16xf32>,
          %add3A_333 = arith.constant 3 : i32
          %add3A_334 = vector.broadcast %add3A_333 : i32 to vector<16xi32>
          %add3A_335 = arith.addi %add3A_292, %add3A_334 : vector<16xi32>
          %get3A_336 = arith.constant 0 : i32
          %get3A_337 = arith.index_cast %get3A_336 : i32 to index
          %get3A_338 = arith.index_cast %mul3A_288 : i32 to index
          %get3A_339 = tpu.vector_load %arg11[%get3A_337, %get3A_338] {strides = array<i32>} : memref<2x4000xf32, #tpu.memory_space<vmem>>, vector<16xf32>,
          %scatter3A_340 = arith.constant 0 : i32
          %scatter3A_341 = arith.constant 0 : i32
          %scatter3A_342 = tpu.memref_slice %arg12[%scatter3A_340, %scatter3A_341] : memref<2x16000xf32, #tpu.memory_space<vmem>> -> memref<1x16000xf32, #tpu.memory_space<vmem>>
          %scatter3A_343 = tpu.memref_squeeze %scatter3A_342 : memref<1x16000xf32, #tpu.memory_space<vmem>> -> memref<16000xf32, #tpu.memory_space<vmem>>
          tpu.vector_store_idx %scatter3A_343[%add3A_335], %get3A_339 : memref<16000xf32, #tpu.memory_space<vmem>>[vector<16xi32>], vector<16xf32>,
          %scan3A_344 = arith.constant 0 : i32
          scf.yield %scan3A_344 : i32
        }
        %scan3A_262 = arith.constant 250 : i32
        %mul3A_263 = arith.constant 32 : i32
        %mul3A_264 = arith.muli %add3A_196, %mul3A_263 : i32
        %add3A_265 = arith.addi %add3A, %mul3A_264 : i32
        %mul3A_266 = arith.constant 4000 : i32
        %mul3A_267 = arith.muli %add3A_265, %mul3A_266 : i32
        %mul3A_268 = arith.constant 4 : i32
        %mul3A_269 = arith.muli %mul3A_268, %mul3A_267 : i32
        %dma_start3A_270 = arith.constant 0 : i32
        %dma_start3A_271 = arith.constant 0 : i32
        %dma_start3A_272 = tpu.memref_slice %arg12[%dma_start3A_270, %dma_start3A_271] : memref<2x16000xf32, #tpu.memory_space<vmem>> -> memref<1x16000xf32, #tpu.memory_space<vmem>>
        %dma_start3A_273 = tpu.memref_squeeze %dma_start3A_272 : memref<1x16000xf32, #tpu.memory_space<vmem>> -> memref<16000xf32, #tpu.memory_space<vmem>>
        %dma_start3A_274 = tpu.memref_slice %arg7[%mul3A_269] : memref<25600000xf32, #tpu.memory_space<hbm>> -> memref<16000xf32, #tpu.memory_space<hbm>>
        %dma_start3A_275 = tpu.memref_slice %arg7[%mul3A_269] : memref<25600000xf32, #tpu.memory_space<hbm>> -> memref<16000xf32, #tpu.memory_space<hbm>>
        %dma_start3A_276 = arith.constant 0 : i32
        %dma_start3A_277 = tpu.memref_slice %arg12[%dma_start3A_270, %dma_start3A_276] : memref<2x16000xf32, #tpu.memory_space<vmem>> -> memref<1x16000xf32, #tpu.memory_space<vmem>>
        %dma_start3A_278 = tpu.memref_squeeze %dma_start3A_277 : memref<1x16000xf32, #tpu.memory_space<vmem>> -> memref<16000xf32, #tpu.memory_space<vmem>>
        tpu.enqueue_dma source(%dma_start3A_278 : memref<16000xf32, #tpu.memory_space<vmem>>) target(%dma_start3A_275 : memref<16000xf32, #tpu.memory_space<hbm>>) target_semaphore(%arg16 : memref<!tpu.dma_semaphore, #tpu.memory_space<semaphore_mem>>)
        %add3A_279 = arith.constant 2 : i32
        %add3A_280 = arith.addi %add3A_196, %add3A_279 : i32
        %lt3A_281 = arith.cmpi slt, %add3A_280, %select_n3A : i32
        %convert_element_type3A_282 = arith.extui %lt3A_281 : i1 to i32
        %cond3A_283 = arith.constant 0 : i32
        %cond3A_284 = arith.cmpi ne, %convert_element_type3A_282, %cond3A_283 : i32
        scf.if %cond3A_284 {
          %add3A_285 = arith.constant 2 : i32
          %add3A_286 = arith.addi %add3A_196, %add3A_285 : i32
          %mul3A_287 = arith.constant 32 : i32
          %mul3A_288 = arith.muli %add3A_286, %mul3A_287 : i32
          %add3A_289 = arith.addi %add3A, %mul3A_288 : i32
          %mul3A_290 = arith.constant 4000 : i32
          %mul3A_291 = arith.muli %add3A_289, %mul3A_290 : i32
          %dma_start3A_292 = arith.constant 0 : i32
          %dma_start3A_293 = arith.constant 0 : i32
          %dma_start3A_294 = tpu.memref_slice %arg8[%dma_start3A_292, %dma_start3A_293] : memref<2x4000xf32, #tpu.memory_space<vmem>> -> memref<1x4000xf32, #tpu.memory_space<vmem>>
          %dma_start3A_295 = tpu.memref_squeeze %dma_start3A_294 : memref<1x4000xf32, #tpu.memory_space<vmem>> -> memref<4000xf32, #tpu.memory_space<vmem>>
          %dma_start3A_296 = tpu.memref_slice %arg2[%mul3A_291] : memref<6400000xf32, #tpu.memory_space<hbm>> -> memref<4000xf32, #tpu.memory_space<hbm>>
          %dma_start3A_297 = arith.constant 0 : i32
          %dma_start3A_298 = tpu.memref_slice %arg8[%dma_start3A_292, %dma_start3A_297] : memref<2x4000xf32, #tpu.memory_space<vmem>> -> memref<1x4000xf32, #tpu.memory_space<vmem>>
          %dma_start3A_299 = tpu.memref_squeeze %dma_start3A_298 : memref<1x4000xf32, #tpu.memory_space<vmem>> -> memref<4000xf32, #tpu.memory_space<vmem>>
          %dma_start3A_300 = tpu.memref_slice %arg2[%mul3A_291] : memref<6400000xf32, #tpu.memory_space<hbm>> -> memref<4000xf32, #tpu.memory_space<hbm>>
          tpu.enqueue_dma source(%dma_start3A_300 : memref<4000xf32, #tpu.memory_space<hbm>>) target(%dma_start3A_299 : memref<4000xf32, #tpu.memory_space<vmem>>) target_semaphore(%arg14 : memref<!tpu.dma_semaphore, #tpu.memory_space<semaphore_mem>>)
          %dma_start3A_301 = arith.constant 0 : i32
          %dma_start3A_302 = arith.constant 0 : i32
          %dma_start3A_303 = tpu.memref_slice %arg9[%dma_start3A_301, %dma_start3A_302] : memref<2x4000xf32, #tpu.memory_space<vmem>> -> memref<1x4000xf32, #tpu.memory_space<vmem>>
          %dma_start3A_304 = tpu.memref_squeeze %dma_start3A_303 : memref<1x4000xf32, #tpu.memory_space<vmem>> -> memref<4000xf32, #tpu.memory_space<vmem>>
          %dma_start3A_305 = tpu.memref_slice %arg3[%mul3A_291] : memref<6400000xf32, #tpu.memory_space<hbm>> -> memref<4000xf32, #tpu.memory_space<hbm>>
          %dma_start3A_306 = arith.constant 0 : i32
          %dma_start3A_307 = tpu.memref_slice %arg9[%dma_start3A_301, %dma_start3A_306] : memref<2x4000xf32, #tpu.memory_space<vmem>> -> memref<1x4000xf32, #tpu.memory_space<vmem>>
          %dma_start3A_308 = tpu.memref_squeeze %dma_start3A_307 : memref<1x4000xf32, #tpu.memory_space<vmem>> -> memref<4000xf32, #tpu.memory_space<vmem>>
          %dma_start3A_309 = tpu.memref_slice %arg3[%mul3A_291] : memref<6400000xf32, #tpu.memory_space<hbm>> -> memref<4000xf32, #tpu.memory_space<hbm>>
          tpu.enqueue_dma source(%dma_start3A_309 : memref<4000xf32, #tpu.memory_space<hbm>>) target(%dma_start3A_308 : memref<4000xf32, #tpu.memory_space<vmem>>) target_semaphore(%arg14 : memref<!tpu.dma_semaphore, #tpu.memory_space<semaphore_mem>>)
          %dma_start3A_310 = arith.constant 0 : i32
          %dma_start3A_311 = arith.constant 0 : i32
          %dma_start3A_312 = tpu.memref_slice %arg10[%dma_start3A_310, %dma_start3A_311] : memref<2x4000xf32, #tpu.memory_space<vmem>> -> memref<1x4000xf32, #tpu.memory_space<vmem>>
          %dma_start3A_313 = tpu.memref_squeeze %dma_start3A_312 : memref<1x4000xf32, #tpu.memory_space<vmem>> -> memref<4000xf32, #tpu.memory_space<vmem>>
          %dma_start3A_314 = tpu.memref_slice %arg4[%mul3A_291] : memref<6400000xf32, #tpu.memory_space<hbm>> -> memref<4000xf32, #tpu.memory_space<hbm>>
          %dma_start3A_315 = arith.constant 0 : i32
          %dma_start3A_316 = tpu.memref_slice %arg10[%dma_start3A_310, %dma_start3A_315] : memref<2x4000xf32, #tpu.memory_space<vmem>> -> memref<1x4000xf32, #tpu.memory_space<vmem>>
          %dma_start3A_317 = tpu.memref_squeeze %dma_start3A_316 : memref<1x4000xf32, #tpu.memory_space<vmem>> -> memref<4000xf32, #tpu.memory_space<vmem>>
          %dma_start3A_318 = tpu.memref_slice %arg4[%mul3A_291] : memref<6400000xf32, #tpu.memory_space<hbm>> -> memref<4000xf32, #tpu.memory_space<hbm>>
          tpu.enqueue_dma source(%dma_start3A_318 : memref<4000xf32, #tpu.memory_space<hbm>>) target(%dma_start3A_317 : memref<4000xf32, #tpu.memory_space<vmem>>) target_semaphore(%arg14 : memref<!tpu.dma_semaphore, #tpu.memory_space<semaphore_mem>>)
          %dma_start3A_319 = arith.constant 0 : i32
          %dma_start3A_320 = arith.constant 0 : i32
          %dma_start3A_321 = tpu.memref_slice %arg11[%dma_start3A_319, %dma_start3A_320] : memref<2x4000xf32, #tpu.memory_space<vmem>> -> memref<1x4000xf32, #tpu.memory_space<vmem>>
          %dma_start3A_322 = tpu.memref_squeeze %dma_start3A_321 : memref<1x4000xf32, #tpu.memory_space<vmem>> -> memref<4000xf32, #tpu.memory_space<vmem>>
          %dma_start3A_323 = tpu.memref_slice %arg5[%mul3A_291] : memref<6400000xf32, #tpu.memory_space<hbm>> -> memref<4000xf32, #tpu.memory_space<hbm>>
          %dma_start3A_324 = arith.constant 0 : i32
          %dma_start3A_325 = tpu.memref_slice %arg11[%dma_start3A_319, %dma_start3A_324] : memref<2x4000xf32, #tpu.memory_space<vmem>> -> memref<1x4000xf32, #tpu.memory_space<vmem>>
          %dma_start3A_326 = tpu.memref_squeeze %dma_start3A_325 : memref<1x4000xf32, #tpu.memory_space<vmem>> -> memref<4000xf32, #tpu.memory_space<vmem>>
          %dma_start3A_327 = tpu.memref_slice %arg5[%mul3A_291] : memref<6400000xf32, #tpu.memory_space<hbm>> -> memref<4000xf32, #tpu.memory_space<hbm>>
          tpu.enqueue_dma source(%dma_start3A_327 : memref<4000xf32, #tpu.memory_space<hbm>>) target(%dma_start3A_326 : memref<4000xf32, #tpu.memory_space<vmem>>) target_semaphore(%arg14 : memref<!tpu.dma_semaphore, #tpu.memory_space<semaphore_mem>>)
        } else {
        }
      } else {
      }
      %mul3A_201 = arith.constant 2 : i32
      %mul3A_202 = arith.muli %mul3A_201, %while3A_192 : i32
      %add3A_203 = arith.constant 1 : i32
      %add3A_204 = arith.addi %mul3A_202, %add3A_203 : i32
      %lt3A_205 = arith.cmpi slt, %add3A_204, %select_n3A : i32
      %convert_element_type3A_206 = arith.extui %lt3A_205 : i1 to i32
      %cond3A_207 = arith.constant 0 : i32
      %cond3A_208 = arith.cmpi ne, %convert_element_type3A_206, %cond3A_207 : i32
      scf.if %cond3A_208 {
        %dma_wait3A = arith.constant 1 : i32
        %dma_wait3A_209 = arith.constant 0 : i32
        %dma_wait3A_210 = tpu.memref_slice %arg8[%dma_wait3A, %dma_wait3A_209] : memref<2x4000xf32, #tpu.memory_space<vmem>> -> memref<1x4000xf32, #tpu.memory_space<vmem>>
        %dma_wait3A_211 = tpu.memref_squeeze %dma_wait3A_210 : memref<1x4000xf32, #tpu.memory_space<vmem>> -> memref<4000xf32, #tpu.memory_space<vmem>>
        %dma_wait3A_212 = arith.constant 0 : i32
        %dma_wait3A_213 = tpu.memref_slice %arg2[%dma_wait3A_212] : memref<6400000xf32, #tpu.memory_space<hbm>> -> memref<4000xf32, #tpu.memory_space<hbm>>
        %dma_wait3A_214 = arith.constant 0 : i32
        %dma_wait3A_215 = tpu.memref_slice %arg8[%dma_wait3A, %dma_wait3A_214] : memref<2x4000xf32, #tpu.memory_space<vmem>> -> memref<1x4000xf32, #tpu.memory_space<vmem>>
        %dma_wait3A_216 = tpu.memref_squeeze %dma_wait3A_215 : memref<1x4000xf32, #tpu.memory_space<vmem>> -> memref<4000xf32, #tpu.memory_space<vmem>>
        %dma_wait3A_217 = arith.constant 0 : i32
        %dma_wait3A_218 = tpu.memref_slice %arg2[%dma_wait3A_217] : memref<6400000xf32, #tpu.memory_space<hbm>> -> memref<4000xf32, #tpu.memory_space<hbm>>
        tpu.wait_dma2 semaphore(%arg15 : memref<!tpu.dma_semaphore, #tpu.memory_space<semaphore_mem>>) src(%dma_wait3A_218 : memref<4000xf32, #tpu.memory_space<hbm>>) dst(%dma_wait3A_216 : memref<4000xf32, #tpu.memory_space<vmem>>)
        %dma_wait3A_219 = arith.constant 1 : i32
        %dma_wait3A_220 = arith.constant 0 : i32
        %dma_wait3A_221 = tpu.memref_slice %arg9[%dma_wait3A_219, %dma_wait3A_220] : memref<2x4000xf32, #tpu.memory_space<vmem>> -> memref<1x4000xf32, #tpu.memory_space<vmem>>
        %dma_wait3A_222 = tpu.memref_squeeze %dma_wait3A_221 : memref<1x4000xf32, #tpu.memory_space<vmem>> -> memref<4000xf32, #tpu.memory_space<vmem>>
        %dma_wait3A_223 = arith.constant 0 : i32
        %dma_wait3A_224 = tpu.memref_slice %arg3[%dma_wait3A_223] : memref<6400000xf32, #tpu.memory_space<hbm>> -> memref<4000xf32, #tpu.memory_space<hbm>>
        %dma_wait3A_225 = arith.constant 0 : i32
        %dma_wait3A_226 = tpu.memref_slice %arg9[%dma_wait3A_219, %dma_wait3A_225] : memref<2x4000xf32, #tpu.memory_space<vmem>> -> memref<1x4000xf32, #tpu.memory_space<vmem>>
        %dma_wait3A_227 = tpu.memref_squeeze %dma_wait3A_226 : memref<1x4000xf32, #tpu.memory_space<vmem>> -> memref<4000xf32, #tpu.memory_space<vmem>>
        %dma_wait3A_228 = arith.constant 0 : i32
        %dma_wait3A_229 = tpu.memref_slice %arg3[%dma_wait3A_228] : memref<6400000xf32, #tpu.memory_space<hbm>> -> memref<4000xf32, #tpu.memory_space<hbm>>
        tpu.wait_dma2 semaphore(%arg15 : memref<!tpu.dma_semaphore, #tpu.memory_space<semaphore_mem>>) src(%dma_wait3A_229 : memref<4000xf32, #tpu.memory_space<hbm>>) dst(%dma_wait3A_227 : memref<4000xf32, #tpu.memory_space<vmem>>)
        %dma_wait3A_230 = arith.constant 1 : i32
        %dma_wait3A_231 = arith.constant 0 : i32
        %dma_wait3A_232 = tpu.memref_slice %arg10[%dma_wait3A_230, %dma_wait3A_231] : memref<2x4000xf32, #tpu.memory_space<vmem>> -> memref<1x4000xf32, #tpu.memory_space<vmem>>
        %dma_wait3A_233 = tpu.memref_squeeze %dma_wait3A_232 : memref<1x4000xf32, #tpu.memory_space<vmem>> -> memref<4000xf32, #tpu.memory_space<vmem>>
        %dma_wait3A_234 = arith.constant 0 : i32
        %dma_wait3A_235 = tpu.memref_slice %arg4[%dma_wait3A_234] : memref<6400000xf32, #tpu.memory_space<hbm>> -> memref<4000xf32, #tpu.memory_space<hbm>>
        %dma_wait3A_236 = arith.constant 0 : i32
        %dma_wait3A_237 = tpu.memref_slice %arg10[%dma_wait3A_230, %dma_wait3A_236] : memref<2x4000xf32, #tpu.memory_space<vmem>> -> memref<1x4000xf32, #tpu.memory_space<vmem>>
        %dma_wait3A_238 = tpu.memref_squeeze %dma_wait3A_237 : memref<1x4000xf32, #tpu.memory_space<vmem>> -> memref<4000xf32, #tpu.memory_space<vmem>>
        %dma_wait3A_239 = arith.constant 0 : i32
        %dma_wait3A_240 = tpu.memref_slice %arg4[%dma_wait3A_239] : memref<6400000xf32, #tpu.memory_space<hbm>> -> memref<4000xf32, #tpu.memory_space<hbm>>
        tpu.wait_dma2 semaphore(%arg15 : memref<!tpu.dma_semaphore, #tpu.memory_space<semaphore_mem>>) src(%dma_wait3A_240 : memref<4000xf32, #tpu.memory_space<hbm>>) dst(%dma_wait3A_238 : memref<4000xf32, #tpu.memory_space<vmem>>)
        %dma_wait3A_241 = arith.constant 1 : i32
        %dma_wait3A_242 = arith.constant 0 : i32
        %dma_wait3A_243 = tpu.memref_slice %arg11[%dma_wait3A_241, %dma_wait3A_242] : memref<2x4000xf32, #tpu.memory_space<vmem>> -> memref<1x4000xf32, #tpu.memory_space<vmem>>
        %dma_wait3A_244 = tpu.memref_squeeze %dma_wait3A_243 : memref<1x4000xf32, #tpu.memory_space<vmem>> -> memref<4000xf32, #tpu.memory_space<vmem>>
        %dma_wait3A_245 = arith.constant 0 : i32
        %dma_wait3A_246 = tpu.memref_slice %arg5[%dma_wait3A_245] : memref<6400000xf32, #tpu.memory_space<hbm>> -> memref<4000xf32, #tpu.memory_space<hbm>>
        %dma_wait3A_247 = arith.constant 0 : i32
        %dma_wait3A_248 = tpu.memref_slice %arg11[%dma_wait3A_241, %dma_wait3A_247] : memref<2x4000xf32, #tpu.memory_space<vmem>> -> memref<1x4000xf32, #tpu.memory_space<vmem>>
        %dma_wait3A_249 = tpu.memref_squeeze %dma_wait3A_248 : memref<1x4000xf32, #tpu.memory_space<vmem>> -> memref<4000xf32, #tpu.memory_space<vmem>>
        %dma_wait3A_250 = arith.constant 0 : i32
        %dma_wait3A_251 = tpu.memref_slice %arg5[%dma_wait3A_250] : memref<6400000xf32, #tpu.memory_space<hbm>> -> memref<4000xf32, #tpu.memory_space<hbm>>
        tpu.wait_dma2 semaphore(%arg15 : memref<!tpu.dma_semaphore, #tpu.memory_space<semaphore_mem>>) src(%dma_wait3A_251 : memref<4000xf32, #tpu.memory_space<hbm>>) dst(%dma_wait3A_249 : memref<4000xf32, #tpu.memory_space<vmem>>)
        %ge3A = arith.constant 2 : i32
        %ge3A_252 = arith.cmpi sge, %add3A_204, %ge3A : i32
        %convert_element_type3A_253 = arith.extui %ge3A_252 : i1 to i32
        %cond3A_254 = arith.constant 0 : i32
        %cond3A_255 = arith.cmpi ne, %convert_element_type3A_253, %cond3A_254 : i32
        scf.if %cond3A_255 {
          %dma_wait3A_285 = arith.constant 1 : i32
          %dma_wait3A_286 = arith.constant 0 : i32
          %dma_wait3A_287 = tpu.memref_slice %arg12[%dma_wait3A_285, %dma_wait3A_286] : memref<2x16000xf32, #tpu.memory_space<vmem>> -> memref<1x16000xf32, #tpu.memory_space<vmem>>
          %dma_wait3A_288 = tpu.memref_squeeze %dma_wait3A_287 : memref<1x16000xf32, #tpu.memory_space<vmem>> -> memref<16000xf32, #tpu.memory_space<vmem>>
          %dma_wait3A_289 = arith.constant 0 : i32
          %dma_wait3A_290 = tpu.memref_slice %arg7[%dma_wait3A_289] : memref<25600000xf32, #tpu.memory_space<hbm>> -> memref<16000xf32, #tpu.memory_space<hbm>>
          %dma_wait3A_291 = arith.constant 0 : i32
          %dma_wait3A_292 = tpu.memref_slice %arg7[%dma_wait3A_291] : memref<25600000xf32, #tpu.memory_space<hbm>> -> memref<16000xf32, #tpu.memory_space<hbm>>
          %dma_wait3A_293 = arith.constant 0 : i32
          %dma_wait3A_294 = tpu.memref_slice %arg12[%dma_wait3A_285, %dma_wait3A_293] : memref<2x16000xf32, #tpu.memory_space<vmem>> -> memref<1x16000xf32, #tpu.memory_space<vmem>>
          %dma_wait3A_295 = tpu.memref_squeeze %dma_wait3A_294 : memref<1x16000xf32, #tpu.memory_space<vmem>> -> memref<16000xf32, #tpu.memory_space<vmem>>
          tpu.wait_dma2 semaphore(%arg17 : memref<!tpu.dma_semaphore, #tpu.memory_space<semaphore_mem>>) src(%dma_wait3A_295 : memref<16000xf32, #tpu.memory_space<vmem>>) dst(%dma_wait3A_292 : memref<16000xf32, #tpu.memory_space<hbm>>)
        } else {
        }
        %scan3A_256 = arith.constant 0 : i32
        %scan3A_257 = arith.constant 0 : i32
        %scan3A_258 = arith.constant 250 : i32
        %scan3A_259 = arith.addi %scan3A_257, %scan3A_258 : i32
        %scan3A_260 = arith.constant 1 : i32
        %scan3A_261 = scf.for %scan3A_285 = %scan3A_257 to %scan3A_259 step %scan3A_260 iter_args(%scan3A_286 = %scan3A_256) -> (i32)  : i32 {
          %mul3A_287 = arith.constant 16 : i32
          %mul3A_288 = arith.muli %scan3A_285, %mul3A_287 : i32
          %mul3A_289 = arith.constant 64 : i32
          %mul3A_290 = arith.muli %scan3A_285, %mul3A_289 : i32
          %add3A_291 = vector.broadcast %mul3A_290 : i32 to vector<16xi32>
          %add3A_292 = arith.addi %mul3A_102, %add3A_291 : vector<16xi32>
          %get3A = arith.constant 1 : i32
          %get3A_293 = arith.index_cast %get3A : i32 to index
          %get3A_294 = arith.index_cast %mul3A_288 : i32 to index
          %get3A_295 = tpu.vector_load %arg8[%get3A_293, %get3A_294] {strides = array<i32>} : memref<2x4000xf32, #tpu.memory_space<vmem>>, vector<16xf32>,
          %mul3A_296 = arith.mulf %get3A_295, %div3A_99 : vector<16xf32>
          %add3A_297 = arith.constant 5.000000e-01 : f32
          %add3A_298 = vector.broadcast %add3A_297 : f32 to vector<16xf32>
          %add3A_299 = arith.addf %mul3A_296, %add3A_298 : vector<16xf32>
          %scatter3A = arith.constant 1 : i32
          %scatter3A_300 = arith.constant 0 : i32
          %scatter3A_301 = tpu.memref_slice %arg12[%scatter3A, %scatter3A_300] : memref<2x16000xf32, #tpu.memory_space<vmem>> -> memref<1x16000xf32, #tpu.memory_space<vmem>>
          %scatter3A_302 = tpu.memref_squeeze %scatter3A_301 : memref<1x16000xf32, #tpu.memory_space<vmem>> -> memref<16000xf32, #tpu.memory_space<vmem>>
          tpu.vector_store_idx %scatter3A_302[%add3A_292], %add3A_299 : memref<16000xf32, #tpu.memory_space<vmem>>[vector<16xi32>], vector<16xf32>,
          %add3A_303 = arith.constant 1 : i32
          %add3A_304 = vector.broadcast %add3A_303 : i32 to vector<16xi32>
          %add3A_305 = arith.addi %add3A_292, %add3A_304 : vector<16xi32>
          %get3A_306 = arith.constant 1 : i32
          %get3A_307 = arith.index_cast %get3A_306 : i32 to index
          %get3A_308 = arith.index_cast %mul3A_288 : i32 to index
          %get3A_309 = tpu.vector_load %arg9[%get3A_307, %get3A_308] {strides = array<i32>} : memref<2x4000xf32, #tpu.memory_space<vmem>>, vector<16xf32>,
          %mul3A_310 = arith.mulf %get3A_309, %div3A_99 : vector<16xf32>
          %add3A_311 = arith.constant 5.000000e-01 : f32
          %add3A_312 = vector.broadcast %add3A_311 : f32 to vector<16xf32>
          %add3A_313 = arith.addf %mul3A_310, %add3A_312 : vector<16xf32>
          %scatter3A_314 = arith.constant 1 : i32
          %scatter3A_315 = arith.constant 0 : i32
          %scatter3A_316 = tpu.memref_slice %arg12[%scatter3A_314, %scatter3A_315] : memref<2x16000xf32, #tpu.memory_space<vmem>> -> memref<1x16000xf32, #tpu.memory_space<vmem>>
          %scatter3A_317 = tpu.memref_squeeze %scatter3A_316 : memref<1x16000xf32, #tpu.memory_space<vmem>> -> memref<16000xf32, #tpu.memory_space<vmem>>
          tpu.vector_store_idx %scatter3A_317[%add3A_305], %add3A_313 : memref<16000xf32, #tpu.memory_space<vmem>>[vector<16xi32>], vector<16xf32>,
          %add3A_318 = arith.constant 2 : i32
          %add3A_319 = vector.broadcast %add3A_318 : i32 to vector<16xi32>
          %add3A_320 = arith.addi %add3A_292, %add3A_319 : vector<16xi32>
          %get3A_321 = arith.constant 1 : i32
          %get3A_322 = arith.index_cast %get3A_321 : i32 to index
          %get3A_323 = arith.index_cast %mul3A_288 : i32 to index
          %get3A_324 = tpu.vector_load %arg10[%get3A_322, %get3A_323] {strides = array<i32>} : memref<2x4000xf32, #tpu.memory_space<vmem>>, vector<16xf32>,
          %mul3A_325 = arith.mulf %get3A_324, %div3A_99 : vector<16xf32>
          %add3A_326 = arith.constant 5.000000e-01 : f32
          %add3A_327 = vector.broadcast %add3A_326 : f32 to vector<16xf32>
          %add3A_328 = arith.addf %mul3A_325, %add3A_327 : vector<16xf32>
          %scatter3A_329 = arith.constant 1 : i32
          %scatter3A_330 = arith.constant 0 : i32
          %scatter3A_331 = tpu.memref_slice %arg12[%scatter3A_329, %scatter3A_330] : memref<2x16000xf32, #tpu.memory_space<vmem>> -> memref<1x16000xf32, #tpu.memory_space<vmem>>
          %scatter3A_332 = tpu.memref_squeeze %scatter3A_331 : memref<1x16000xf32, #tpu.memory_space<vmem>> -> memref<16000xf32, #tpu.memory_space<vmem>>
          tpu.vector_store_idx %scatter3A_332[%add3A_320], %add3A_328 : memref<16000xf32, #tpu.memory_space<vmem>>[vector<16xi32>], vector<16xf32>,
          %add3A_333 = arith.constant 3 : i32
          %add3A_334 = vector.broadcast %add3A_333 : i32 to vector<16xi32>
          %add3A_335 = arith.addi %add3A_292, %add3A_334 : vector<16xi32>
          %get3A_336 = arith.constant 1 : i32
          %get3A_337 = arith.index_cast %get3A_336 : i32 to index
          %get3A_338 = arith.index_cast %mul3A_288 : i32 to index
          %get3A_339 = tpu.vector_load %arg11[%get3A_337, %get3A_338] {strides = array<i32>} : memref<2x4000xf32, #tpu.memory_space<vmem>>, vector<16xf32>,
          %scatter3A_340 = arith.constant 1 : i32
          %scatter3A_341 = arith.constant 0 : i32
          %scatter3A_342 = tpu.memref_slice %arg12[%scatter3A_340, %scatter3A_341] : memref<2x16000xf32, #tpu.memory_space<vmem>> -> memref<1x16000xf32, #tpu.memory_space<vmem>>
          %scatter3A_343 = tpu.memref_squeeze %scatter3A_342 : memref<1x16000xf32, #tpu.memory_space<vmem>> -> memref<16000xf32, #tpu.memory_space<vmem>>
          tpu.vector_store_idx %scatter3A_343[%add3A_335], %get3A_339 : memref<16000xf32, #tpu.memory_space<vmem>>[vector<16xi32>], vector<16xf32>,
          %scan3A_344 = arith.constant 0 : i32
          scf.yield %scan3A_344 : i32
        }
        %scan3A_262 = arith.constant 250 : i32
        %mul3A_263 = arith.constant 32 : i32
        %mul3A_264 = arith.muli %add3A_204, %mul3A_263 : i32
        %add3A_265 = arith.addi %add3A, %mul3A_264 : i32
        %mul3A_266 = arith.constant 4000 : i32
        %mul3A_267 = arith.muli %add3A_265, %mul3A_266 : i32
        %mul3A_268 = arith.constant 4 : i32
        %mul3A_269 = arith.muli %mul3A_268, %mul3A_267 : i32
        %dma_start3A_270 = arith.constant 1 : i32
        %dma_start3A_271 = arith.constant 0 : i32
        %dma_start3A_272 = tpu.memref_slice %arg12[%dma_start3A_270, %dma_start3A_271] : memref<2x16000xf32, #tpu.memory_space<vmem>> -> memref<1x16000xf32, #tpu.memory_space<vmem>>
        %dma_start3A_273 = tpu.memref_squeeze %dma_start3A_272 : memref<1x16000xf32, #tpu.memory_space<vmem>> -> memref<16000xf32, #tpu.memory_space<vmem>>
        %dma_start3A_274 = tpu.memref_slice %arg7[%mul3A_269] : memref<25600000xf32, #tpu.memory_space<hbm>> -> memref<16000xf32, #tpu.memory_space<hbm>>
        %dma_start3A_275 = tpu.memref_slice %arg7[%mul3A_269] : memref<25600000xf32, #tpu.memory_space<hbm>> -> memref<16000xf32, #tpu.memory_space<hbm>>
        %dma_start3A_276 = arith.constant 0 : i32
        %dma_start3A_277 = tpu.memref_slice %arg12[%dma_start3A_270, %dma_start3A_276] : memref<2x16000xf32, #tpu.memory_space<vmem>> -> memref<1x16000xf32, #tpu.memory_space<vmem>>
        %dma_start3A_278 = tpu.memref_squeeze %dma_start3A_277 : memref<1x16000xf32, #tpu.memory_space<vmem>> -> memref<16000xf32, #tpu.memory_space<vmem>>
        tpu.enqueue_dma source(%dma_start3A_278 : memref<16000xf32, #tpu.memory_space<vmem>>) target(%dma_start3A_275 : memref<16000xf32, #tpu.memory_space<hbm>>) target_semaphore(%arg17 : memref<!tpu.dma_semaphore, #tpu.memory_space<semaphore_mem>>)
        %add3A_279 = arith.constant 2 : i32
        %add3A_280 = arith.addi %add3A_204, %add3A_279 : i32
        %lt3A_281 = arith.cmpi slt, %add3A_280, %select_n3A : i32
        %convert_element_type3A_282 = arith.extui %lt3A_281 : i1 to i32
        %cond3A_283 = arith.constant 0 : i32
        %cond3A_284 = arith.cmpi ne, %convert_element_type3A_282, %cond3A_283 : i32
        scf.if %cond3A_284 {
          %add3A_285 = arith.constant 2 : i32
          %add3A_286 = arith.addi %add3A_204, %add3A_285 : i32
          %mul3A_287 = arith.constant 32 : i32
          %mul3A_288 = arith.muli %add3A_286, %mul3A_287 : i32
          %add3A_289 = arith.addi %add3A, %mul3A_288 : i32
          %mul3A_290 = arith.constant 4000 : i32
          %mul3A_291 = arith.muli %add3A_289, %mul3A_290 : i32
          %dma_start3A_292 = arith.constant 1 : i32
          %dma_start3A_293 = arith.constant 0 : i32
          %dma_start3A_294 = tpu.memref_slice %arg8[%dma_start3A_292, %dma_start3A_293] : memref<2x4000xf32, #tpu.memory_space<vmem>> -> memref<1x4000xf32, #tpu.memory_space<vmem>>
          %dma_start3A_295 = tpu.memref_squeeze %dma_start3A_294 : memref<1x4000xf32, #tpu.memory_space<vmem>> -> memref<4000xf32, #tpu.memory_space<vmem>>
          %dma_start3A_296 = tpu.memref_slice %arg2[%mul3A_291] : memref<6400000xf32, #tpu.memory_space<hbm>> -> memref<4000xf32, #tpu.memory_space<hbm>>
          %dma_start3A_297 = arith.constant 0 : i32
          %dma_start3A_298 = tpu.memref_slice %arg8[%dma_start3A_292, %dma_start3A_297] : memref<2x4000xf32, #tpu.memory_space<vmem>> -> memref<1x4000xf32, #tpu.memory_space<vmem>>
          %dma_start3A_299 = tpu.memref_squeeze %dma_start3A_298 : memref<1x4000xf32, #tpu.memory_space<vmem>> -> memref<4000xf32, #tpu.memory_space<vmem>>
          %dma_start3A_300 = tpu.memref_slice %arg2[%mul3A_291] : memref<6400000xf32, #tpu.memory_space<hbm>> -> memref<4000xf32, #tpu.memory_space<hbm>>
          tpu.enqueue_dma source(%dma_start3A_300 : memref<4000xf32, #tpu.memory_space<hbm>>) target(%dma_start3A_299 : memref<4000xf32, #tpu.memory_space<vmem>>) target_semaphore(%arg15 : memref<!tpu.dma_semaphore, #tpu.memory_space<semaphore_mem>>)
          %dma_start3A_301 = arith.constant 1 : i32
          %dma_start3A_302 = arith.constant 0 : i32
          %dma_start3A_303 = tpu.memref_slice %arg9[%dma_start3A_301, %dma_start3A_302] : memref<2x4000xf32, #tpu.memory_space<vmem>> -> memref<1x4000xf32, #tpu.memory_space<vmem>>
          %dma_start3A_304 = tpu.memref_squeeze %dma_start3A_303 : memref<1x4000xf32, #tpu.memory_space<vmem>> -> memref<4000xf32, #tpu.memory_space<vmem>>
          %dma_start3A_305 = tpu.memref_slice %arg3[%mul3A_291] : memref<6400000xf32, #tpu.memory_space<hbm>> -> memref<4000xf32, #tpu.memory_space<hbm>>
          %dma_start3A_306 = arith.constant 0 : i32
          %dma_start3A_307 = tpu.memref_slice %arg9[%dma_start3A_301, %dma_start3A_306] : memref<2x4000xf32, #tpu.memory_space<vmem>> -> memref<1x4000xf32, #tpu.memory_space<vmem>>
          %dma_start3A_308 = tpu.memref_squeeze %dma_start3A_307 : memref<1x4000xf32, #tpu.memory_space<vmem>> -> memref<4000xf32, #tpu.memory_space<vmem>>
          %dma_start3A_309 = tpu.memref_slice %arg3[%mul3A_291] : memref<6400000xf32, #tpu.memory_space<hbm>> -> memref<4000xf32, #tpu.memory_space<hbm>>
          tpu.enqueue_dma source(%dma_start3A_309 : memref<4000xf32, #tpu.memory_space<hbm>>) target(%dma_start3A_308 : memref<4000xf32, #tpu.memory_space<vmem>>) target_semaphore(%arg15 : memref<!tpu.dma_semaphore, #tpu.memory_space<semaphore_mem>>)
          %dma_start3A_310 = arith.constant 1 : i32
          %dma_start3A_311 = arith.constant 0 : i32
          %dma_start3A_312 = tpu.memref_slice %arg10[%dma_start3A_310, %dma_start3A_311] : memref<2x4000xf32, #tpu.memory_space<vmem>> -> memref<1x4000xf32, #tpu.memory_space<vmem>>
          %dma_start3A_313 = tpu.memref_squeeze %dma_start3A_312 : memref<1x4000xf32, #tpu.memory_space<vmem>> -> memref<4000xf32, #tpu.memory_space<vmem>>
          %dma_start3A_314 = tpu.memref_slice %arg4[%mul3A_291] : memref<6400000xf32, #tpu.memory_space<hbm>> -> memref<4000xf32, #tpu.memory_space<hbm>>
          %dma_start3A_315 = arith.constant 0 : i32
          %dma_start3A_316 = tpu.memref_slice %arg10[%dma_start3A_310, %dma_start3A_315] : memref<2x4000xf32, #tpu.memory_space<vmem>> -> memref<1x4000xf32, #tpu.memory_space<vmem>>
          %dma_start3A_317 = tpu.memref_squeeze %dma_start3A_316 : memref<1x4000xf32, #tpu.memory_space<vmem>> -> memref<4000xf32, #tpu.memory_space<vmem>>
          %dma_start3A_318 = tpu.memref_slice %arg4[%mul3A_291] : memref<6400000xf32, #tpu.memory_space<hbm>> -> memref<4000xf32, #tpu.memory_space<hbm>>
          tpu.enqueue_dma source(%dma_start3A_318 : memref<4000xf32, #tpu.memory_space<hbm>>) target(%dma_start3A_317 : memref<4000xf32, #tpu.memory_space<vmem>>) target_semaphore(%arg15 : memref<!tpu.dma_semaphore, #tpu.memory_space<semaphore_mem>>)
          %dma_start3A_319 = arith.constant 1 : i32
          %dma_start3A_320 = arith.constant 0 : i32
          %dma_start3A_321 = tpu.memref_slice %arg11[%dma_start3A_319, %dma_start3A_320] : memref<2x4000xf32, #tpu.memory_space<vmem>> -> memref<1x4000xf32, #tpu.memory_space<vmem>>
          %dma_start3A_322 = tpu.memref_squeeze %dma_start3A_321 : memref<1x4000xf32, #tpu.memory_space<vmem>> -> memref<4000xf32, #tpu.memory_space<vmem>>
          %dma_start3A_323 = tpu.memref_slice %arg5[%mul3A_291] : memref<6400000xf32, #tpu.memory_space<hbm>> -> memref<4000xf32, #tpu.memory_space<hbm>>
          %dma_start3A_324 = arith.constant 0 : i32
          %dma_start3A_325 = tpu.memref_slice %arg11[%dma_start3A_319, %dma_start3A_324] : memref<2x4000xf32, #tpu.memory_space<vmem>> -> memref<1x4000xf32, #tpu.memory_space<vmem>>
          %dma_start3A_326 = tpu.memref_squeeze %dma_start3A_325 : memref<1x4000xf32, #tpu.memory_space<vmem>> -> memref<4000xf32, #tpu.memory_space<vmem>>
          %dma_start3A_327 = tpu.memref_slice %arg5[%mul3A_291] : memref<6400000xf32, #tpu.memory_space<hbm>> -> memref<4000xf32, #tpu.memory_space<hbm>>
          tpu.enqueue_dma source(%dma_start3A_327 : memref<4000xf32, #tpu.memory_space<hbm>>) target(%dma_start3A_326 : memref<4000xf32, #tpu.memory_space<vmem>>) target_semaphore(%arg15 : memref<!tpu.dma_semaphore, #tpu.memory_space<semaphore_mem>>)
        } else {
        }
      } else {
      }
    }
    %sub3A_179 = arith.constant 1 : i32
    %sub3A_180 = arith.subi %select_n3A, %sub3A_179 : i32
    %and3A_181 = arith.constant 1 : i32
    %and3A_182 = arith.andi %sub3A_180, %and3A_181 : i32
    %eq3A = arith.constant 0 : i32
    %eq3A_183 = arith.cmpi eq, %and3A_182, %eq3A : i32
    %convert_element_type3A_184 = arith.extui %eq3A_183 : i1 to i32
    %cond3A_185 = arith.constant 0 : i32
    %cond3A_186 = arith.cmpi ne, %convert_element_type3A_184, %cond3A_185 : i32
    scf.if %cond3A_186 {
      %dma_wait3A = arith.constant 0 : i32
      %dma_wait3A_192 = arith.constant 0 : i32
      %dma_wait3A_193 = tpu.memref_slice %arg12[%dma_wait3A, %dma_wait3A_192] : memref<2x16000xf32, #tpu.memory_space<vmem>> -> memref<1x16000xf32, #tpu.memory_space<vmem>>
      %dma_wait3A_194 = tpu.memref_squeeze %dma_wait3A_193 : memref<1x16000xf32, #tpu.memory_space<vmem>> -> memref<16000xf32, #tpu.memory_space<vmem>>
      %dma_wait3A_195 = arith.constant 0 : i32
      %dma_wait3A_196 = tpu.memref_slice %arg7[%dma_wait3A_195] : memref<25600000xf32, #tpu.memory_space<hbm>> -> memref<16000xf32, #tpu.memory_space<hbm>>
      %dma_wait3A_197 = arith.constant 0 : i32
      %dma_wait3A_198 = tpu.memref_slice %arg7[%dma_wait3A_197] : memref<25600000xf32, #tpu.memory_space<hbm>> -> memref<16000xf32, #tpu.memory_space<hbm>>
      %dma_wait3A_199 = arith.constant 0 : i32
      %dma_wait3A_200 = tpu.memref_slice %arg12[%dma_wait3A, %dma_wait3A_199] : memref<2x16000xf32, #tpu.memory_space<vmem>> -> memref<1x16000xf32, #tpu.memory_space<vmem>>
      %dma_wait3A_201 = tpu.memref_squeeze %dma_wait3A_200 : memref<1x16000xf32, #tpu.memory_space<vmem>> -> memref<16000xf32, #tpu.memory_space<vmem>>
      tpu.wait_dma2 semaphore(%arg16 : memref<!tpu.dma_semaphore, #tpu.memory_space<semaphore_mem>>) src(%dma_wait3A_201 : memref<16000xf32, #tpu.memory_space<vmem>>) dst(%dma_wait3A_198 : memref<16000xf32, #tpu.memory_space<hbm>>)
      %ge3A = arith.constant 2 : i32
      %ge3A_202 = arith.cmpi sge, %select_n3A, %ge3A : i32
      %convert_element_type3A_203 = arith.extui %ge3A_202 : i1 to i32
      %cond3A_204 = arith.constant 0 : i32
      %cond3A_205 = arith.cmpi ne, %convert_element_type3A_203, %cond3A_204 : i32
      scf.if %cond3A_205 {
        %dma_wait3A_206 = arith.constant 1 : i32
        %dma_wait3A_207 = arith.constant 0 : i32
        %dma_wait3A_208 = tpu.memref_slice %arg12[%dma_wait3A_206, %dma_wait3A_207] : memref<2x16000xf32, #tpu.memory_space<vmem>> -> memref<1x16000xf32, #tpu.memory_space<vmem>>
        %dma_wait3A_209 = tpu.memref_squeeze %dma_wait3A_208 : memref<1x16000xf32, #tpu.memory_space<vmem>> -> memref<16000xf32, #tpu.memory_space<vmem>>
        %dma_wait3A_210 = arith.constant 0 : i32
        %dma_wait3A_211 = tpu.memref_slice %arg7[%dma_wait3A_210] : memref<25600000xf32, #tpu.memory_space<hbm>> -> memref<16000xf32, #tpu.memory_space<hbm>>
        %dma_wait3A_212 = arith.constant 0 : i32
        %dma_wait3A_213 = tpu.memref_slice %arg7[%dma_wait3A_212] : memref<25600000xf32, #tpu.memory_space<hbm>> -> memref<16000xf32, #tpu.memory_space<hbm>>
        %dma_wait3A_214 = arith.constant 0 : i32
        %dma_wait3A_215 = tpu.memref_slice %arg12[%dma_wait3A_206, %dma_wait3A_214] : memref<2x16000xf32, #tpu.memory_space<vmem>> -> memref<1x16000xf32, #tpu.memory_space<vmem>>
        %dma_wait3A_216 = tpu.memref_squeeze %dma_wait3A_215 : memref<1x16000xf32, #tpu.memory_space<vmem>> -> memref<16000xf32, #tpu.memory_space<vmem>>
        tpu.wait_dma2 semaphore(%arg17 : memref<!tpu.dma_semaphore, #tpu.memory_space<semaphore_mem>>) src(%dma_wait3A_216 : memref<16000xf32, #tpu.memory_space<vmem>>) dst(%dma_wait3A_213 : memref<16000xf32, #tpu.memory_space<hbm>>)
      } else {
      }
    } else {
    }
    %eq3A_187 = arith.constant 1 : i32
    %eq3A_188 = arith.cmpi eq, %and3A_182, %eq3A_187 : i32
    %convert_element_type3A_189 = arith.extui %eq3A_188 : i1 to i32
    %cond3A_190 = arith.constant 0 : i32
    %cond3A_191 = arith.cmpi ne, %convert_element_type3A_189, %cond3A_190 : i32
    scf.if %cond3A_191 {
      %dma_wait3A = arith.constant 1 : i32
      %dma_wait3A_192 = arith.constant 0 : i32
      %dma_wait3A_193 = tpu.memref_slice %arg12[%dma_wait3A, %dma_wait3A_192] : memref<2x16000xf32, #tpu.memory_space<vmem>> -> memref<1x16000xf32, #tpu.memory_space<vmem>>
      %dma_wait3A_194 = tpu.memref_squeeze %dma_wait3A_193 : memref<1x16000xf32, #tpu.memory_space<vmem>> -> memref<16000xf32, #tpu.memory_space<vmem>>
      %dma_wait3A_195 = arith.constant 0 : i32
      %dma_wait3A_196 = tpu.memref_slice %arg7[%dma_wait3A_195] : memref<25600000xf32, #tpu.memory_space<hbm>> -> memref<16000xf32, #tpu.memory_space<hbm>>
      %dma_wait3A_197 = arith.constant 0 : i32
      %dma_wait3A_198 = tpu.memref_slice %arg7[%dma_wait3A_197] : memref<25600000xf32, #tpu.memory_space<hbm>> -> memref<16000xf32, #tpu.memory_space<hbm>>
      %dma_wait3A_199 = arith.constant 0 : i32
      %dma_wait3A_200 = tpu.memref_slice %arg12[%dma_wait3A, %dma_wait3A_199] : memref<2x16000xf32, #tpu.memory_space<vmem>> -> memref<1x16000xf32, #tpu.memory_space<vmem>>
      %dma_wait3A_201 = tpu.memref_squeeze %dma_wait3A_200 : memref<1x16000xf32, #tpu.memory_space<vmem>> -> memref<16000xf32, #tpu.memory_space<vmem>>
      tpu.wait_dma2 semaphore(%arg17 : memref<!tpu.dma_semaphore, #tpu.memory_space<semaphore_mem>>) src(%dma_wait3A_201 : memref<16000xf32, #tpu.memory_space<vmem>>) dst(%dma_wait3A_198 : memref<16000xf32, #tpu.memory_space<hbm>>)
      %dma_wait3A_202 = arith.constant 0 : i32
      %dma_wait3A_203 = arith.constant 0 : i32
      %dma_wait3A_204 = tpu.memref_slice %arg12[%dma_wait3A_202, %dma_wait3A_203] : memref<2x16000xf32, #tpu.memory_space<vmem>> -> memref<1x16000xf32, #tpu.memory_space<vmem>>
      %dma_wait3A_205 = tpu.memref_squeeze %dma_wait3A_204 : memref<1x16000xf32, #tpu.memory_space<vmem>> -> memref<16000xf32, #tpu.memory_space<vmem>>
      %dma_wait3A_206 = arith.constant 0 : i32
      %dma_wait3A_207 = tpu.memref_slice %arg7[%dma_wait3A_206] : memref<25600000xf32, #tpu.memory_space<hbm>> -> memref<16000xf32, #tpu.memory_space<hbm>>
      %dma_wait3A_208 = arith.constant 0 : i32
      %dma_wait3A_209 = tpu.memref_slice %arg7[%dma_wait3A_208] : memref<25600000xf32, #tpu.memory_space<hbm>> -> memref<16000xf32, #tpu.memory_space<hbm>>
      %dma_wait3A_210 = arith.constant 0 : i32
      %dma_wait3A_211 = tpu.memref_slice %arg12[%dma_wait3A_202, %dma_wait3A_210] : memref<2x16000xf32, #tpu.memory_space<vmem>> -> memref<1x16000xf32, #tpu.memory_space<vmem>>
      %dma_wait3A_212 = tpu.memref_squeeze %dma_wait3A_211 : memref<1x16000xf32, #tpu.memory_space<vmem>> -> memref<16000xf32, #tpu.memory_space<vmem>>
      tpu.wait_dma2 semaphore(%arg16 : memref<!tpu.dma_semaphore, #tpu.memory_space<semaphore_mem>>) src(%dma_wait3A_212 : memref<16000xf32, #tpu.memory_space<vmem>>) dst(%dma_wait3A_209 : memref<16000xf32, #tpu.memory_space<hbm>>)
    } else {
    }
    return
  }
}

</mosaic_0001>

<sc_bundles>
// kernel: kernel.4.cloned.1.call-start
scs
__scs_entry_jumppad:
0x0: {  	(pc) =	sbr.rel $0x88, $3  }
0x1: {  	(tag) =	ssettag $0x0;
	lr =	simm.s32 $0x1  }
0x2: {  	[smem:$0x3F9E] =	sst lr;
	_ =	strace $0xD0000000  }
0x3: {  	_ = 	snop  }
0x4: {  	_ = 	snop  }
0x5: {  	_ = 	snop  }
0x6: {  	_ = 	snop  }
0x7: {  	_ = 	snop  }
__scs_overlays_trampoline_lowered:
0x8: {  	[smem:$0x3FAD] =	sst s0  }
0x9: {  	[smem:$0x3FAE] =	sst s1  }
0xa: {  	[smem:$0x3FAF] =	sst s2  }
0xb: {  	[smem:$0x3FB0] =	sst s3  }
0xc: {  	[smem:$0x3FB1] =	sst s4  }
0xd: {  	[smem:$0x3FB2] =	sst s5  }
0xe: {  	[smem:$0x3FB3] =	sst s6  }
0xf: {  	[smem:$0x3FB4] =	sst s7  }
0x10: {  	[smem:$0x3FB5] =	sst s8  }
0x11: {  	[smem:$0x3FB6] =	sst s9;
	s0 =	simm.s32 @!p0 $0x0  }
0x12: {  	s1 =	sld [smem:$0x3F9C];
	s0 =	simm.s32 @p0 $0x1  }
0x13: {  	[smem:$0x3FB7] =	sst s0;
	s0 =	simm.s32 @!p1 $0x0  }
0x14: {  	s2 =	sld [smem:$0x3F9B];
	s0 =	simm.s32 @p1 $0x1  }
0x15: {  	[smem:$0x3FB8] =	sst s0;
	s0 =	simm.s32 @!p2 $0x0  }
0x16: {  	s3 =	sld [smem:$0x3FDB];
	s0 =	simm.s32 @p2 $0x1  }
0x17: {  	s4 =	simm.s32 $0x1BF5;
	[smem:$0x3FBA] =	sst s0  }
0x18: {  	s0 =	sld [smem:$0x3F9D];
	_ =	swait.ge [sflag:s4], $0x0  }
0x19: {  	s7 =	sld [smem:$0x3F9E]  }
0x1a: {  	s8 =	sadd.s32 $0xFFFFE003, lr  }
0x1b: {  	s9 =	sadd.s32 $0xFFFFFEF7, lr;
	s5 =	simm.s32 $0xFFFFFFFF;
	p2 =	slt.u32 s8, $0xFFFFF086  }
0x1c: {  	p1 =	slt.u32 s9, $0xF7A;
	s5 =	simm.s32 @!p2 $0x0  }
0x1d: {  	s5 =	simm.s32 @p1 $0x1;
	p0 =	seq.s32 s7, s2  }
0x1e: {  	s7 =	smul.u32 @!p0 $0xF7A, s2;
	p2 =	seq.s32 @!p0 s5, $0x0  }
0x1f: {  	s9 =	smul.u32 $0xF7A, s1;
	s8 =	simm.s32 @!p0 $0x1BF5;
	p2 =	por !p2, p0  }
0x20: {  	[sflag:s8] =	ssyncset.s32 @!p0 $0xFFFFF086;
	s6 =	sadd.s32 @!p0 s3, s7;
	s7 =	simm.s32 @!p0 $0x108  }
0x21: {  	s3 =	sadd.s32 s3, s9;
	s6 =	sadd.s32 @!p0 $0x88, s6;
	s7 =	simm.s32 @p2 $0x1082  }
0x22: {  	[simem:s7], [sflag:s8] =	dma.local @!p0 [hbm:s6], $0xF7A  }
0x23: {  	s9 =	sor.u32 $0xD0000000, s2;
	s6 =	simm.s32 $0x108;
	_ =	swait.ge @!p0 [sflag:s8], $0x0  }
0x24: {  	s3 =	sadd.s32 $0x88, s3;
	s6 =	simm.s32 @!p1 $0x1082;
	[sflag:s4] =	ssyncset.s32 $0xFFFFF086  }
0x25: {  	[simem:s6], [sflag:s4] =	dma.local [hbm:s3], $0xF7A  }
0x26: {  	[smem:$0x3F9E] =	sst s1;
	(tag) =	ssettag s2;
	_ =	strace s9  }
0x27: {  	s1 =	sld [smem:$0x3FAE]  }
0x28: {  	s2 =	sld [smem:$0x3FAF]  }
0x29: {  	s4 =	sld [smem:$0x3FB1]  }
0x2a: {  	p0 =	seq.s32 s5, $0x0;
	s5 =	sld [smem:$0x3FB2]  }
0x2b: {  	s6 =	sld [smem:$0x3FB3]  }
0x2c: {  	s7 =	sld [smem:$0x3FB4]  }
0x2d: {  	s3 =	simm.s32 $0x108;
	s8 =	sld [smem:$0x3FB5]  }
0x2e: {  	s3 =	simm.s32 @!p0 $0x1082;
	s9 =	sld [smem:$0x3FB6]  }
0x2f: {  	lr =	sadd.s32 s0, s3;
	s0 =	sld [smem:$0x3FAD]  }
0x30: {  	s3 =	sld [smem:$0x3FB0]  }
0x31: {  	[smem:$0x3FB9] =	sst s10  }
0x32: {  	s10 =	sld [smem:$0x3FB7];
	_ =	sdelay $0x3  }
0x33: {  	p0 =	seq.s32 s10, $0x1;
	s10 =	sld [smem:$0x3FB9];
	_ =	sdelay $0x3  }
0x34: {  	[smem:$0x3FB9] =	sst s10  }
0x35: {  	s10 =	sld [smem:$0x3FB8];
	_ =	sdelay $0x3  }
0x36: {  	p1 =	seq.s32 s10, $0x1;
	s10 =	sld [smem:$0x3FB9];
	_ =	sdelay $0x3  }
0x37: {  	[smem:$0x3FB9] =	sst s10  }
0x38: {  	s10 =	sld [smem:$0x3FBA]  }
0x39: {  	_ = 	snop;
	(pc) =	sbr.ind lr, $3  }
0x3a: {  	_ = 	snop  }
0x3b: {  	_ = 	snop  }
0x3c: {  	p2 =	seq.s32 s10, $0x1;
	s10 =	sld [smem:$0x3FB9]  }
0x3d: {  	_ =	shalt  }
0x3e: {  	_ =	shalt  }
0x3f: {  	_ =	shalt  }
0x40: {  	_ =	shalt  }
0x41: {  	_ =	shalt  }
0x42: {  	_ =	shalt  }
0x43: {  	_ =	shalt  }
0x44: {  	_ =	shalt  }
0x45: {  	_ =	shalt  }
0x46: {  	_ =	shalt  }
0x47: {  	_ =	shalt  }
0x48: {  	_ =	shalt  }
0x49: {  	_ =	shalt  }
0x4a: {  	_ =	shalt  }
0x4b: {  	_ =	shalt  }
0x4c: {  	_ =	shalt  }
0x4d: {  	_ =	shalt  }
0x4e: {  	_ =	shalt  }
0x4f: {  	_ =	shalt  }
0x50: {  	_ =	shalt  }
0x51: {  	_ =	shalt  }
0x52: {  	_ =	shalt  }
0x53: {  	_ =	shalt  }
0x54: {  	_ =	shalt  }
0x55: {  	_ =	shalt  }
0x56: {  	_ =	shalt  }
0x57: {  	_ =	shalt  }
0x58: {  	_ =	shalt  }
0x59: {  	_ =	shalt  }
0x5a: {  	_ =	shalt  }
0x5b: {  	_ =	shalt  }
0x5c: {  	_ =	shalt  }
0x5d: {  	_ =	shalt  }
0x5e: {  	_ =	shalt  }
0x5f: {  	_ =	shalt  }
0x60: {  	_ =	shalt  }
0x61: {  	_ =	shalt  }
0x62: {  	_ =	shalt  }
0x63: {  	_ =	shalt  }
0x64: {  	_ =	shalt  }
0x65: {  	_ =	shalt  }
0x66: {  	_ =	shalt  }
0x67: {  	_ =	shalt  }
0x68: {  	_ =	shalt  }
0x69: {  	_ =	shalt  }
0x6a: {  	_ =	shalt  }
0x6b: {  	_ =	shalt  }
0x6c: {  	_ =	shalt  }
0x6d: {  	_ =	shalt  }
0x6e: {  	_ =	shalt  }
0x6f: {  	_ =	shalt  }
0x70: {  	_ =	shalt  }
0x71: {  	_ =	shalt  }
0x72: {  	_ =	shalt  }
0x73: {  	_ =	shalt  }
0x74: {  	_ =	shalt  }
0x75: {  	_ =	shalt  }
0x76: {  	_ =	shalt  }
0x77: {  	_ =	shalt  }
0x78: {  	_ =	shalt  }
0x79: {  	_ =	shalt  }
0x7a: {  	_ =	shalt  }
0x7b: {  	_ =	shalt  }
0x7c: {  	_ =	shalt  }
0x7d: {  	_ =	shalt  }
0x7e: {  	_ =	shalt  }
0x7f: {  	_ =	shalt  }
0x80: {  	_ =	shalt  }
0x81: {  	_ =	shalt  }
0x82: {  	_ =	shalt  }
0x83: {  	_ =	shalt  }
0x84: {  	_ =	shalt  }
0x85: {  	_ =	shalt  }
0x86: {  	_ =	shalt  }
0x87: {  	_ =	shalt  }
.Lfunc_end0:
.L_simem_size_0:
called_computation_lowered:
.L_overlay_start_0:
0x88: {  	s2 =	sld [smem:$0x3FD9]  }
0x89: {  	s3 =	sld [smem:$0x3FFE];
	_ =	sdelay $0x1  }
0x8a: {  	s1 =	srdreg.scid  }
0x8b: {  	s0 =	sand.u32 $0x1, s1  }
0x8c: {  	s17 =	sshll.u32 s0, $0xA;
	s2 =	sadd.s32 s3, s2  }
0x8d: {  	s2 =	sadd.s32 s2, s17  }
0x8e: {  	[smem:$0x3FC5] =	sst s2  }
0x8f: {  	_ = 	snop  }
0x90: {  	s2 =	sld [smem:$0x3FD0];
	(tm) =	ssettm $0x1  }
0x91: {  	s18 =	sld [smem:$0x3FFB];
	_ =	sdelay $0x3  }
0x92: {  	_ =	strace s18  }
0x93: {  	s3 =	sld [smem:$0x3FFC];
	_ =	sdelay $0x3  }
0x94: {  	_ =	strace s3  }
0x95: {  	s3 =	sld [smem:$0x3FFD];
	_ =	sdelay $0x3  }
0x96: {  	_ =	strace s3  }
0x97: {  	_ =	strace $0x8FFFFFFF  }
0x98: {  	s19 =	sld [smem:$0x3FDB];
	_ =	sdelay $0x1  }
0x99: {  	s4 =	simm.s32 $_scs_section_size  }
0x9a: {  	s5 =	simm.s32 $_size__tile_overlayer_lowered;
	s6 =	simm.s32 $_tile_overlayer_lowered  }
0x9b: {  	s22 =	simm.s32 $0x1BFF;
	s21 =	sshll.u32 s6, $0x1;
	s3 =	sadd.s32 s4, s19  }
0x9c: {  	s7 =	simm.s32 $0x0;
	s20 =	sshll.u32 s5, $0x1;
	s5 =	sadd.s32 s21, s3  }
0x9d: {  	[timem:s7], [sflag:s22] =	dma.local [hbm:s5], s20  }
0x9e: {  	_ =	swait.ge [sflag:s22], s20  }
0x9f: {  	s4 =	ssub.s32 $0x0, s20;
	[sflag:s22] =	ssyncset.done $0x0  }
0xa0: {  	[sflag:s22] =	ssyncadd.s32 s4;
	_ =	sdelay $0x1  }
0xa1: {  	s23 =	simm.s32 $0x1B8B  }
0xa2: {  	_ =	swait.ge [sflag:s23], $0x1  }
0xa3: {  	[sflag:s23] =	ssyncset.done $0x0  }
0xa4: {  	s25 =	simm.s32 $0x1B8E;
	s24 =	sld [smem:$0x3FFE];
	[sflag:s23] =	ssyncadd.s32 $0xFFFFFFFF  }
0xa5: {  	s26 =	simm.s32 $execute0_lowered;
	[smem:$0x3FD2] =	sst s25  }
0xa6: {  	s5 =	sshll.u32 s26, $0x1;
	_ =	strace $0x80000046;
	[dreg:$0x1] =	wrdreg $0xFFFFFFFF  }
0xa7: {  	s28 =	simm.s32 $_size_execute0_lowered;
	s3 =	sadd.s32 s3, s5;
	[dreg:$0x0] =	wrdreg $0x0  }
0xa8: {  	s5 =	sshll.u32 s28, $0x1;
	[dreg:$0x2] =	wrdreg s3  }
0xa9: {  	[dreg:$0x3] =	wrdreg s5  }
0xaa: {  	[dreg:$0x4] =	wrdreg $0xC0  }
0xab: {  	_ =	task [dreg:s7], $0x5FFFF  }
0xac: {  	[dreg:$0x1] =	wrdreg $0xFFFFFFFF  }
0xad: {  	[dreg:$0x0] =	wrdreg $0x60  }
0xae: {  	[dreg:$0x2] =	wrdreg s24  }
0xaf: {  	[dreg:$0x3] =	wrdreg s2  }
0xb0: {  	[dreg:$0x4] =	wrdreg $0x9  }
0xb1: {  	_ =	task.clear_ibuf [dreg:s7], $0x5FFFF;
	_ =	strace $0x90000046  }
0xb2: {  	s29 =	simm.s32 $0x9;
	_ =	strace $0x80000048  }
0xb3: {  	_ =	swait.ge [sflag:s29], $0x1  }
0xb4: {  	[sflag:s29] =	ssyncadd.s32 $0xFFFFFFFF  }
0xb5: {  	_ =	strace $0x90000048  }
0xb6: {  	_ =	sfence  }
0xb7: {  	s30 =	sld [smem:$0x0];
	_ =	sdelay $0x2  }
0xb8: {  	s31 =	sshll.u32 s1, $0xD;
	s1 =	sshrl.u32 s1, $0x2  }
0xb9: {  	s3 =	sand.u32 $0x4000, s31;
	s1 =	sadd.s32 s1, s30  }
0xba: {  	s0 =	sor.u32 s3, s0;
	s1 =	sshll.u32 s1, $0x11  }
0xbb: {  	s0 =	sor.u32 s1, s0  }
0xbc: {  	s0 =	sadd.s32 $0x8F2B, s0  }
0xbd: {  	[sflag:s0] =	ssyncadd.remote.s32 $0x1  }
0xbe: {  	_ =	sfence.sel $0xFFFF  }
0xbf: {  	[dreg:$0x0] =	wrdreg $0xFFFFFFFF;
	(pc) =	sbr.abs _section_cstart, $3  }
0xc0: {  	[dreg:$0x1] =	wrdreg $0xFFFFFFFF  }
0xc1: {  	_ =	task.clear_ibuf [dreg:s7], $0x2FFFF;
	_ =	strace $0x9FFFFFFF  }
0xc2: {  	(tm) =	ssettm $0x7FFFFFFF  }
0xc3: {  	_ =	shalt  }
tec
execute0_lowered:
.L_overlay_start_1:
0x0: {  	(tag) =	ssettag $0x1  }
0x1: {  	s12 =	rddreg [dreg:$0x0]  }
0x2: {  	s3 =	rddreg [dreg:$0x1];
	s4 =	simm.s32 $0x0  }
0x3: {  	s0 =	srdreg.scid;
	s1 =	stileid.u32;
	s28 =	simm.s32 $0x2EE0  }
0x4: {  	s29 =	simm.s32 $0x1;
	s30 =	simm.s32 $0x3E80;
	s31 =	simm.s32 $0x2  }
0x5: {  	[smem:$0x7FF] =	sst s4;
	s0 =	sand.u32 $0x1, s0;
	s6 =	sadd.s32 $0x9600, s12  }
0x6: {  	s22 =	sadd.s32 $0x6400, s12;
	s2 =	sadd.s32 $0x3200, s12;
	s9 =	sadd.s32 $0xCCE00, s12  }
0x7: {  	s1 =	sshll.u32 s1, $0x1;
	s10 =	sadd.s32 $0x190400, s12;
	s11 =	sadd.s32 $0x253A00, s12  }
0x8: {  	s20 =	sadd.s32 $0x194280, s12;
	_ =	strace $0x80000047;
	[dreg:$0x3] =	wrdreg s22  }
0x9: {  	s21 =	sadd.s32 $0xD0C80, s12;
	s5 =	sor.u32 s0, s1;
	[dreg:$0x4] =	wrdreg s2  }
0xa: {  	s0 =	ssub.s32 $0x2, s0;
	s22 =	sadd.s32 $0x257880, s12;
	s24 =	smul.u32 $0xFA0, s5  }
0xb: {  	s23 =	sshll.u32 s5, $0x1;
	s7 =	sshrl.u32 s0, $0x1;
	s8 =	smul.u32 $0x1F4, s5  }
0xc: {  	s16 =	sor.u32 $0x40, s5;
	s17 =	sor.u32 $0x60, s5;
	s1 =	sadd.s32 s23, s12  }
0xd: {  	s0 =	ssub.s32 s0, s7;
	s23 =	simm.s32 $0x5DC0;
	s25 =	sadd.s32 s6, s8  }
0xe: {  	s7 =	simm.s32 $0x0;
	s26 =	sadd.s32 s3, s8;
	[dreg:$0x5] =	wrdreg s25  }
.Ltmp0:
0xf: {  	s1 =	sadd.s32 $0xCCC00, s1;
	[dreg:$0x6] =	wrdreg s26;
	(pc) =	sbr.rel .LBB2_1-.Ltmp0, $4  }
0x10: {  	s2 =	sshrl.u32 s24, $0x3;
	s0 =	smax.u32 s0, $0x1;
	[dreg:$0x7] =	wrdreg s1  }
0x11: {  	s24 =	simm.s32 $0x5;
	s2 =	sadd.s32 $0x3E80, s2;
	[dreg:$0x8] =	wrdreg s0  }
0x12: {  	s26 =	simm.s32 $0xFA0;
	s0 =	simm.s32 $0x4E20;
	s1 =	simm.s32 $0x3  }
0x13: {  	s14 =	sadd.s32 s6, s2;
	s15 =	sadd.s32 s3, s2;
	s2 =	simm.s32 $0x4  }
.LBB2_22:
0x14: {  	_ =	swait.ge [sflag:s2], $0xFA0  }
0x15: {  	[sflag:s2] =	ssyncset.done $0x0  }
0x16: {  	[sflag:s2] =	ssyncadd.s32 $0xFFFFF060  }
0x17: {  	_ =	swait.ge [sflag:s1], $0xFA0  }
0x18: {  	[sflag:s1] =	ssyncset.done $0x0  }
0x19: {  	[sflag:s1] =	ssyncadd.s32 $0xFFFFF060  }
0x1a: {  	s12 =	simm.s32 $0x1E460;
	s8 =	rddreg [dreg:$0x7];
	[tilespmem:$0x1E460] =	vst v0  }
0x1b: {  	[hbm4b:s8+s4] =	stream.linear.scatter [tilespmem:s12], [sflag:$0x5], $0x10, $0x38;
	[tilespmem:$0x1E470] =	vst v63  }
0x1c: {  	_ =	swait.ge [sflag:s24], $0x10  }
0x1d: {  	s7 =	sadd.s32 $0x1, s7;
	s25 =	rddreg [dreg:$0x8]  }
0x1e: {  	p0 =	sne.s32 s7, s25  }
.Ltmp1:
0x1f: {  	_ = 	snop;
	(pc) =	sbr.rel @!p0 .LBB2_23-.Ltmp1, $3  }
0x20: {  	_ =	sdelay $0x1  }
0x21: {  	[sflag:s24] =	ssyncset.done $0x0  }
0x22: {  	[sflag:s24] =	ssyncadd.s32 $0xFFFFFFF0  }
.LBB2_1:
0x23: {  	s8 =	rddreg [dreg:$0x3]  }
0x24: {  	[tilespmem:s23], [sflag:$0x5] =	stream.linear.gather [hbm4b:s8+s4], $0x186A0, $0x38;
	[tilespmem:$0x1E470] =	vst v63  }
0x25: {  	_ =	swait.ge [sflag:s24], $0x186A0  }
0x26: {  	[sflag:s24] =	ssyncset.done $0x0  }
0x27: {  	s19 =	rddreg [dreg:$0x5];
	[sflag:s24] =	ssyncadd.s32 $0xFFFE7960  }
0x28: {  	[tilespmem:s4], [sflag:$0x1] =	stream.linear.gather [hbm4b:s19+s4], $0xFA0, $0x38;
	[tilespmem:$0x1E470] =	vst v63  }
0x29: {  	s12 =	simm.s32 $0x1F40;
	s25 =	rddreg [dreg:$0x6]  }
0x2a: {  	[tilespmem:s12], [sflag:$0x1] =	stream.linear.gather [hbm4b:s25+s4], $0xFA0, $0x38;
	[tilespmem:$0x1E470] =	vst v63  }
0x2b: {  	_ = 	snop  }
0x2c: {  	[tilespmem:s26], [sflag:$0x2] =	stream.linear.gather [hbm4b:s14+s4], $0xFA0, $0x38;
	[tilespmem:$0x1E470] =	vst v63  }
0x2d: {  	s8 =	simm.s32 $0x0  }
0x2e: {  	v0 =	vimm.f32 $0.0e+00;
	[tilespmem:s28], [sflag:$0x2] =	stream.linear.gather [hbm4b:s15+s4], $0xFA0, $0x38;
	[tilespmem:$0x1E470] =	vst v63  }
.LBB2_2:
0x2f: {  	_ =	swait.ge [sflag:s29], $0xFA0  }
0x30: {  	[sflag:s29] =	ssyncset.done $0x0  }
0x31: {  	[sflag:s29] =	ssyncadd.s32 $0xFFFFF060  }
0x32: {  	_ =	swait.ge [sflag:s29], $0xFA0  }
0x33: {  	p1 =	seq.s32 s8, $0x0;
	[sflag:s29] =	ssyncset.done $0x0  }
0x34: {  	s12 =	simm.s32 @!p1 $0x3;
	[sflag:s29] =	ssyncadd.s32 $0xFFFFF060  }
0x35: {  	_ =	swait.ge @!p1 [sflag:s12], $0xFA0  }
0x36: {  	[sflag:s12] =	ssyncset.done @!p1 $0x0  }
0x37: {  	s19 =	simm.s32 $0x0;
	[sflag:s12] =	ssyncadd.s32 @!p1 $0xFFFFF060  }
0x38: {  	v1 =	vld [tilespmem:s19+$0x1F40]  }
0x39: {  	v2 =	vld [tilespmem:s19+$0x0];
	_ =	sdelay $0x6  }
0x3a: {  	v1 =	vld.idx.msk [tilespmem:v1+s23+$0x0], $0xffff  }
0x3b: {  	s18 =	sshll.u32 s8, $0x6;
	s25 =	simm.s32 $0x10;
	s12 =	simm.s32 $0x80;
	v2 =	vld.idx.msk [tilespmem:v2+s23+$0x0], $0xffff  }
.LBB2_3:
0x3c: {  	p0 =	sne.s32 s12, $0x3E40;
	v3 =	vld [tilespmem:s25+$0x1F40]  }
0x3d: {  	v4 =	vld [tilespmem:s25+$0x0];
	_ =	sdelay $0x3  }
.Ltmp2:
0x3e: {  	v1 =	vsub.f32 v1, v2;
	(pc) =	sbr.rel @p0 .LBB2_3-.Ltmp2, $4  }
0x3f: {  	_ = 	snop  }
0x40: {  	v2 =	vand.u32 $0x7FFFFFFF, v1;
	[tilespmem:s19+$0x3E80] =	vst v1;
	s19 =	smov.u32 s25  }
0x41: {  	v0 =	vmax.f32 v0, v2;
	v1 =	vld.idx.msk [tilespmem:v3+s23+$0x0], $0xffff  }
0x42: {  	s25 =	sshra.s32 s12, $0x2;
	s12 =	sadd.s32 $0x40, s12;
	v2 =	vld.idx.msk [tilespmem:v4+s23+$0x0], $0xffff  }
0x43: {  	v3 =	vld [tilespmem:s25+$0x1F40]  }
0x44: {  	v4 =	vld [tilespmem:s25+$0x0];
	_ =	sdelay $0x3  }
0x45: {  	v1 =	vsub.f32 v1, v2;
	_ =	sdelay $0x1  }
0x46: {  	[tilespmem:s19+$0x3E80] =	vst v1  }
0x47: {  	v2 =	vld.idx.msk [tilespmem:v3+s23+$0x0], $0xffff  }
0x48: {  	v3 =	vld.idx.msk [tilespmem:v4+s23+$0x0], $0xffff;
	_ =	sdelay $0x3  }
0x49: {  	s12 =	sor.u32 s5, s18  }
0x4a: {  	p0 =	seq.s32 s8, $0x18;
	s19 =	smul.u32 $0x1F4, s12;
	v2 =	vsub.f32 v2, v3  }
0x4b: {  	s12 =	sadd.s32 @!p0 s16, s18  }
0x4c: {  	s12 =	smul.u32 @!p0 $0x1F4, s12;
	s13 =	sadd.s32 s9, s19;
	[tilespmem:s25+$0x3E80] =	vst v2  }
0x4d: {  	[hbm4b:s13+s4] =	stream.linear.scatter [tilespmem:s30], [sflag:$0x3], $0xFA0, $0x38;
	[tilespmem:$0x1E470] =	vst v63  }
0x4e: {  	s25 =	simm.s32 @!p0 $0x0;
	s13 =	sadd.s32 @!p0 s6, s12  }
0x4f: {  	[tilespmem:s25], [sflag:$0x1] =	stream.linear.gather @!p0 [hbm4b:s13+s25], $0xFA0, $0x38;
	[tilespmem:$0x1E470] =	vst v63  }
0x50: {  	s12 =	sadd.s32 @!p0 s3, s12;
	s13 =	simm.s32 @!p0 $0x1F40  }
0x51: {  	[tilespmem:s13], [sflag:$0x1] =	stream.linear.gather @!p0 [hbm4b:s12+s25], $0xFA0, $0x38;
	[tilespmem:$0x1E470] =	vst v63  }
0x52: {  	_ =	swait.ge [sflag:s31], $0xFA0  }
0x53: {  	[sflag:s31] =	ssyncset.done $0x0  }
0x54: {  	[sflag:s31] =	ssyncadd.s32 $0xFFFFF060  }
0x55: {  	_ =	swait.ge [sflag:s31], $0xFA0  }
0x56: {  	[sflag:s31] =	ssyncset.done $0x0  }
0x57: {  	s12 =	simm.s32 @!p1 $0x4;
	[sflag:s31] =	ssyncadd.s32 $0xFFFFF060  }
0x58: {  	_ =	swait.ge @!p1 [sflag:s12], $0xFA0  }
0x59: {  	[sflag:s12] =	ssyncset.done @!p1 $0x0  }
0x5a: {  	s25 =	simm.s32 $0x0;
	[sflag:s12] =	ssyncadd.s32 @!p1 $0xFFFFF060  }
0x5b: {  	v3 =	vld [tilespmem:s25+$0x2EE0]  }
0x5c: {  	v63 =	vld [tilespmem:s25+$0xFA0];
	_ =	sdelay $0x5  }
0x5d: {  	v1 =	vand.u32 $0x7FFFFFFF, v1  }
0x5e: {  	v0 =	vmax.f32 v0, v1;
	v2 =	vand.u32 $0x7FFFFFFF, v2;
	v1 =	vld.idx.msk [tilespmem:v3+s23+$0x0], $0xffff  }
0x5f: {  	v0 =	vmax.f32 v0, v2;
	s13 =	simm.s32 $0x80;
	s12 =	simm.s32 $0x10;
	v2 =	vld.idx.msk [tilespmem:v63+s23+$0x0], $0xffff  }
.LBB2_5:
0x60: {  	p1 =	sne.s32 s13, $0x3E40;
	v3 =	vld [tilespmem:s12+$0x2EE0]  }
0x61: {  	v4 =	vld [tilespmem:s12+$0xFA0];
	_ =	sdelay $0x3  }
.Ltmp3:
0x62: {  	v1 =	vsub.f32 v1, v2;
	(pc) =	sbr.rel @p1 .LBB2_5-.Ltmp3, $4  }
0x63: {  	_ = 	snop  }
0x64: {  	v2 =	vand.u32 $0x7FFFFFFF, v1;
	[tilespmem:s25+$0x4E20] =	vst v1;
	s25 =	smov.u32 s12  }
0x65: {  	v0 =	vmax.f32 v0, v2;
	v1 =	vld.idx.msk [tilespmem:v3+s23+$0x0], $0xffff  }
0x66: {  	s12 =	sshra.s32 s13, $0x2;
	s13 =	sadd.s32 $0x40, s13;
	v2 =	vld.idx.msk [tilespmem:v4+s23+$0x0], $0xffff  }
0x67: {  	v3 =	vld [tilespmem:s12+$0x2EE0]  }
0x68: {  	v4 =	vld [tilespmem:s12+$0xFA0];
	_ =	sdelay $0x3  }
0x69: {  	v1 =	vsub.f32 v1, v2;
	_ =	sdelay $0x1  }
0x6a: {  	[tilespmem:s25+$0x4E20] =	vst v1  }
0x6b: {  	v2 =	vld.idx.msk [tilespmem:v3+s23+$0x0], $0xffff  }
0x6c: {  	v3 =	vld.idx.msk [tilespmem:v4+s23+$0x0], $0xffff;
	_ =	sdelay $0x3  }
.Ltmp4:
0x6d: {  	_ = 	snop;
	(pc) =	sbr.rel @p0 .LBB2_8-.Ltmp4, $4  }
0x6e: {  	v2 =	vsub.f32 v2, v3  }
0x6f: {  	v1 =	vand.u32 $0x7FFFFFFF, v1  }
0x70: {  	s25 =	sadd.s32 s21, s19;
	v0 =	vmax.f32 v0, v1;
	[tilespmem:s12+$0x4E20] =	vst v2;
	v1 =	vand.u32 $0x7FFFFFFF, v2  }
0x71: {  	[hbm4b:s25+s4] =	stream.linear.scatter [tilespmem:s0], [sflag:$0x4], $0xFA0, $0x38;
	v0 =	vmax.f32 v0, v1;
	[tilespmem:$0x1E470] =	vst v63  }
0x72: {  	s12 =	sadd.s32 s17, s18  }
0x73: {  	s12 =	smul.u32 $0x1F4, s12  }
.Ltmp5:
0x74: {  	_ = 	snop;
	(pc) =	sbr.rel .LBB2_2-.Ltmp5, $4  }
0x75: {  	s13 =	sadd.s32 s6, s12  }
0x76: {  	[tilespmem:s26], [sflag:$0x2] =	stream.linear.gather [hbm4b:s13+s4], $0xFA0, $0x38;
	[tilespmem:$0x1E470] =	vst v63  }
0x77: {  	s8 =	sadd.s32 $0x1, s8;
	s12 =	sadd.s32 s3, s12  }
0x78: {  	[tilespmem:s28], [sflag:$0x2] =	stream.linear.gather [hbm4b:s12+s4], $0xFA0, $0x38;
	[tilespmem:$0x1E470] =	vst v63  }
.LBB2_8:
0x79: {  	_ =	swait.ge [sflag:s2], $0xFA0  }
0x7a: {  	[sflag:s2] =	ssyncset.done $0x0  }
0x7b: {  	[sflag:s2] =	ssyncadd.s32 $0xFFFFF060  }
0x7c: {  	_ =	swait.ge [sflag:s1], $0xFA0  }
0x7d: {  	[sflag:s1] =	ssyncset.done $0x0  }
0x7e: {  	s8 =	simm.s32 $0x0;
	s12 =	rddreg [dreg:$0x4];
	[sflag:s1] =	ssyncadd.s32 $0xFFFFF060  }
0x7f: {  	[tilespmem:s23], [sflag:$0x5] =	stream.linear.gather [hbm4b:s12+s8], $0x186A0, $0x38;
	[tilespmem:$0x1E470] =	vst v63  }
0x80: {  	_ =	swait.ge [sflag:s24], $0x186A0  }
0x81: {  	[sflag:s24] =	ssyncset.done $0x0  }
0x82: {  	s19 =	rddreg [dreg:$0x5];
	[sflag:s24] =	ssyncadd.s32 $0xFFFE7960  }
0x83: {  	[tilespmem:s8], [sflag:$0x1] =	stream.linear.gather [hbm4b:s19+s8], $0xFA0, $0x38;
	[tilespmem:$0x1E470] =	vst v63  }
0x84: {  	s13 =	simm.s32 $0x1F40;
	s25 =	rddreg [dreg:$0x6]  }
0x85: {  	[tilespmem:s13], [sflag:$0x1] =	stream.linear.gather [hbm4b:s25+s8], $0xFA0, $0x38;
	[tilespmem:$0x1E470] =	vst v63  }
0x86: {  	_ = 	snop  }
0x87: {  	[tilespmem:s26], [sflag:$0x2] =	stream.linear.gather [hbm4b:s14+s8], $0xFA0, $0x38;
	[tilespmem:$0x1E470] =	vst v63  }
0x88: {  	_ = 	snop  }
0x89: {  	[tilespmem:s28], [sflag:$0x2] =	stream.linear.gather [hbm4b:s15+s8], $0xFA0, $0x38;
	[tilespmem:$0x1E470] =	vst v63  }
.LBB2_9:
0x8a: {  	_ =	swait.ge [sflag:s29], $0xFA0  }
0x8b: {  	[sflag:s29] =	ssyncset.done $0x0  }
0x8c: {  	[sflag:s29] =	ssyncadd.s32 $0xFFFFF060  }
0x8d: {  	_ =	swait.ge [sflag:s29], $0xFA0  }
0x8e: {  	p1 =	seq.s32 s8, $0x0;
	[sflag:s29] =	ssyncset.done $0x0  }
0x8f: {  	s12 =	simm.s32 @!p1 $0x3;
	[sflag:s29] =	ssyncadd.s32 $0xFFFFF060  }
0x90: {  	_ =	swait.ge @!p1 [sflag:s12], $0xFA0  }
0x91: {  	[sflag:s12] =	ssyncset.done @!p1 $0x0  }
0x92: {  	s19 =	simm.s32 $0x0;
	[sflag:s12] =	ssyncadd.s32 @!p1 $0xFFFFF060  }
0x93: {  	v1 =	vld [tilespmem:s19+$0x1F40]  }
0x94: {  	v2 =	vld [tilespmem:s19+$0x0];
	_ =	sdelay $0x6  }
0x95: {  	v1 =	vld.idx.msk [tilespmem:v1+s23+$0x0], $0xffff  }
0x96: {  	s18 =	sshll.u32 s8, $0x6;
	s25 =	simm.s32 $0x10;
	s12 =	simm.s32 $0x80;
	v2 =	vld.idx.msk [tilespmem:v2+s23+$0x0], $0xffff  }
.LBB2_10:
0x97: {  	p0 =	sne.s32 s12, $0x3E40;
	v3 =	vld [tilespmem:s25+$0x1F40]  }
0x98: {  	v4 =	vld [tilespmem:s25+$0x0];
	_ =	sdelay $0x3  }
.Ltmp6:
0x99: {  	v1 =	vsub.f32 v1, v2;
	(pc) =	sbr.rel @p0 .LBB2_10-.Ltmp6, $4  }
0x9a: {  	_ = 	snop  }
0x9b: {  	v2 =	vand.u32 $0x7FFFFFFF, v1;
	[tilespmem:s19+$0x3E80] =	vst v1;
	s19 =	smov.u32 s25  }
0x9c: {  	v0 =	vmax.f32 v0, v2;
	v1 =	vld.idx.msk [tilespmem:v3+s23+$0x0], $0xffff  }
0x9d: {  	s25 =	sshra.s32 s12, $0x2;
	s12 =	sadd.s32 $0x40, s12;
	v2 =	vld.idx.msk [tilespmem:v4+s23+$0x0], $0xffff  }
0x9e: {  	v3 =	vld [tilespmem:s25+$0x1F40]  }
0x9f: {  	v4 =	vld [tilespmem:s25+$0x0];
	_ =	sdelay $0x3  }
0xa0: {  	v1 =	vsub.f32 v1, v2;
	_ =	sdelay $0x1  }
0xa1: {  	[tilespmem:s19+$0x3E80] =	vst v1  }
0xa2: {  	v2 =	vld.idx.msk [tilespmem:v3+s23+$0x0], $0xffff  }
0xa3: {  	v3 =	vld.idx.msk [tilespmem:v4+s23+$0x0], $0xffff;
	_ =	sdelay $0x3  }
0xa4: {  	s12 =	sor.u32 s5, s18  }
0xa5: {  	p0 =	seq.s32 s8, $0x18;
	s19 =	smul.u32 $0x1F4, s12;
	v2 =	vsub.f32 v2, v3  }
0xa6: {  	s12 =	sadd.s32 @!p0 s16, s18  }
0xa7: {  	s12 =	smul.u32 @!p0 $0x1F4, s12;
	s13 =	sadd.s32 s10, s19;
	[tilespmem:s25+$0x3E80] =	vst v2  }
0xa8: {  	[hbm4b:s13+s4] =	stream.linear.scatter [tilespmem:s30], [sflag:$0x3], $0xFA0, $0x38;
	[tilespmem:$0x1E470] =	vst v63  }
0xa9: {  	s25 =	simm.s32 @!p0 $0x0;
	s13 =	sadd.s32 @!p0 s6, s12  }
0xaa: {  	[tilespmem:s25], [sflag:$0x1] =	stream.linear.gather @!p0 [hbm4b:s13+s25], $0xFA0, $0x38;
	[tilespmem:$0x1E470] =	vst v63  }
0xab: {  	s12 =	sadd.s32 @!p0 s3, s12;
	s13 =	simm.s32 @!p0 $0x1F40  }
0xac: {  	[tilespmem:s13], [sflag:$0x1] =	stream.linear.gather @!p0 [hbm4b:s12+s25], $0xFA0, $0x38;
	[tilespmem:$0x1E470] =	vst v63  }
0xad: {  	_ =	swait.ge [sflag:s31], $0xFA0  }
0xae: {  	[sflag:s31] =	ssyncset.done $0x0  }
0xaf: {  	[sflag:s31] =	ssyncadd.s32 $0xFFFFF060  }
0xb0: {  	_ =	swait.ge [sflag:s31], $0xFA0  }
0xb1: {  	[sflag:s31] =	ssyncset.done $0x0  }
0xb2: {  	s12 =	simm.s32 @!p1 $0x4;
	[sflag:s31] =	ssyncadd.s32 $0xFFFFF060  }
0xb3: {  	_ =	swait.ge @!p1 [sflag:s12], $0xFA0  }
0xb4: {  	[sflag:s12] =	ssyncset.done @!p1 $0x0  }
0xb5: {  	s25 =	simm.s32 $0x0;
	[sflag:s12] =	ssyncadd.s32 @!p1 $0xFFFFF060  }
0xb6: {  	v3 =	vld [tilespmem:s25+$0x2EE0]  }
0xb7: {  	v63 =	vld [tilespmem:s25+$0xFA0];
	_ =	sdelay $0x5  }
0xb8: {  	v1 =	vand.u32 $0x7FFFFFFF, v1  }
0xb9: {  	v0 =	vmax.f32 v0, v1;
	v2 =	vand.u32 $0x7FFFFFFF, v2;
	v1 =	vld.idx.msk [tilespmem:v3+s23+$0x0], $0xffff  }
0xba: {  	v0 =	vmax.f32 v0, v2;
	s13 =	simm.s32 $0x80;
	s12 =	simm.s32 $0x10;
	v2 =	vld.idx.msk [tilespmem:v63+s23+$0x0], $0xffff  }
.LBB2_12:
0xbb: {  	p1 =	sne.s32 s13, $0x3E40;
	v3 =	vld [tilespmem:s12+$0x2EE0]  }
0xbc: {  	v4 =	vld [tilespmem:s12+$0xFA0];
	_ =	sdelay $0x3  }
.Ltmp7:
0xbd: {  	v1 =	vsub.f32 v1, v2;
	(pc) =	sbr.rel @p1 .LBB2_12-.Ltmp7, $4  }
0xbe: {  	_ = 	snop  }
0xbf: {  	v2 =	vand.u32 $0x7FFFFFFF, v1;
	[tilespmem:s25+$0x4E20] =	vst v1;
	s25 =	smov.u32 s12  }
0xc0: {  	v0 =	vmax.f32 v0, v2;
	v1 =	vld.idx.msk [tilespmem:v3+s23+$0x0], $0xffff  }
0xc1: {  	s12 =	sshra.s32 s13, $0x2;
	s13 =	sadd.s32 $0x40, s13;
	v2 =	vld.idx.msk [tilespmem:v4+s23+$0x0], $0xffff  }
0xc2: {  	v3 =	vld [tilespmem:s12+$0x2EE0]  }
0xc3: {  	v4 =	vld [tilespmem:s12+$0xFA0];
	_ =	sdelay $0x3  }
0xc4: {  	v1 =	vsub.f32 v1, v2;
	_ =	sdelay $0x1  }
0xc5: {  	[tilespmem:s25+$0x4E20] =	vst v1  }
0xc6: {  	v2 =	vld.idx.msk [tilespmem:v3+s23+$0x0], $0xffff  }
0xc7: {  	v3 =	vld.idx.msk [tilespmem:v4+s23+$0x0], $0xffff;
	_ =	sdelay $0x3  }
.Ltmp8:
0xc8: {  	_ = 	snop;
	(pc) =	sbr.rel @p0 .LBB2_15-.Ltmp8, $4  }
0xc9: {  	v2 =	vsub.f32 v2, v3  }
0xca: {  	v1 =	vand.u32 $0x7FFFFFFF, v1  }
0xcb: {  	s25 =	sadd.s32 s20, s19;
	v0 =	vmax.f32 v0, v1;
	[tilespmem:s12+$0x4E20] =	vst v2;
	v1 =	vand.u32 $0x7FFFFFFF, v2  }
0xcc: {  	[hbm4b:s25+s4] =	stream.linear.scatter [tilespmem:s0], [sflag:$0x4], $0xFA0, $0x38;
	v0 =	vmax.f32 v0, v1;
	[tilespmem:$0x1E470] =	vst v63  }
0xcd: {  	s12 =	sadd.s32 s17, s18  }
0xce: {  	s12 =	smul.u32 $0x1F4, s12  }
.Ltmp9:
0xcf: {  	_ = 	snop;
	(pc) =	sbr.rel .LBB2_9-.Ltmp9, $4  }
0xd0: {  	s13 =	sadd.s32 s6, s12  }
0xd1: {  	[tilespmem:s26], [sflag:$0x2] =	stream.linear.gather [hbm4b:s13+s4], $0xFA0, $0x38;
	[tilespmem:$0x1E470] =	vst v63  }
0xd2: {  	s8 =	sadd.s32 $0x1, s8;
	s12 =	sadd.s32 s3, s12  }
0xd3: {  	[tilespmem:s28], [sflag:$0x2] =	stream.linear.gather [hbm4b:s12+s4], $0xFA0, $0x38;
	[tilespmem:$0x1E470] =	vst v63  }
.LBB2_15:
0xd4: {  	_ =	swait.ge [sflag:s2], $0xFA0  }
0xd5: {  	[sflag:s2] =	ssyncset.done $0x0  }
0xd6: {  	[sflag:s2] =	ssyncadd.s32 $0xFFFFF060  }
0xd7: {  	_ =	swait.ge [sflag:s1], $0xFA0  }
0xd8: {  	[sflag:s1] =	ssyncset.done $0x0  }
0xd9: {  	[sflag:s1] =	ssyncadd.s32 $0xFFFFF060  }
0xda: {  	s8 =	simm.s32 $0x0;
	s12 =	rddreg [dreg:$0x0]  }
0xdb: {  	[tilespmem:s23], [sflag:$0x5] =	stream.linear.gather [hbm4b:s12+s8], $0x186A0, $0x38;
	[tilespmem:$0x1E470] =	vst v63  }
0xdc: {  	_ =	swait.ge [sflag:s24], $0x186A0  }
0xdd: {  	[sflag:s24] =	ssyncset.done $0x0  }
0xde: {  	s19 =	rddreg [dreg:$0x5];
	[sflag:s24] =	ssyncadd.s32 $0xFFFE7960  }
0xdf: {  	[tilespmem:s8], [sflag:$0x1] =	stream.linear.gather [hbm4b:s19+s8], $0xFA0, $0x38;
	[tilespmem:$0x1E470] =	vst v63  }
0xe0: {  	s13 =	simm.s32 $0x1F40;
	s25 =	rddreg [dreg:$0x6]  }
0xe1: {  	[tilespmem:s13], [sflag:$0x1] =	stream.linear.gather [hbm4b:s25+s8], $0xFA0, $0x38;
	[tilespmem:$0x1E470] =	vst v63  }
0xe2: {  	_ = 	snop  }
0xe3: {  	[tilespmem:s26], [sflag:$0x2] =	stream.linear.gather [hbm4b:s14+s8], $0xFA0, $0x38;
	[tilespmem:$0x1E470] =	vst v63  }
0xe4: {  	_ = 	snop  }
0xe5: {  	[tilespmem:s28], [sflag:$0x2] =	stream.linear.gather [hbm4b:s15+s8], $0xFA0, $0x38;
	[tilespmem:$0x1E470] =	vst v63  }
.LBB2_16:
0xe6: {  	_ =	swait.ge [sflag:s29], $0xFA0  }
0xe7: {  	[sflag:s29] =	ssyncset.done $0x0  }
0xe8: {  	[sflag:s29] =	ssyncadd.s32 $0xFFFFF060  }
0xe9: {  	_ =	swait.ge [sflag:s29], $0xFA0  }
0xea: {  	p1 =	seq.s32 s8, $0x0;
	[sflag:s29] =	ssyncset.done $0x0  }
0xeb: {  	s12 =	simm.s32 @!p1 $0x3;
	[sflag:s29] =	ssyncadd.s32 $0xFFFFF060  }
0xec: {  	_ =	swait.ge @!p1 [sflag:s12], $0xFA0  }
0xed: {  	[sflag:s12] =	ssyncset.done @!p1 $0x0  }
0xee: {  	s19 =	simm.s32 $0x0;
	[sflag:s12] =	ssyncadd.s32 @!p1 $0xFFFFF060  }
0xef: {  	v1 =	vld [tilespmem:s19+$0x1F40]  }
0xf0: {  	v2 =	vld [tilespmem:s19+$0x0];
	_ =	sdelay $0x6  }
0xf1: {  	v1 =	vld.idx.msk [tilespmem:v1+s23+$0x0], $0xffff  }
0xf2: {  	s18 =	sshll.u32 s8, $0x6;
	s25 =	simm.s32 $0x10;
	s12 =	simm.s32 $0x80;
	v2 =	vld.idx.msk [tilespmem:v2+s23+$0x0], $0xffff  }
.LBB2_17:
0xf3: {  	p0 =	sne.s32 s12, $0x3E40;
	v3 =	vld [tilespmem:s25+$0x1F40]  }
0xf4: {  	v4 =	vld [tilespmem:s25+$0x0];
	_ =	sdelay $0x3  }
.Ltmp10:
0xf5: {  	v1 =	vsub.f32 v1, v2;
	(pc) =	sbr.rel @p0 .LBB2_17-.Ltmp10, $4  }
0xf6: {  	_ = 	snop  }
0xf7: {  	v2 =	vand.u32 $0x7FFFFFFF, v1;
	[tilespmem:s19+$0x3E80] =	vst v1;
	s19 =	smov.u32 s25  }
0xf8: {  	v0 =	vmax.f32 v0, v2;
	v1 =	vld.idx.msk [tilespmem:v3+s23+$0x0], $0xffff  }
0xf9: {  	s25 =	sshra.s32 s12, $0x2;
	s12 =	sadd.s32 $0x40, s12;
	v2 =	vld.idx.msk [tilespmem:v4+s23+$0x0], $0xffff  }
0xfa: {  	v3 =	vld [tilespmem:s25+$0x1F40]  }
0xfb: {  	v4 =	vld [tilespmem:s25+$0x0];
	_ =	sdelay $0x3  }
0xfc: {  	v1 =	vsub.f32 v1, v2;
	_ =	sdelay $0x1  }
0xfd: {  	[tilespmem:s19+$0x3E80] =	vst v1  }
0xfe: {  	v2 =	vld.idx.msk [tilespmem:v3+s23+$0x0], $0xffff  }
0xff: {  	v3 =	vld.idx.msk [tilespmem:v4+s23+$0x0], $0xffff;
	_ =	sdelay $0x3  }
0x100: {  	s12 =	sor.u32 s5, s18  }
0x101: {  	p0 =	seq.s32 s8, $0x18;
	s19 =	smul.u32 $0x1F4, s12;
	v2 =	vsub.f32 v2, v3  }
0x102: {  	s12 =	sadd.s32 @!p0 s16, s18  }
0x103: {  	s12 =	smul.u32 @!p0 $0x1F4, s12;
	s13 =	sadd.s32 s11, s19;
	[tilespmem:s25+$0x3E80] =	vst v2  }
0x104: {  	[hbm4b:s13+s4] =	stream.linear.scatter [tilespmem:s30], [sflag:$0x3], $0xFA0, $0x38;
	[tilespmem:$0x1E470] =	vst v63  }
0x105: {  	s25 =	simm.s32 @!p0 $0x0;
	s13 =	sadd.s32 @!p0 s6, s12  }
0x106: {  	[tilespmem:s25], [sflag:$0x1] =	stream.linear.gather @!p0 [hbm4b:s13+s25], $0xFA0, $0x38;
	[tilespmem:$0x1E470] =	vst v63  }
0x107: {  	s12 =	sadd.s32 @!p0 s3, s12;
	s13 =	simm.s32 @!p0 $0x1F40  }
0x108: {  	[tilespmem:s13], [sflag:$0x1] =	stream.linear.gather @!p0 [hbm4b:s12+s25], $0xFA0, $0x38;
	[tilespmem:$0x1E470] =	vst v63  }
0x109: {  	_ =	swait.ge [sflag:s31], $0xFA0  }
0x10a: {  	[sflag:s31] =	ssyncset.done $0x0  }
0x10b: {  	[sflag:s31] =	ssyncadd.s32 $0xFFFFF060  }
0x10c: {  	_ =	swait.ge [sflag:s31], $0xFA0  }
0x10d: {  	[sflag:s31] =	ssyncset.done $0x0  }
0x10e: {  	s12 =	simm.s32 @!p1 $0x4;
	[sflag:s31] =	ssyncadd.s32 $0xFFFFF060  }
0x10f: {  	_ =	swait.ge @!p1 [sflag:s12], $0xFA0  }
0x110: {  	[sflag:s12] =	ssyncset.done @!p1 $0x0  }
0x111: {  	s25 =	simm.s32 $0x0;
	[sflag:s12] =	ssyncadd.s32 @!p1 $0xFFFFF060  }
0x112: {  	v3 =	vld [tilespmem:s25+$0x2EE0]  }
0x113: {  	v63 =	vld [tilespmem:s25+$0xFA0];
	_ =	sdelay $0x5  }
0x114: {  	v1 =	vand.u32 $0x7FFFFFFF, v1  }
0x115: {  	v0 =	vmax.f32 v0, v1;
	v2 =	vand.u32 $0x7FFFFFFF, v2;
	v1 =	vld.idx.msk [tilespmem:v3+s23+$0x0], $0xffff  }
0x116: {  	v0 =	vmax.f32 v0, v2;
	s13 =	simm.s32 $0x80;
	s12 =	simm.s32 $0x10;
	v2 =	vld.idx.msk [tilespmem:v63+s23+$0x0], $0xffff  }
.LBB2_19:
0x117: {  	p1 =	sne.s32 s13, $0x3E40;
	v3 =	vld [tilespmem:s12+$0x2EE0]  }
0x118: {  	v4 =	vld [tilespmem:s12+$0xFA0];
	_ =	sdelay $0x3  }
.Ltmp11:
0x119: {  	v1 =	vsub.f32 v1, v2;
	(pc) =	sbr.rel @p1 .LBB2_19-.Ltmp11, $4  }
0x11a: {  	_ = 	snop  }
0x11b: {  	v2 =	vand.u32 $0x7FFFFFFF, v1;
	[tilespmem:s25+$0x4E20] =	vst v1;
	s25 =	smov.u32 s12  }
0x11c: {  	v0 =	vmax.f32 v0, v2;
	v1 =	vld.idx.msk [tilespmem:v3+s23+$0x0], $0xffff  }
0x11d: {  	s12 =	sshra.s32 s13, $0x2;
	s13 =	sadd.s32 $0x40, s13;
	v2 =	vld.idx.msk [tilespmem:v4+s23+$0x0], $0xffff  }
0x11e: {  	v3 =	vld [tilespmem:s12+$0x2EE0]  }
0x11f: {  	v4 =	vld [tilespmem:s12+$0xFA0];
	_ =	sdelay $0x3  }
0x120: {  	v1 =	vsub.f32 v1, v2;
	_ =	sdelay $0x1  }
0x121: {  	[tilespmem:s25+$0x4E20] =	vst v1  }
0x122: {  	v2 =	vld.idx.msk [tilespmem:v3+s23+$0x0], $0xffff  }
0x123: {  	v3 =	vld.idx.msk [tilespmem:v4+s23+$0x0], $0xffff;
	_ =	sdelay $0x3  }
.Ltmp12:
0x124: {  	_ = 	snop;
	(pc) =	sbr.rel @p0 .LBB2_22-.Ltmp12, $4  }
0x125: {  	v2 =	vsub.f32 v2, v3  }
0x126: {  	v1 =	vand.u32 $0x7FFFFFFF, v1  }
0x127: {  	s25 =	sadd.s32 s22, s19;
	v0 =	vmax.f32 v0, v1;
	[tilespmem:s12+$0x4E20] =	vst v2;
	v1 =	vand.u32 $0x7FFFFFFF, v2  }
0x128: {  	[hbm4b:s25+s4] =	stream.linear.scatter [tilespmem:s0], [sflag:$0x4], $0xFA0, $0x38;
	v0 =	vmax.f32 v0, v1;
	[tilespmem:$0x1E470] =	vst v63  }
0x129: {  	s12 =	sadd.s32 s17, s18  }
0x12a: {  	s12 =	smul.u32 $0x1F4, s12  }
.Ltmp13:
0x12b: {  	_ = 	snop;
	(pc) =	sbr.rel .LBB2_16-.Ltmp13, $4  }
0x12c: {  	s13 =	sadd.s32 s6, s12  }
0x12d: {  	[tilespmem:s26], [sflag:$0x2] =	stream.linear.gather [hbm4b:s13+s4], $0xFA0, $0x38;
	[tilespmem:$0x1E470] =	vst v63  }
0x12e: {  	s8 =	sadd.s32 $0x1, s8;
	s12 =	sadd.s32 s3, s12  }
0x12f: {  	[tilespmem:s28], [sflag:$0x2] =	stream.linear.gather [hbm4b:s12+s4], $0xFA0, $0x38;
	[tilespmem:$0x1E470] =	vst v63  }
.LBB2_23:
0x130: {  	_ =	sfence.sel $0x180000  }
0x131: {  	[bflag:$0x0] =	sbarrier.arrive $0xFFFF  }
0x132: {  	_ =	strace $0x90000047  }
0x133: {  	s0 =	stileid.u32;
	[bflag:$0x2] =	sbarrier.arrive $0xFFFF  }
0x134: {  	p0 =	sne.s32 s0, $0x0;
	s0 =	rddreg [dreg:$0x2]  }
0x135: {  	s0 =	sadd.s32 @!p0 $0x100000, s0  }
0x136: {  	[sflag:s0] =	ssyncadd.tile.s32 @!p0 $0x1;
	_ =	shalt  }
.Lfunc_end2:
_tile_overlayer_lowered:
.L_overlay_start_2:
0x137: {  	(tag) =	ssettag $0x2  }
0x138: {  	s0 =	rddreg [dreg:$0x0];
	s2 =	stileid.u32  }
0x139: {  	s1 =	rddreg [dreg:$0x1];
	p0 =	sne.s32 s2, $0x0  }
0x13a: {  	s3 =	rddreg [dreg:$0x2];
	[bflag:$0x3] =	sbarrier.arrive $0xFFFF;
	s2 =	simm.s32 @!p0 $0x1C05  }
0x13b: {  	[timem:s3], [sflag:s2] =	dma.local @!p0 [hbm:s0], s1  }
0x13c: {  	s0 =	simm.s32 @!p0 $0x5  }
0x13d: {  	_ =	swait.ge @!p0 [sflag:s0], s1  }
0x13e: {  	s1 =	ssub.s32 @!p0 $0x0, s1;
	[sflag:s0] =	ssyncset.done @!p0 $0x0  }
0x13f: {  	[sflag:s0] =	ssyncadd.s32 @!p0 s1  }
0x140: {  	[bflag:$0x3] =	sbarrier.arrive $0xFFFF  }
0x141: {  	_ =	shalt  }

// kernel: kernel.7.cloned.1.call-start
scs
__scs_entry_jumppad:
0x0: {  	(pc) =	sbr.rel $0x88, $3  }
0x1: {  	(tag) =	ssettag $0x0;
	lr =	simm.s32 $0x1  }
0x2: {  	[smem:$0x3F9E] =	sst lr;
	_ =	strace $0xD0000000  }
0x3: {  	_ = 	snop  }
0x4: {  	_ = 	snop  }
0x5: {  	_ = 	snop  }
0x6: {  	_ = 	snop  }
0x7: {  	_ = 	snop  }
__scs_overlays_trampoline_lowered:
0x8: {  	[smem:$0x3FAD] =	sst s0  }
0x9: {  	[smem:$0x3FAE] =	sst s1  }
0xa: {  	[smem:$0x3FAF] =	sst s2  }
0xb: {  	[smem:$0x3FB0] =	sst s3  }
0xc: {  	[smem:$0x3FB1] =	sst s4  }
0xd: {  	[smem:$0x3FB2] =	sst s5  }
0xe: {  	[smem:$0x3FB3] =	sst s6  }
0xf: {  	[smem:$0x3FB4] =	sst s7  }
0x10: {  	[smem:$0x3FB5] =	sst s8  }
0x11: {  	[smem:$0x3FB6] =	sst s9;
	s0 =	simm.s32 @!p0 $0x0  }
0x12: {  	s1 =	sld [smem:$0x3F9C];
	s0 =	simm.s32 @p0 $0x1  }
0x13: {  	[smem:$0x3FB7] =	sst s0;
	s0 =	simm.s32 @!p1 $0x0  }
0x14: {  	s2 =	sld [smem:$0x3F9B];
	s0 =	simm.s32 @p1 $0x1  }
0x15: {  	[smem:$0x3FB8] =	sst s0;
	s0 =	simm.s32 @!p2 $0x0  }
0x16: {  	s3 =	sld [smem:$0x3FDB];
	s0 =	simm.s32 @p2 $0x1  }
0x17: {  	s4 =	simm.s32 $0x1BF5;
	[smem:$0x3FBA] =	sst s0  }
0x18: {  	s0 =	sld [smem:$0x3F9D];
	_ =	swait.ge [sflag:s4], $0x0  }
0x19: {  	s7 =	sld [smem:$0x3F9E]  }
0x1a: {  	s8 =	sadd.s32 $0xFFFFE003, lr  }
0x1b: {  	s9 =	sadd.s32 $0xFFFFFEF7, lr;
	s5 =	simm.s32 $0xFFFFFFFF;
	p2 =	slt.u32 s8, $0xFFFFF086  }
0x1c: {  	p1 =	slt.u32 s9, $0xF7A;
	s5 =	simm.s32 @!p2 $0x0  }
0x1d: {  	s5 =	simm.s32 @p1 $0x1;
	p0 =	seq.s32 s7, s2  }
0x1e: {  	s7 =	smul.u32 @!p0 $0xF7A, s2;
	p2 =	seq.s32 @!p0 s5, $0x0  }
0x1f: {  	s9 =	smul.u32 $0xF7A, s1;
	s8 =	simm.s32 @!p0 $0x1BF5;
	p2 =	por !p2, p0  }
0x20: {  	[sflag:s8] =	ssyncset.s32 @!p0 $0xFFFFF086;
	s6 =	sadd.s32 @!p0 s3, s7;
	s7 =	simm.s32 @!p0 $0x108  }
0x21: {  	s3 =	sadd.s32 s3, s9;
	s6 =	sadd.s32 @!p0 $0x88, s6;
	s7 =	simm.s32 @p2 $0x1082  }
0x22: {  	[simem:s7], [sflag:s8] =	dma.local @!p0 [hbm:s6], $0xF7A  }
0x23: {  	s9 =	sor.u32 $0xD0000000, s2;
	s6 =	simm.s32 $0x108;
	_ =	swait.ge @!p0 [sflag:s8], $0x0  }
0x24: {  	s3 =	sadd.s32 $0x88, s3;
	s6 =	simm.s32 @!p1 $0x1082;
	[sflag:s4] =	ssyncset.s32 $0xFFFFF086  }
0x25: {  	[simem:s6], [sflag:s4] =	dma.local [hbm:s3], $0xF7A  }
0x26: {  	[smem:$0x3F9E] =	sst s1;
	(tag) =	ssettag s2;
	_ =	strace s9  }
0x27: {  	s1 =	sld [smem:$0x3FAE]  }
0x28: {  	s2 =	sld [smem:$0x3FAF]  }
0x29: {  	s4 =	sld [smem:$0x3FB1]  }
0x2a: {  	p0 =	seq.s32 s5, $0x0;
	s5 =	sld [smem:$0x3FB2]  }
0x2b: {  	s6 =	sld [smem:$0x3FB3]  }
0x2c: {  	s7 =	sld [smem:$0x3FB4]  }
0x2d: {  	s3 =	simm.s32 $0x108;
	s8 =	sld [smem:$0x3FB5]  }
0x2e: {  	s3 =	simm.s32 @!p0 $0x1082;
	s9 =	sld [smem:$0x3FB6]  }
0x2f: {  	lr =	sadd.s32 s0, s3;
	s0 =	sld [smem:$0x3FAD]  }
0x30: {  	s3 =	sld [smem:$0x3FB0]  }
0x31: {  	[smem:$0x3FB9] =	sst s10  }
0x32: {  	s10 =	sld [smem:$0x3FB7];
	_ =	sdelay $0x3  }
0x33: {  	p0 =	seq.s32 s10, $0x1;
	s10 =	sld [smem:$0x3FB9];
	_ =	sdelay $0x3  }
0x34: {  	[smem:$0x3FB9] =	sst s10  }
0x35: {  	s10 =	sld [smem:$0x3FB8];
	_ =	sdelay $0x3  }
0x36: {  	p1 =	seq.s32 s10, $0x1;
	s10 =	sld [smem:$0x3FB9];
	_ =	sdelay $0x3  }
0x37: {  	[smem:$0x3FB9] =	sst s10  }
0x38: {  	s10 =	sld [smem:$0x3FBA]  }
0x39: {  	_ = 	snop;
	(pc) =	sbr.ind lr, $3  }
0x3a: {  	_ = 	snop  }
0x3b: {  	_ = 	snop  }
0x3c: {  	p2 =	seq.s32 s10, $0x1;
	s10 =	sld [smem:$0x3FB9]  }
0x3d: {  	_ =	shalt  }
0x3e: {  	_ =	shalt  }
0x3f: {  	_ =	shalt  }
0x40: {  	_ =	shalt  }
0x41: {  	_ =	shalt  }
0x42: {  	_ =	shalt  }
0x43: {  	_ =	shalt  }
0x44: {  	_ =	shalt  }
0x45: {  	_ =	shalt  }
0x46: {  	_ =	shalt  }
0x47: {  	_ =	shalt  }
0x48: {  	_ =	shalt  }
0x49: {  	_ =	shalt  }
0x4a: {  	_ =	shalt  }
0x4b: {  	_ =	shalt  }
0x4c: {  	_ =	shalt  }
0x4d: {  	_ =	shalt  }
0x4e: {  	_ =	shalt  }
0x4f: {  	_ =	shalt  }
0x50: {  	_ =	shalt  }
0x51: {  	_ =	shalt  }
0x52: {  	_ =	shalt  }
0x53: {  	_ =	shalt  }
0x54: {  	_ =	shalt  }
0x55: {  	_ =	shalt  }
0x56: {  	_ =	shalt  }
0x57: {  	_ =	shalt  }
0x58: {  	_ =	shalt  }
0x59: {  	_ =	shalt  }
0x5a: {  	_ =	shalt  }
0x5b: {  	_ =	shalt  }
0x5c: {  	_ =	shalt  }
0x5d: {  	_ =	shalt  }
0x5e: {  	_ =	shalt  }
0x5f: {  	_ =	shalt  }
0x60: {  	_ =	shalt  }
0x61: {  	_ =	shalt  }
0x62: {  	_ =	shalt  }
0x63: {  	_ =	shalt  }
0x64: {  	_ =	shalt  }
0x65: {  	_ =	shalt  }
0x66: {  	_ =	shalt  }
0x67: {  	_ =	shalt  }
0x68: {  	_ =	shalt  }
0x69: {  	_ =	shalt  }
0x6a: {  	_ =	shalt  }
0x6b: {  	_ =	shalt  }
0x6c: {  	_ =	shalt  }
0x6d: {  	_ =	shalt  }
0x6e: {  	_ =	shalt  }
0x6f: {  	_ =	shalt  }
0x70: {  	_ =	shalt  }
0x71: {  	_ =	shalt  }
0x72: {  	_ =	shalt  }
0x73: {  	_ =	shalt  }
0x74: {  	_ =	shalt  }
0x75: {  	_ =	shalt  }
0x76: {  	_ =	shalt  }
0x77: {  	_ =	shalt  }
0x78: {  	_ =	shalt  }
0x79: {  	_ =	shalt  }
0x7a: {  	_ =	shalt  }
0x7b: {  	_ =	shalt  }
0x7c: {  	_ =	shalt  }
0x7d: {  	_ =	shalt  }
0x7e: {  	_ =	shalt  }
0x7f: {  	_ =	shalt  }
0x80: {  	_ =	shalt  }
0x81: {  	_ =	shalt  }
0x82: {  	_ =	shalt  }
0x83: {  	_ =	shalt  }
0x84: {  	_ =	shalt  }
0x85: {  	_ =	shalt  }
0x86: {  	_ =	shalt  }
0x87: {  	_ =	shalt  }
.Lfunc_end0:
.L_simem_size_0:
called_computation.1_lowered:
.L_overlay_start_0:
0x88: {  	s2 =	sld [smem:$0x3FD9]  }
0x89: {  	s3 =	sld [smem:$0x3FFE];
	_ =	sdelay $0x1  }
0x8a: {  	s1 =	srdreg.scid  }
0x8b: {  	s0 =	sand.u32 $0x1, s1  }
0x8c: {  	s17 =	sshll.u32 s0, $0xA;
	s2 =	sadd.s32 s3, s2  }
0x8d: {  	s2 =	sadd.s32 s2, s17  }
0x8e: {  	[smem:$0x3FC5] =	sst s2  }
0x8f: {  	_ = 	snop  }
0x90: {  	s2 =	sld [smem:$0x3FC7]  }
0x91: {  	s18 =	sld [smem:$0x3FD0];
	(tm) =	ssettm $0x1  }
0x92: {  	s4 =	sld [smem:$0x3FFB];
	_ =	sdelay $0x3  }
0x93: {  	_ =	strace s4  }
0x94: {  	s4 =	sld [smem:$0x3FFC];
	_ =	sdelay $0x3  }
0x95: {  	_ =	strace s4  }
0x96: {  	s4 =	sld [smem:$0x3FFD];
	_ =	sdelay $0x3  }
0x97: {  	_ =	strace s4  }
0x98: {  	_ =	strace $0x8FFFFFFF  }
0x99: {  	s19 =	sld [smem:$0x3FDB];
	_ =	sdelay $0x1  }
0x9a: {  	s5 =	simm.s32 $_scs_section_size  }
0x9b: {  	s6 =	simm.s32 $_size__tile_overlayer_lowered;
	s7 =	simm.s32 $_tile_overlayer_lowered  }
0x9c: {  	s22 =	simm.s32 $0x1BFF;
	s21 =	sshll.u32 s7, $0x1;
	s4 =	sadd.s32 s5, s19  }
0x9d: {  	s8 =	simm.s32 $0x0;
	s20 =	sshll.u32 s6, $0x1;
	s6 =	sadd.s32 s21, s4  }
0x9e: {  	[timem:s8], [sflag:s22] =	dma.local [hbm:s6], s20  }
0x9f: {  	_ =	swait.ge [sflag:s22], s20  }
0xa0: {  	s5 =	ssub.s32 $0x0, s20;
	[sflag:s22] =	ssyncset.done $0x0  }
0xa1: {  	[sflag:s22] =	ssyncadd.s32 s5;
	_ =	sdelay $0x1  }
0xa2: {  	s23 =	simm.s32 $0x1B8B  }
0xa3: {  	_ =	swait.ge [sflag:s23], $0x1  }
0xa4: {  	[sflag:s23] =	ssyncset.done $0x0  }
0xa5: {  	s25 =	simm.s32 $0x1B8E;
	s24 =	sld [smem:$0x3FFE];
	[sflag:s23] =	ssyncadd.s32 $0xFFFFFFFF  }
0xa6: {  	s26 =	simm.s32 $execute0_lowered;
	[smem:$0x3FD2] =	sst s25  }
0xa7: {  	s6 =	sshll.u32 s26, $0x1;
	_ =	strace $0x80000049;
	[dreg:$0x1] =	wrdreg $0xFFFFFFFF  }
0xa8: {  	s28 =	simm.s32 $_size_execute0_lowered;
	s4 =	sadd.s32 s4, s6;
	[dreg:$0x0] =	wrdreg $0x0  }
0xa9: {  	s6 =	sshll.u32 s28, $0x1;
	[dreg:$0x2] =	wrdreg s4  }
0xaa: {  	[dreg:$0x3] =	wrdreg s6  }
0xab: {  	[dreg:$0x4] =	wrdreg $0xC0  }
0xac: {  	_ =	task [dreg:s8], $0x5FFFF  }
0xad: {  	[dreg:$0x1] =	wrdreg $0xFFFFFFFF  }
0xae: {  	[dreg:$0x0] =	wrdreg $0x60  }
0xaf: {  	[dreg:$0x2] =	wrdreg s24  }
0xb0: {  	[dreg:$0x3] =	wrdreg s2  }
0xb1: {  	[dreg:$0x4] =	wrdreg s18  }
0xb2: {  	[dreg:$0x5] =	wrdreg $0x9  }
0xb3: {  	_ =	task.clear_ibuf [dreg:s8], $0x6FFFF;
	_ =	strace $0x90000049  }
0xb4: {  	s29 =	simm.s32 $0x9;
	_ =	strace $0x8000004B  }
0xb5: {  	_ =	swait.ge [sflag:s29], $0x1  }
0xb6: {  	[sflag:s29] =	ssyncadd.s32 $0xFFFFFFFF  }
0xb7: {  	_ =	strace $0x9000004B  }
0xb8: {  	_ =	sfence  }
0xb9: {  	s30 =	sld [smem:$0x0];
	_ =	sdelay $0x2  }
0xba: {  	s31 =	sshll.u32 s1, $0xD;
	s1 =	sshrl.u32 s1, $0x2  }
0xbb: {  	s3 =	sand.u32 $0x4000, s31;
	s1 =	sadd.s32 s1, s30  }
0xbc: {  	s0 =	sor.u32 s3, s0;
	s1 =	sshll.u32 s1, $0x11  }
0xbd: {  	s0 =	sor.u32 s1, s0  }
0xbe: {  	s0 =	sadd.s32 $0x8F2B, s0  }
0xbf: {  	[sflag:s0] =	ssyncadd.remote.s32 $0x1  }
0xc0: {  	_ =	sfence.sel $0xFFFF  }
0xc1: {  	[dreg:$0x0] =	wrdreg $0xFFFFFFFF;
	(pc) =	sbr.abs _section_cstart, $3  }
0xc2: {  	[dreg:$0x1] =	wrdreg $0xFFFFFFFF  }
0xc3: {  	_ =	task.clear_ibuf [dreg:s8], $0x2FFFF;
	_ =	strace $0x9FFFFFFF  }
0xc4: {  	(tm) =	ssettm $0x7FFFFFFF  }
0xc5: {  	_ =	shalt  }
tec
execute0_lowered:
.L_overlay_start_1:
0x0: {  	(tag) =	ssettag $0x1  }
0x1: {  	s0 =	rddreg [dreg:$0x0]  }
0x2: {  	s1 =	rddreg [dreg:$0x1]  }
0x3: {  	s3 =	rddreg [dreg:$0x2];
	s4 =	simm.s32 $0x0  }
0x4: {  	s2 =	srdreg.scid;
	s5 =	stileid.u32;
	s28 =	simm.s32 $0xFA0  }
0x5: {  	s29 =	simm.s32 $0x2EE0;
	s30 =	simm.s32 $0x4E20;
	s31 =	simm.s32 $0x6D60  }
0x6: {  	[smem:$0x7FF] =	sst s4;
	s2 =	sand.u32 $0x1, s2;
	s5 =	sshll.u32 s5, $0x1  }
0x7: {  	v0 =	vimm.s32 $0xFEDCBA98;
	s6 =	sadd.s32 $0xCCE00, s0;
	s7 =	sadd.s32 $0x190400, s0;
	s5 =	sor.u32 s2, s5  }
0x8: {  	v1 =	vimm.s32 $0x76543210;
	s8 =	sadd.s32 $0x253A00, s0;
	s0 =	sadd.s32 $0xCCC00, s0;
	s9 =	smul.u32 $0x1F4, s5  }
0x9: {  	v2 =	vimm.s32 $0x3210FEDC;
	v3 =	vimm.s32 $0xBA987654;
	_ =	strace $0x8000004A;
	s2 =	ssub.s32 $0x2, s2;
	[dreg:$0x4] =	wrdreg s0  }
0xa: {  	v4 =	vimm.s32 $0x10FEDCBA;
	v5 =	vimm.s32 $0x98765432;
	v6 =	vimm.s32 $0xFEDCBA9;
	s0 =	simm.s32 $0x1;
	s10 =	sshrl.u32 s2, $0x1;
	s20 =	sadd.s32 s6, s9  }
0xb: {  	v7 =	vimm.s32 $0x87654321;
	v8 =	vlaneseq.u32;
	v0 =	vunpack.c.l.s4.s8 v0;
	s11 =	smul.u32 $0xFA0, s5;
	s21 =	sadd.s32 s7, s9;
	[dreg:$0x5] =	wrdreg s20  }
0xc: {  	v1 =	vunpack.c.l.s4.s8 v1;
	v2 =	vunpack.c.l.s4.s8 v2;
	v3 =	vunpack.c.l.s4.s8 v3;
	s18 =	sor.u32 $0x40, s5;
	s23 =	sadd.s32 s8, s9;
	[dreg:$0x6] =	wrdreg s21  }
0xd: {  	v4 =	vunpack.c.l.s4.s8 v4;
	v5 =	vunpack.c.l.s4.s8 v5;
	v9 =	vand.u32 $0x1, v8;
	s19 =	sor.u32 $0x60, s5;
	s9 =	sadd.s32 s1, s9;
	[dreg:$0x7] =	wrdreg s23  }
0xe: {  	v6 =	vunpack.c.l.s4.s8 v6;
	v7 =	vunpack.c.l.s4.s8 v7;
	v9 =	vmul.u32 $0x4, v9;
	s16 =	ssub.s32 s2, s10;
	s22 =	sshrl.u32 s11, $0x3;
	[dreg:$0x8] =	wrdreg s9  }
0xf: {  	v0 =	vunpack.c.0.s8.s32 v0;
	v1 =	vunpack.c.0.s8.s32 v1;
	v2 =	vunpack.c.0.s8.s32 v2;
	s2 =	sadd.s32 $0x3E80, s22;
	s20 =	smax.u32 s16, $0x1;
	s21 =	sadd.s32 $0xFA00, s3  }
.Ltmp0:
0x10: {  	v3 =	vunpack.c.0.s8.s32 v3;
	v4 =	vunpack.c.0.s8.s32 v4;
	v5 =	vunpack.c.0.s8.s32 v5;
	s23 =	simm.s32 $0x5;
	s24 =	sadd.s32 s6, s2;
	(pc) =	sbr.rel .LBB2_1-.Ltmp0, $4  }
0x11: {  	v6 =	vunpack.c.0.s8.s32 v6;
	v7 =	vunpack.c.0.s8.s32 v7;
	v0 =	vand.u32 $0xF, v0;
	s22 =	simm.s32 $0x2;
	s25 =	sadd.s32 s7, s2;
	[dreg:$0x9] =	wrdreg s24  }
0x12: {  	v0 =	vcombine.low v0, v1;
	v1 =	vcombine.low v3, v2;
	v2 =	vmul.u32 $0x4, v8;
	s9 =	simm.s32 $0x0;
	s26 =	sadd.s32 s8, s2;
	[dreg:$0xa] =	wrdreg s25  }
0x13: {  	v3 =	vcombine.low v5, v4;
	v4 =	vcombine.low v7, v6;
	v5 =	vor.u32 $0xFFFFFFF8, v9;
	s17 =	sadd.s32 s1, s2;
	s2 =	simm.s32 $0x7D00;
	[dreg:$0xb] =	wrdreg s26  }
0x14: {  	s24 =	simm.s32 $0xBB80;
	v6 =	vor.u32 $0x1, v2;
	v7 =	vor.u32 $0x2, v2;
	v8 =	vor.u32 $0x3, v2;
	s25 =	simm.s32 $0x4;
	s26 =	simm.s32 $0x3  }
.LBB2_8:
0x15: {  	s9 =	sadd.s32 $0x1, s9  }
0x16: {  	_ =	swait.ge [sflag:s25], $0x3E80;
	p0 =	sne.s32 s9, s20  }
.Ltmp1:
0x17: {  	[sflag:s25] =	ssyncset.done $0x0;
	(pc) =	sbr.rel @!p0 .LBB2_9-.Ltmp1, $4  }
0x18: {  	[sflag:s25] =	ssyncadd.s32 $0xFFFFC180  }
0x19: {  	_ =	swait.ge [sflag:s26], $0x3E80  }
0x1a: {  	[sflag:s26] =	ssyncset.done $0x0  }
0x1b: {  	[sflag:s26] =	ssyncadd.s32 $0xFFFFC180  }
.LBB2_1:
0x1c: {  	s10 =	rddreg [dreg:$0x4];
	s11 =	simm.s32 $0xFA00  }
0x1d: {  	[tilespmem:s11], [sflag:$0x5] =	stream.linear.gather [hbm4b:s10+s4], $0x200, $0x38;
	[tilespmem:$0xFC00] =	vst v63  }
0x1e: {  	_ =	swait.ge [sflag:s23], $0x200  }
0x1f: {  	[sflag:s23] =	ssyncset.done $0x0  }
0x20: {  	[sflag:s23] =	ssyncadd.s32 $0xFFFFFE00  }
0x21: {  	v9 =	vld [tilespmem:$0xFA00]  }
0x22: {  	v10 =	vld [tilespmem:$0xFA10]  }
0x23: {  	v11 =	vld [tilespmem:$0xFA20]  }
0x24: {  	v12 =	vld [tilespmem:$0xFA30]  }
0x25: {  	v13 =	vld [tilespmem:$0xFA40]  }
0x26: {  	v14 =	vld [tilespmem:$0xFA50];
	v9 =	vmax.f32 v9, $0.0e+00  }
0x27: {  	v9 =	vmax.f32 v9, v10;
	v10 =	vld [tilespmem:$0xFA60]  }
0x28: {  	v9 =	vmax.f32 v9, v11;
	v11 =	vld [tilespmem:$0xFA70]  }
0x29: {  	v49 =	vld [tilespmem:$0xFA80];
	v9 =	vmax.f32 v9, v12  }
0x2a: {  	v50 =	vld [tilespmem:$0xFA90];
	v9 =	vmax.f32 v9, v13  }
0x2b: {  	v51 =	vld [tilespmem:$0xFAA0];
	v9 =	vmax.f32 v9, v14  }
0x2c: {  	v9 =	vmax.f32 v9, v10;
	v10 =	vld [tilespmem:$0xFAB0]  }
0x2d: {  	v9 =	vmax.f32 v9, v11;
	v11 =	vld [tilespmem:$0xFAC0]  }
0x2e: {  	v52 =	vld [tilespmem:$0xFAD0];
	v9 =	vmax.f32 v9, v49  }
0x2f: {  	v53 =	vld [tilespmem:$0xFAE0];
	v9 =	vmax.f32 v9, v50  }
0x30: {  	v54 =	vld [tilespmem:$0xFAF0];
	v9 =	vmax.f32 v9, v51  }
0x31: {  	v9 =	vmax.f32 v9, v10;
	v10 =	vld [tilespmem:$0xFB00]  }
0x32: {  	v9 =	vmax.f32 v9, v11;
	v11 =	vld [tilespmem:$0xFB10]  }
0x33: {  	v55 =	vld [tilespmem:$0xFB20];
	v9 =	vmax.f32 v9, v52  }
0x34: {  	v56 =	vld [tilespmem:$0xFB30];
	v9 =	vmax.f32 v9, v53  }
0x35: {  	v57 =	vld [tilespmem:$0xFB40];
	v9 =	vmax.f32 v9, v54  }
0x36: {  	v9 =	vmax.f32 v9, v10;
	v10 =	vld [tilespmem:$0xFB50]  }
0x37: {  	v9 =	vmax.f32 v9, v11;
	v11 =	vld [tilespmem:$0xFB60]  }
0x38: {  	v58 =	vld [tilespmem:$0xFB70];
	v9 =	vmax.f32 v9, v55  }
0x39: {  	v59 =	vld [tilespmem:$0xFB80];
	v9 =	vmax.f32 v9, v56  }
0x3a: {  	v60 =	vld [tilespmem:$0xFB90];
	v9 =	vmax.f32 v9, v57  }
0x3b: {  	v9 =	vmax.f32 v9, v10;
	v10 =	vld [tilespmem:$0xFBA0]  }
0x3c: {  	v9 =	vmax.f32 v9, v11;
	v11 =	vld [tilespmem:$0xFBB0]  }
0x3d: {  	v61 =	vld [tilespmem:$0xFBC0];
	v9 =	vmax.f32 v9, v58  }
0x3e: {  	v62 =	vld [tilespmem:$0xFBD0];
	v9 =	vmax.f32 v9, v59  }
0x3f: {  	v63 =	vld [tilespmem:$0xFBE0];
	v9 =	vmax.f32 v9, v60  }
0x40: {  	v9 =	vmax.f32 v9, v10;
	v10 =	vld [tilespmem:$0xFBF0]  }
0x41: {  	v9 =	vmax.f32 v9, v11  }
0x42: {  	v9 =	vmax.f32 v9, v61  }
0x43: {  	v9 =	vmax.f32 v9, v62  }
0x44: {  	v9 =	vmax.f32 v9, v63  }
0x45: {  	v9 =	vmax.f32 v9, v10  }
0x46: {  	v10 =	vperm.xlane v9, v0;
	_ =	sdelay $0x1  }
0x47: {  	v9 =	vmax.f32 v9, v10  }
0x48: {  	v10 =	vperm.xlane v9, v1;
	_ =	sdelay $0x1  }
0x49: {  	v9 =	vmax.f32 v9, v10  }
0x4a: {  	v10 =	vperm.xlane v9, v3;
	_ =	sdelay $0x1  }
0x4b: {  	s12 =	rddreg [dreg:$0x5];
	v9 =	vmax.f32 v9, v10  }
0x4c: {  	[tilespmem:s4], [sflag:$0x1] =	stream.linear.gather [hbm4b:s12+s4], $0xFA0, $0x38;
	v10 =	vperm.xlane v9, v4;
	[tilespmem:$0xFC00] =	vst v63  }
0x4d: {  	s14 =	simm.s32 $0x1F40;
	s13 =	rddreg [dreg:$0x6]  }
0x4e: {  	[tilespmem:s14], [sflag:$0x1] =	stream.linear.gather [hbm4b:s13+s4], $0xFA0, $0x38;
	v9 =	vmax.f32 v9, v10;
	[tilespmem:$0xFC00] =	vst v63  }
0x4f: {  	s16 =	simm.s32 $0x3E80;
	s15 =	rddreg [dreg:$0x7];
	v9 =	vadd.f32 v9, v9  }
0x50: {  	[tilespmem:s16], [sflag:$0x1] =	stream.linear.gather [hbm4b:s15+s4], $0xFA0, $0x38;
	[tilespmem:$0xFC00] =	vst v63  }
0x51: {  	s12 =	rddreg [dreg:$0x8];
	s13 =	simm.s32 $0x5DC0;
	(erf) = vrcp.f32 v9  }
0x52: {  	[tilespmem:s13], [sflag:$0x1] =	stream.linear.gather [hbm4b:s12+s4], $0xFA0, $0x38;
	[tilespmem:$0xFC00] =	vst v63  }
0x53: {  	s14 =	rddreg [dreg:$0x9]  }
0x54: {  	[tilespmem:s28], [sflag:$0x2] =	stream.linear.gather [hbm4b:s14+s4], $0xFA0, $0x38;
	[tilespmem:$0xFC00] =	vst v63  }
0x55: {  	s15 =	rddreg [dreg:$0xa]  }
0x56: {  	[tilespmem:s29], [sflag:$0x2] =	stream.linear.gather [hbm4b:s15+s4], $0xFA0, $0x38;
	[tilespmem:$0xFC00] =	vst v63  }
0x57: {  	s16 =	rddreg [dreg:$0xb]  }
0x58: {  	[tilespmem:s30], [sflag:$0x2] =	stream.linear.gather [hbm4b:s16+s4], $0xFA0, $0x38;
	[tilespmem:$0xFC00] =	vst v63  }
0x59: {  	s10 =	simm.s32 $0x0  }
0x5a: {  	[tilespmem:s31], [sflag:$0x2] =	stream.linear.gather [hbm4b:s17+s4], $0xFA0, $0x38;
	v9 =	vpop (erf);
	[tilespmem:$0xFC00] =	vst v63  }
.LBB2_2:
0x5b: {  	_ =	swait.ge [sflag:s0], $0xFA0  }
0x5c: {  	[sflag:s0] =	ssyncset.done $0x0  }
0x5d: {  	[sflag:s0] =	ssyncadd.s32 $0xFFFFF060  }
0x5e: {  	_ =	swait.ge [sflag:s0], $0xFA0  }
0x5f: {  	[sflag:s0] =	ssyncset.done $0x0  }
0x60: {  	[sflag:s0] =	ssyncadd.s32 $0xFFFFF060  }
0x61: {  	_ =	swait.ge [sflag:s0], $0xFA0  }
0x62: {  	[sflag:s0] =	ssyncset.done $0x0  }
0x63: {  	[sflag:s0] =	ssyncadd.s32 $0xFFFFF060  }
0x64: {  	_ =	swait.ge [sflag:s0], $0xFA0  }
0x65: {  	p0 =	seq.s32 s10, $0x0;
	[sflag:s0] =	ssyncset.done $0x0  }
0x66: {  	s11 =	simm.s32 @!p0 $0x3;
	[sflag:s0] =	ssyncadd.s32 $0xFFFFF060  }
0x67: {  	_ =	swait.ge @!p0 [sflag:s11], $0x3E80  }
0x68: {  	[sflag:s11] =	ssyncset.done @!p0 $0x0  }
0x69: {  	s14 =	simm.s32 $0x0;
	[sflag:s11] =	ssyncadd.s32 @!p0 $0xFFFFC180  }
0x6a: {  	v10 =	vld [tilespmem:s14+$0x0];
	_ =	sdelay $0x1  }
0x6b: {  	s15 =	simm.s32 $0x0  }
0x6c: {  	v11 =	vor.u32 s15, v2  }
0x6d: {  	v11 =	vand.u32 v5, v11  }
0x6e: {  	v10 =	vmul.f32 v10, v9;
	_ =	sdelay $0x1  }
0x6f: {  	v10 =	vadd.f32 $5.000000000e-01, v10;
	_ =	sdelay $0x1  }
0x70: {  	[tilespmem:v11+s2+$0x0] =	vst.idx.msk $0xffff, v10  }
0x71: {  	v10 =	vld [tilespmem:s14+$0x1F40];
	_ =	sdelay $0x3  }
0x72: {  	v11 =	vor.u32 s15, v6  }
0x73: {  	v10 =	vmul.f32 v10, v9;
	_ =	sdelay $0x1  }
0x74: {  	v10 =	vadd.f32 $5.000000000e-01, v10;
	_ =	sdelay $0x1  }
0x75: {  	[tilespmem:v11+s2+$0x0] =	vst.idx.msk $0xffff, v10  }
0x76: {  	v10 =	vld [tilespmem:s14+$0x3E80];
	_ =	sdelay $0x3  }
0x77: {  	v11 =	vor.u32 s15, v7  }
0x78: {  	v10 =	vmul.f32 v10, v9;
	_ =	sdelay $0x1  }
0x79: {  	v10 =	vadd.f32 $5.000000000e-01, v10;
	_ =	sdelay $0x1  }
0x7a: {  	[tilespmem:v11+s2+$0x0] =	vst.idx.msk $0xffff, v10  }
0x7b: {  	s12 =	simm.s32 $0x40;
	s13 =	simm.s32 $0x80;
	s11 =	sshll.u32 s10, $0x6;
	v11 =	vor.u32 s15, v8;
	v10 =	vld [tilespmem:s14+$0x5DC0]  }
.LBB2_3:
0x7c: {  	_ =	sdelay $0x2  }
0x7d: {  	p1 =	sne.s32 s13, $0x3E40  }
0x7e: {  	s14 =	sshra.s32 s12, $0x2;
	s15 =	smov.u32 s13;
	s13 =	sadd.s32 $0x40, s13;
	[tilespmem:v11+s2+$0x0] =	vst.idx.msk $0xffff, v10  }
0x7f: {  	v10 =	vld [tilespmem:s14+$0x0];
	_ =	sdelay $0x2  }
0x80: {  	v11 =	vor.u32 s12, v2  }
0x81: {  	v11 =	vand.u32 v5, v11  }
0x82: {  	v10 =	vmul.f32 v10, v9;
	_ =	sdelay $0x1  }
0x83: {  	v10 =	vadd.f32 $5.000000000e-01, v10;
	_ =	sdelay $0x1  }
0x84: {  	[tilespmem:v11+s2+$0x0] =	vst.idx.msk $0xffff, v10  }
0x85: {  	v10 =	vld [tilespmem:s14+$0x1F40];
	_ =	sdelay $0x3  }
0x86: {  	v11 =	vor.u32 s12, v6  }
0x87: {  	v10 =	vmul.f32 v10, v9;
	_ =	sdelay $0x1  }
0x88: {  	v10 =	vadd.f32 $5.000000000e-01, v10;
	_ =	sdelay $0x1  }
0x89: {  	[tilespmem:v11+s2+$0x0] =	vst.idx.msk $0xffff, v10  }
0x8a: {  	v10 =	vld [tilespmem:s14+$0x3E80];
	_ =	sdelay $0x3  }
0x8b: {  	v11 =	vor.u32 s12, v7  }
0x8c: {  	v10 =	vmul.f32 v10, v9  }
.Ltmp2:
0x8d: {  	(pc) =	sbr.rel @p1 .LBB2_3-.Ltmp2, $3  }
0x8e: {  	v10 =	vadd.f32 $5.000000000e-01, v10;
	_ =	sdelay $0x1  }
0x8f: {  	[tilespmem:v11+s2+$0x0] =	vst.idx.msk $0xffff, v10  }
0x90: {  	v11 =	vor.u32 s12, v8;
	s12 =	smov.u32 s15;
	v10 =	vld [tilespmem:s14+$0x5DC0]  }
0x91: {  	_ =	sdelay $0x3  }
0x92: {  	s13 =	sshra.s32 s12, $0x2;
	[tilespmem:v11+s2+$0x0] =	vst.idx.msk $0xffff, v10  }
0x93: {  	v10 =	vld [tilespmem:s13+$0x0];
	_ =	sdelay $0x2  }
0x94: {  	v11 =	vor.u32 s12, v2  }
0x95: {  	v11 =	vand.u32 v5, v11  }
0x96: {  	v10 =	vmul.f32 v10, v9;
	_ =	sdelay $0x1  }
0x97: {  	v10 =	vadd.f32 $5.000000000e-01, v10;
	_ =	sdelay $0x1  }
0x98: {  	[tilespmem:v11+s2+$0x0] =	vst.idx.msk $0xffff, v10  }
0x99: {  	v10 =	vld [tilespmem:s13+$0x1F40];
	_ =	sdelay $0x3  }
0x9a: {  	v11 =	vor.u32 s12, v6  }
0x9b: {  	v10 =	vmul.f32 v10, v9;
	_ =	sdelay $0x1  }
0x9c: {  	v10 =	vadd.f32 $5.000000000e-01, v10;
	_ =	sdelay $0x1  }
0x9d: {  	[tilespmem:v11+s2+$0x0] =	vst.idx.msk $0xffff, v10  }
0x9e: {  	v10 =	vld [tilespmem:s13+$0x3E80];
	_ =	sdelay $0x3  }
0x9f: {  	v11 =	vor.u32 s12, v7  }
0xa0: {  	v10 =	vmul.f32 v10, v9;
	_ =	sdelay $0x1  }
0xa1: {  	v10 =	vadd.f32 $5.000000000e-01, v10;
	_ =	sdelay $0x1  }
0xa2: {  	[tilespmem:v11+s2+$0x0] =	vst.idx.msk $0xffff, v10  }
0xa3: {  	v11 =	vor.u32 s12, v8;
	v10 =	vld [tilespmem:s13+$0x5DC0];
	_ =	sdelay $0x1  }
0xa4: {  	s16 =	sor.u32 s5, s11  }
0xa5: {  	p1 =	seq.s32 s10, $0x18;
	s12 =	smul.u32 $0x7D0, s16  }
0xa6: {  	s13 =	sadd.s32 @!p1 s18, s11  }
0xa7: {  	s14 =	sadd.s32 s3, s12;
	s13 =	smul.u32 @!p1 $0x1F4, s13;
	[tilespmem:v11+s2+$0x0] =	vst.idx.msk $0xffff, v10  }
0xa8: {  	[hbm4b:s14+s4] =	stream.linear.scatter [tilespmem:s2], [sflag:$0x3], $0x3E80, $0x38;
	[tilespmem:$0xFC00] =	vst v63  }
0xa9: {  	s15 =	simm.s32 @!p1 $0x0;
	s14 =	sadd.s32 @!p1 s6, s13  }
0xaa: {  	[tilespmem:s15], [sflag:$0x1] =	stream.linear.gather @!p1 [hbm4b:s14+s15], $0xFA0, $0x38;
	[tilespmem:$0xFC00] =	vst v63  }
0xab: {  	s16 =	simm.s32 @!p1 $0x1F40;
	s14 =	sadd.s32 @!p1 s7, s13  }
0xac: {  	[tilespmem:s16], [sflag:$0x1] =	stream.linear.gather @!p1 [hbm4b:s14+s15], $0xFA0, $0x38;
	[tilespmem:$0xFC00] =	vst v63  }
0xad: {  	s14 =	sadd.s32 @!p1 s8, s13;
	s16 =	simm.s32 @!p1 $0x3E80  }
0xae: {  	[tilespmem:s16], [sflag:$0x1] =	stream.linear.gather @!p1 [hbm4b:s14+s15], $0xFA0, $0x38;
	[tilespmem:$0xFC00] =	vst v63  }
0xaf: {  	s13 =	sadd.s32 @!p1 s1, s13;
	s14 =	simm.s32 @!p1 $0x5DC0  }
0xb0: {  	[tilespmem:s14], [sflag:$0x1] =	stream.linear.gather @!p1 [hbm4b:s13+s15], $0xFA0, $0x38;
	[tilespmem:$0xFC00] =	vst v63  }
0xb1: {  	_ =	swait.ge [sflag:s22], $0xFA0  }
0xb2: {  	[sflag:s22] =	ssyncset.done $0x0  }
0xb3: {  	[sflag:s22] =	ssyncadd.s32 $0xFFFFF060  }
0xb4: {  	_ =	swait.ge [sflag:s22], $0xFA0  }
0xb5: {  	[sflag:s22] =	ssyncset.done $0x0  }
0xb6: {  	[sflag:s22] =	ssyncadd.s32 $0xFFFFF060  }
0xb7: {  	_ =	swait.ge [sflag:s22], $0xFA0  }
0xb8: {  	[sflag:s22] =	ssyncset.done $0x0  }
0xb9: {  	[sflag:s22] =	ssyncadd.s32 $0xFFFFF060  }
0xba: {  	_ =	swait.ge [sflag:s22], $0xFA0  }
0xbb: {  	[sflag:s22] =	ssyncset.done $0x0  }
0xbc: {  	s13 =	simm.s32 @!p0 $0x4;
	[sflag:s22] =	ssyncadd.s32 $0xFFFFF060  }
0xbd: {  	_ =	swait.ge @!p0 [sflag:s13], $0x3E80  }
0xbe: {  	[sflag:s13] =	ssyncset.done @!p0 $0x0  }
0xbf: {  	s15 =	simm.s32 $0x0;
	[sflag:s13] =	ssyncadd.s32 @!p0 $0xFFFFC180  }
0xc0: {  	v10 =	vld [tilespmem:s15+$0xFA0];
	_ =	sdelay $0x1  }
0xc1: {  	s16 =	simm.s32 $0x0  }
0xc2: {  	v11 =	vor.u32 s16, v2  }
0xc3: {  	v11 =	vand.u32 v5, v11  }
0xc4: {  	v10 =	vmul.f32 v10, v9;
	_ =	sdelay $0x1  }
0xc5: {  	v10 =	vadd.f32 $5.000000000e-01, v10;
	_ =	sdelay $0x1  }
0xc6: {  	[tilespmem:v11+s24+$0x0] =	vst.idx.msk $0xffff, v10  }
0xc7: {  	v10 =	vld [tilespmem:s15+$0x2EE0];
	_ =	sdelay $0x3  }
0xc8: {  	v11 =	vor.u32 s16, v6  }
0xc9: {  	v10 =	vmul.f32 v10, v9;
	_ =	sdelay $0x1  }
0xca: {  	v10 =	vadd.f32 $5.000000000e-01, v10;
	_ =	sdelay $0x1  }
0xcb: {  	[tilespmem:v11+s24+$0x0] =	vst.idx.msk $0xffff, v10  }
0xcc: {  	v10 =	vld [tilespmem:s15+$0x4E20];
	_ =	sdelay $0x3  }
0xcd: {  	v11 =	vor.u32 s16, v7  }
0xce: {  	v10 =	vmul.f32 v10, v9;
	_ =	sdelay $0x1  }
0xcf: {  	v10 =	vadd.f32 $5.000000000e-01, v10;
	_ =	sdelay $0x1  }
0xd0: {  	[tilespmem:v11+s24+$0x0] =	vst.idx.msk $0xffff, v10  }
0xd1: {  	s14 =	simm.s32 $0x80;
	s13 =	simm.s32 $0x40;
	v11 =	vor.u32 s16, v8;
	v10 =	vld [tilespmem:s15+$0x6D60]  }
.LBB2_5:
0xd2: {  	_ =	sdelay $0x2  }
0xd3: {  	p0 =	sne.s32 s14, $0x3E40  }
0xd4: {  	s15 =	sshra.s32 s13, $0x2;
	s16 =	smov.u32 s14;
	s14 =	sadd.s32 $0x40, s14;
	[tilespmem:v11+s24+$0x0] =	vst.idx.msk $0xffff, v10  }
0xd5: {  	v10 =	vld [tilespmem:s15+$0xFA0];
	_ =	sdelay $0x2  }
0xd6: {  	v11 =	vor.u32 s13, v2  }
0xd7: {  	v11 =	vand.u32 v5, v11  }
0xd8: {  	v10 =	vmul.f32 v10, v9;
	_ =	sdelay $0x1  }
0xd9: {  	v10 =	vadd.f32 $5.000000000e-01, v10;
	_ =	sdelay $0x1  }
0xda: {  	[tilespmem:v11+s24+$0x0] =	vst.idx.msk $0xffff, v10  }
0xdb: {  	v10 =	vld [tilespmem:s15+$0x2EE0];
	_ =	sdelay $0x3  }
0xdc: {  	v11 =	vor.u32 s13, v6  }
0xdd: {  	v10 =	vmul.f32 v10, v9;
	_ =	sdelay $0x1  }
0xde: {  	v10 =	vadd.f32 $5.000000000e-01, v10;
	_ =	sdelay $0x1  }
0xdf: {  	[tilespmem:v11+s24+$0x0] =	vst.idx.msk $0xffff, v10  }
0xe0: {  	v10 =	vld [tilespmem:s15+$0x4E20];
	_ =	sdelay $0x3  }
0xe1: {  	v11 =	vor.u32 s13, v7  }
0xe2: {  	v10 =	vmul.f32 v10, v9  }
.Ltmp3:
0xe3: {  	(pc) =	sbr.rel @p0 .LBB2_5-.Ltmp3, $3  }
0xe4: {  	v10 =	vadd.f32 $5.000000000e-01, v10;
	_ =	sdelay $0x1  }
0xe5: {  	[tilespmem:v11+s24+$0x0] =	vst.idx.msk $0xffff, v10  }
0xe6: {  	v11 =	vor.u32 s13, v8;
	s13 =	smov.u32 s16;
	v10 =	vld [tilespmem:s15+$0x6D60]  }
0xe7: {  	_ =	sdelay $0x3  }
0xe8: {  	s14 =	sshra.s32 s13, $0x2;
	[tilespmem:v11+s24+$0x0] =	vst.idx.msk $0xffff, v10  }
0xe9: {  	v10 =	vld [tilespmem:s14+$0xFA0];
	_ =	sdelay $0x2  }
0xea: {  	v11 =	vor.u32 s13, v2  }
0xeb: {  	v11 =	vand.u32 v5, v11  }
0xec: {  	v10 =	vmul.f32 v10, v9;
	_ =	sdelay $0x1  }
0xed: {  	v10 =	vadd.f32 $5.000000000e-01, v10;
	_ =	sdelay $0x1  }
0xee: {  	[tilespmem:v11+s24+$0x0] =	vst.idx.msk $0xffff, v10  }
0xef: {  	v10 =	vld [tilespmem:s14+$0x2EE0];
	_ =	sdelay $0x3  }
0xf0: {  	v11 =	vor.u32 s13, v6  }
0xf1: {  	v10 =	vmul.f32 v10, v9;
	_ =	sdelay $0x1  }
0xf2: {  	v10 =	vadd.f32 $5.000000000e-01, v10;
	_ =	sdelay $0x1  }
0xf3: {  	[tilespmem:v11+s24+$0x0] =	vst.idx.msk $0xffff, v10  }
0xf4: {  	v10 =	vld [tilespmem:s14+$0x4E20];
	_ =	sdelay $0x3  }
0xf5: {  	v11 =	vor.u32 s13, v7  }
0xf6: {  	v10 =	vmul.f32 v10, v9;
	_ =	sdelay $0x1  }
0xf7: {  	v10 =	vadd.f32 $5.000000000e-01, v10;
	_ =	sdelay $0x1  }
0xf8: {  	[tilespmem:v11+s24+$0x0] =	vst.idx.msk $0xffff, v10  }
0xf9: {  	v11 =	vor.u32 s13, v8;
	v10 =	vld [tilespmem:s14+$0x6D60];
	_ =	sdelay $0x1  }
.Ltmp4:
0xfa: {  	_ = 	snop;
	(pc) =	sbr.rel @p1 .LBB2_8-.Ltmp4, $3  }
0xfb: {  	_ =	sdelay $0x1  }
0xfc: {  	s12 =	sadd.s32 s21, s12;
	[tilespmem:v11+s24+$0x0] =	vst.idx.msk $0xffff, v10  }
0xfd: {  	[hbm4b:s12+s4] =	stream.linear.scatter [tilespmem:s24], [sflag:$0x4], $0x3E80, $0x38;
	[tilespmem:$0xFC00] =	vst v63  }
0xfe: {  	s11 =	sadd.s32 s19, s11  }
0xff: {  	s11 =	smul.u32 $0x1F4, s11;
	_ =	sdelay $0x1  }
0x100: {  	s12 =	sadd.s32 s6, s11  }
0x101: {  	[tilespmem:s28], [sflag:$0x2] =	stream.linear.gather [hbm4b:s12+s4], $0xFA0, $0x38;
	[tilespmem:$0xFC00] =	vst v63  }
0x102: {  	s15 =	sadd.s32 s7, s11  }
0x103: {  	[tilespmem:s29], [sflag:$0x2] =	stream.linear.gather [hbm4b:s15+s4], $0xFA0, $0x38;
	[tilespmem:$0xFC00] =	vst v63  }
.Ltmp5:
0x104: {  	_ = 	snop;
	(pc) =	sbr.rel .LBB2_2-.Ltmp5, $4  }
0x105: {  	s16 =	sadd.s32 s8, s11  }
0x106: {  	[tilespmem:s30], [sflag:$0x2] =	stream.linear.gather [hbm4b:s16+s4], $0xFA0, $0x38;
	[tilespmem:$0xFC00] =	vst v63  }
0x107: {  	s10 =	sadd.s32 $0x1, s10;
	s11 =	sadd.s32 s1, s11  }
0x108: {  	[tilespmem:s31], [sflag:$0x2] =	stream.linear.gather [hbm4b:s11+s4], $0xFA0, $0x38;
	[tilespmem:$0xFC00] =	vst v63  }
.LBB2_9:
0x109: {  	_ =	sfence.sel $0x180000  }
0x10a: {  	[bflag:$0x0] =	sbarrier.arrive $0xFFFF  }
0x10b: {  	_ =	strace $0x9000004A  }
0x10c: {  	s0 =	stileid.u32;
	[bflag:$0x2] =	sbarrier.arrive $0xFFFF  }
0x10d: {  	p0 =	sne.s32 s0, $0x0;
	s0 =	rddreg [dreg:$0x3]  }
0x10e: {  	s0 =	sadd.s32 @!p0 $0x100000, s0  }
0x10f: {  	[sflag:s0] =	ssyncadd.tile.s32 @!p0 $0x1;
	_ =	shalt  }
.Lfunc_end2:
_tile_overlayer_lowered:
.L_overlay_start_2:
0x110: {  	(tag) =	ssettag $0x2  }
0x111: {  	s0 =	rddreg [dreg:$0x0];
	s2 =	stileid.u32  }
0x112: {  	s1 =	rddreg [dreg:$0x1];
	p0 =	sne.s32 s2, $0x0  }
0x113: {  	s3 =	rddreg [dreg:$0x2];
	[bflag:$0x3] =	sbarrier.arrive $0xFFFF;
	s2 =	simm.s32 @!p0 $0x1C05  }
0x114: {  	[timem:s3], [sflag:s2] =	dma.local @!p0 [hbm:s0], s1  }
0x115: {  	s0 =	simm.s32 @!p0 $0x5  }
0x116: {  	_ =	swait.ge @!p0 [sflag:s0], s1  }
0x117: {  	s1 =	ssub.s32 @!p0 $0x0, s1;
	[sflag:s0] =	ssyncset.done @!p0 $0x0  }
0x118: {  	[sflag:s0] =	ssyncadd.s32 @!p0 s1  }
0x119: {  	[bflag:$0x3] =	sbarrier.arrive $0xFFFF  }
0x11a: {  	_ =	shalt  }

</sc_bundles>
